<compile_context>
chip_gen: v7x
topology: tpu7x:2x2x1
jax: 0.10.2.dev20260603
libtpu: 0.0.44.dev20260713+nightly
codegen_flags: <defaults>
</compile_context>

<pallas_src>
import functools

import jax
import jax.numpy as jnp
from jax import lax
from jax.experimental import pallas as pl
from jax.experimental.pallas import tpu as pltpu
from jax.experimental.pallas import tpu_sc as plsc

B = 16384
D = 1024
POS_WEIGHT = 2.0
EPS = 1e-8
K = 20
ROWS_PER_BLOCK = 512
NUM_BLOCKS = B // ROWS_PER_BLOCK

NSUB = 16
CHUNK = B // NSUB
NV = CHUNK // 16
SENTINEL = -3.0


def _sim_kernel(a_ref, b_ref, o_ref):
    a = a_ref[...]
    b = b_ref[...]
    num = jnp.sum(a * b, axis=1, keepdims=True)
    na = jnp.sqrt(jnp.sum(a * a, axis=1, keepdims=True))
    nb = jnp.sqrt(jnp.sum(b * b, axis=1, keepdims=True))
    o_ref[...] = num / jnp.maximum(na * nb, EPS)


def _rev(x):
    return lax.rev(x, dimensions=(0,))


def _vsort(x):
    return plsc.sort_key_val(x, x)[0]


def _merge_full(a, b):
    rb = _rev(b)
    lo = jnp.minimum(a, rb)
    hi = jnp.maximum(a, rb)
    return _vsort(lo), _vsort(hi)


def _merge_top(a_pair, b_pair):
    a_lo, a_hi = a_pair
    b_lo, b_hi = b_pair
    c0 = jnp.maximum(a_lo, _rev(b_hi))
    c1 = jnp.maximum(a_hi, _rev(b_lo))
    lo = jnp.minimum(c0, c1)
    hi = jnp.maximum(c0, c1)
    return _vsort(lo), _vsort(hi)


def _top32(vregs):
    runs = [_vsort(v) for v in vregs]
    pairs = [_merge_full(runs[2 * i], runs[2 * i + 1]) for i in range(len(runs) // 2)]
    while len(pairs) > 1:
        pairs = [_merge_top(pairs[2 * i], pairs[2 * i + 1]) for i in range(len(pairs) // 2)]
    return pairs[0]


def _sc_select_kernel(sim_hbm, lab_hbm, out_hbm, sim_v, lab_v, buf_v, gat_v, stage_sh, out_v):
    cid = lax.axis_index("c")
    sid = lax.axis_index("s")

    @pl.when(cid == 0)
    def _core0():
        base = sid * CHUNK
        pltpu.sync_copy(sim_hbm.at[pl.ds(base, CHUNK)], sim_v)
        pltpu.sync_copy(lab_hbm.at[pl.ds(base, CHUNK)], lab_v)
        negs, poss = [], []
        for i in range(NV):
            s = sim_v[pl.ds(i * 16, 16)]
            l = lab_v[pl.ds(i * 16, 16)]
            negs.append(jnp.where(l == 0.0, s, SENTINEL))
            poss.append(jnp.where(l == 0.0, SENTINEL, -s))
        n_lo, n_hi = _top32(negs)
        p_lo, p_hi = _top32(poss)
        buf_v[pl.ds(0, 16)] = n_lo
        buf_v[pl.ds(16, 16)] = n_hi
        buf_v[pl.ds(32, 16)] = p_lo
        buf_v[pl.ds(48, 16)] = p_hi
        pltpu.sync_copy(buf_v, stage_sh.at[pl.ds(sid * 64, 64)])
        plsc.subcore_barrier()

        @pl.when(sid == 0)
        def _merge():
            pltpu.sync_copy(stage_sh, gat_v)
            neg_pairs, pos_pairs = [], []
            for r in range(NSUB):
                o = r * 64
                neg_pairs.append((gat_v[pl.ds(o, 16)], gat_v[pl.ds(o + 16, 16)]))
                pos_pairs.append((gat_v[pl.ds(o + 32, 16)], gat_v[pl.ds(o + 48, 16)]))
            while len(neg_pairs) > 1:
                neg_pairs = [_merge_top(neg_pairs[2 * i], neg_pairs[2 * i + 1])
                             for i in range(len(neg_pairs) // 2)]
                pos_pairs = [_merge_top(pos_pairs[2 * i], pos_pairs[2 * i + 1])
                             for i in range(len(pos_pairs) // 2)]
            n_lo, n_hi = neg_pairs[0]
            p_lo, p_hi = pos_pairs[0]
            lane = lax.iota(jnp.int32, 16)
            keep = lane >= 12
            zero = jnp.zeros((16,), jnp.float32)
            tot_n = (jnp.sum(jnp.where(keep, n_lo * n_lo, zero))
                     + jnp.sum(n_hi * n_hi))
            pl1 = p_lo + 1.0
            ph1 = p_hi + 1.0
            tot_p = (jnp.sum(jnp.where(keep, pl1 * pl1, zero))
                     + jnp.sum(ph1 * ph1))
            loss = (tot_n + tot_p) * (1.0 / (2 * K))
            out_v[...] = jnp.full((16,), 0.0, jnp.float32) + loss
            pltpu.sync_copy(out_v, out_hbm)


_sc_select = functools.partial(
    pl.kernel,
    mesh=plsc.VectorSubcoreMesh(core_axis_name="c", subcore_axis_name="s"),
    out_type=jax.ShapeDtypeStruct((16,), jnp.float32),
    scratch_types=[
        pltpu.VMEM((CHUNK,), jnp.float32),
        pltpu.VMEM((CHUNK,), jnp.float32),
        pltpu.VMEM((64,), jnp.float32),
        pltpu.VMEM((NSUB * 64,), jnp.float32),
        pltpu.VMEM_SHARED((NSUB * 64,), jnp.float32),
        pltpu.VMEM((16,), jnp.float32),
    ],
    compiler_params=pltpu.CompilerParams(needs_layout_passes=False),
)(_sc_select_kernel)


def kernel(sample_1, sample_2, labels, original_target):
    sim = pl.pallas_call(
        _sim_kernel,
        grid=(NUM_BLOCKS,),
        in_specs=[
            pl.BlockSpec((ROWS_PER_BLOCK, D), lambda i: (i, 0)),
            pl.BlockSpec((ROWS_PER_BLOCK, D), lambda i: (i, 0)),
        ],
        out_specs=pl.BlockSpec((ROWS_PER_BLOCK, 1), lambda i: (i, 0)),
        out_shape=jax.ShapeDtypeStruct((B, 1), jnp.float32),
    )(sample_1, sample_2)

    out = _sc_select(sim.reshape(B), labels)
    weight = (POS_WEIGHT - 1.0) * jnp.float32(original_target) + 1.0
    return out[0] * weight

# --- scband reference (transcript-rebuilt; emitter-appended) ---
"""Pipeline reference for scband-hard-cosine-similarity-loss-64347200028737 (READ-ONLY COPY).

The authoritative reference and input builder live on the scoring server;
editing this copy changes nothing except your own understanding.
"""

import jax, jax.numpy as jnp
import numpy as np

B = 16384
D = 1024
POS_WEIGHT = 2.0
EPS = 1e-8


def setup_inputs(seed: int = 0) -> dict:
    key = jax.random.key(seed)
    k1, k2, k3 = jax.random.split(key, 3)
    sample_1 = jax.random.normal(k1, (B, D), dtype=jnp.float32)
    sample_2 = jax.random.normal(k2, (B, D), dtype=jnp.float32)
    labels = jax.random.randint(k3, (B,), 0, 2).astype(jnp.float32)
    original_target = 1
    return {"sample_1": sample_1, "sample_2": sample_2, "labels": labels, "original_target": original_target}


def _cosine_similarity(a, b):
    num = jnp.sum(a * b, axis=1)
    na = jnp.sqrt(jnp.sum(a * a, axis=1))
    nb = jnp.sqrt(jnp.sum(b * b, axis=1))
    return num / jnp.maximum(na * nb, EPS)


def reference(sample_1, sample_2, labels, original_target):
    n = 4
    sim = _cosine_similarity(sample_1, sample_2)
    # stable ascending sort (jnp.argsort is stable by default)
    sorted_index = jnp.argsort(sim)
    sorted_dist = sim[sorted_index]
    sorted_labels = labels[sorted_index]
    poss_num = 5 * n
    mask_0 = sorted_labels == 0
    mask_1 = sorted_labels == 1
    idx = jnp.arange(sorted_labels.shape[0], dtype=jnp.int32)
    rank_0 = jnp.cumsum(mask_0.astype(jnp.int32))
    rank_1 = jnp.cumsum(mask_1.astype(jnp.int32))
    count_0 = rank_0[-1]
    slot_neg = rank_0 - (count_0 - poss_num) - 1
    slot_neg = jnp.where(mask_0 & (slot_neg >= 0), slot_neg, poss_num)
    neg_idx = jnp.zeros(poss_num, dtype=jnp.int32).at[slot_neg].set(idx, mode="drop")
    slot_neg0 = jnp.where(mask_0 & (rank_0 <= poss_num), rank_0 - 1, poss_num)
    neg0_idx = jnp.zeros(poss_num, dtype=jnp.int32).at[slot_neg0].set(idx, mode="drop")
    slot_pos = jnp.where(mask_1 & (rank_1 <= poss_num), rank_1 - 1, poss_num)
    pos_idx = jnp.zeros(poss_num, dtype=jnp.int32).at[slot_pos].set(idx, mode="drop")
    worst_negs = sorted_dist[neg_idx]
    worst_poss = sorted_dist[pos_idx]
    hardest_example = jnp.concatenate([worst_negs, worst_poss])
    labels_example = jnp.concatenate([sorted_labels[neg0_idx], sorted_labels[pos_idx]])
    loss_ = jnp.mean((hardest_example - labels_example.reshape(-1)) ** 2)
    # use_weight = True since pos_weight is not None
    weight_ = (POS_WEIGHT - 1.0) * original_target + 1.0
    return loss_ * weight_

if __name__ == "__main__":
    import jax
    _d = setup_inputs()
    print(jax.jit(kernel)(*tuple(_d.values())))

</pallas_src>

<mosaic_0001>
#map = affine_map<(d0, d1) -> (0)>
module attributes {stable_mosaic.version = 14 : i64} {
  func.func @_sc_select_kernel(%arg0: i32, %arg1: i32, %arg2: memref<16384xf32, #tpu.memory_space<hbm>>, %arg3: memref<16384xf32, #tpu.memory_space<hbm>>, %arg4: memref<16xf32, #tpu.memory_space<hbm>>, %arg5: memref<1024xf32, #tpu.memory_space<vmem>>, %arg6: memref<1024xf32, #tpu.memory_space<vmem>>, %arg7: memref<64xf32, #tpu.memory_space<vmem>>, %arg8: memref<1024xf32, #tpu.memory_space<vmem>>, %arg9: memref<1024xf32, #tpu.memory_space<vmem_shared>>, %arg10: memref<16xf32, #tpu.memory_space<vmem>>) attributes {dimension_semantics = [#tpu.dimension_semantics<core_parallel>, #tpu.dimension_semantics<subcore_parallel>], iteration_bounds = array<i64: 2, 16>, scalar_prefetch = 0 : i64, scratch_operands = 6 : i64, tpu.core_type = #tpu.core_type<sc_vector_subcore>, window_params = [{transform_indices = #map}, {transform_indices = #map}, {transform_indices = #map}]} {
    %eq3A = arith.constant 0 : i32
    %eq3A_0 = arith.cmpi eq, %arg0, %eq3A : i32
    %convert_element_type3A = arith.extui %eq3A_0 : i1 to i32
    %cond3A = arith.constant 0 : i32
    %cond3A_1 = arith.cmpi ne, %convert_element_type3A, %cond3A : i32
    scf.if %cond3A_1 {
      %mul3A = arith.constant 1024 : i32
      %mul3A_2 = arith.muli %arg1, %mul3A : i32
      "tpu.region"() ({
        %run_scoped3A = tpu.sem_alloc : memref<!tpu.dma_semaphore, #tpu.memory_space<semaphore_mem>>
        %dma_start3A = tpu.memref_slice %arg2[%mul3A_2] : memref<16384xf32, #tpu.memory_space<hbm>> -> memref<1024xf32, #tpu.memory_space<hbm>>
        %dma_start3A_4060 = tpu.memref_slice %arg2[%mul3A_2] : memref<16384xf32, #tpu.memory_space<hbm>> -> memref<1024xf32, #tpu.memory_space<hbm>>
        tpu.enqueue_dma source(%dma_start3A_4060 : memref<1024xf32, #tpu.memory_space<hbm>>) target(%arg5 : memref<1024xf32, #tpu.memory_space<vmem>>) target_semaphore(%run_scoped3A : memref<!tpu.dma_semaphore, #tpu.memory_space<semaphore_mem>>)
        %dma_wait3A = tpu.memref_slice %arg2[%mul3A_2] : memref<16384xf32, #tpu.memory_space<hbm>> -> memref<1024xf32, #tpu.memory_space<hbm>>
        %dma_wait3A_4061 = tpu.memref_slice %arg2[%mul3A_2] : memref<16384xf32, #tpu.memory_space<hbm>> -> memref<1024xf32, #tpu.memory_space<hbm>>
        tpu.wait_dma2 semaphore(%run_scoped3A : memref<!tpu.dma_semaphore, #tpu.memory_space<semaphore_mem>>) src(%dma_wait3A_4061 : memref<1024xf32, #tpu.memory_space<hbm>>) dst(%arg5 : memref<1024xf32, #tpu.memory_space<vmem>>)
        tpu.yield
      }) : () -> ()
      "tpu.region"() ({
        %run_scoped3A = tpu.sem_alloc : memref<!tpu.dma_semaphore, #tpu.memory_space<semaphore_mem>>
        %dma_start3A = tpu.memref_slice %arg3[%mul3A_2] : memref<16384xf32, #tpu.memory_space<hbm>> -> memref<1024xf32, #tpu.memory_space<hbm>>
        %dma_start3A_4060 = tpu.memref_slice %arg3[%mul3A_2] : memref<16384xf32, #tpu.memory_space<hbm>> -> memref<1024xf32, #tpu.memory_space<hbm>>
        tpu.enqueue_dma source(%dma_start3A_4060 : memref<1024xf32, #tpu.memory_space<hbm>>) target(%arg6 : memref<1024xf32, #tpu.memory_space<vmem>>) target_semaphore(%run_scoped3A : memref<!tpu.dma_semaphore, #tpu.memory_space<semaphore_mem>>)
        %dma_wait3A = tpu.memref_slice %arg3[%mul3A_2] : memref<16384xf32, #tpu.memory_space<hbm>> -> memref<1024xf32, #tpu.memory_space<hbm>>
        %dma_wait3A_4061 = tpu.memref_slice %arg3[%mul3A_2] : memref<16384xf32, #tpu.memory_space<hbm>> -> memref<1024xf32, #tpu.memory_space<hbm>>
        tpu.wait_dma2 semaphore(%run_scoped3A : memref<!tpu.dma_semaphore, #tpu.memory_space<semaphore_mem>>) src(%dma_wait3A_4061 : memref<1024xf32, #tpu.memory_space<hbm>>) dst(%arg6 : memref<1024xf32, #tpu.memory_space<vmem>>)
        tpu.yield
      }) : () -> ()
      %get3A = arith.constant 0 : index
      %get3A_3 = tpu.vector_load %arg5[%get3A] {strides = array<i32>} : memref<1024xf32, #tpu.memory_space<vmem>>, vector<16xf32>,
      %get3A_4 = arith.constant 0 : index
      %get3A_5 = tpu.vector_load %arg6[%get3A_4] {strides = array<i32>} : memref<1024xf32, #tpu.memory_space<vmem>>, vector<16xf32>,
      %eq3A_6 = arith.constant 0.000000e+00 : f32
      %eq3A_7 = vector.broadcast %eq3A_6 : f32 to vector<16xf32>
      %eq3A_8 = arith.cmpf oeq, %get3A_5, %eq3A_7 : vector<16xf32>
      %jit3A = arith.constant -3.000000e+00 : f32
      %broadcast_in_dim3A = vector.broadcast %jit3A : f32 to vector<16xf32>
      %select_n3A = arith.select %eq3A_8, %get3A_3, %broadcast_in_dim3A : vector<16xi1>, vector<16xf32>
      %eq3A_9 = arith.constant 0.000000e+00 : f32
      %eq3A_10 = vector.broadcast %eq3A_9 : f32 to vector<16xf32>
      %eq3A_11 = arith.cmpf oeq, %get3A_5, %eq3A_10 : vector<16xf32>
      %neg3A = arith.constant 0.000000e+00 : f32
      %neg3A_12 = vector.broadcast %neg3A : f32 to vector<16xf32>
      %neg3A_13 = arith.subf %neg3A_12, %get3A_3 : vector<16xf32>
      %jit3A_14 = arith.constant -3.000000e+00 : f32
      %broadcast_in_dim3A_15 = vector.broadcast %jit3A_14 : f32 to vector<16xf32>
      %select_n3A_16 = arith.select %eq3A_11, %broadcast_in_dim3A_15, %neg3A_13 : vector<16xi1>, vector<16xf32>
      %get3A_17 = arith.constant 16 : index
      %get3A_18 = tpu.vector_load %arg5[%get3A_17] {strides = array<i32>} : memref<1024xf32, #tpu.memory_space<vmem>>, vector<16xf32>,
      %get3A_19 = arith.constant 16 : index
      %get3A_20 = tpu.vector_load %arg6[%get3A_19] {strides = array<i32>} : memref<1024xf32, #tpu.memory_space<vmem>>, vector<16xf32>,
      %eq3A_21 = arith.constant 0.000000e+00 : f32
      %eq3A_22 = vector.broadcast %eq3A_21 : f32 to vector<16xf32>
      %eq3A_23 = arith.cmpf oeq, %get3A_20, %eq3A_22 : vector<16xf32>
      %jit3A_24 = arith.constant -3.000000e+00 : f32
      %broadcast_in_dim3A_25 = vector.broadcast %jit3A_24 : f32 to vector<16xf32>
      %select_n3A_26 = arith.select %eq3A_23, %get3A_18, %broadcast_in_dim3A_25 : vector<16xi1>, vector<16xf32>
      %eq3A_27 = arith.constant 0.000000e+00 : f32
      %eq3A_28 = vector.broadcast %eq3A_27 : f32 to vector<16xf32>
      %eq3A_29 = arith.cmpf oeq, %get3A_20, %eq3A_28 : vector<16xf32>
      %neg3A_30 = arith.constant 0.000000e+00 : f32
      %neg3A_31 = vector.broadcast %neg3A_30 : f32 to vector<16xf32>
      %neg3A_32 = arith.subf %neg3A_31, %get3A_18 : vector<16xf32>
      %jit3A_33 = arith.constant -3.000000e+00 : f32
      %broadcast_in_dim3A_34 = vector.broadcast %jit3A_33 : f32 to vector<16xf32>
      %select_n3A_35 = arith.select %eq3A_29, %broadcast_in_dim3A_34, %neg3A_32 : vector<16xi1>, vector<16xf32>
      %get3A_36 = arith.constant 32 : index
      %get3A_37 = tpu.vector_load %arg5[%get3A_36] {strides = array<i32>} : memref<1024xf32, #tpu.memory_space<vmem>>, vector<16xf32>,
      %get3A_38 = arith.constant 32 : index
      %get3A_39 = tpu.vector_load %arg6[%get3A_38] {strides = array<i32>} : memref<1024xf32, #tpu.memory_space<vmem>>, vector<16xf32>,
      %eq3A_40 = arith.constant 0.000000e+00 : f32
      %eq3A_41 = vector.broadcast %eq3A_40 : f32 to vector<16xf32>
      %eq3A_42 = arith.cmpf oeq, %get3A_39, %eq3A_41 : vector<16xf32>
      %jit3A_43 = arith.constant -3.000000e+00 : f32
      %broadcast_in_dim3A_44 = vector.broadcast %jit3A_43 : f32 to vector<16xf32>
      %select_n3A_45 = arith.select %eq3A_42, %get3A_37, %broadcast_in_dim3A_44 : vector<16xi1>, vector<16xf32>
      %eq3A_46 = arith.constant 0.000000e+00 : f32
      %eq3A_47 = vector.broadcast %eq3A_46 : f32 to vector<16xf32>
      %eq3A_48 = arith.cmpf oeq, %get3A_39, %eq3A_47 : vector<16xf32>
      %neg3A_49 = arith.constant 0.000000e+00 : f32
      %neg3A_50 = vector.broadcast %neg3A_49 : f32 to vector<16xf32>
      %neg3A_51 = arith.subf %neg3A_50, %get3A_37 : vector<16xf32>
      %jit3A_52 = arith.constant -3.000000e+00 : f32
      %broadcast_in_dim3A_53 = vector.broadcast %jit3A_52 : f32 to vector<16xf32>
      %select_n3A_54 = arith.select %eq3A_48, %broadcast_in_dim3A_53, %neg3A_51 : vector<16xi1>, vector<16xf32>
      %get3A_55 = arith.constant 48 : index
      %get3A_56 = tpu.vector_load %arg5[%get3A_55] {strides = array<i32>} : memref<1024xf32, #tpu.memory_space<vmem>>, vector<16xf32>,
      %get3A_57 = arith.constant 48 : index
      %get3A_58 = tpu.vector_load %arg6[%get3A_57] {strides = array<i32>} : memref<1024xf32, #tpu.memory_space<vmem>>, vector<16xf32>,
      %eq3A_59 = arith.constant 0.000000e+00 : f32
      %eq3A_60 = vector.broadcast %eq3A_59 : f32 to vector<16xf32>
      %eq3A_61 = arith.cmpf oeq, %get3A_58, %eq3A_60 : vector<16xf32>
      %jit3A_62 = arith.constant -3.000000e+00 : f32
      %broadcast_in_dim3A_63 = vector.broadcast %jit3A_62 : f32 to vector<16xf32>
      %select_n3A_64 = arith.select %eq3A_61, %get3A_56, %broadcast_in_dim3A_63 : vector<16xi1>, vector<16xf32>
      %eq3A_65 = arith.constant 0.000000e+00 : f32
      %eq3A_66 = vector.broadcast %eq3A_65 : f32 to vector<16xf32>
      %eq3A_67 = arith.cmpf oeq, %get3A_58, %eq3A_66 : vector<16xf32>
      %neg3A_68 = arith.constant 0.000000e+00 : f32
      %neg3A_69 = vector.broadcast %neg3A_68 : f32 to vector<16xf32>
      %neg3A_70 = arith.subf %neg3A_69, %get3A_56 : vector<16xf32>
      %jit3A_71 = arith.constant -3.000000e+00 : f32
      %broadcast_in_dim3A_72 = vector.broadcast %jit3A_71 : f32 to vector<16xf32>
      %select_n3A_73 = arith.select %eq3A_67, %broadcast_in_dim3A_72, %neg3A_70 : vector<16xi1>, vector<16xf32>
      %get3A_74 = arith.constant 64 : index
      %get3A_75 = tpu.vector_load %arg5[%get3A_74] {strides = array<i32>} : memref<1024xf32, #tpu.memory_space<vmem>>, vector<16xf32>,
      %get3A_76 = arith.constant 64 : index
      %get3A_77 = tpu.vector_load %arg6[%get3A_76] {strides = array<i32>} : memref<1024xf32, #tpu.memory_space<vmem>>, vector<16xf32>,
      %eq3A_78 = arith.constant 0.000000e+00 : f32
      %eq3A_79 = vector.broadcast %eq3A_78 : f32 to vector<16xf32>
      %eq3A_80 = arith.cmpf oeq, %get3A_77, %eq3A_79 : vector<16xf32>
      %jit3A_81 = arith.constant -3.000000e+00 : f32
      %broadcast_in_dim3A_82 = vector.broadcast %jit3A_81 : f32 to vector<16xf32>
      %select_n3A_83 = arith.select %eq3A_80, %get3A_75, %broadcast_in_dim3A_82 : vector<16xi1>, vector<16xf32>
      %eq3A_84 = arith.constant 0.000000e+00 : f32
      %eq3A_85 = vector.broadcast %eq3A_84 : f32 to vector<16xf32>
      %eq3A_86 = arith.cmpf oeq, %get3A_77, %eq3A_85 : vector<16xf32>
      %neg3A_87 = arith.constant 0.000000e+00 : f32
      %neg3A_88 = vector.broadcast %neg3A_87 : f32 to vector<16xf32>
      %neg3A_89 = arith.subf %neg3A_88, %get3A_75 : vector<16xf32>
      %jit3A_90 = arith.constant -3.000000e+00 : f32
      %broadcast_in_dim3A_91 = vector.broadcast %jit3A_90 : f32 to vector<16xf32>
      %select_n3A_92 = arith.select %eq3A_86, %broadcast_in_dim3A_91, %neg3A_89 : vector<16xi1>, vector<16xf32>
      %get3A_93 = arith.constant 80 : index
      %get3A_94 = tpu.vector_load %arg5[%get3A_93] {strides = array<i32>} : memref<1024xf32, #tpu.memory_space<vmem>>, vector<16xf32>,
      %get3A_95 = arith.constant 80 : index
      %get3A_96 = tpu.vector_load %arg6[%get3A_95] {strides = array<i32>} : memref<1024xf32, #tpu.memory_space<vmem>>, vector<16xf32>,
      %eq3A_97 = arith.constant 0.000000e+00 : f32
      %eq3A_98 = vector.broadcast %eq3A_97 : f32 to vector<16xf32>
      %eq3A_99 = arith.cmpf oeq, %get3A_96, %eq3A_98 : vector<16xf32>
      %jit3A_100 = arith.constant -3.000000e+00 : f32
      %broadcast_in_dim3A_101 = vector.broadcast %jit3A_100 : f32 to vector<16xf32>
      %select_n3A_102 = arith.select %eq3A_99, %get3A_94, %broadcast_in_dim3A_101 : vector<16xi1>, vector<16xf32>
      %eq3A_103 = arith.constant 0.000000e+00 : f32
      %eq3A_104 = vector.broadcast %eq3A_103 : f32 to vector<16xf32>
      %eq3A_105 = arith.cmpf oeq, %get3A_96, %eq3A_104 : vector<16xf32>
      %neg3A_106 = arith.constant 0.000000e+00 : f32
      %neg3A_107 = vector.broadcast %neg3A_106 : f32 to vector<16xf32>
      %neg3A_108 = arith.subf %neg3A_107, %get3A_94 : vector<16xf32>
      %jit3A_109 = arith.constant -3.000000e+00 : f32
      %broadcast_in_dim3A_110 = vector.broadcast %jit3A_109 : f32 to vector<16xf32>
      %select_n3A_111 = arith.select %eq3A_105, %broadcast_in_dim3A_110, %neg3A_108 : vector<16xi1>, vector<16xf32>
      %get3A_112 = arith.constant 96 : index
      %get3A_113 = tpu.vector_load %arg5[%get3A_112] {strides = array<i32>} : memref<1024xf32, #tpu.memory_space<vmem>>, vector<16xf32>,
      %get3A_114 = arith.constant 96 : index
      %get3A_115 = tpu.vector_load %arg6[%get3A_114] {strides = array<i32>} : memref<1024xf32, #tpu.memory_space<vmem>>, vector<16xf32>,
      %eq3A_116 = arith.constant 0.000000e+00 : f32
      %eq3A_117 = vector.broadcast %eq3A_116 : f32 to vector<16xf32>
      %eq3A_118 = arith.cmpf oeq, %get3A_115, %eq3A_117 : vector<16xf32>
      %jit3A_119 = arith.constant -3.000000e+00 : f32
      %broadcast_in_dim3A_120 = vector.broadcast %jit3A_119 : f32 to vector<16xf32>
      %select_n3A_121 = arith.select %eq3A_118, %get3A_113, %broadcast_in_dim3A_120 : vector<16xi1>, vector<16xf32>
      %eq3A_122 = arith.constant 0.000000e+00 : f32
      %eq3A_123 = vector.broadcast %eq3A_122 : f32 to vector<16xf32>
      %eq3A_124 = arith.cmpf oeq, %get3A_115, %eq3A_123 : vector<16xf32>
      %neg3A_125 = arith.constant 0.000000e+00 : f32
      %neg3A_126 = vector.broadcast %neg3A_125 : f32 to vector<16xf32>
      %neg3A_127 = arith.subf %neg3A_126, %get3A_113 : vector<16xf32>
      %jit3A_128 = arith.constant -3.000000e+00 : f32
      %broadcast_in_dim3A_129 = vector.broadcast %jit3A_128 : f32 to vector<16xf32>
      %select_n3A_130 = arith.select %eq3A_124, %broadcast_in_dim3A_129, %neg3A_127 : vector<16xi1>, vector<16xf32>
      %get3A_131 = arith.constant 112 : index
      %get3A_132 = tpu.vector_load %arg5[%get3A_131] {strides = array<i32>} : memref<1024xf32, #tpu.memory_space<vmem>>, vector<16xf32>,
      %get3A_133 = arith.constant 112 : index
      %get3A_134 = tpu.vector_load %arg6[%get3A_133] {strides = array<i32>} : memref<1024xf32, #tpu.memory_space<vmem>>, vector<16xf32>,
      %eq3A_135 = arith.constant 0.000000e+00 : f32
      %eq3A_136 = vector.broadcast %eq3A_135 : f32 to vector<16xf32>
      %eq3A_137 = arith.cmpf oeq, %get3A_134, %eq3A_136 : vector<16xf32>
      %jit3A_138 = arith.constant -3.000000e+00 : f32
      %broadcast_in_dim3A_139 = vector.broadcast %jit3A_138 : f32 to vector<16xf32>
      %select_n3A_140 = arith.select %eq3A_137, %get3A_132, %broadcast_in_dim3A_139 : vector<16xi1>, vector<16xf32>
      %eq3A_141 = arith.constant 0.000000e+00 : f32
      %eq3A_142 = vector.broadcast %eq3A_141 : f32 to vector<16xf32>
      %eq3A_143 = arith.cmpf oeq, %get3A_134, %eq3A_142 : vector<16xf32>
      %neg3A_144 = arith.constant 0.000000e+00 : f32
      %neg3A_145 = vector.broadcast %neg3A_144 : f32 to vector<16xf32>
      %neg3A_146 = arith.subf %neg3A_145, %get3A_132 : vector<16xf32>
      %jit3A_147 = arith.constant -3.000000e+00 : f32
      %broadcast_in_dim3A_148 = vector.broadcast %jit3A_147 : f32 to vector<16xf32>
      %select_n3A_149 = arith.select %eq3A_143, %broadcast_in_dim3A_148, %neg3A_146 : vector<16xi1>, vector<16xf32>
      %get3A_150 = arith.constant 128 : index
      %get3A_151 = tpu.vector_load %arg5[%get3A_150] {strides = array<i32>} : memref<1024xf32, #tpu.memory_space<vmem>>, vector<16xf32>,
      %get3A_152 = arith.constant 128 : index
      %get3A_153 = tpu.vector_load %arg6[%get3A_152] {strides = array<i32>} : memref<1024xf32, #tpu.memory_space<vmem>>, vector<16xf32>,
      %eq3A_154 = arith.constant 0.000000e+00 : f32
      %eq3A_155 = vector.broadcast %eq3A_154 : f32 to vector<16xf32>
      %eq3A_156 = arith.cmpf oeq, %get3A_153, %eq3A_155 : vector<16xf32>
      %jit3A_157 = arith.constant -3.000000e+00 : f32
      %broadcast_in_dim3A_158 = vector.broadcast %jit3A_157 : f32 to vector<16xf32>
      %select_n3A_159 = arith.select %eq3A_156, %get3A_151, %broadcast_in_dim3A_158 : vector<16xi1>, vector<16xf32>
      %eq3A_160 = arith.constant 0.000000e+00 : f32
      %eq3A_161 = vector.broadcast %eq3A_160 : f32 to vector<16xf32>
      %eq3A_162 = arith.cmpf oeq, %get3A_153, %eq3A_161 : vector<16xf32>
      %neg3A_163 = arith.constant 0.000000e+00 : f32
      %neg3A_164 = vector.broadcast %neg3A_163 : f32 to vector<16xf32>
      %neg3A_165 = arith.subf %neg3A_164, %get3A_151 : vector<16xf32>
      %jit3A_166 = arith.constant -3.000000e+00 : f32
      %broadcast_in_dim3A_167 = vector.broadcast %jit3A_166 : f32 to vector<16xf32>
      %select_n3A_168 = arith.select %eq3A_162, %broadcast_in_dim3A_167, %neg3A_165 : vector<16xi1>, vector<16xf32>
      %get3A_169 = arith.constant 144 : index
      %get3A_170 = tpu.vector_load %arg5[%get3A_169] {strides = array<i32>} : memref<1024xf32, #tpu.memory_space<vmem>>, vector<16xf32>,
      %get3A_171 = arith.constant 144 : index
      %get3A_172 = tpu.vector_load %arg6[%get3A_171] {strides = array<i32>} : memref<1024xf32, #tpu.memory_space<vmem>>, vector<16xf32>,
      %eq3A_173 = arith.constant 0.000000e+00 : f32
      %eq3A_174 = vector.broadcast %eq3A_173 : f32 to vector<16xf32>
      %eq3A_175 = arith.cmpf oeq, %get3A_172, %eq3A_174 : vector<16xf32>
      %jit3A_176 = arith.constant -3.000000e+00 : f32
      %broadcast_in_dim3A_177 = vector.broadcast %jit3A_176 : f32 to vector<16xf32>
      %select_n3A_178 = arith.select %eq3A_175, %get3A_170, %broadcast_in_dim3A_177 : vector<16xi1>, vector<16xf32>
      %eq3A_179 = arith.constant 0.000000e+00 : f32
      %eq3A_180 = vector.broadcast %eq3A_179 : f32 to vector<16xf32>
      %eq3A_181 = arith.cmpf oeq, %get3A_172, %eq3A_180 : vector<16xf32>
      %neg3A_182 = arith.constant 0.000000e+00 : f32
      %neg3A_183 = vector.broadcast %neg3A_182 : f32 to vector<16xf32>
      %neg3A_184 = arith.subf %neg3A_183, %get3A_170 : vector<16xf32>
      %jit3A_185 = arith.constant -3.000000e+00 : f32
      %broadcast_in_dim3A_186 = vector.broadcast %jit3A_185 : f32 to vector<16xf32>
      %select_n3A_187 = arith.select %eq3A_181, %broadcast_in_dim3A_186, %neg3A_184 : vector<16xi1>, vector<16xf32>
      %get3A_188 = arith.constant 160 : index
      %get3A_189 = tpu.vector_load %arg5[%get3A_188] {strides = array<i32>} : memref<1024xf32, #tpu.memory_space<vmem>>, vector<16xf32>,
      %get3A_190 = arith.constant 160 : index
      %get3A_191 = tpu.vector_load %arg6[%get3A_190] {strides = array<i32>} : memref<1024xf32, #tpu.memory_space<vmem>>, vector<16xf32>,
      %eq3A_192 = arith.constant 0.000000e+00 : f32
      %eq3A_193 = vector.broadcast %eq3A_192 : f32 to vector<16xf32>
      %eq3A_194 = arith.cmpf oeq, %get3A_191, %eq3A_193 : vector<16xf32>
      %jit3A_195 = arith.constant -3.000000e+00 : f32
      %broadcast_in_dim3A_196 = vector.broadcast %jit3A_195 : f32 to vector<16xf32>
      %select_n3A_197 = arith.select %eq3A_194, %get3A_189, %broadcast_in_dim3A_196 : vector<16xi1>, vector<16xf32>
      %eq3A_198 = arith.constant 0.000000e+00 : f32
      %eq3A_199 = vector.broadcast %eq3A_198 : f32 to vector<16xf32>
      %eq3A_200 = arith.cmpf oeq, %get3A_191, %eq3A_199 : vector<16xf32>
      %neg3A_201 = arith.constant 0.000000e+00 : f32
      %neg3A_202 = vector.broadcast %neg3A_201 : f32 to vector<16xf32>
      %neg3A_203 = arith.subf %neg3A_202, %get3A_189 : vector<16xf32>
      %jit3A_204 = arith.constant -3.000000e+00 : f32
      %broadcast_in_dim3A_205 = vector.broadcast %jit3A_204 : f32 to vector<16xf32>
      %select_n3A_206 = arith.select %eq3A_200, %broadcast_in_dim3A_205, %neg3A_203 : vector<16xi1>, vector<16xf32>
      %get3A_207 = arith.constant 176 : index
      %get3A_208 = tpu.vector_load %arg5[%get3A_207] {strides = array<i32>} : memref<1024xf32, #tpu.memory_space<vmem>>, vector<16xf32>,
      %get3A_209 = arith.constant 176 : index
      %get3A_210 = tpu.vector_load %arg6[%get3A_209] {strides = array<i32>} : memref<1024xf32, #tpu.memory_space<vmem>>, vector<16xf32>,
      %eq3A_211 = arith.constant 0.000000e+00 : f32
      %eq3A_212 = vector.broadcast %eq3A_211 : f32 to vector<16xf32>
      %eq3A_213 = arith.cmpf oeq, %get3A_210, %eq3A_212 : vector<16xf32>
      %jit3A_214 = arith.constant -3.000000e+00 : f32
      %broadcast_in_dim3A_215 = vector.broadcast %jit3A_214 : f32 to vector<16xf32>
      %select_n3A_216 = arith.select %eq3A_213, %get3A_208, %broadcast_in_dim3A_215 : vector<16xi1>, vector<16xf32>
      %eq3A_217 = arith.constant 0.000000e+00 : f32
      %eq3A_218 = vector.broadcast %eq3A_217 : f32 to vector<16xf32>
      %eq3A_219 = arith.cmpf oeq, %get3A_210, %eq3A_218 : vector<16xf32>
      %neg3A_220 = arith.constant 0.000000e+00 : f32
      %neg3A_221 = vector.broadcast %neg3A_220 : f32 to vector<16xf32>
      %neg3A_222 = arith.subf %neg3A_221, %get3A_208 : vector<16xf32>
      %jit3A_223 = arith.constant -3.000000e+00 : f32
      %broadcast_in_dim3A_224 = vector.broadcast %jit3A_223 : f32 to vector<16xf32>
      %select_n3A_225 = arith.select %eq3A_219, %broadcast_in_dim3A_224, %neg3A_222 : vector<16xi1>, vector<16xf32>
      %get3A_226 = arith.constant 192 : index
      %get3A_227 = tpu.vector_load %arg5[%get3A_226] {strides = array<i32>} : memref<1024xf32, #tpu.memory_space<vmem>>, vector<16xf32>,
      %get3A_228 = arith.constant 192 : index
      %get3A_229 = tpu.vector_load %arg6[%get3A_228] {strides = array<i32>} : memref<1024xf32, #tpu.memory_space<vmem>>, vector<16xf32>,
      %eq3A_230 = arith.constant 0.000000e+00 : f32
      %eq3A_231 = vector.broadcast %eq3A_230 : f32 to vector<16xf32>
      %eq3A_232 = arith.cmpf oeq, %get3A_229, %eq3A_231 : vector<16xf32>
      %jit3A_233 = arith.constant -3.000000e+00 : f32
      %broadcast_in_dim3A_234 = vector.broadcast %jit3A_233 : f32 to vector<16xf32>
      %select_n3A_235 = arith.select %eq3A_232, %get3A_227, %broadcast_in_dim3A_234 : vector<16xi1>, vector<16xf32>
      %eq3A_236 = arith.constant 0.000000e+00 : f32
      %eq3A_237 = vector.broadcast %eq3A_236 : f32 to vector<16xf32>
      %eq3A_238 = arith.cmpf oeq, %get3A_229, %eq3A_237 : vector<16xf32>
      %neg3A_239 = arith.constant 0.000000e+00 : f32
      %neg3A_240 = vector.broadcast %neg3A_239 : f32 to vector<16xf32>
      %neg3A_241 = arith.subf %neg3A_240, %get3A_227 : vector<16xf32>
      %jit3A_242 = arith.constant -3.000000e+00 : f32
      %broadcast_in_dim3A_243 = vector.broadcast %jit3A_242 : f32 to vector<16xf32>
      %select_n3A_244 = arith.select %eq3A_238, %broadcast_in_dim3A_243, %neg3A_241 : vector<16xi1>, vector<16xf32>
      %get3A_245 = arith.constant 208 : index
      %get3A_246 = tpu.vector_load %arg5[%get3A_245] {strides = array<i32>} : memref<1024xf32, #tpu.memory_space<vmem>>, vector<16xf32>,
      %get3A_247 = arith.constant 208 : index
      %get3A_248 = tpu.vector_load %arg6[%get3A_247] {strides = array<i32>} : memref<1024xf32, #tpu.memory_space<vmem>>, vector<16xf32>,
      %eq3A_249 = arith.constant 0.000000e+00 : f32
      %eq3A_250 = vector.broadcast %eq3A_249 : f32 to vector<16xf32>
      %eq3A_251 = arith.cmpf oeq, %get3A_248, %eq3A_250 : vector<16xf32>
      %jit3A_252 = arith.constant -3.000000e+00 : f32
      %broadcast_in_dim3A_253 = vector.broadcast %jit3A_252 : f32 to vector<16xf32>
      %select_n3A_254 = arith.select %eq3A_251, %get3A_246, %broadcast_in_dim3A_253 : vector<16xi1>, vector<16xf32>
      %eq3A_255 = arith.constant 0.000000e+00 : f32
      %eq3A_256 = vector.broadcast %eq3A_255 : f32 to vector<16xf32>
      %eq3A_257 = arith.cmpf oeq, %get3A_248, %eq3A_256 : vector<16xf32>
      %neg3A_258 = arith.constant 0.000000e+00 : f32
      %neg3A_259 = vector.broadcast %neg3A_258 : f32 to vector<16xf32>
      %neg3A_260 = arith.subf %neg3A_259, %get3A_246 : vector<16xf32>
      %jit3A_261 = arith.constant -3.000000e+00 : f32
      %broadcast_in_dim3A_262 = vector.broadcast %jit3A_261 : f32 to vector<16xf32>
      %select_n3A_263 = arith.select %eq3A_257, %broadcast_in_dim3A_262, %neg3A_260 : vector<16xi1>, vector<16xf32>
      %get3A_264 = arith.constant 224 : index
      %get3A_265 = tpu.vector_load %arg5[%get3A_264] {strides = array<i32>} : memref<1024xf32, #tpu.memory_space<vmem>>, vector<16xf32>,
      %get3A_266 = arith.constant 224 : index
      %get3A_267 = tpu.vector_load %arg6[%get3A_266] {strides = array<i32>} : memref<1024xf32, #tpu.memory_space<vmem>>, vector<16xf32>,
      %eq3A_268 = arith.constant 0.000000e+00 : f32
      %eq3A_269 = vector.broadcast %eq3A_268 : f32 to vector<16xf32>
      %eq3A_270 = arith.cmpf oeq, %get3A_267, %eq3A_269 : vector<16xf32>
      %jit3A_271 = arith.constant -3.000000e+00 : f32
      %broadcast_in_dim3A_272 = vector.broadcast %jit3A_271 : f32 to vector<16xf32>
      %select_n3A_273 = arith.select %eq3A_270, %get3A_265, %broadcast_in_dim3A_272 : vector<16xi1>, vector<16xf32>
      %eq3A_274 = arith.constant 0.000000e+00 : f32
      %eq3A_275 = vector.broadcast %eq3A_274 : f32 to vector<16xf32>
      %eq3A_276 = arith.cmpf oeq, %get3A_267, %eq3A_275 : vector<16xf32>
      %neg3A_277 = arith.constant 0.000000e+00 : f32
      %neg3A_278 = vector.broadcast %neg3A_277 : f32 to vector<16xf32>
      %neg3A_279 = arith.subf %neg3A_278, %get3A_265 : vector<16xf32>
      %jit3A_280 = arith.constant -3.000000e+00 : f32
      %broadcast_in_dim3A_281 = vector.broadcast %jit3A_280 : f32 to vector<16xf32>
      %select_n3A_282 = arith.select %eq3A_276, %broadcast_in_dim3A_281, %neg3A_279 : vector<16xi1>, vector<16xf32>
      %get3A_283 = arith.constant 240 : index
      %get3A_284 = tpu.vector_load %arg5[%get3A_283] {strides = array<i32>} : memref<1024xf32, #tpu.memory_space<vmem>>, vector<16xf32>,
      %get3A_285 = arith.constant 240 : index
      %get3A_286 = tpu.vector_load %arg6[%get3A_285] {strides = array<i32>} : memref<1024xf32, #tpu.memory_space<vmem>>, vector<16xf32>,
      %eq3A_287 = arith.constant 0.000000e+00 : f32
      %eq3A_288 = vector.broadcast %eq3A_287 : f32 to vector<16xf32>
      %eq3A_289 = arith.cmpf oeq, %get3A_286, %eq3A_288 : vector<16xf32>
      %jit3A_290 = arith.constant -3.000000e+00 : f32
      %broadcast_in_dim3A_291 = vector.broadcast %jit3A_290 : f32 to vector<16xf32>
      %select_n3A_292 = arith.select %eq3A_289, %get3A_284, %broadcast_in_dim3A_291 : vector<16xi1>, vector<16xf32>
      %eq3A_293 = arith.constant 0.000000e+00 : f32
      %eq3A_294 = vector.broadcast %eq3A_293 : f32 to vector<16xf32>
      %eq3A_295 = arith.cmpf oeq, %get3A_286, %eq3A_294 : vector<16xf32>
      %neg3A_296 = arith.constant 0.000000e+00 : f32
      %neg3A_297 = vector.broadcast %neg3A_296 : f32 to vector<16xf32>
      %neg3A_298 = arith.subf %neg3A_297, %get3A_284 : vector<16xf32>
      %jit3A_299 = arith.constant -3.000000e+00 : f32
      %broadcast_in_dim3A_300 = vector.broadcast %jit3A_299 : f32 to vector<16xf32>
      %select_n3A_301 = arith.select %eq3A_295, %broadcast_in_dim3A_300, %neg3A_298 : vector<16xi1>, vector<16xf32>
      %get3A_302 = arith.constant 256 : index
      %get3A_303 = tpu.vector_load %arg5[%get3A_302] {strides = array<i32>} : memref<1024xf32, #tpu.memory_space<vmem>>, vector<16xf32>,
      %get3A_304 = arith.constant 256 : index
      %get3A_305 = tpu.vector_load %arg6[%get3A_304] {strides = array<i32>} : memref<1024xf32, #tpu.memory_space<vmem>>, vector<16xf32>,
      %eq3A_306 = arith.constant 0.000000e+00 : f32
      %eq3A_307 = vector.broadcast %eq3A_306 : f32 to vector<16xf32>
      %eq3A_308 = arith.cmpf oeq, %get3A_305, %eq3A_307 : vector<16xf32>
      %jit3A_309 = arith.constant -3.000000e+00 : f32
      %broadcast_in_dim3A_310 = vector.broadcast %jit3A_309 : f32 to vector<16xf32>
      %select_n3A_311 = arith.select %eq3A_308, %get3A_303, %broadcast_in_dim3A_310 : vector<16xi1>, vector<16xf32>
      %eq3A_312 = arith.constant 0.000000e+00 : f32
      %eq3A_313 = vector.broadcast %eq3A_312 : f32 to vector<16xf32>
      %eq3A_314 = arith.cmpf oeq, %get3A_305, %eq3A_313 : vector<16xf32>
      %neg3A_315 = arith.constant 0.000000e+00 : f32
      %neg3A_316 = vector.broadcast %neg3A_315 : f32 to vector<16xf32>
      %neg3A_317 = arith.subf %neg3A_316, %get3A_303 : vector<16xf32>
      %jit3A_318 = arith.constant -3.000000e+00 : f32
      %broadcast_in_dim3A_319 = vector.broadcast %jit3A_318 : f32 to vector<16xf32>
      %select_n3A_320 = arith.select %eq3A_314, %broadcast_in_dim3A_319, %neg3A_317 : vector<16xi1>, vector<16xf32>
      %get3A_321 = arith.constant 272 : index
      %get3A_322 = tpu.vector_load %arg5[%get3A_321] {strides = array<i32>} : memref<1024xf32, #tpu.memory_space<vmem>>, vector<16xf32>,
      %get3A_323 = arith.constant 272 : index
      %get3A_324 = tpu.vector_load %arg6[%get3A_323] {strides = array<i32>} : memref<1024xf32, #tpu.memory_space<vmem>>, vector<16xf32>,
      %eq3A_325 = arith.constant 0.000000e+00 : f32
      %eq3A_326 = vector.broadcast %eq3A_325 : f32 to vector<16xf32>
      %eq3A_327 = arith.cmpf oeq, %get3A_324, %eq3A_326 : vector<16xf32>
      %jit3A_328 = arith.constant -3.000000e+00 : f32
      %broadcast_in_dim3A_329 = vector.broadcast %jit3A_328 : f32 to vector<16xf32>
      %select_n3A_330 = arith.select %eq3A_327, %get3A_322, %broadcast_in_dim3A_329 : vector<16xi1>, vector<16xf32>
      %eq3A_331 = arith.constant 0.000000e+00 : f32
      %eq3A_332 = vector.broadcast %eq3A_331 : f32 to vector<16xf32>
      %eq3A_333 = arith.cmpf oeq, %get3A_324, %eq3A_332 : vector<16xf32>
      %neg3A_334 = arith.constant 0.000000e+00 : f32
      %neg3A_335 = vector.broadcast %neg3A_334 : f32 to vector<16xf32>
      %neg3A_336 = arith.subf %neg3A_335, %get3A_322 : vector<16xf32>
      %jit3A_337 = arith.constant -3.000000e+00 : f32
      %broadcast_in_dim3A_338 = vector.broadcast %jit3A_337 : f32 to vector<16xf32>
      %select_n3A_339 = arith.select %eq3A_333, %broadcast_in_dim3A_338, %neg3A_336 : vector<16xi1>, vector<16xf32>
      %get3A_340 = arith.constant 288 : index
      %get3A_341 = tpu.vector_load %arg5[%get3A_340] {strides = array<i32>} : memref<1024xf32, #tpu.memory_space<vmem>>, vector<16xf32>,
      %get3A_342 = arith.constant 288 : index
      %get3A_343 = tpu.vector_load %arg6[%get3A_342] {strides = array<i32>} : memref<1024xf32, #tpu.memory_space<vmem>>, vector<16xf32>,
      %eq3A_344 = arith.constant 0.000000e+00 : f32
      %eq3A_345 = vector.broadcast %eq3A_344 : f32 to vector<16xf32>
      %eq3A_346 = arith.cmpf oeq, %get3A_343, %eq3A_345 : vector<16xf32>
      %jit3A_347 = arith.constant -3.000000e+00 : f32
      %broadcast_in_dim3A_348 = vector.broadcast %jit3A_347 : f32 to vector<16xf32>
      %select_n3A_349 = arith.select %eq3A_346, %get3A_341, %broadcast_in_dim3A_348 : vector<16xi1>, vector<16xf32>
      %eq3A_350 = arith.constant 0.000000e+00 : f32
      %eq3A_351 = vector.broadcast %eq3A_350 : f32 to vector<16xf32>
      %eq3A_352 = arith.cmpf oeq, %get3A_343, %eq3A_351 : vector<16xf32>
      %neg3A_353 = arith.constant 0.000000e+00 : f32
      %neg3A_354 = vector.broadcast %neg3A_353 : f32 to vector<16xf32>
      %neg3A_355 = arith.subf %neg3A_354, %get3A_341 : vector<16xf32>
      %jit3A_356 = arith.constant -3.000000e+00 : f32
      %broadcast_in_dim3A_357 = vector.broadcast %jit3A_356 : f32 to vector<16xf32>
      %select_n3A_358 = arith.select %eq3A_352, %broadcast_in_dim3A_357, %neg3A_355 : vector<16xi1>, vector<16xf32>
      %get3A_359 = arith.constant 304 : index
      %get3A_360 = tpu.vector_load %arg5[%get3A_359] {strides = array<i32>} : memref<1024xf32, #tpu.memory_space<vmem>>, vector<16xf32>,
      %get3A_361 = arith.constant 304 : index
      %get3A_362 = tpu.vector_load %arg6[%get3A_361] {strides = array<i32>} : memref<1024xf32, #tpu.memory_space<vmem>>, vector<16xf32>,
      %eq3A_363 = arith.constant 0.000000e+00 : f32
      %eq3A_364 = vector.broadcast %eq3A_363 : f32 to vector<16xf32>
      %eq3A_365 = arith.cmpf oeq, %get3A_362, %eq3A_364 : vector<16xf32>
      %jit3A_366 = arith.constant -3.000000e+00 : f32
      %broadcast_in_dim3A_367 = vector.broadcast %jit3A_366 : f32 to vector<16xf32>
      %select_n3A_368 = arith.select %eq3A_365, %get3A_360, %broadcast_in_dim3A_367 : vector<16xi1>, vector<16xf32>
      %eq3A_369 = arith.constant 0.000000e+00 : f32
      %eq3A_370 = vector.broadcast %eq3A_369 : f32 to vector<16xf32>
      %eq3A_371 = arith.cmpf oeq, %get3A_362, %eq3A_370 : vector<16xf32>
      %neg3A_372 = arith.constant 0.000000e+00 : f32
      %neg3A_373 = vector.broadcast %neg3A_372 : f32 to vector<16xf32>
      %neg3A_374 = arith.subf %neg3A_373, %get3A_360 : vector<16xf32>
      %jit3A_375 = arith.constant -3.000000e+00 : f32
      %broadcast_in_dim3A_376 = vector.broadcast %jit3A_375 : f32 to vector<16xf32>
      %select_n3A_377 = arith.select %eq3A_371, %broadcast_in_dim3A_376, %neg3A_374 : vector<16xi1>, vector<16xf32>
      %get3A_378 = arith.constant 320 : index
      %get3A_379 = tpu.vector_load %arg5[%get3A_378] {strides = array<i32>} : memref<1024xf32, #tpu.memory_space<vmem>>, vector<16xf32>,
      %get3A_380 = arith.constant 320 : index
      %get3A_381 = tpu.vector_load %arg6[%get3A_380] {strides = array<i32>} : memref<1024xf32, #tpu.memory_space<vmem>>, vector<16xf32>,
      %eq3A_382 = arith.constant 0.000000e+00 : f32
      %eq3A_383 = vector.broadcast %eq3A_382 : f32 to vector<16xf32>
      %eq3A_384 = arith.cmpf oeq, %get3A_381, %eq3A_383 : vector<16xf32>
      %jit3A_385 = arith.constant -3.000000e+00 : f32
      %broadcast_in_dim3A_386 = vector.broadcast %jit3A_385 : f32 to vector<16xf32>
      %select_n3A_387 = arith.select %eq3A_384, %get3A_379, %broadcast_in_dim3A_386 : vector<16xi1>, vector<16xf32>
      %eq3A_388 = arith.constant 0.000000e+00 : f32
      %eq3A_389 = vector.broadcast %eq3A_388 : f32 to vector<16xf32>
      %eq3A_390 = arith.cmpf oeq, %get3A_381, %eq3A_389 : vector<16xf32>
      %neg3A_391 = arith.constant 0.000000e+00 : f32
      %neg3A_392 = vector.broadcast %neg3A_391 : f32 to vector<16xf32>
      %neg3A_393 = arith.subf %neg3A_392, %get3A_379 : vector<16xf32>
      %jit3A_394 = arith.constant -3.000000e+00 : f32
      %broadcast_in_dim3A_395 = vector.broadcast %jit3A_394 : f32 to vector<16xf32>
      %select_n3A_396 = arith.select %eq3A_390, %broadcast_in_dim3A_395, %neg3A_393 : vector<16xi1>, vector<16xf32>
      %get3A_397 = arith.constant 336 : index
      %get3A_398 = tpu.vector_load %arg5[%get3A_397] {strides = array<i32>} : memref<1024xf32, #tpu.memory_space<vmem>>, vector<16xf32>,
      %get3A_399 = arith.constant 336 : index
      %get3A_400 = tpu.vector_load %arg6[%get3A_399] {strides = array<i32>} : memref<1024xf32, #tpu.memory_space<vmem>>, vector<16xf32>,
      %eq3A_401 = arith.constant 0.000000e+00 : f32
      %eq3A_402 = vector.broadcast %eq3A_401 : f32 to vector<16xf32>
      %eq3A_403 = arith.cmpf oeq, %get3A_400, %eq3A_402 : vector<16xf32>
      %jit3A_404 = arith.constant -3.000000e+00 : f32
      %broadcast_in_dim3A_405 = vector.broadcast %jit3A_404 : f32 to vector<16xf32>
      %select_n3A_406 = arith.select %eq3A_403, %get3A_398, %broadcast_in_dim3A_405 : vector<16xi1>, vector<16xf32>
      %eq3A_407 = arith.constant 0.000000e+00 : f32
      %eq3A_408 = vector.broadcast %eq3A_407 : f32 to vector<16xf32>
      %eq3A_409 = arith.cmpf oeq, %get3A_400, %eq3A_408 : vector<16xf32>
      %neg3A_410 = arith.constant 0.000000e+00 : f32
      %neg3A_411 = vector.broadcast %neg3A_410 : f32 to vector<16xf32>
      %neg3A_412 = arith.subf %neg3A_411, %get3A_398 : vector<16xf32>
      %jit3A_413 = arith.constant -3.000000e+00 : f32
      %broadcast_in_dim3A_414 = vector.broadcast %jit3A_413 : f32 to vector<16xf32>
      %select_n3A_415 = arith.select %eq3A_409, %broadcast_in_dim3A_414, %neg3A_412 : vector<16xi1>, vector<16xf32>
      %get3A_416 = arith.constant 352 : index
      %get3A_417 = tpu.vector_load %arg5[%get3A_416] {strides = array<i32>} : memref<1024xf32, #tpu.memory_space<vmem>>, vector<16xf32>,
      %get3A_418 = arith.constant 352 : index
      %get3A_419 = tpu.vector_load %arg6[%get3A_418] {strides = array<i32>} : memref<1024xf32, #tpu.memory_space<vmem>>, vector<16xf32>,
      %eq3A_420 = arith.constant 0.000000e+00 : f32
      %eq3A_421 = vector.broadcast %eq3A_420 : f32 to vector<16xf32>
      %eq3A_422 = arith.cmpf oeq, %get3A_419, %eq3A_421 : vector<16xf32>
      %jit3A_423 = arith.constant -3.000000e+00 : f32
      %broadcast_in_dim3A_424 = vector.broadcast %jit3A_423 : f32 to vector<16xf32>
      %select_n3A_425 = arith.select %eq3A_422, %get3A_417, %broadcast_in_dim3A_424 : vector<16xi1>, vector<16xf32>
      %eq3A_426 = arith.constant 0.000000e+00 : f32
      %eq3A_427 = vector.broadcast %eq3A_426 : f32 to vector<16xf32>
      %eq3A_428 = arith.cmpf oeq, %get3A_419, %eq3A_427 : vector<16xf32>
      %neg3A_429 = arith.constant 0.000000e+00 : f32
      %neg3A_430 = vector.broadcast %neg3A_429 : f32 to vector<16xf32>
      %neg3A_431 = arith.subf %neg3A_430, %get3A_417 : vector<16xf32>
      %jit3A_432 = arith.constant -3.000000e+00 : f32
      %broadcast_in_dim3A_433 = vector.broadcast %jit3A_432 : f32 to vector<16xf32>
      %select_n3A_434 = arith.select %eq3A_428, %broadcast_in_dim3A_433, %neg3A_431 : vector<16xi1>, vector<16xf32>
      %get3A_435 = arith.constant 368 : index
      %get3A_436 = tpu.vector_load %arg5[%get3A_435] {strides = array<i32>} : memref<1024xf32, #tpu.memory_space<vmem>>, vector<16xf32>,
      %get3A_437 = arith.constant 368 : index
      %get3A_438 = tpu.vector_load %arg6[%get3A_437] {strides = array<i32>} : memref<1024xf32, #tpu.memory_space<vmem>>, vector<16xf32>,
      %eq3A_439 = arith.constant 0.000000e+00 : f32
      %eq3A_440 = vector.broadcast %eq3A_439 : f32 to vector<16xf32>
      %eq3A_441 = arith.cmpf oeq, %get3A_438, %eq3A_440 : vector<16xf32>
      %jit3A_442 = arith.constant -3.000000e+00 : f32
      %broadcast_in_dim3A_443 = vector.broadcast %jit3A_442 : f32 to vector<16xf32>
      %select_n3A_444 = arith.select %eq3A_441, %get3A_436, %broadcast_in_dim3A_443 : vector<16xi1>, vector<16xf32>
      %eq3A_445 = arith.constant 0.000000e+00 : f32
      %eq3A_446 = vector.broadcast %eq3A_445 : f32 to vector<16xf32>
      %eq3A_447 = arith.cmpf oeq, %get3A_438, %eq3A_446 : vector<16xf32>
      %neg3A_448 = arith.constant 0.000000e+00 : f32
      %neg3A_449 = vector.broadcast %neg3A_448 : f32 to vector<16xf32>
      %neg3A_450 = arith.subf %neg3A_449, %get3A_436 : vector<16xf32>
      %jit3A_451 = arith.constant -3.000000e+00 : f32
      %broadcast_in_dim3A_452 = vector.broadcast %jit3A_451 : f32 to vector<16xf32>
      %select_n3A_453 = arith.select %eq3A_447, %broadcast_in_dim3A_452, %neg3A_450 : vector<16xi1>, vector<16xf32>
      %get3A_454 = arith.constant 384 : index
      %get3A_455 = tpu.vector_load %arg5[%get3A_454] {strides = array<i32>} : memref<1024xf32, #tpu.memory_space<vmem>>, vector<16xf32>,
      %get3A_456 = arith.constant 384 : index
      %get3A_457 = tpu.vector_load %arg6[%get3A_456] {strides = array<i32>} : memref<1024xf32, #tpu.memory_space<vmem>>, vector<16xf32>,
      %eq3A_458 = arith.constant 0.000000e+00 : f32
      %eq3A_459 = vector.broadcast %eq3A_458 : f32 to vector<16xf32>
      %eq3A_460 = arith.cmpf oeq, %get3A_457, %eq3A_459 : vector<16xf32>
      %jit3A_461 = arith.constant -3.000000e+00 : f32
      %broadcast_in_dim3A_462 = vector.broadcast %jit3A_461 : f32 to vector<16xf32>
      %select_n3A_463 = arith.select %eq3A_460, %get3A_455, %broadcast_in_dim3A_462 : vector<16xi1>, vector<16xf32>
      %eq3A_464 = arith.constant 0.000000e+00 : f32
      %eq3A_465 = vector.broadcast %eq3A_464 : f32 to vector<16xf32>
      %eq3A_466 = arith.cmpf oeq, %get3A_457, %eq3A_465 : vector<16xf32>
      %neg3A_467 = arith.constant 0.000000e+00 : f32
      %neg3A_468 = vector.broadcast %neg3A_467 : f32 to vector<16xf32>
      %neg3A_469 = arith.subf %neg3A_468, %get3A_455 : vector<16xf32>
      %jit3A_470 = arith.constant -3.000000e+00 : f32
      %broadcast_in_dim3A_471 = vector.broadcast %jit3A_470 : f32 to vector<16xf32>
      %select_n3A_472 = arith.select %eq3A_466, %broadcast_in_dim3A_471, %neg3A_469 : vector<16xi1>, vector<16xf32>
      %get3A_473 = arith.constant 400 : index
      %get3A_474 = tpu.vector_load %arg5[%get3A_473] {strides = array<i32>} : memref<1024xf32, #tpu.memory_space<vmem>>, vector<16xf32>,
      %get3A_475 = arith.constant 400 : index
      %get3A_476 = tpu.vector_load %arg6[%get3A_475] {strides = array<i32>} : memref<1024xf32, #tpu.memory_space<vmem>>, vector<16xf32>,
      %eq3A_477 = arith.constant 0.000000e+00 : f32
      %eq3A_478 = vector.broadcast %eq3A_477 : f32 to vector<16xf32>
      %eq3A_479 = arith.cmpf oeq, %get3A_476, %eq3A_478 : vector<16xf32>
      %jit3A_480 = arith.constant -3.000000e+00 : f32
      %broadcast_in_dim3A_481 = vector.broadcast %jit3A_480 : f32 to vector<16xf32>
      %select_n3A_482 = arith.select %eq3A_479, %get3A_474, %broadcast_in_dim3A_481 : vector<16xi1>, vector<16xf32>
      %eq3A_483 = arith.constant 0.000000e+00 : f32
      %eq3A_484 = vector.broadcast %eq3A_483 : f32 to vector<16xf32>
      %eq3A_485 = arith.cmpf oeq, %get3A_476, %eq3A_484 : vector<16xf32>
      %neg3A_486 = arith.constant 0.000000e+00 : f32
      %neg3A_487 = vector.broadcast %neg3A_486 : f32 to vector<16xf32>
      %neg3A_488 = arith.subf %neg3A_487, %get3A_474 : vector<16xf32>
      %jit3A_489 = arith.constant -3.000000e+00 : f32
      %broadcast_in_dim3A_490 = vector.broadcast %jit3A_489 : f32 to vector<16xf32>
      %select_n3A_491 = arith.select %eq3A_485, %broadcast_in_dim3A_490, %neg3A_488 : vector<16xi1>, vector<16xf32>
      %get3A_492 = arith.constant 416 : index
      %get3A_493 = tpu.vector_load %arg5[%get3A_492] {strides = array<i32>} : memref<1024xf32, #tpu.memory_space<vmem>>, vector<16xf32>,
      %get3A_494 = arith.constant 416 : index
      %get3A_495 = tpu.vector_load %arg6[%get3A_494] {strides = array<i32>} : memref<1024xf32, #tpu.memory_space<vmem>>, vector<16xf32>,
      %eq3A_496 = arith.constant 0.000000e+00 : f32
      %eq3A_497 = vector.broadcast %eq3A_496 : f32 to vector<16xf32>
      %eq3A_498 = arith.cmpf oeq, %get3A_495, %eq3A_497 : vector<16xf32>
      %jit3A_499 = arith.constant -3.000000e+00 : f32
      %broadcast_in_dim3A_500 = vector.broadcast %jit3A_499 : f32 to vector<16xf32>
      %select_n3A_501 = arith.select %eq3A_498, %get3A_493, %broadcast_in_dim3A_500 : vector<16xi1>, vector<16xf32>
      %eq3A_502 = arith.constant 0.000000e+00 : f32
      %eq3A_503 = vector.broadcast %eq3A_502 : f32 to vector<16xf32>
      %eq3A_504 = arith.cmpf oeq, %get3A_495, %eq3A_503 : vector<16xf32>
      %neg3A_505 = arith.constant 0.000000e+00 : f32
      %neg3A_506 = vector.broadcast %neg3A_505 : f32 to vector<16xf32>
      %neg3A_507 = arith.subf %neg3A_506, %get3A_493 : vector<16xf32>
      %jit3A_508 = arith.constant -3.000000e+00 : f32
      %broadcast_in_dim3A_509 = vector.broadcast %jit3A_508 : f32 to vector<16xf32>
      %select_n3A_510 = arith.select %eq3A_504, %broadcast_in_dim3A_509, %neg3A_507 : vector<16xi1>, vector<16xf32>
      %get3A_511 = arith.constant 432 : index
      %get3A_512 = tpu.vector_load %arg5[%get3A_511] {strides = array<i32>} : memref<1024xf32, #tpu.memory_space<vmem>>, vector<16xf32>,
      %get3A_513 = arith.constant 432 : index
      %get3A_514 = tpu.vector_load %arg6[%get3A_513] {strides = array<i32>} : memref<1024xf32, #tpu.memory_space<vmem>>, vector<16xf32>,
      %eq3A_515 = arith.constant 0.000000e+00 : f32
      %eq3A_516 = vector.broadcast %eq3A_515 : f32 to vector<16xf32>
      %eq3A_517 = arith.cmpf oeq, %get3A_514, %eq3A_516 : vector<16xf32>
      %jit3A_518 = arith.constant -3.000000e+00 : f32
      %broadcast_in_dim3A_519 = vector.broadcast %jit3A_518 : f32 to vector<16xf32>
      %select_n3A_520 = arith.select %eq3A_517, %get3A_512, %broadcast_in_dim3A_519 : vector<16xi1>, vector<16xf32>
      %eq3A_521 = arith.constant 0.000000e+00 : f32
      %eq3A_522 = vector.broadcast %eq3A_521 : f32 to vector<16xf32>
      %eq3A_523 = arith.cmpf oeq, %get3A_514, %eq3A_522 : vector<16xf32>
      %neg3A_524 = arith.constant 0.000000e+00 : f32
      %neg3A_525 = vector.broadcast %neg3A_524 : f32 to vector<16xf32>
      %neg3A_526 = arith.subf %neg3A_525, %get3A_512 : vector<16xf32>
      %jit3A_527 = arith.constant -3.000000e+00 : f32
      %broadcast_in_dim3A_528 = vector.broadcast %jit3A_527 : f32 to vector<16xf32>
      %select_n3A_529 = arith.select %eq3A_523, %broadcast_in_dim3A_528, %neg3A_526 : vector<16xi1>, vector<16xf32>
      %get3A_530 = arith.constant 448 : index
      %get3A_531 = tpu.vector_load %arg5[%get3A_530] {strides = array<i32>} : memref<1024xf32, #tpu.memory_space<vmem>>, vector<16xf32>,
      %get3A_532 = arith.constant 448 : index
      %get3A_533 = tpu.vector_load %arg6[%get3A_532] {strides = array<i32>} : memref<1024xf32, #tpu.memory_space<vmem>>, vector<16xf32>,
      %eq3A_534 = arith.constant 0.000000e+00 : f32
      %eq3A_535 = vector.broadcast %eq3A_534 : f32 to vector<16xf32>
      %eq3A_536 = arith.cmpf oeq, %get3A_533, %eq3A_535 : vector<16xf32>
      %jit3A_537 = arith.constant -3.000000e+00 : f32
      %broadcast_in_dim3A_538 = vector.broadcast %jit3A_537 : f32 to vector<16xf32>
      %select_n3A_539 = arith.select %eq3A_536, %get3A_531, %broadcast_in_dim3A_538 : vector<16xi1>, vector<16xf32>
      %eq3A_540 = arith.constant 0.000000e+00 : f32
      %eq3A_541 = vector.broadcast %eq3A_540 : f32 to vector<16xf32>
      %eq3A_542 = arith.cmpf oeq, %get3A_533, %eq3A_541 : vector<16xf32>
      %neg3A_543 = arith.constant 0.000000e+00 : f32
      %neg3A_544 = vector.broadcast %neg3A_543 : f32 to vector<16xf32>
      %neg3A_545 = arith.subf %neg3A_544, %get3A_531 : vector<16xf32>
      %jit3A_546 = arith.constant -3.000000e+00 : f32
      %broadcast_in_dim3A_547 = vector.broadcast %jit3A_546 : f32 to vector<16xf32>
      %select_n3A_548 = arith.select %eq3A_542, %broadcast_in_dim3A_547, %neg3A_545 : vector<16xi1>, vector<16xf32>
      %get3A_549 = arith.constant 464 : index
      %get3A_550 = tpu.vector_load %arg5[%get3A_549] {strides = array<i32>} : memref<1024xf32, #tpu.memory_space<vmem>>, vector<16xf32>,
      %get3A_551 = arith.constant 464 : index
      %get3A_552 = tpu.vector_load %arg6[%get3A_551] {strides = array<i32>} : memref<1024xf32, #tpu.memory_space<vmem>>, vector<16xf32>,
      %eq3A_553 = arith.constant 0.000000e+00 : f32
      %eq3A_554 = vector.broadcast %eq3A_553 : f32 to vector<16xf32>
      %eq3A_555 = arith.cmpf oeq, %get3A_552, %eq3A_554 : vector<16xf32>
      %jit3A_556 = arith.constant -3.000000e+00 : f32
      %broadcast_in_dim3A_557 = vector.broadcast %jit3A_556 : f32 to vector<16xf32>
      %select_n3A_558 = arith.select %eq3A_555, %get3A_550, %broadcast_in_dim3A_557 : vector<16xi1>, vector<16xf32>
      %eq3A_559 = arith.constant 0.000000e+00 : f32
      %eq3A_560 = vector.broadcast %eq3A_559 : f32 to vector<16xf32>
      %eq3A_561 = arith.cmpf oeq, %get3A_552, %eq3A_560 : vector<16xf32>
      %neg3A_562 = arith.constant 0.000000e+00 : f32
      %neg3A_563 = vector.broadcast %neg3A_562 : f32 to vector<16xf32>
      %neg3A_564 = arith.subf %neg3A_563, %get3A_550 : vector<16xf32>
      %jit3A_565 = arith.constant -3.000000e+00 : f32
      %broadcast_in_dim3A_566 = vector.broadcast %jit3A_565 : f32 to vector<16xf32>
      %select_n3A_567 = arith.select %eq3A_561, %broadcast_in_dim3A_566, %neg3A_564 : vector<16xi1>, vector<16xf32>
      %get3A_568 = arith.constant 480 : index
      %get3A_569 = tpu.vector_load %arg5[%get3A_568] {strides = array<i32>} : memref<1024xf32, #tpu.memory_space<vmem>>, vector<16xf32>,
      %get3A_570 = arith.constant 480 : index
      %get3A_571 = tpu.vector_load %arg6[%get3A_570] {strides = array<i32>} : memref<1024xf32, #tpu.memory_space<vmem>>, vector<16xf32>,
      %eq3A_572 = arith.constant 0.000000e+00 : f32
      %eq3A_573 = vector.broadcast %eq3A_572 : f32 to vector<16xf32>
      %eq3A_574 = arith.cmpf oeq, %get3A_571, %eq3A_573 : vector<16xf32>
      %jit3A_575 = arith.constant -3.000000e+00 : f32
      %broadcast_in_dim3A_576 = vector.broadcast %jit3A_575 : f32 to vector<16xf32>
      %select_n3A_577 = arith.select %eq3A_574, %get3A_569, %broadcast_in_dim3A_576 : vector<16xi1>, vector<16xf32>
      %eq3A_578 = arith.constant 0.000000e+00 : f32
      %eq3A_579 = vector.broadcast %eq3A_578 : f32 to vector<16xf32>
      %eq3A_580 = arith.cmpf oeq, %get3A_571, %eq3A_579 : vector<16xf32>
      %neg3A_581 = arith.constant 0.000000e+00 : f32
      %neg3A_582 = vector.broadcast %neg3A_581 : f32 to vector<16xf32>
      %neg3A_583 = arith.subf %neg3A_582, %get3A_569 : vector<16xf32>
      %jit3A_584 = arith.constant -3.000000e+00 : f32
      %broadcast_in_dim3A_585 = vector.broadcast %jit3A_584 : f32 to vector<16xf32>
      %select_n3A_586 = arith.select %eq3A_580, %broadcast_in_dim3A_585, %neg3A_583 : vector<16xi1>, vector<16xf32>
      %get3A_587 = arith.constant 496 : index
      %get3A_588 = tpu.vector_load %arg5[%get3A_587] {strides = array<i32>} : memref<1024xf32, #tpu.memory_space<vmem>>, vector<16xf32>,
      %get3A_589 = arith.constant 496 : index
      %get3A_590 = tpu.vector_load %arg6[%get3A_589] {strides = array<i32>} : memref<1024xf32, #tpu.memory_space<vmem>>, vector<16xf32>,
      %eq3A_591 = arith.constant 0.000000e+00 : f32
      %eq3A_592 = vector.broadcast %eq3A_591 : f32 to vector<16xf32>
      %eq3A_593 = arith.cmpf oeq, %get3A_590, %eq3A_592 : vector<16xf32>
      %jit3A_594 = arith.constant -3.000000e+00 : f32
      %broadcast_in_dim3A_595 = vector.broadcast %jit3A_594 : f32 to vector<16xf32>
      %select_n3A_596 = arith.select %eq3A_593, %get3A_588, %broadcast_in_dim3A_595 : vector<16xi1>, vector<16xf32>
      %eq3A_597 = arith.constant 0.000000e+00 : f32
      %eq3A_598 = vector.broadcast %eq3A_597 : f32 to vector<16xf32>
      %eq3A_599 = arith.cmpf oeq, %get3A_590, %eq3A_598 : vector<16xf32>
      %neg3A_600 = arith.constant 0.000000e+00 : f32
      %neg3A_601 = vector.broadcast %neg3A_600 : f32 to vector<16xf32>
      %neg3A_602 = arith.subf %neg3A_601, %get3A_588 : vector<16xf32>
      %jit3A_603 = arith.constant -3.000000e+00 : f32
      %broadcast_in_dim3A_604 = vector.broadcast %jit3A_603 : f32 to vector<16xf32>
      %select_n3A_605 = arith.select %eq3A_599, %broadcast_in_dim3A_604, %neg3A_602 : vector<16xi1>, vector<16xf32>
      %get3A_606 = arith.constant 512 : index
      %get3A_607 = tpu.vector_load %arg5[%get3A_606] {strides = array<i32>} : memref<1024xf32, #tpu.memory_space<vmem>>, vector<16xf32>,
      %get3A_608 = arith.constant 512 : index
      %get3A_609 = tpu.vector_load %arg6[%get3A_608] {strides = array<i32>} : memref<1024xf32, #tpu.memory_space<vmem>>, vector<16xf32>,
      %eq3A_610 = arith.constant 0.000000e+00 : f32
      %eq3A_611 = vector.broadcast %eq3A_610 : f32 to vector<16xf32>
      %eq3A_612 = arith.cmpf oeq, %get3A_609, %eq3A_611 : vector<16xf32>
      %jit3A_613 = arith.constant -3.000000e+00 : f32
      %broadcast_in_dim3A_614 = vector.broadcast %jit3A_613 : f32 to vector<16xf32>
      %select_n3A_615 = arith.select %eq3A_612, %get3A_607, %broadcast_in_dim3A_614 : vector<16xi1>, vector<16xf32>
      %eq3A_616 = arith.constant 0.000000e+00 : f32
      %eq3A_617 = vector.broadcast %eq3A_616 : f32 to vector<16xf32>
      %eq3A_618 = arith.cmpf oeq, %get3A_609, %eq3A_617 : vector<16xf32>
      %neg3A_619 = arith.constant 0.000000e+00 : f32
      %neg3A_620 = vector.broadcast %neg3A_619 : f32 to vector<16xf32>
      %neg3A_621 = arith.subf %neg3A_620, %get3A_607 : vector<16xf32>
      %jit3A_622 = arith.constant -3.000000e+00 : f32
      %broadcast_in_dim3A_623 = vector.broadcast %jit3A_622 : f32 to vector<16xf32>
      %select_n3A_624 = arith.select %eq3A_618, %broadcast_in_dim3A_623, %neg3A_621 : vector<16xi1>, vector<16xf32>
      %get3A_625 = arith.constant 528 : index
      %get3A_626 = tpu.vector_load %arg5[%get3A_625] {strides = array<i32>} : memref<1024xf32, #tpu.memory_space<vmem>>, vector<16xf32>,
      %get3A_627 = arith.constant 528 : index
      %get3A_628 = tpu.vector_load %arg6[%get3A_627] {strides = array<i32>} : memref<1024xf32, #tpu.memory_space<vmem>>, vector<16xf32>,
      %eq3A_629 = arith.constant 0.000000e+00 : f32
      %eq3A_630 = vector.broadcast %eq3A_629 : f32 to vector<16xf32>
      %eq3A_631 = arith.cmpf oeq, %get3A_628, %eq3A_630 : vector<16xf32>
      %jit3A_632 = arith.constant -3.000000e+00 : f32
      %broadcast_in_dim3A_633 = vector.broadcast %jit3A_632 : f32 to vector<16xf32>
      %select_n3A_634 = arith.select %eq3A_631, %get3A_626, %broadcast_in_dim3A_633 : vector<16xi1>, vector<16xf32>
      %eq3A_635 = arith.constant 0.000000e+00 : f32
      %eq3A_636 = vector.broadcast %eq3A_635 : f32 to vector<16xf32>
      %eq3A_637 = arith.cmpf oeq, %get3A_628, %eq3A_636 : vector<16xf32>
      %neg3A_638 = arith.constant 0.000000e+00 : f32
      %neg3A_639 = vector.broadcast %neg3A_638 : f32 to vector<16xf32>
      %neg3A_640 = arith.subf %neg3A_639, %get3A_626 : vector<16xf32>
      %jit3A_641 = arith.constant -3.000000e+00 : f32
      %broadcast_in_dim3A_642 = vector.broadcast %jit3A_641 : f32 to vector<16xf32>
      %select_n3A_643 = arith.select %eq3A_637, %broadcast_in_dim3A_642, %neg3A_640 : vector<16xi1>, vector<16xf32>
      %get3A_644 = arith.constant 544 : index
      %get3A_645 = tpu.vector_load %arg5[%get3A_644] {strides = array<i32>} : memref<1024xf32, #tpu.memory_space<vmem>>, vector<16xf32>,
      %get3A_646 = arith.constant 544 : index
      %get3A_647 = tpu.vector_load %arg6[%get3A_646] {strides = array<i32>} : memref<1024xf32, #tpu.memory_space<vmem>>, vector<16xf32>,
      %eq3A_648 = arith.constant 0.000000e+00 : f32
      %eq3A_649 = vector.broadcast %eq3A_648 : f32 to vector<16xf32>
      %eq3A_650 = arith.cmpf oeq, %get3A_647, %eq3A_649 : vector<16xf32>
      %jit3A_651 = arith.constant -3.000000e+00 : f32
      %broadcast_in_dim3A_652 = vector.broadcast %jit3A_651 : f32 to vector<16xf32>
      %select_n3A_653 = arith.select %eq3A_650, %get3A_645, %broadcast_in_dim3A_652 : vector<16xi1>, vector<16xf32>
      %eq3A_654 = arith.constant 0.000000e+00 : f32
      %eq3A_655 = vector.broadcast %eq3A_654 : f32 to vector<16xf32>
      %eq3A_656 = arith.cmpf oeq, %get3A_647, %eq3A_655 : vector<16xf32>
      %neg3A_657 = arith.constant 0.000000e+00 : f32
      %neg3A_658 = vector.broadcast %neg3A_657 : f32 to vector<16xf32>
      %neg3A_659 = arith.subf %neg3A_658, %get3A_645 : vector<16xf32>
      %jit3A_660 = arith.constant -3.000000e+00 : f32
      %broadcast_in_dim3A_661 = vector.broadcast %jit3A_660 : f32 to vector<16xf32>
      %select_n3A_662 = arith.select %eq3A_656, %broadcast_in_dim3A_661, %neg3A_659 : vector<16xi1>, vector<16xf32>
      %get3A_663 = arith.constant 560 : index
      %get3A_664 = tpu.vector_load %arg5[%get3A_663] {strides = array<i32>} : memref<1024xf32, #tpu.memory_space<vmem>>, vector<16xf32>,
      %get3A_665 = arith.constant 560 : index
      %get3A_666 = tpu.vector_load %arg6[%get3A_665] {strides = array<i32>} : memref<1024xf32, #tpu.memory_space<vmem>>, vector<16xf32>,
      %eq3A_667 = arith.constant 0.000000e+00 : f32
      %eq3A_668 = vector.broadcast %eq3A_667 : f32 to vector<16xf32>
      %eq3A_669 = arith.cmpf oeq, %get3A_666, %eq3A_668 : vector<16xf32>
      %jit3A_670 = arith.constant -3.000000e+00 : f32
      %broadcast_in_dim3A_671 = vector.broadcast %jit3A_670 : f32 to vector<16xf32>
      %select_n3A_672 = arith.select %eq3A_669, %get3A_664, %broadcast_in_dim3A_671 : vector<16xi1>, vector<16xf32>
      %eq3A_673 = arith.constant 0.000000e+00 : f32
      %eq3A_674 = vector.broadcast %eq3A_673 : f32 to vector<16xf32>
      %eq3A_675 = arith.cmpf oeq, %get3A_666, %eq3A_674 : vector<16xf32>
      %neg3A_676 = arith.constant 0.000000e+00 : f32
      %neg3A_677 = vector.broadcast %neg3A_676 : f32 to vector<16xf32>
      %neg3A_678 = arith.subf %neg3A_677, %get3A_664 : vector<16xf32>
      %jit3A_679 = arith.constant -3.000000e+00 : f32
      %broadcast_in_dim3A_680 = vector.broadcast %jit3A_679 : f32 to vector<16xf32>
      %select_n3A_681 = arith.select %eq3A_675, %broadcast_in_dim3A_680, %neg3A_678 : vector<16xi1>, vector<16xf32>
      %get3A_682 = arith.constant 576 : index
      %get3A_683 = tpu.vector_load %arg5[%get3A_682] {strides = array<i32>} : memref<1024xf32, #tpu.memory_space<vmem>>, vector<16xf32>,
      %get3A_684 = arith.constant 576 : index
      %get3A_685 = tpu.vector_load %arg6[%get3A_684] {strides = array<i32>} : memref<1024xf32, #tpu.memory_space<vmem>>, vector<16xf32>,
      %eq3A_686 = arith.constant 0.000000e+00 : f32
      %eq3A_687 = vector.broadcast %eq3A_686 : f32 to vector<16xf32>
      %eq3A_688 = arith.cmpf oeq, %get3A_685, %eq3A_687 : vector<16xf32>
      %jit3A_689 = arith.constant -3.000000e+00 : f32
      %broadcast_in_dim3A_690 = vector.broadcast %jit3A_689 : f32 to vector<16xf32>
      %select_n3A_691 = arith.select %eq3A_688, %get3A_683, %broadcast_in_dim3A_690 : vector<16xi1>, vector<16xf32>
      %eq3A_692 = arith.constant 0.000000e+00 : f32
      %eq3A_693 = vector.broadcast %eq3A_692 : f32 to vector<16xf32>
      %eq3A_694 = arith.cmpf oeq, %get3A_685, %eq3A_693 : vector<16xf32>
      %neg3A_695 = arith.constant 0.000000e+00 : f32
      %neg3A_696 = vector.broadcast %neg3A_695 : f32 to vector<16xf32>
      %neg3A_697 = arith.subf %neg3A_696, %get3A_683 : vector<16xf32>
      %jit3A_698 = arith.constant -3.000000e+00 : f32
      %broadcast_in_dim3A_699 = vector.broadcast %jit3A_698 : f32 to vector<16xf32>
      %select_n3A_700 = arith.select %eq3A_694, %broadcast_in_dim3A_699, %neg3A_697 : vector<16xi1>, vector<16xf32>
      %get3A_701 = arith.constant 592 : index
      %get3A_702 = tpu.vector_load %arg5[%get3A_701] {strides = array<i32>} : memref<1024xf32, #tpu.memory_space<vmem>>, vector<16xf32>,
      %get3A_703 = arith.constant 592 : index
      %get3A_704 = tpu.vector_load %arg6[%get3A_703] {strides = array<i32>} : memref<1024xf32, #tpu.memory_space<vmem>>, vector<16xf32>,
      %eq3A_705 = arith.constant 0.000000e+00 : f32
      %eq3A_706 = vector.broadcast %eq3A_705 : f32 to vector<16xf32>
      %eq3A_707 = arith.cmpf oeq, %get3A_704, %eq3A_706 : vector<16xf32>
      %jit3A_708 = arith.constant -3.000000e+00 : f32
      %broadcast_in_dim3A_709 = vector.broadcast %jit3A_708 : f32 to vector<16xf32>
      %select_n3A_710 = arith.select %eq3A_707, %get3A_702, %broadcast_in_dim3A_709 : vector<16xi1>, vector<16xf32>
      %eq3A_711 = arith.constant 0.000000e+00 : f32
      %eq3A_712 = vector.broadcast %eq3A_711 : f32 to vector<16xf32>
      %eq3A_713 = arith.cmpf oeq, %get3A_704, %eq3A_712 : vector<16xf32>
      %neg3A_714 = arith.constant 0.000000e+00 : f32
      %neg3A_715 = vector.broadcast %neg3A_714 : f32 to vector<16xf32>
      %neg3A_716 = arith.subf %neg3A_715, %get3A_702 : vector<16xf32>
      %jit3A_717 = arith.constant -3.000000e+00 : f32
      %broadcast_in_dim3A_718 = vector.broadcast %jit3A_717 : f32 to vector<16xf32>
      %select_n3A_719 = arith.select %eq3A_713, %broadcast_in_dim3A_718, %neg3A_716 : vector<16xi1>, vector<16xf32>
      %get3A_720 = arith.constant 608 : index
      %get3A_721 = tpu.vector_load %arg5[%get3A_720] {strides = array<i32>} : memref<1024xf32, #tpu.memory_space<vmem>>, vector<16xf32>,
      %get3A_722 = arith.constant 608 : index
      %get3A_723 = tpu.vector_load %arg6[%get3A_722] {strides = array<i32>} : memref<1024xf32, #tpu.memory_space<vmem>>, vector<16xf32>,
      %eq3A_724 = arith.constant 0.000000e+00 : f32
      %eq3A_725 = vector.broadcast %eq3A_724 : f32 to vector<16xf32>
      %eq3A_726 = arith.cmpf oeq, %get3A_723, %eq3A_725 : vector<16xf32>
      %jit3A_727 = arith.constant -3.000000e+00 : f32
      %broadcast_in_dim3A_728 = vector.broadcast %jit3A_727 : f32 to vector<16xf32>
      %select_n3A_729 = arith.select %eq3A_726, %get3A_721, %broadcast_in_dim3A_728 : vector<16xi1>, vector<16xf32>
      %eq3A_730 = arith.constant 0.000000e+00 : f32
      %eq3A_731 = vector.broadcast %eq3A_730 : f32 to vector<16xf32>
      %eq3A_732 = arith.cmpf oeq, %get3A_723, %eq3A_731 : vector<16xf32>
      %neg3A_733 = arith.constant 0.000000e+00 : f32
      %neg3A_734 = vector.broadcast %neg3A_733 : f32 to vector<16xf32>
      %neg3A_735 = arith.subf %neg3A_734, %get3A_721 : vector<16xf32>
      %jit3A_736 = arith.constant -3.000000e+00 : f32
      %broadcast_in_dim3A_737 = vector.broadcast %jit3A_736 : f32 to vector<16xf32>
      %select_n3A_738 = arith.select %eq3A_732, %broadcast_in_dim3A_737, %neg3A_735 : vector<16xi1>, vector<16xf32>
      %get3A_739 = arith.constant 624 : index
      %get3A_740 = tpu.vector_load %arg5[%get3A_739] {strides = array<i32>} : memref<1024xf32, #tpu.memory_space<vmem>>, vector<16xf32>,
      %get3A_741 = arith.constant 624 : index
      %get3A_742 = tpu.vector_load %arg6[%get3A_741] {strides = array<i32>} : memref<1024xf32, #tpu.memory_space<vmem>>, vector<16xf32>,
      %eq3A_743 = arith.constant 0.000000e+00 : f32
      %eq3A_744 = vector.broadcast %eq3A_743 : f32 to vector<16xf32>
      %eq3A_745 = arith.cmpf oeq, %get3A_742, %eq3A_744 : vector<16xf32>
      %jit3A_746 = arith.constant -3.000000e+00 : f32
      %broadcast_in_dim3A_747 = vector.broadcast %jit3A_746 : f32 to vector<16xf32>
      %select_n3A_748 = arith.select %eq3A_745, %get3A_740, %broadcast_in_dim3A_747 : vector<16xi1>, vector<16xf32>
      %eq3A_749 = arith.constant 0.000000e+00 : f32
      %eq3A_750 = vector.broadcast %eq3A_749 : f32 to vector<16xf32>
      %eq3A_751 = arith.cmpf oeq, %get3A_742, %eq3A_750 : vector<16xf32>
      %neg3A_752 = arith.constant 0.000000e+00 : f32
      %neg3A_753 = vector.broadcast %neg3A_752 : f32 to vector<16xf32>
      %neg3A_754 = arith.subf %neg3A_753, %get3A_740 : vector<16xf32>
      %jit3A_755 = arith.constant -3.000000e+00 : f32
      %broadcast_in_dim3A_756 = vector.broadcast %jit3A_755 : f32 to vector<16xf32>
      %select_n3A_757 = arith.select %eq3A_751, %broadcast_in_dim3A_756, %neg3A_754 : vector<16xi1>, vector<16xf32>
      %get3A_758 = arith.constant 640 : index
      %get3A_759 = tpu.vector_load %arg5[%get3A_758] {strides = array<i32>} : memref<1024xf32, #tpu.memory_space<vmem>>, vector<16xf32>,
      %get3A_760 = arith.constant 640 : index
      %get3A_761 = tpu.vector_load %arg6[%get3A_760] {strides = array<i32>} : memref<1024xf32, #tpu.memory_space<vmem>>, vector<16xf32>,
      %eq3A_762 = arith.constant 0.000000e+00 : f32
      %eq3A_763 = vector.broadcast %eq3A_762 : f32 to vector<16xf32>
      %eq3A_764 = arith.cmpf oeq, %get3A_761, %eq3A_763 : vector<16xf32>
      %jit3A_765 = arith.constant -3.000000e+00 : f32
      %broadcast_in_dim3A_766 = vector.broadcast %jit3A_765 : f32 to vector<16xf32>
      %select_n3A_767 = arith.select %eq3A_764, %get3A_759, %broadcast_in_dim3A_766 : vector<16xi1>, vector<16xf32>
      %eq3A_768 = arith.constant 0.000000e+00 : f32
      %eq3A_769 = vector.broadcast %eq3A_768 : f32 to vector<16xf32>
      %eq3A_770 = arith.cmpf oeq, %get3A_761, %eq3A_769 : vector<16xf32>
      %neg3A_771 = arith.constant 0.000000e+00 : f32
      %neg3A_772 = vector.broadcast %neg3A_771 : f32 to vector<16xf32>
      %neg3A_773 = arith.subf %neg3A_772, %get3A_759 : vector<16xf32>
      %jit3A_774 = arith.constant -3.000000e+00 : f32
      %broadcast_in_dim3A_775 = vector.broadcast %jit3A_774 : f32 to vector<16xf32>
      %select_n3A_776 = arith.select %eq3A_770, %broadcast_in_dim3A_775, %neg3A_773 : vector<16xi1>, vector<16xf32>
      %get3A_777 = arith.constant 656 : index
      %get3A_778 = tpu.vector_load %arg5[%get3A_777] {strides = array<i32>} : memref<1024xf32, #tpu.memory_space<vmem>>, vector<16xf32>,
      %get3A_779 = arith.constant 656 : index
      %get3A_780 = tpu.vector_load %arg6[%get3A_779] {strides = array<i32>} : memref<1024xf32, #tpu.memory_space<vmem>>, vector<16xf32>,
      %eq3A_781 = arith.constant 0.000000e+00 : f32
      %eq3A_782 = vector.broadcast %eq3A_781 : f32 to vector<16xf32>
      %eq3A_783 = arith.cmpf oeq, %get3A_780, %eq3A_782 : vector<16xf32>
      %jit3A_784 = arith.constant -3.000000e+00 : f32
      %broadcast_in_dim3A_785 = vector.broadcast %jit3A_784 : f32 to vector<16xf32>
      %select_n3A_786 = arith.select %eq3A_783, %get3A_778, %broadcast_in_dim3A_785 : vector<16xi1>, vector<16xf32>
      %eq3A_787 = arith.constant 0.000000e+00 : f32
      %eq3A_788 = vector.broadcast %eq3A_787 : f32 to vector<16xf32>
      %eq3A_789 = arith.cmpf oeq, %get3A_780, %eq3A_788 : vector<16xf32>
      %neg3A_790 = arith.constant 0.000000e+00 : f32
      %neg3A_791 = vector.broadcast %neg3A_790 : f32 to vector<16xf32>
      %neg3A_792 = arith.subf %neg3A_791, %get3A_778 : vector<16xf32>
      %jit3A_793 = arith.constant -3.000000e+00 : f32
      %broadcast_in_dim3A_794 = vector.broadcast %jit3A_793 : f32 to vector<16xf32>
      %select_n3A_795 = arith.select %eq3A_789, %broadcast_in_dim3A_794, %neg3A_792 : vector<16xi1>, vector<16xf32>
      %get3A_796 = arith.constant 672 : index
      %get3A_797 = tpu.vector_load %arg5[%get3A_796] {strides = array<i32>} : memref<1024xf32, #tpu.memory_space<vmem>>, vector<16xf32>,
      %get3A_798 = arith.constant 672 : index
      %get3A_799 = tpu.vector_load %arg6[%get3A_798] {strides = array<i32>} : memref<1024xf32, #tpu.memory_space<vmem>>, vector<16xf32>,
      %eq3A_800 = arith.constant 0.000000e+00 : f32
      %eq3A_801 = vector.broadcast %eq3A_800 : f32 to vector<16xf32>
      %eq3A_802 = arith.cmpf oeq, %get3A_799, %eq3A_801 : vector<16xf32>
      %jit3A_803 = arith.constant -3.000000e+00 : f32
      %broadcast_in_dim3A_804 = vector.broadcast %jit3A_803 : f32 to vector<16xf32>
      %select_n3A_805 = arith.select %eq3A_802, %get3A_797, %broadcast_in_dim3A_804 : vector<16xi1>, vector<16xf32>
      %eq3A_806 = arith.constant 0.000000e+00 : f32
      %eq3A_807 = vector.broadcast %eq3A_806 : f32 to vector<16xf32>
      %eq3A_808 = arith.cmpf oeq, %get3A_799, %eq3A_807 : vector<16xf32>
      %neg3A_809 = arith.constant 0.000000e+00 : f32
      %neg3A_810 = vector.broadcast %neg3A_809 : f32 to vector<16xf32>
      %neg3A_811 = arith.subf %neg3A_810, %get3A_797 : vector<16xf32>
      %jit3A_812 = arith.constant -3.000000e+00 : f32
      %broadcast_in_dim3A_813 = vector.broadcast %jit3A_812 : f32 to vector<16xf32>
      %select_n3A_814 = arith.select %eq3A_808, %broadcast_in_dim3A_813, %neg3A_811 : vector<16xi1>, vector<16xf32>
      %get3A_815 = arith.constant 688 : index
      %get3A_816 = tpu.vector_load %arg5[%get3A_815] {strides = array<i32>} : memref<1024xf32, #tpu.memory_space<vmem>>, vector<16xf32>,
      %get3A_817 = arith.constant 688 : index
      %get3A_818 = tpu.vector_load %arg6[%get3A_817] {strides = array<i32>} : memref<1024xf32, #tpu.memory_space<vmem>>, vector<16xf32>,
      %eq3A_819 = arith.constant 0.000000e+00 : f32
      %eq3A_820 = vector.broadcast %eq3A_819 : f32 to vector<16xf32>
      %eq3A_821 = arith.cmpf oeq, %get3A_818, %eq3A_820 : vector<16xf32>
      %jit3A_822 = arith.constant -3.000000e+00 : f32
      %broadcast_in_dim3A_823 = vector.broadcast %jit3A_822 : f32 to vector<16xf32>
      %select_n3A_824 = arith.select %eq3A_821, %get3A_816, %broadcast_in_dim3A_823 : vector<16xi1>, vector<16xf32>
      %eq3A_825 = arith.constant 0.000000e+00 : f32
      %eq3A_826 = vector.broadcast %eq3A_825 : f32 to vector<16xf32>
      %eq3A_827 = arith.cmpf oeq, %get3A_818, %eq3A_826 : vector<16xf32>
      %neg3A_828 = arith.constant 0.000000e+00 : f32
      %neg3A_829 = vector.broadcast %neg3A_828 : f32 to vector<16xf32>
      %neg3A_830 = arith.subf %neg3A_829, %get3A_816 : vector<16xf32>
      %jit3A_831 = arith.constant -3.000000e+00 : f32
      %broadcast_in_dim3A_832 = vector.broadcast %jit3A_831 : f32 to vector<16xf32>
      %select_n3A_833 = arith.select %eq3A_827, %broadcast_in_dim3A_832, %neg3A_830 : vector<16xi1>, vector<16xf32>
      %get3A_834 = arith.constant 704 : index
      %get3A_835 = tpu.vector_load %arg5[%get3A_834] {strides = array<i32>} : memref<1024xf32, #tpu.memory_space<vmem>>, vector<16xf32>,
      %get3A_836 = arith.constant 704 : index
      %get3A_837 = tpu.vector_load %arg6[%get3A_836] {strides = array<i32>} : memref<1024xf32, #tpu.memory_space<vmem>>, vector<16xf32>,
      %eq3A_838 = arith.constant 0.000000e+00 : f32
      %eq3A_839 = vector.broadcast %eq3A_838 : f32 to vector<16xf32>
      %eq3A_840 = arith.cmpf oeq, %get3A_837, %eq3A_839 : vector<16xf32>
      %jit3A_841 = arith.constant -3.000000e+00 : f32
      %broadcast_in_dim3A_842 = vector.broadcast %jit3A_841 : f32 to vector<16xf32>
      %select_n3A_843 = arith.select %eq3A_840, %get3A_835, %broadcast_in_dim3A_842 : vector<16xi1>, vector<16xf32>
      %eq3A_844 = arith.constant 0.000000e+00 : f32
      %eq3A_845 = vector.broadcast %eq3A_844 : f32 to vector<16xf32>
      %eq3A_846 = arith.cmpf oeq, %get3A_837, %eq3A_845 : vector<16xf32>
      %neg3A_847 = arith.constant 0.000000e+00 : f32
      %neg3A_848 = vector.broadcast %neg3A_847 : f32 to vector<16xf32>
      %neg3A_849 = arith.subf %neg3A_848, %get3A_835 : vector<16xf32>
      %jit3A_850 = arith.constant -3.000000e+00 : f32
      %broadcast_in_dim3A_851 = vector.broadcast %jit3A_850 : f32 to vector<16xf32>
      %select_n3A_852 = arith.select %eq3A_846, %broadcast_in_dim3A_851, %neg3A_849 : vector<16xi1>, vector<16xf32>
      %get3A_853 = arith.constant 720 : index
      %get3A_854 = tpu.vector_load %arg5[%get3A_853] {strides = array<i32>} : memref<1024xf32, #tpu.memory_space<vmem>>, vector<16xf32>,
      %get3A_855 = arith.constant 720 : index
      %get3A_856 = tpu.vector_load %arg6[%get3A_855] {strides = array<i32>} : memref<1024xf32, #tpu.memory_space<vmem>>, vector<16xf32>,
      %eq3A_857 = arith.constant 0.000000e+00 : f32
      %eq3A_858 = vector.broadcast %eq3A_857 : f32 to vector<16xf32>
      %eq3A_859 = arith.cmpf oeq, %get3A_856, %eq3A_858 : vector<16xf32>
      %jit3A_860 = arith.constant -3.000000e+00 : f32
      %broadcast_in_dim3A_861 = vector.broadcast %jit3A_860 : f32 to vector<16xf32>
      %select_n3A_862 = arith.select %eq3A_859, %get3A_854, %broadcast_in_dim3A_861 : vector<16xi1>, vector<16xf32>
      %eq3A_863 = arith.constant 0.000000e+00 : f32
      %eq3A_864 = vector.broadcast %eq3A_863 : f32 to vector<16xf32>
      %eq3A_865 = arith.cmpf oeq, %get3A_856, %eq3A_864 : vector<16xf32>
      %neg3A_866 = arith.constant 0.000000e+00 : f32
      %neg3A_867 = vector.broadcast %neg3A_866 : f32 to vector<16xf32>
      %neg3A_868 = arith.subf %neg3A_867, %get3A_854 : vector<16xf32>
      %jit3A_869 = arith.constant -3.000000e+00 : f32
      %broadcast_in_dim3A_870 = vector.broadcast %jit3A_869 : f32 to vector<16xf32>
      %select_n3A_871 = arith.select %eq3A_865, %broadcast_in_dim3A_870, %neg3A_868 : vector<16xi1>, vector<16xf32>
      %get3A_872 = arith.constant 736 : index
      %get3A_873 = tpu.vector_load %arg5[%get3A_872] {strides = array<i32>} : memref<1024xf32, #tpu.memory_space<vmem>>, vector<16xf32>,
      %get3A_874 = arith.constant 736 : index
      %get3A_875 = tpu.vector_load %arg6[%get3A_874] {strides = array<i32>} : memref<1024xf32, #tpu.memory_space<vmem>>, vector<16xf32>,
      %eq3A_876 = arith.constant 0.000000e+00 : f32
      %eq3A_877 = vector.broadcast %eq3A_876 : f32 to vector<16xf32>
      %eq3A_878 = arith.cmpf oeq, %get3A_875, %eq3A_877 : vector<16xf32>
      %jit3A_879 = arith.constant -3.000000e+00 : f32
      %broadcast_in_dim3A_880 = vector.broadcast %jit3A_879 : f32 to vector<16xf32>
      %select_n3A_881 = arith.select %eq3A_878, %get3A_873, %broadcast_in_dim3A_880 : vector<16xi1>, vector<16xf32>
      %eq3A_882 = arith.constant 0.000000e+00 : f32
      %eq3A_883 = vector.broadcast %eq3A_882 : f32 to vector<16xf32>
      %eq3A_884 = arith.cmpf oeq, %get3A_875, %eq3A_883 : vector<16xf32>
      %neg3A_885 = arith.constant 0.000000e+00 : f32
      %neg3A_886 = vector.broadcast %neg3A_885 : f32 to vector<16xf32>
      %neg3A_887 = arith.subf %neg3A_886, %get3A_873 : vector<16xf32>
      %jit3A_888 = arith.constant -3.000000e+00 : f32
      %broadcast_in_dim3A_889 = vector.broadcast %jit3A_888 : f32 to vector<16xf32>
      %select_n3A_890 = arith.select %eq3A_884, %broadcast_in_dim3A_889, %neg3A_887 : vector<16xi1>, vector<16xf32>
      %get3A_891 = arith.constant 752 : index
      %get3A_892 = tpu.vector_load %arg5[%get3A_891] {strides = array<i32>} : memref<1024xf32, #tpu.memory_space<vmem>>, vector<16xf32>,
      %get3A_893 = arith.constant 752 : index
      %get3A_894 = tpu.vector_load %arg6[%get3A_893] {strides = array<i32>} : memref<1024xf32, #tpu.memory_space<vmem>>, vector<16xf32>,
      %eq3A_895 = arith.constant 0.000000e+00 : f32
      %eq3A_896 = vector.broadcast %eq3A_895 : f32 to vector<16xf32>
      %eq3A_897 = arith.cmpf oeq, %get3A_894, %eq3A_896 : vector<16xf32>
      %jit3A_898 = arith.constant -3.000000e+00 : f32
      %broadcast_in_dim3A_899 = vector.broadcast %jit3A_898 : f32 to vector<16xf32>
      %select_n3A_900 = arith.select %eq3A_897, %get3A_892, %broadcast_in_dim3A_899 : vector<16xi1>, vector<16xf32>
      %eq3A_901 = arith.constant 0.000000e+00 : f32
      %eq3A_902 = vector.broadcast %eq3A_901 : f32 to vector<16xf32>
      %eq3A_903 = arith.cmpf oeq, %get3A_894, %eq3A_902 : vector<16xf32>
      %neg3A_904 = arith.constant 0.000000e+00 : f32
      %neg3A_905 = vector.broadcast %neg3A_904 : f32 to vector<16xf32>
      %neg3A_906 = arith.subf %neg3A_905, %get3A_892 : vector<16xf32>
      %jit3A_907 = arith.constant -3.000000e+00 : f32
      %broadcast_in_dim3A_908 = vector.broadcast %jit3A_907 : f32 to vector<16xf32>
      %select_n3A_909 = arith.select %eq3A_903, %broadcast_in_dim3A_908, %neg3A_906 : vector<16xi1>, vector<16xf32>
      %get3A_910 = arith.constant 768 : index
      %get3A_911 = tpu.vector_load %arg5[%get3A_910] {strides = array<i32>} : memref<1024xf32, #tpu.memory_space<vmem>>, vector<16xf32>,
      %get3A_912 = arith.constant 768 : index
      %get3A_913 = tpu.vector_load %arg6[%get3A_912] {strides = array<i32>} : memref<1024xf32, #tpu.memory_space<vmem>>, vector<16xf32>,
      %eq3A_914 = arith.constant 0.000000e+00 : f32
      %eq3A_915 = vector.broadcast %eq3A_914 : f32 to vector<16xf32>
      %eq3A_916 = arith.cmpf oeq, %get3A_913, %eq3A_915 : vector<16xf32>
      %jit3A_917 = arith.constant -3.000000e+00 : f32
      %broadcast_in_dim3A_918 = vector.broadcast %jit3A_917 : f32 to vector<16xf32>
      %select_n3A_919 = arith.select %eq3A_916, %get3A_911, %broadcast_in_dim3A_918 : vector<16xi1>, vector<16xf32>
      %eq3A_920 = arith.constant 0.000000e+00 : f32
      %eq3A_921 = vector.broadcast %eq3A_920 : f32 to vector<16xf32>
      %eq3A_922 = arith.cmpf oeq, %get3A_913, %eq3A_921 : vector<16xf32>
      %neg3A_923 = arith.constant 0.000000e+00 : f32
      %neg3A_924 = vector.broadcast %neg3A_923 : f32 to vector<16xf32>
      %neg3A_925 = arith.subf %neg3A_924, %get3A_911 : vector<16xf32>
      %jit3A_926 = arith.constant -3.000000e+00 : f32
      %broadcast_in_dim3A_927 = vector.broadcast %jit3A_926 : f32 to vector<16xf32>
      %select_n3A_928 = arith.select %eq3A_922, %broadcast_in_dim3A_927, %neg3A_925 : vector<16xi1>, vector<16xf32>
      %get3A_929 = arith.constant 784 : index
      %get3A_930 = tpu.vector_load %arg5[%get3A_929] {strides = array<i32>} : memref<1024xf32, #tpu.memory_space<vmem>>, vector<16xf32>,
      %get3A_931 = arith.constant 784 : index
      %get3A_932 = tpu.vector_load %arg6[%get3A_931] {strides = array<i32>} : memref<1024xf32, #tpu.memory_space<vmem>>, vector<16xf32>,
      %eq3A_933 = arith.constant 0.000000e+00 : f32
      %eq3A_934 = vector.broadcast %eq3A_933 : f32 to vector<16xf32>
      %eq3A_935 = arith.cmpf oeq, %get3A_932, %eq3A_934 : vector<16xf32>
      %jit3A_936 = arith.constant -3.000000e+00 : f32
      %broadcast_in_dim3A_937 = vector.broadcast %jit3A_936 : f32 to vector<16xf32>
      %select_n3A_938 = arith.select %eq3A_935, %get3A_930, %broadcast_in_dim3A_937 : vector<16xi1>, vector<16xf32>
      %eq3A_939 = arith.constant 0.000000e+00 : f32
      %eq3A_940 = vector.broadcast %eq3A_939 : f32 to vector<16xf32>
      %eq3A_941 = arith.cmpf oeq, %get3A_932, %eq3A_940 : vector<16xf32>
      %neg3A_942 = arith.constant 0.000000e+00 : f32
      %neg3A_943 = vector.broadcast %neg3A_942 : f32 to vector<16xf32>
      %neg3A_944 = arith.subf %neg3A_943, %get3A_930 : vector<16xf32>
      %jit3A_945 = arith.constant -3.000000e+00 : f32
      %broadcast_in_dim3A_946 = vector.broadcast %jit3A_945 : f32 to vector<16xf32>
      %select_n3A_947 = arith.select %eq3A_941, %broadcast_in_dim3A_946, %neg3A_944 : vector<16xi1>, vector<16xf32>
      %get3A_948 = arith.constant 800 : index
      %get3A_949 = tpu.vector_load %arg5[%get3A_948] {strides = array<i32>} : memref<1024xf32, #tpu.memory_space<vmem>>, vector<16xf32>,
      %get3A_950 = arith.constant 800 : index
      %get3A_951 = tpu.vector_load %arg6[%get3A_950] {strides = array<i32>} : memref<1024xf32, #tpu.memory_space<vmem>>, vector<16xf32>,
      %eq3A_952 = arith.constant 0.000000e+00 : f32
      %eq3A_953 = vector.broadcast %eq3A_952 : f32 to vector<16xf32>
      %eq3A_954 = arith.cmpf oeq, %get3A_951, %eq3A_953 : vector<16xf32>
      %jit3A_955 = arith.constant -3.000000e+00 : f32
      %broadcast_in_dim3A_956 = vector.broadcast %jit3A_955 : f32 to vector<16xf32>
      %select_n3A_957 = arith.select %eq3A_954, %get3A_949, %broadcast_in_dim3A_956 : vector<16xi1>, vector<16xf32>
      %eq3A_958 = arith.constant 0.000000e+00 : f32
      %eq3A_959 = vector.broadcast %eq3A_958 : f32 to vector<16xf32>
      %eq3A_960 = arith.cmpf oeq, %get3A_951, %eq3A_959 : vector<16xf32>
      %neg3A_961 = arith.constant 0.000000e+00 : f32
      %neg3A_962 = vector.broadcast %neg3A_961 : f32 to vector<16xf32>
      %neg3A_963 = arith.subf %neg3A_962, %get3A_949 : vector<16xf32>
      %jit3A_964 = arith.constant -3.000000e+00 : f32
      %broadcast_in_dim3A_965 = vector.broadcast %jit3A_964 : f32 to vector<16xf32>
      %select_n3A_966 = arith.select %eq3A_960, %broadcast_in_dim3A_965, %neg3A_963 : vector<16xi1>, vector<16xf32>
      %get3A_967 = arith.constant 816 : index
      %get3A_968 = tpu.vector_load %arg5[%get3A_967] {strides = array<i32>} : memref<1024xf32, #tpu.memory_space<vmem>>, vector<16xf32>,
      %get3A_969 = arith.constant 816 : index
      %get3A_970 = tpu.vector_load %arg6[%get3A_969] {strides = array<i32>} : memref<1024xf32, #tpu.memory_space<vmem>>, vector<16xf32>,
      %eq3A_971 = arith.constant 0.000000e+00 : f32
      %eq3A_972 = vector.broadcast %eq3A_971 : f32 to vector<16xf32>
      %eq3A_973 = arith.cmpf oeq, %get3A_970, %eq3A_972 : vector<16xf32>
      %jit3A_974 = arith.constant -3.000000e+00 : f32
      %broadcast_in_dim3A_975 = vector.broadcast %jit3A_974 : f32 to vector<16xf32>
      %select_n3A_976 = arith.select %eq3A_973, %get3A_968, %broadcast_in_dim3A_975 : vector<16xi1>, vector<16xf32>
      %eq3A_977 = arith.constant 0.000000e+00 : f32
      %eq3A_978 = vector.broadcast %eq3A_977 : f32 to vector<16xf32>
      %eq3A_979 = arith.cmpf oeq, %get3A_970, %eq3A_978 : vector<16xf32>
      %neg3A_980 = arith.constant 0.000000e+00 : f32
      %neg3A_981 = vector.broadcast %neg3A_980 : f32 to vector<16xf32>
      %neg3A_982 = arith.subf %neg3A_981, %get3A_968 : vector<16xf32>
      %jit3A_983 = arith.constant -3.000000e+00 : f32
      %broadcast_in_dim3A_984 = vector.broadcast %jit3A_983 : f32 to vector<16xf32>
      %select_n3A_985 = arith.select %eq3A_979, %broadcast_in_dim3A_984, %neg3A_982 : vector<16xi1>, vector<16xf32>
      %get3A_986 = arith.constant 832 : index
      %get3A_987 = tpu.vector_load %arg5[%get3A_986] {strides = array<i32>} : memref<1024xf32, #tpu.memory_space<vmem>>, vector<16xf32>,
      %get3A_988 = arith.constant 832 : index
      %get3A_989 = tpu.vector_load %arg6[%get3A_988] {strides = array<i32>} : memref<1024xf32, #tpu.memory_space<vmem>>, vector<16xf32>,
      %eq3A_990 = arith.constant 0.000000e+00 : f32
      %eq3A_991 = vector.broadcast %eq3A_990 : f32 to vector<16xf32>
      %eq3A_992 = arith.cmpf oeq, %get3A_989, %eq3A_991 : vector<16xf32>
      %jit3A_993 = arith.constant -3.000000e+00 : f32
      %broadcast_in_dim3A_994 = vector.broadcast %jit3A_993 : f32 to vector<16xf32>
      %select_n3A_995 = arith.select %eq3A_992, %get3A_987, %broadcast_in_dim3A_994 : vector<16xi1>, vector<16xf32>
      %eq3A_996 = arith.constant 0.000000e+00 : f32
      %eq3A_997 = vector.broadcast %eq3A_996 : f32 to vector<16xf32>
      %eq3A_998 = arith.cmpf oeq, %get3A_989, %eq3A_997 : vector<16xf32>
      %neg3A_999 = arith.constant 0.000000e+00 : f32
      %neg3A_1000 = vector.broadcast %neg3A_999 : f32 to vector<16xf32>
      %neg3A_1001 = arith.subf %neg3A_1000, %get3A_987 : vector<16xf32>
      %jit3A_1002 = arith.constant -3.000000e+00 : f32
      %broadcast_in_dim3A_1003 = vector.broadcast %jit3A_1002 : f32 to vector<16xf32>
      %select_n3A_1004 = arith.select %eq3A_998, %broadcast_in_dim3A_1003, %neg3A_1001 : vector<16xi1>, vector<16xf32>
      %get3A_1005 = arith.constant 848 : index
      %get3A_1006 = tpu.vector_load %arg5[%get3A_1005] {strides = array<i32>} : memref<1024xf32, #tpu.memory_space<vmem>>, vector<16xf32>,
      %get3A_1007 = arith.constant 848 : index
      %get3A_1008 = tpu.vector_load %arg6[%get3A_1007] {strides = array<i32>} : memref<1024xf32, #tpu.memory_space<vmem>>, vector<16xf32>,
      %eq3A_1009 = arith.constant 0.000000e+00 : f32
      %eq3A_1010 = vector.broadcast %eq3A_1009 : f32 to vector<16xf32>
      %eq3A_1011 = arith.cmpf oeq, %get3A_1008, %eq3A_1010 : vector<16xf32>
      %jit3A_1012 = arith.constant -3.000000e+00 : f32
      %broadcast_in_dim3A_1013 = vector.broadcast %jit3A_1012 : f32 to vector<16xf32>
      %select_n3A_1014 = arith.select %eq3A_1011, %get3A_1006, %broadcast_in_dim3A_1013 : vector<16xi1>, vector<16xf32>
      %eq3A_1015 = arith.constant 0.000000e+00 : f32
      %eq3A_1016 = vector.broadcast %eq3A_1015 : f32 to vector<16xf32>
      %eq3A_1017 = arith.cmpf oeq, %get3A_1008, %eq3A_1016 : vector<16xf32>
      %neg3A_1018 = arith.constant 0.000000e+00 : f32
      %neg3A_1019 = vector.broadcast %neg3A_1018 : f32 to vector<16xf32>
      %neg3A_1020 = arith.subf %neg3A_1019, %get3A_1006 : vector<16xf32>
      %jit3A_1021 = arith.constant -3.000000e+00 : f32
      %broadcast_in_dim3A_1022 = vector.broadcast %jit3A_1021 : f32 to vector<16xf32>
      %select_n3A_1023 = arith.select %eq3A_1017, %broadcast_in_dim3A_1022, %neg3A_1020 : vector<16xi1>, vector<16xf32>
      %get3A_1024 = arith.constant 864 : index
      %get3A_1025 = tpu.vector_load %arg5[%get3A_1024] {strides = array<i32>} : memref<1024xf32, #tpu.memory_space<vmem>>, vector<16xf32>,
      %get3A_1026 = arith.constant 864 : index
      %get3A_1027 = tpu.vector_load %arg6[%get3A_1026] {strides = array<i32>} : memref<1024xf32, #tpu.memory_space<vmem>>, vector<16xf32>,
      %eq3A_1028 = arith.constant 0.000000e+00 : f32
      %eq3A_1029 = vector.broadcast %eq3A_1028 : f32 to vector<16xf32>
      %eq3A_1030 = arith.cmpf oeq, %get3A_1027, %eq3A_1029 : vector<16xf32>
      %jit3A_1031 = arith.constant -3.000000e+00 : f32
      %broadcast_in_dim3A_1032 = vector.broadcast %jit3A_1031 : f32 to vector<16xf32>
      %select_n3A_1033 = arith.select %eq3A_1030, %get3A_1025, %broadcast_in_dim3A_1032 : vector<16xi1>, vector<16xf32>
      %eq3A_1034 = arith.constant 0.000000e+00 : f32
      %eq3A_1035 = vector.broadcast %eq3A_1034 : f32 to vector<16xf32>
      %eq3A_1036 = arith.cmpf oeq, %get3A_1027, %eq3A_1035 : vector<16xf32>
      %neg3A_1037 = arith.constant 0.000000e+00 : f32
      %neg3A_1038 = vector.broadcast %neg3A_1037 : f32 to vector<16xf32>
      %neg3A_1039 = arith.subf %neg3A_1038, %get3A_1025 : vector<16xf32>
      %jit3A_1040 = arith.constant -3.000000e+00 : f32
      %broadcast_in_dim3A_1041 = vector.broadcast %jit3A_1040 : f32 to vector<16xf32>
      %select_n3A_1042 = arith.select %eq3A_1036, %broadcast_in_dim3A_1041, %neg3A_1039 : vector<16xi1>, vector<16xf32>
      %get3A_1043 = arith.constant 880 : index
      %get3A_1044 = tpu.vector_load %arg5[%get3A_1043] {strides = array<i32>} : memref<1024xf32, #tpu.memory_space<vmem>>, vector<16xf32>,
      %get3A_1045 = arith.constant 880 : index
      %get3A_1046 = tpu.vector_load %arg6[%get3A_1045] {strides = array<i32>} : memref<1024xf32, #tpu.memory_space<vmem>>, vector<16xf32>,
      %eq3A_1047 = arith.constant 0.000000e+00 : f32
      %eq3A_1048 = vector.broadcast %eq3A_1047 : f32 to vector<16xf32>
      %eq3A_1049 = arith.cmpf oeq, %get3A_1046, %eq3A_1048 : vector<16xf32>
      %jit3A_1050 = arith.constant -3.000000e+00 : f32
      %broadcast_in_dim3A_1051 = vector.broadcast %jit3A_1050 : f32 to vector<16xf32>
      %select_n3A_1052 = arith.select %eq3A_1049, %get3A_1044, %broadcast_in_dim3A_1051 : vector<16xi1>, vector<16xf32>
      %eq3A_1053 = arith.constant 0.000000e+00 : f32
      %eq3A_1054 = vector.broadcast %eq3A_1053 : f32 to vector<16xf32>
      %eq3A_1055 = arith.cmpf oeq, %get3A_1046, %eq3A_1054 : vector<16xf32>
      %neg3A_1056 = arith.constant 0.000000e+00 : f32
      %neg3A_1057 = vector.broadcast %neg3A_1056 : f32 to vector<16xf32>
      %neg3A_1058 = arith.subf %neg3A_1057, %get3A_1044 : vector<16xf32>
      %jit3A_1059 = arith.constant -3.000000e+00 : f32
      %broadcast_in_dim3A_1060 = vector.broadcast %jit3A_1059 : f32 to vector<16xf32>
      %select_n3A_1061 = arith.select %eq3A_1055, %broadcast_in_dim3A_1060, %neg3A_1058 : vector<16xi1>, vector<16xf32>
      %get3A_1062 = arith.constant 896 : index
      %get3A_1063 = tpu.vector_load %arg5[%get3A_1062] {strides = array<i32>} : memref<1024xf32, #tpu.memory_space<vmem>>, vector<16xf32>,
      %get3A_1064 = arith.constant 896 : index
      %get3A_1065 = tpu.vector_load %arg6[%get3A_1064] {strides = array<i32>} : memref<1024xf32, #tpu.memory_space<vmem>>, vector<16xf32>,
      %eq3A_1066 = arith.constant 0.000000e+00 : f32
      %eq3A_1067 = vector.broadcast %eq3A_1066 : f32 to vector<16xf32>
      %eq3A_1068 = arith.cmpf oeq, %get3A_1065, %eq3A_1067 : vector<16xf32>
      %jit3A_1069 = arith.constant -3.000000e+00 : f32
      %broadcast_in_dim3A_1070 = vector.broadcast %jit3A_1069 : f32 to vector<16xf32>
      %select_n3A_1071 = arith.select %eq3A_1068, %get3A_1063, %broadcast_in_dim3A_1070 : vector<16xi1>, vector<16xf32>
      %eq3A_1072 = arith.constant 0.000000e+00 : f32
      %eq3A_1073 = vector.broadcast %eq3A_1072 : f32 to vector<16xf32>
      %eq3A_1074 = arith.cmpf oeq, %get3A_1065, %eq3A_1073 : vector<16xf32>
      %neg3A_1075 = arith.constant 0.000000e+00 : f32
      %neg3A_1076 = vector.broadcast %neg3A_1075 : f32 to vector<16xf32>
      %neg3A_1077 = arith.subf %neg3A_1076, %get3A_1063 : vector<16xf32>
      %jit3A_1078 = arith.constant -3.000000e+00 : f32
      %broadcast_in_dim3A_1079 = vector.broadcast %jit3A_1078 : f32 to vector<16xf32>
      %select_n3A_1080 = arith.select %eq3A_1074, %broadcast_in_dim3A_1079, %neg3A_1077 : vector<16xi1>, vector<16xf32>
      %get3A_1081 = arith.constant 912 : index
      %get3A_1082 = tpu.vector_load %arg5[%get3A_1081] {strides = array<i32>} : memref<1024xf32, #tpu.memory_space<vmem>>, vector<16xf32>,
      %get3A_1083 = arith.constant 912 : index
      %get3A_1084 = tpu.vector_load %arg6[%get3A_1083] {strides = array<i32>} : memref<1024xf32, #tpu.memory_space<vmem>>, vector<16xf32>,
      %eq3A_1085 = arith.constant 0.000000e+00 : f32
      %eq3A_1086 = vector.broadcast %eq3A_1085 : f32 to vector<16xf32>
      %eq3A_1087 = arith.cmpf oeq, %get3A_1084, %eq3A_1086 : vector<16xf32>
      %jit3A_1088 = arith.constant -3.000000e+00 : f32
      %broadcast_in_dim3A_1089 = vector.broadcast %jit3A_1088 : f32 to vector<16xf32>
      %select_n3A_1090 = arith.select %eq3A_1087, %get3A_1082, %broadcast_in_dim3A_1089 : vector<16xi1>, vector<16xf32>
      %eq3A_1091 = arith.constant 0.000000e+00 : f32
      %eq3A_1092 = vector.broadcast %eq3A_1091 : f32 to vector<16xf32>
      %eq3A_1093 = arith.cmpf oeq, %get3A_1084, %eq3A_1092 : vector<16xf32>
      %neg3A_1094 = arith.constant 0.000000e+00 : f32
      %neg3A_1095 = vector.broadcast %neg3A_1094 : f32 to vector<16xf32>
      %neg3A_1096 = arith.subf %neg3A_1095, %get3A_1082 : vector<16xf32>
      %jit3A_1097 = arith.constant -3.000000e+00 : f32
      %broadcast_in_dim3A_1098 = vector.broadcast %jit3A_1097 : f32 to vector<16xf32>
      %select_n3A_1099 = arith.select %eq3A_1093, %broadcast_in_dim3A_1098, %neg3A_1096 : vector<16xi1>, vector<16xf32>
      %get3A_1100 = arith.constant 928 : index
      %get3A_1101 = tpu.vector_load %arg5[%get3A_1100] {strides = array<i32>} : memref<1024xf32, #tpu.memory_space<vmem>>, vector<16xf32>,
      %get3A_1102 = arith.constant 928 : index
      %get3A_1103 = tpu.vector_load %arg6[%get3A_1102] {strides = array<i32>} : memref<1024xf32, #tpu.memory_space<vmem>>, vector<16xf32>,
      %eq3A_1104 = arith.constant 0.000000e+00 : f32
      %eq3A_1105 = vector.broadcast %eq3A_1104 : f32 to vector<16xf32>
      %eq3A_1106 = arith.cmpf oeq, %get3A_1103, %eq3A_1105 : vector<16xf32>
      %jit3A_1107 = arith.constant -3.000000e+00 : f32
      %broadcast_in_dim3A_1108 = vector.broadcast %jit3A_1107 : f32 to vector<16xf32>
      %select_n3A_1109 = arith.select %eq3A_1106, %get3A_1101, %broadcast_in_dim3A_1108 : vector<16xi1>, vector<16xf32>
      %eq3A_1110 = arith.constant 0.000000e+00 : f32
      %eq3A_1111 = vector.broadcast %eq3A_1110 : f32 to vector<16xf32>
      %eq3A_1112 = arith.cmpf oeq, %get3A_1103, %eq3A_1111 : vector<16xf32>
      %neg3A_1113 = arith.constant 0.000000e+00 : f32
      %neg3A_1114 = vector.broadcast %neg3A_1113 : f32 to vector<16xf32>
      %neg3A_1115 = arith.subf %neg3A_1114, %get3A_1101 : vector<16xf32>
      %jit3A_1116 = arith.constant -3.000000e+00 : f32
      %broadcast_in_dim3A_1117 = vector.broadcast %jit3A_1116 : f32 to vector<16xf32>
      %select_n3A_1118 = arith.select %eq3A_1112, %broadcast_in_dim3A_1117, %neg3A_1115 : vector<16xi1>, vector<16xf32>
      %get3A_1119 = arith.constant 944 : index
      %get3A_1120 = tpu.vector_load %arg5[%get3A_1119] {strides = array<i32>} : memref<1024xf32, #tpu.memory_space<vmem>>, vector<16xf32>,
      %get3A_1121 = arith.constant 944 : index
      %get3A_1122 = tpu.vector_load %arg6[%get3A_1121] {strides = array<i32>} : memref<1024xf32, #tpu.memory_space<vmem>>, vector<16xf32>,
      %eq3A_1123 = arith.constant 0.000000e+00 : f32
      %eq3A_1124 = vector.broadcast %eq3A_1123 : f32 to vector<16xf32>
      %eq3A_1125 = arith.cmpf oeq, %get3A_1122, %eq3A_1124 : vector<16xf32>
      %jit3A_1126 = arith.constant -3.000000e+00 : f32
      %broadcast_in_dim3A_1127 = vector.broadcast %jit3A_1126 : f32 to vector<16xf32>
      %select_n3A_1128 = arith.select %eq3A_1125, %get3A_1120, %broadcast_in_dim3A_1127 : vector<16xi1>, vector<16xf32>
      %eq3A_1129 = arith.constant 0.000000e+00 : f32
      %eq3A_1130 = vector.broadcast %eq3A_1129 : f32 to vector<16xf32>
      %eq3A_1131 = arith.cmpf oeq, %get3A_1122, %eq3A_1130 : vector<16xf32>
      %neg3A_1132 = arith.constant 0.000000e+00 : f32
      %neg3A_1133 = vector.broadcast %neg3A_1132 : f32 to vector<16xf32>
      %neg3A_1134 = arith.subf %neg3A_1133, %get3A_1120 : vector<16xf32>
      %jit3A_1135 = arith.constant -3.000000e+00 : f32
      %broadcast_in_dim3A_1136 = vector.broadcast %jit3A_1135 : f32 to vector<16xf32>
      %select_n3A_1137 = arith.select %eq3A_1131, %broadcast_in_dim3A_1136, %neg3A_1134 : vector<16xi1>, vector<16xf32>
      %get3A_1138 = arith.constant 960 : index
      %get3A_1139 = tpu.vector_load %arg5[%get3A_1138] {strides = array<i32>} : memref<1024xf32, #tpu.memory_space<vmem>>, vector<16xf32>,
      %get3A_1140 = arith.constant 960 : index
      %get3A_1141 = tpu.vector_load %arg6[%get3A_1140] {strides = array<i32>} : memref<1024xf32, #tpu.memory_space<vmem>>, vector<16xf32>,
      %eq3A_1142 = arith.constant 0.000000e+00 : f32
      %eq3A_1143 = vector.broadcast %eq3A_1142 : f32 to vector<16xf32>
      %eq3A_1144 = arith.cmpf oeq, %get3A_1141, %eq3A_1143 : vector<16xf32>
      %jit3A_1145 = arith.constant -3.000000e+00 : f32
      %broadcast_in_dim3A_1146 = vector.broadcast %jit3A_1145 : f32 to vector<16xf32>
      %select_n3A_1147 = arith.select %eq3A_1144, %get3A_1139, %broadcast_in_dim3A_1146 : vector<16xi1>, vector<16xf32>
      %eq3A_1148 = arith.constant 0.000000e+00 : f32
      %eq3A_1149 = vector.broadcast %eq3A_1148 : f32 to vector<16xf32>
      %eq3A_1150 = arith.cmpf oeq, %get3A_1141, %eq3A_1149 : vector<16xf32>
      %neg3A_1151 = arith.constant 0.000000e+00 : f32
      %neg3A_1152 = vector.broadcast %neg3A_1151 : f32 to vector<16xf32>
      %neg3A_1153 = arith.subf %neg3A_1152, %get3A_1139 : vector<16xf32>
      %jit3A_1154 = arith.constant -3.000000e+00 : f32
      %broadcast_in_dim3A_1155 = vector.broadcast %jit3A_1154 : f32 to vector<16xf32>
      %select_n3A_1156 = arith.select %eq3A_1150, %broadcast_in_dim3A_1155, %neg3A_1153 : vector<16xi1>, vector<16xf32>
      %get3A_1157 = arith.constant 976 : index
      %get3A_1158 = tpu.vector_load %arg5[%get3A_1157] {strides = array<i32>} : memref<1024xf32, #tpu.memory_space<vmem>>, vector<16xf32>,
      %get3A_1159 = arith.constant 976 : index
      %get3A_1160 = tpu.vector_load %arg6[%get3A_1159] {strides = array<i32>} : memref<1024xf32, #tpu.memory_space<vmem>>, vector<16xf32>,
      %eq3A_1161 = arith.constant 0.000000e+00 : f32
      %eq3A_1162 = vector.broadcast %eq3A_1161 : f32 to vector<16xf32>
      %eq3A_1163 = arith.cmpf oeq, %get3A_1160, %eq3A_1162 : vector<16xf32>
      %jit3A_1164 = arith.constant -3.000000e+00 : f32
      %broadcast_in_dim3A_1165 = vector.broadcast %jit3A_1164 : f32 to vector<16xf32>
      %select_n3A_1166 = arith.select %eq3A_1163, %get3A_1158, %broadcast_in_dim3A_1165 : vector<16xi1>, vector<16xf32>
      %eq3A_1167 = arith.constant 0.000000e+00 : f32
      %eq3A_1168 = vector.broadcast %eq3A_1167 : f32 to vector<16xf32>
      %eq3A_1169 = arith.cmpf oeq, %get3A_1160, %eq3A_1168 : vector<16xf32>
      %neg3A_1170 = arith.constant 0.000000e+00 : f32
      %neg3A_1171 = vector.broadcast %neg3A_1170 : f32 to vector<16xf32>
      %neg3A_1172 = arith.subf %neg3A_1171, %get3A_1158 : vector<16xf32>
      %jit3A_1173 = arith.constant -3.000000e+00 : f32
      %broadcast_in_dim3A_1174 = vector.broadcast %jit3A_1173 : f32 to vector<16xf32>
      %select_n3A_1175 = arith.select %eq3A_1169, %broadcast_in_dim3A_1174, %neg3A_1172 : vector<16xi1>, vector<16xf32>
      %get3A_1176 = arith.constant 992 : index
      %get3A_1177 = tpu.vector_load %arg5[%get3A_1176] {strides = array<i32>} : memref<1024xf32, #tpu.memory_space<vmem>>, vector<16xf32>,
      %get3A_1178 = arith.constant 992 : index
      %get3A_1179 = tpu.vector_load %arg6[%get3A_1178] {strides = array<i32>} : memref<1024xf32, #tpu.memory_space<vmem>>, vector<16xf32>,
      %eq3A_1180 = arith.constant 0.000000e+00 : f32
      %eq3A_1181 = vector.broadcast %eq3A_1180 : f32 to vector<16xf32>
      %eq3A_1182 = arith.cmpf oeq, %get3A_1179, %eq3A_1181 : vector<16xf32>
      %jit3A_1183 = arith.constant -3.000000e+00 : f32
      %broadcast_in_dim3A_1184 = vector.broadcast %jit3A_1183 : f32 to vector<16xf32>
      %select_n3A_1185 = arith.select %eq3A_1182, %get3A_1177, %broadcast_in_dim3A_1184 : vector<16xi1>, vector<16xf32>
      %eq3A_1186 = arith.constant 0.000000e+00 : f32
      %eq3A_1187 = vector.broadcast %eq3A_1186 : f32 to vector<16xf32>
      %eq3A_1188 = arith.cmpf oeq, %get3A_1179, %eq3A_1187 : vector<16xf32>
      %neg3A_1189 = arith.constant 0.000000e+00 : f32
      %neg3A_1190 = vector.broadcast %neg3A_1189 : f32 to vector<16xf32>
      %neg3A_1191 = arith.subf %neg3A_1190, %get3A_1177 : vector<16xf32>
      %jit3A_1192 = arith.constant -3.000000e+00 : f32
      %broadcast_in_dim3A_1193 = vector.broadcast %jit3A_1192 : f32 to vector<16xf32>
      %select_n3A_1194 = arith.select %eq3A_1188, %broadcast_in_dim3A_1193, %neg3A_1191 : vector<16xi1>, vector<16xf32>
      %get3A_1195 = arith.constant 1008 : index
      %get3A_1196 = tpu.vector_load %arg5[%get3A_1195] {strides = array<i32>} : memref<1024xf32, #tpu.memory_space<vmem>>, vector<16xf32>,
      %get3A_1197 = arith.constant 1008 : index
      %get3A_1198 = tpu.vector_load %arg6[%get3A_1197] {strides = array<i32>} : memref<1024xf32, #tpu.memory_space<vmem>>, vector<16xf32>,
      %eq3A_1199 = arith.constant 0.000000e+00 : f32
      %eq3A_1200 = vector.broadcast %eq3A_1199 : f32 to vector<16xf32>
      %eq3A_1201 = arith.cmpf oeq, %get3A_1198, %eq3A_1200 : vector<16xf32>
      %jit3A_1202 = arith.constant -3.000000e+00 : f32
      %broadcast_in_dim3A_1203 = vector.broadcast %jit3A_1202 : f32 to vector<16xf32>
      %select_n3A_1204 = arith.select %eq3A_1201, %get3A_1196, %broadcast_in_dim3A_1203 : vector<16xi1>, vector<16xf32>
      %eq3A_1205 = arith.constant 0.000000e+00 : f32
      %eq3A_1206 = vector.broadcast %eq3A_1205 : f32 to vector<16xf32>
      %eq3A_1207 = arith.cmpf oeq, %get3A_1198, %eq3A_1206 : vector<16xf32>
      %neg3A_1208 = arith.constant 0.000000e+00 : f32
      %neg3A_1209 = vector.broadcast %neg3A_1208 : f32 to vector<16xf32>
      %neg3A_1210 = arith.subf %neg3A_1209, %get3A_1196 : vector<16xf32>
      %jit3A_1211 = arith.constant -3.000000e+00 : f32
      %broadcast_in_dim3A_1212 = vector.broadcast %jit3A_1211 : f32 to vector<16xf32>
      %select_n3A_1213 = arith.select %eq3A_1207, %broadcast_in_dim3A_1212, %neg3A_1210 : vector<16xi1>, vector<16xf32>
      %masked_sort3A = arith.constant dense<true> : vector<16xi1>
      %masked_sort3A_1214, %masked_sort3A_1215, %masked_sort3A_1216 = tpu.sort %select_n3A, %select_n3A masked %masked_sort3A : (vector<16xf32>, vector<16xf32>, vector<16xi1>) -> (vector<16xi1>, vector<16xf32>, vector<16xf32>)
      %masked_sort3A_1217 = arith.constant dense<true> : vector<16xi1>
      %masked_sort3A_1218, %masked_sort3A_1219, %masked_sort3A_1220 = tpu.sort %select_n3A_26, %select_n3A_26 masked %masked_sort3A_1217 : (vector<16xf32>, vector<16xf32>, vector<16xi1>) -> (vector<16xi1>, vector<16xf32>, vector<16xf32>)
      %masked_sort3A_1221 = arith.constant dense<true> : vector<16xi1>
      %masked_sort3A_1222, %masked_sort3A_1223, %masked_sort3A_1224 = tpu.sort %select_n3A_45, %select_n3A_45 masked %masked_sort3A_1221 : (vector<16xf32>, vector<16xf32>, vector<16xi1>) -> (vector<16xi1>, vector<16xf32>, vector<16xf32>)
      %masked_sort3A_1225 = arith.constant dense<true> : vector<16xi1>
      %masked_sort3A_1226, %masked_sort3A_1227, %masked_sort3A_1228 = tpu.sort %select_n3A_64, %select_n3A_64 masked %masked_sort3A_1225 : (vector<16xf32>, vector<16xf32>, vector<16xi1>) -> (vector<16xi1>, vector<16xf32>, vector<16xf32>)
      %masked_sort3A_1229 = arith.constant dense<true> : vector<16xi1>
      %masked_sort3A_1230, %masked_sort3A_1231, %masked_sort3A_1232 = tpu.sort %select_n3A_83, %select_n3A_83 masked %masked_sort3A_1229 : (vector<16xf32>, vector<16xf32>, vector<16xi1>) -> (vector<16xi1>, vector<16xf32>, vector<16xf32>)
      %masked_sort3A_1233 = arith.constant dense<true> : vector<16xi1>
      %masked_sort3A_1234, %masked_sort3A_1235, %masked_sort3A_1236 = tpu.sort %select_n3A_102, %select_n3A_102 masked %masked_sort3A_1233 : (vector<16xf32>, vector<16xf32>, vector<16xi1>) -> (vector<16xi1>, vector<16xf32>, vector<16xf32>)
      %masked_sort3A_1237 = arith.constant dense<true> : vector<16xi1>
      %masked_sort3A_1238, %masked_sort3A_1239, %masked_sort3A_1240 = tpu.sort %select_n3A_121, %select_n3A_121 masked %masked_sort3A_1237 : (vector<16xf32>, vector<16xf32>, vector<16xi1>) -> (vector<16xi1>, vector<16xf32>, vector<16xf32>)
      %masked_sort3A_1241 = arith.constant dense<true> : vector<16xi1>
      %masked_sort3A_1242, %masked_sort3A_1243, %masked_sort3A_1244 = tpu.sort %select_n3A_140, %select_n3A_140 masked %masked_sort3A_1241 : (vector<16xf32>, vector<16xf32>, vector<16xi1>) -> (vector<16xi1>, vector<16xf32>, vector<16xf32>)
      %masked_sort3A_1245 = arith.constant dense<true> : vector<16xi1>
      %masked_sort3A_1246, %masked_sort3A_1247, %masked_sort3A_1248 = tpu.sort %select_n3A_159, %select_n3A_159 masked %masked_sort3A_1245 : (vector<16xf32>, vector<16xf32>, vector<16xi1>) -> (vector<16xi1>, vector<16xf32>, vector<16xf32>)
      %masked_sort3A_1249 = arith.constant dense<true> : vector<16xi1>
      %masked_sort3A_1250, %masked_sort3A_1251, %masked_sort3A_1252 = tpu.sort %select_n3A_178, %select_n3A_178 masked %masked_sort3A_1249 : (vector<16xf32>, vector<16xf32>, vector<16xi1>) -> (vector<16xi1>, vector<16xf32>, vector<16xf32>)
      %masked_sort3A_1253 = arith.constant dense<true> : vector<16xi1>
      %masked_sort3A_1254, %masked_sort3A_1255, %masked_sort3A_1256 = tpu.sort %select_n3A_197, %select_n3A_197 masked %masked_sort3A_1253 : (vector<16xf32>, vector<16xf32>, vector<16xi1>) -> (vector<16xi1>, vector<16xf32>, vector<16xf32>)
      %masked_sort3A_1257 = arith.constant dense<true> : vector<16xi1>
      %masked_sort3A_1258, %masked_sort3A_1259, %masked_sort3A_1260 = tpu.sort %select_n3A_216, %select_n3A_216 masked %masked_sort3A_1257 : (vector<16xf32>, vector<16xf32>, vector<16xi1>) -> (vector<16xi1>, vector<16xf32>, vector<16xf32>)
      %masked_sort3A_1261 = arith.constant dense<true> : vector<16xi1>
      %masked_sort3A_1262, %masked_sort3A_1263, %masked_sort3A_1264 = tpu.sort %select_n3A_235, %select_n3A_235 masked %masked_sort3A_1261 : (vector<16xf32>, vector<16xf32>, vector<16xi1>) -> (vector<16xi1>, vector<16xf32>, vector<16xf32>)
      %masked_sort3A_1265 = arith.constant dense<true> : vector<16xi1>
      %masked_sort3A_1266, %masked_sort3A_1267, %masked_sort3A_1268 = tpu.sort %select_n3A_254, %select_n3A_254 masked %masked_sort3A_1265 : (vector<16xf32>, vector<16xf32>, vector<16xi1>) -> (vector<16xi1>, vector<16xf32>, vector<16xf32>)
      %masked_sort3A_1269 = arith.constant dense<true> : vector<16xi1>
      %masked_sort3A_1270, %masked_sort3A_1271, %masked_sort3A_1272 = tpu.sort %select_n3A_273, %select_n3A_273 masked %masked_sort3A_1269 : (vector<16xf32>, vector<16xf32>, vector<16xi1>) -> (vector<16xi1>, vector<16xf32>, vector<16xf32>)
      %masked_sort3A_1273 = arith.constant dense<true> : vector<16xi1>
      %masked_sort3A_1274, %masked_sort3A_1275, %masked_sort3A_1276 = tpu.sort %select_n3A_292, %select_n3A_292 masked %masked_sort3A_1273 : (vector<16xf32>, vector<16xf32>, vector<16xi1>) -> (vector<16xi1>, vector<16xf32>, vector<16xf32>)
      %masked_sort3A_1277 = arith.constant dense<true> : vector<16xi1>
      %masked_sort3A_1278, %masked_sort3A_1279, %masked_sort3A_1280 = tpu.sort %select_n3A_311, %select_n3A_311 masked %masked_sort3A_1277 : (vector<16xf32>, vector<16xf32>, vector<16xi1>) -> (vector<16xi1>, vector<16xf32>, vector<16xf32>)
      %masked_sort3A_1281 = arith.constant dense<true> : vector<16xi1>
      %masked_sort3A_1282, %masked_sort3A_1283, %masked_sort3A_1284 = tpu.sort %select_n3A_330, %select_n3A_330 masked %masked_sort3A_1281 : (vector<16xf32>, vector<16xf32>, vector<16xi1>) -> (vector<16xi1>, vector<16xf32>, vector<16xf32>)
      %masked_sort3A_1285 = arith.constant dense<true> : vector<16xi1>
      %masked_sort3A_1286, %masked_sort3A_1287, %masked_sort3A_1288 = tpu.sort %select_n3A_349, %select_n3A_349 masked %masked_sort3A_1285 : (vector<16xf32>, vector<16xf32>, vector<16xi1>) -> (vector<16xi1>, vector<16xf32>, vector<16xf32>)
      %masked_sort3A_1289 = arith.constant dense<true> : vector<16xi1>
      %masked_sort3A_1290, %masked_sort3A_1291, %masked_sort3A_1292 = tpu.sort %select_n3A_368, %select_n3A_368 masked %masked_sort3A_1289 : (vector<16xf32>, vector<16xf32>, vector<16xi1>) -> (vector<16xi1>, vector<16xf32>, vector<16xf32>)
      %masked_sort3A_1293 = arith.constant dense<true> : vector<16xi1>
      %masked_sort3A_1294, %masked_sort3A_1295, %masked_sort3A_1296 = tpu.sort %select_n3A_387, %select_n3A_387 masked %masked_sort3A_1293 : (vector<16xf32>, vector<16xf32>, vector<16xi1>) -> (vector<16xi1>, vector<16xf32>, vector<16xf32>)
      %masked_sort3A_1297 = arith.constant dense<true> : vector<16xi1>
      %masked_sort3A_1298, %masked_sort3A_1299, %masked_sort3A_1300 = tpu.sort %select_n3A_406, %select_n3A_406 masked %masked_sort3A_1297 : (vector<16xf32>, vector<16xf32>, vector<16xi1>) -> (vector<16xi1>, vector<16xf32>, vector<16xf32>)
      %masked_sort3A_1301 = arith.constant dense<true> : vector<16xi1>
      %masked_sort3A_1302, %masked_sort3A_1303, %masked_sort3A_1304 = tpu.sort %select_n3A_425, %select_n3A_425 masked %masked_sort3A_1301 : (vector<16xf32>, vector<16xf32>, vector<16xi1>) -> (vector<16xi1>, vector<16xf32>, vector<16xf32>)
      %masked_sort3A_1305 = arith.constant dense<true> : vector<16xi1>
      %masked_sort3A_1306, %masked_sort3A_1307, %masked_sort3A_1308 = tpu.sort %select_n3A_444, %select_n3A_444 masked %masked_sort3A_1305 : (vector<16xf32>, vector<16xf32>, vector<16xi1>) -> (vector<16xi1>, vector<16xf32>, vector<16xf32>)
      %masked_sort3A_1309 = arith.constant dense<true> : vector<16xi1>
      %masked_sort3A_1310, %masked_sort3A_1311, %masked_sort3A_1312 = tpu.sort %select_n3A_463, %select_n3A_463 masked %masked_sort3A_1309 : (vector<16xf32>, vector<16xf32>, vector<16xi1>) -> (vector<16xi1>, vector<16xf32>, vector<16xf32>)
      %masked_sort3A_1313 = arith.constant dense<true> : vector<16xi1>
      %masked_sort3A_1314, %masked_sort3A_1315, %masked_sort3A_1316 = tpu.sort %select_n3A_482, %select_n3A_482 masked %masked_sort3A_1313 : (vector<16xf32>, vector<16xf32>, vector<16xi1>) -> (vector<16xi1>, vector<16xf32>, vector<16xf32>)
      %masked_sort3A_1317 = arith.constant dense<true> : vector<16xi1>
      %masked_sort3A_1318, %masked_sort3A_1319, %masked_sort3A_1320 = tpu.sort %select_n3A_501, %select_n3A_501 masked %masked_sort3A_1317 : (vector<16xf32>, vector<16xf32>, vector<16xi1>) -> (vector<16xi1>, vector<16xf32>, vector<16xf32>)
      %masked_sort3A_1321 = arith.constant dense<true> : vector<16xi1>
      %masked_sort3A_1322, %masked_sort3A_1323, %masked_sort3A_1324 = tpu.sort %select_n3A_520, %select_n3A_520 masked %masked_sort3A_1321 : (vector<16xf32>, vector<16xf32>, vector<16xi1>) -> (vector<16xi1>, vector<16xf32>, vector<16xf32>)
      %masked_sort3A_1325 = arith.constant dense<true> : vector<16xi1>
      %masked_sort3A_1326, %masked_sort3A_1327, %masked_sort3A_1328 = tpu.sort %select_n3A_539, %select_n3A_539 masked %masked_sort3A_1325 : (vector<16xf32>, vector<16xf32>, vector<16xi1>) -> (vector<16xi1>, vector<16xf32>, vector<16xf32>)
      %masked_sort3A_1329 = arith.constant dense<true> : vector<16xi1>
      %masked_sort3A_1330, %masked_sort3A_1331, %masked_sort3A_1332 = tpu.sort %select_n3A_558, %select_n3A_558 masked %masked_sort3A_1329 : (vector<16xf32>, vector<16xf32>, vector<16xi1>) -> (vector<16xi1>, vector<16xf32>, vector<16xf32>)
      %masked_sort3A_1333 = arith.constant dense<true> : vector<16xi1>
      %masked_sort3A_1334, %masked_sort3A_1335, %masked_sort3A_1336 = tpu.sort %select_n3A_577, %select_n3A_577 masked %masked_sort3A_1333 : (vector<16xf32>, vector<16xf32>, vector<16xi1>) -> (vector<16xi1>, vector<16xf32>, vector<16xf32>)
      %masked_sort3A_1337 = arith.constant dense<true> : vector<16xi1>
      %masked_sort3A_1338, %masked_sort3A_1339, %masked_sort3A_1340 = tpu.sort %select_n3A_596, %select_n3A_596 masked %masked_sort3A_1337 : (vector<16xf32>, vector<16xf32>, vector<16xi1>) -> (vector<16xi1>, vector<16xf32>, vector<16xf32>)
      %masked_sort3A_1341 = arith.constant dense<true> : vector<16xi1>
      %masked_sort3A_1342, %masked_sort3A_1343, %masked_sort3A_1344 = tpu.sort %select_n3A_615, %select_n3A_615 masked %masked_sort3A_1341 : (vector<16xf32>, vector<16xf32>, vector<16xi1>) -> (vector<16xi1>, vector<16xf32>, vector<16xf32>)
      %masked_sort3A_1345 = arith.constant dense<true> : vector<16xi1>
      %masked_sort3A_1346, %masked_sort3A_1347, %masked_sort3A_1348 = tpu.sort %select_n3A_634, %select_n3A_634 masked %masked_sort3A_1345 : (vector<16xf32>, vector<16xf32>, vector<16xi1>) -> (vector<16xi1>, vector<16xf32>, vector<16xf32>)
      %masked_sort3A_1349 = arith.constant dense<true> : vector<16xi1>
      %masked_sort3A_1350, %masked_sort3A_1351, %masked_sort3A_1352 = tpu.sort %select_n3A_653, %select_n3A_653 masked %masked_sort3A_1349 : (vector<16xf32>, vector<16xf32>, vector<16xi1>) -> (vector<16xi1>, vector<16xf32>, vector<16xf32>)
      %masked_sort3A_1353 = arith.constant dense<true> : vector<16xi1>
      %masked_sort3A_1354, %masked_sort3A_1355, %masked_sort3A_1356 = tpu.sort %select_n3A_672, %select_n3A_672 masked %masked_sort3A_1353 : (vector<16xf32>, vector<16xf32>, vector<16xi1>) -> (vector<16xi1>, vector<16xf32>, vector<16xf32>)
      %masked_sort3A_1357 = arith.constant dense<true> : vector<16xi1>
      %masked_sort3A_1358, %masked_sort3A_1359, %masked_sort3A_1360 = tpu.sort %select_n3A_691, %select_n3A_691 masked %masked_sort3A_1357 : (vector<16xf32>, vector<16xf32>, vector<16xi1>) -> (vector<16xi1>, vector<16xf32>, vector<16xf32>)
      %masked_sort3A_1361 = arith.constant dense<true> : vector<16xi1>
      %masked_sort3A_1362, %masked_sort3A_1363, %masked_sort3A_1364 = tpu.sort %select_n3A_710, %select_n3A_710 masked %masked_sort3A_1361 : (vector<16xf32>, vector<16xf32>, vector<16xi1>) -> (vector<16xi1>, vector<16xf32>, vector<16xf32>)
      %masked_sort3A_1365 = arith.constant dense<true> : vector<16xi1>
      %masked_sort3A_1366, %masked_sort3A_1367, %masked_sort3A_1368 = tpu.sort %select_n3A_729, %select_n3A_729 masked %masked_sort3A_1365 : (vector<16xf32>, vector<16xf32>, vector<16xi1>) -> (vector<16xi1>, vector<16xf32>, vector<16xf32>)
      %masked_sort3A_1369 = arith.constant dense<true> : vector<16xi1>
      %masked_sort3A_1370, %masked_sort3A_1371, %masked_sort3A_1372 = tpu.sort %select_n3A_748, %select_n3A_748 masked %masked_sort3A_1369 : (vector<16xf32>, vector<16xf32>, vector<16xi1>) -> (vector<16xi1>, vector<16xf32>, vector<16xf32>)
      %masked_sort3A_1373 = arith.constant dense<true> : vector<16xi1>
      %masked_sort3A_1374, %masked_sort3A_1375, %masked_sort3A_1376 = tpu.sort %select_n3A_767, %select_n3A_767 masked %masked_sort3A_1373 : (vector<16xf32>, vector<16xf32>, vector<16xi1>) -> (vector<16xi1>, vector<16xf32>, vector<16xf32>)
      %masked_sort3A_1377 = arith.constant dense<true> : vector<16xi1>
      %masked_sort3A_1378, %masked_sort3A_1379, %masked_sort3A_1380 = tpu.sort %select_n3A_786, %select_n3A_786 masked %masked_sort3A_1377 : (vector<16xf32>, vector<16xf32>, vector<16xi1>) -> (vector<16xi1>, vector<16xf32>, vector<16xf32>)
      %masked_sort3A_1381 = arith.constant dense<true> : vector<16xi1>
      %masked_sort3A_1382, %masked_sort3A_1383, %masked_sort3A_1384 = tpu.sort %select_n3A_805, %select_n3A_805 masked %masked_sort3A_1381 : (vector<16xf32>, vector<16xf32>, vector<16xi1>) -> (vector<16xi1>, vector<16xf32>, vector<16xf32>)
      %masked_sort3A_1385 = arith.constant dense<true> : vector<16xi1>
      %masked_sort3A_1386, %masked_sort3A_1387, %masked_sort3A_1388 = tpu.sort %select_n3A_824, %select_n3A_824 masked %masked_sort3A_1385 : (vector<16xf32>, vector<16xf32>, vector<16xi1>) -> (vector<16xi1>, vector<16xf32>, vector<16xf32>)
      %masked_sort3A_1389 = arith.constant dense<true> : vector<16xi1>
      %masked_sort3A_1390, %masked_sort3A_1391, %masked_sort3A_1392 = tpu.sort %select_n3A_843, %select_n3A_843 masked %masked_sort3A_1389 : (vector<16xf32>, vector<16xf32>, vector<16xi1>) -> (vector<16xi1>, vector<16xf32>, vector<16xf32>)
      %masked_sort3A_1393 = arith.constant dense<true> : vector<16xi1>
      %masked_sort3A_1394, %masked_sort3A_1395, %masked_sort3A_1396 = tpu.sort %select_n3A_862, %select_n3A_862 masked %masked_sort3A_1393 : (vector<16xf32>, vector<16xf32>, vector<16xi1>) -> (vector<16xi1>, vector<16xf32>, vector<16xf32>)
      %masked_sort3A_1397 = arith.constant dense<true> : vector<16xi1>
      %masked_sort3A_1398, %masked_sort3A_1399, %masked_sort3A_1400 = tpu.sort %select_n3A_881, %select_n3A_881 masked %masked_sort3A_1397 : (vector<16xf32>, vector<16xf32>, vector<16xi1>) -> (vector<16xi1>, vector<16xf32>, vector<16xf32>)
      %masked_sort3A_1401 = arith.constant dense<true> : vector<16xi1>
      %masked_sort3A_1402, %masked_sort3A_1403, %masked_sort3A_1404 = tpu.sort %select_n3A_900, %select_n3A_900 masked %masked_sort3A_1401 : (vector<16xf32>, vector<16xf32>, vector<16xi1>) -> (vector<16xi1>, vector<16xf32>, vector<16xf32>)
      %masked_sort3A_1405 = arith.constant dense<true> : vector<16xi1>
      %masked_sort3A_1406, %masked_sort3A_1407, %masked_sort3A_1408 = tpu.sort %select_n3A_919, %select_n3A_919 masked %masked_sort3A_1405 : (vector<16xf32>, vector<16xf32>, vector<16xi1>) -> (vector<16xi1>, vector<16xf32>, vector<16xf32>)
      %masked_sort3A_1409 = arith.constant dense<true> : vector<16xi1>
      %masked_sort3A_1410, %masked_sort3A_1411, %masked_sort3A_1412 = tpu.sort %select_n3A_938, %select_n3A_938 masked %masked_sort3A_1409 : (vector<16xf32>, vector<16xf32>, vector<16xi1>) -> (vector<16xi1>, vector<16xf32>, vector<16xf32>)
      %masked_sort3A_1413 = arith.constant dense<true> : vector<16xi1>
      %masked_sort3A_1414, %masked_sort3A_1415, %masked_sort3A_1416 = tpu.sort %select_n3A_957, %select_n3A_957 masked %masked_sort3A_1413 : (vector<16xf32>, vector<16xf32>, vector<16xi1>) -> (vector<16xi1>, vector<16xf32>, vector<16xf32>)
      %masked_sort3A_1417 = arith.constant dense<true> : vector<16xi1>
      %masked_sort3A_1418, %masked_sort3A_1419, %masked_sort3A_1420 = tpu.sort %select_n3A_976, %select_n3A_976 masked %masked_sort3A_1417 : (vector<16xf32>, vector<16xf32>, vector<16xi1>) -> (vector<16xi1>, vector<16xf32>, vector<16xf32>)
      %masked_sort3A_1421 = arith.constant dense<true> : vector<16xi1>
      %masked_sort3A_1422, %masked_sort3A_1423, %masked_sort3A_1424 = tpu.sort %select_n3A_995, %select_n3A_995 masked %masked_sort3A_1421 : (vector<16xf32>, vector<16xf32>, vector<16xi1>) -> (vector<16xi1>, vector<16xf32>, vector<16xf32>)
      %masked_sort3A_1425 = arith.constant dense<true> : vector<16xi1>
      %masked_sort3A_1426, %masked_sort3A_1427, %masked_sort3A_1428 = tpu.sort %select_n3A_1014, %select_n3A_1014 masked %masked_sort3A_1425 : (vector<16xf32>, vector<16xf32>, vector<16xi1>) -> (vector<16xi1>, vector<16xf32>, vector<16xf32>)
      %masked_sort3A_1429 = arith.constant dense<true> : vector<16xi1>
      %masked_sort3A_1430, %masked_sort3A_1431, %masked_sort3A_1432 = tpu.sort %select_n3A_1033, %select_n3A_1033 masked %masked_sort3A_1429 : (vector<16xf32>, vector<16xf32>, vector<16xi1>) -> (vector<16xi1>, vector<16xf32>, vector<16xf32>)
      %masked_sort3A_1433 = arith.constant dense<true> : vector<16xi1>
      %masked_sort3A_1434, %masked_sort3A_1435, %masked_sort3A_1436 = tpu.sort %select_n3A_1052, %select_n3A_1052 masked %masked_sort3A_1433 : (vector<16xf32>, vector<16xf32>, vector<16xi1>) -> (vector<16xi1>, vector<16xf32>, vector<16xf32>)
      %masked_sort3A_1437 = arith.constant dense<true> : vector<16xi1>
      %masked_sort3A_1438, %masked_sort3A_1439, %masked_sort3A_1440 = tpu.sort %select_n3A_1071, %select_n3A_1071 masked %masked_sort3A_1437 : (vector<16xf32>, vector<16xf32>, vector<16xi1>) -> (vector<16xi1>, vector<16xf32>, vector<16xf32>)
      %masked_sort3A_1441 = arith.constant dense<true> : vector<16xi1>
      %masked_sort3A_1442, %masked_sort3A_1443, %masked_sort3A_1444 = tpu.sort %select_n3A_1090, %select_n3A_1090 masked %masked_sort3A_1441 : (vector<16xf32>, vector<16xf32>, vector<16xi1>) -> (vector<16xi1>, vector<16xf32>, vector<16xf32>)
      %masked_sort3A_1445 = arith.constant dense<true> : vector<16xi1>
      %masked_sort3A_1446, %masked_sort3A_1447, %masked_sort3A_1448 = tpu.sort %select_n3A_1109, %select_n3A_1109 masked %masked_sort3A_1445 : (vector<16xf32>, vector<16xf32>, vector<16xi1>) -> (vector<16xi1>, vector<16xf32>, vector<16xf32>)
      %masked_sort3A_1449 = arith.constant dense<true> : vector<16xi1>
      %masked_sort3A_1450, %masked_sort3A_1451, %masked_sort3A_1452 = tpu.sort %select_n3A_1128, %select_n3A_1128 masked %masked_sort3A_1449 : (vector<16xf32>, vector<16xf32>, vector<16xi1>) -> (vector<16xi1>, vector<16xf32>, vector<16xf32>)
      %masked_sort3A_1453 = arith.constant dense<true> : vector<16xi1>
      %masked_sort3A_1454, %masked_sort3A_1455, %masked_sort3A_1456 = tpu.sort %select_n3A_1147, %select_n3A_1147 masked %masked_sort3A_1453 : (vector<16xf32>, vector<16xf32>, vector<16xi1>) -> (vector<16xi1>, vector<16xf32>, vector<16xf32>)
      %masked_sort3A_1457 = arith.constant dense<true> : vector<16xi1>
      %masked_sort3A_1458, %masked_sort3A_1459, %masked_sort3A_1460 = tpu.sort %select_n3A_1166, %select_n3A_1166 masked %masked_sort3A_1457 : (vector<16xf32>, vector<16xf32>, vector<16xi1>) -> (vector<16xi1>, vector<16xf32>, vector<16xf32>)
      %masked_sort3A_1461 = arith.constant dense<true> : vector<16xi1>
      %masked_sort3A_1462, %masked_sort3A_1463, %masked_sort3A_1464 = tpu.sort %select_n3A_1185, %select_n3A_1185 masked %masked_sort3A_1461 : (vector<16xf32>, vector<16xf32>, vector<16xi1>) -> (vector<16xi1>, vector<16xf32>, vector<16xf32>)
      %masked_sort3A_1465 = arith.constant dense<true> : vector<16xi1>
      %masked_sort3A_1466, %masked_sort3A_1467, %masked_sort3A_1468 = tpu.sort %select_n3A_1204, %select_n3A_1204 masked %masked_sort3A_1465 : (vector<16xf32>, vector<16xf32>, vector<16xi1>) -> (vector<16xi1>, vector<16xf32>, vector<16xf32>)
      %rev3A = arith.constant 15 : i32
      %rev3A_1469 = vector.broadcast %rev3A : i32 to vector<16xi32>
      %rev3A_1470 = tpu.iota {dimensions = array<i32: 0>} : vector<16xi32>
      %rev3A_1471 = arith.subi %rev3A_1469, %rev3A_1470 : vector<16xi32>
      %rev3A_1472 = tpu.dynamic_gather %masked_sort3A_1219[%rev3A_1471] in [0] : vector<16xf32>, vector<16xi32> -> vector<16xf32>
      %min3A = arith.minimumf %masked_sort3A_1215, %rev3A_1472 : vector<16xf32>
      %max3A = arith.maximumf %masked_sort3A_1215, %rev3A_1472 : vector<16xf32>
      %masked_sort3A_1473 = arith.constant dense<true> : vector<16xi1>
      %masked_sort3A_1474, %masked_sort3A_1475, %masked_sort3A_1476 = tpu.sort %min3A, %min3A masked %masked_sort3A_1473 : (vector<16xf32>, vector<16xf32>, vector<16xi1>) -> (vector<16xi1>, vector<16xf32>, vector<16xf32>)
      %masked_sort3A_1477 = arith.constant dense<true> : vector<16xi1>
      %masked_sort3A_1478, %masked_sort3A_1479, %masked_sort3A_1480 = tpu.sort %max3A, %max3A masked %masked_sort3A_1477 : (vector<16xf32>, vector<16xf32>, vector<16xi1>) -> (vector<16xi1>, vector<16xf32>, vector<16xf32>)
      %rev3A_1481 = arith.constant 15 : i32
      %rev3A_1482 = vector.broadcast %rev3A_1481 : i32 to vector<16xi32>
      %rev3A_1483 = tpu.iota {dimensions = array<i32: 0>} : vector<16xi32>
      %rev3A_1484 = arith.subi %rev3A_1482, %rev3A_1483 : vector<16xi32>
      %rev3A_1485 = tpu.dynamic_gather %masked_sort3A_1227[%rev3A_1484] in [0] : vector<16xf32>, vector<16xi32> -> vector<16xf32>
      %min3A_1486 = arith.minimumf %masked_sort3A_1223, %rev3A_1485 : vector<16xf32>
      %max3A_1487 = arith.maximumf %masked_sort3A_1223, %rev3A_1485 : vector<16xf32>
      %masked_sort3A_1488 = arith.constant dense<true> : vector<16xi1>
      %masked_sort3A_1489, %masked_sort3A_1490, %masked_sort3A_1491 = tpu.sort %min3A_1486, %min3A_1486 masked %masked_sort3A_1488 : (vector<16xf32>, vector<16xf32>, vector<16xi1>) -> (vector<16xi1>, vector<16xf32>, vector<16xf32>)
      %masked_sort3A_1492 = arith.constant dense<true> : vector<16xi1>
      %masked_sort3A_1493, %masked_sort3A_1494, %masked_sort3A_1495 = tpu.sort %max3A_1487, %max3A_1487 masked %masked_sort3A_1492 : (vector<16xf32>, vector<16xf32>, vector<16xi1>) -> (vector<16xi1>, vector<16xf32>, vector<16xf32>)
      %rev3A_1496 = arith.constant 15 : i32
      %rev3A_1497 = vector.broadcast %rev3A_1496 : i32 to vector<16xi32>
      %rev3A_1498 = tpu.iota {dimensions = array<i32: 0>} : vector<16xi32>
      %rev3A_1499 = arith.subi %rev3A_1497, %rev3A_1498 : vector<16xi32>
      %rev3A_1500 = tpu.dynamic_gather %masked_sort3A_1235[%rev3A_1499] in [0] : vector<16xf32>, vector<16xi32> -> vector<16xf32>
      %min3A_1501 = arith.minimumf %masked_sort3A_1231, %rev3A_1500 : vector<16xf32>
      %max3A_1502 = arith.maximumf %masked_sort3A_1231, %rev3A_1500 : vector<16xf32>
      %masked_sort3A_1503 = arith.constant dense<true> : vector<16xi1>
      %masked_sort3A_1504, %masked_sort3A_1505, %masked_sort3A_1506 = tpu.sort %min3A_1501, %min3A_1501 masked %masked_sort3A_1503 : (vector<16xf32>, vector<16xf32>, vector<16xi1>) -> (vector<16xi1>, vector<16xf32>, vector<16xf32>)
      %masked_sort3A_1507 = arith.constant dense<true> : vector<16xi1>
      %masked_sort3A_1508, %masked_sort3A_1509, %masked_sort3A_1510 = tpu.sort %max3A_1502, %max3A_1502 masked %masked_sort3A_1507 : (vector<16xf32>, vector<16xf32>, vector<16xi1>) -> (vector<16xi1>, vector<16xf32>, vector<16xf32>)
      %rev3A_1511 = arith.constant 15 : i32
      %rev3A_1512 = vector.broadcast %rev3A_1511 : i32 to vector<16xi32>
      %rev3A_1513 = tpu.iota {dimensions = array<i32: 0>} : vector<16xi32>
      %rev3A_1514 = arith.subi %rev3A_1512, %rev3A_1513 : vector<16xi32>
      %rev3A_1515 = tpu.dynamic_gather %masked_sort3A_1243[%rev3A_1514] in [0] : vector<16xf32>, vector<16xi32> -> vector<16xf32>
      %min3A_1516 = arith.minimumf %masked_sort3A_1239, %rev3A_1515 : vector<16xf32>
      %max3A_1517 = arith.maximumf %masked_sort3A_1239, %rev3A_1515 : vector<16xf32>
      %masked_sort3A_1518 = arith.constant dense<true> : vector<16xi1>
      %masked_sort3A_1519, %masked_sort3A_1520, %masked_sort3A_1521 = tpu.sort %min3A_1516, %min3A_1516 masked %masked_sort3A_1518 : (vector<16xf32>, vector<16xf32>, vector<16xi1>) -> (vector<16xi1>, vector<16xf32>, vector<16xf32>)
      %masked_sort3A_1522 = arith.constant dense<true> : vector<16xi1>
      %masked_sort3A_1523, %masked_sort3A_1524, %masked_sort3A_1525 = tpu.sort %max3A_1517, %max3A_1517 masked %masked_sort3A_1522 : (vector<16xf32>, vector<16xf32>, vector<16xi1>) -> (vector<16xi1>, vector<16xf32>, vector<16xf32>)
      %rev3A_1526 = arith.constant 15 : i32
      %rev3A_1527 = vector.broadcast %rev3A_1526 : i32 to vector<16xi32>
      %rev3A_1528 = tpu.iota {dimensions = array<i32: 0>} : vector<16xi32>
      %rev3A_1529 = arith.subi %rev3A_1527, %rev3A_1528 : vector<16xi32>
      %rev3A_1530 = tpu.dynamic_gather %masked_sort3A_1251[%rev3A_1529] in [0] : vector<16xf32>, vector<16xi32> -> vector<16xf32>
      %min3A_1531 = arith.minimumf %masked_sort3A_1247, %rev3A_1530 : vector<16xf32>
      %max3A_1532 = arith.maximumf %masked_sort3A_1247, %rev3A_1530 : vector<16xf32>
      %masked_sort3A_1533 = arith.constant dense<true> : vector<16xi1>
      %masked_sort3A_1534, %masked_sort3A_1535, %masked_sort3A_1536 = tpu.sort %min3A_1531, %min3A_1531 masked %masked_sort3A_1533 : (vector<16xf32>, vector<16xf32>, vector<16xi1>) -> (vector<16xi1>, vector<16xf32>, vector<16xf32>)
      %masked_sort3A_1537 = arith.constant dense<true> : vector<16xi1>
      %masked_sort3A_1538, %masked_sort3A_1539, %masked_sort3A_1540 = tpu.sort %max3A_1532, %max3A_1532 masked %masked_sort3A_1537 : (vector<16xf32>, vector<16xf32>, vector<16xi1>) -> (vector<16xi1>, vector<16xf32>, vector<16xf32>)
      %rev3A_1541 = arith.constant 15 : i32
      %rev3A_1542 = vector.broadcast %rev3A_1541 : i32 to vector<16xi32>
      %rev3A_1543 = tpu.iota {dimensions = array<i32: 0>} : vector<16xi32>
      %rev3A_1544 = arith.subi %rev3A_1542, %rev3A_1543 : vector<16xi32>
      %rev3A_1545 = tpu.dynamic_gather %masked_sort3A_1259[%rev3A_1544] in [0] : vector<16xf32>, vector<16xi32> -> vector<16xf32>
      %min3A_1546 = arith.minimumf %masked_sort3A_1255, %rev3A_1545 : vector<16xf32>
      %max3A_1547 = arith.maximumf %masked_sort3A_1255, %rev3A_1545 : vector<16xf32>
      %masked_sort3A_1548 = arith.constant dense<true> : vector<16xi1>
      %masked_sort3A_1549, %masked_sort3A_1550, %masked_sort3A_1551 = tpu.sort %min3A_1546, %min3A_1546 masked %masked_sort3A_1548 : (vector<16xf32>, vector<16xf32>, vector<16xi1>) -> (vector<16xi1>, vector<16xf32>, vector<16xf32>)
      %masked_sort3A_1552 = arith.constant dense<true> : vector<16xi1>
      %masked_sort3A_1553, %masked_sort3A_1554, %masked_sort3A_1555 = tpu.sort %max3A_1547, %max3A_1547 masked %masked_sort3A_1552 : (vector<16xf32>, vector<16xf32>, vector<16xi1>) -> (vector<16xi1>, vector<16xf32>, vector<16xf32>)
      %rev3A_1556 = arith.constant 15 : i32
      %rev3A_1557 = vector.broadcast %rev3A_1556 : i32 to vector<16xi32>
      %rev3A_1558 = tpu.iota {dimensions = array<i32: 0>} : vector<16xi32>
      %rev3A_1559 = arith.subi %rev3A_1557, %rev3A_1558 : vector<16xi32>
      %rev3A_1560 = tpu.dynamic_gather %masked_sort3A_1267[%rev3A_1559] in [0] : vector<16xf32>, vector<16xi32> -> vector<16xf32>
      %min3A_1561 = arith.minimumf %masked_sort3A_1263, %rev3A_1560 : vector<16xf32>
      %max3A_1562 = arith.maximumf %masked_sort3A_1263, %rev3A_1560 : vector<16xf32>
      %masked_sort3A_1563 = arith.constant dense<true> : vector<16xi1>
      %masked_sort3A_1564, %masked_sort3A_1565, %masked_sort3A_1566 = tpu.sort %min3A_1561, %min3A_1561 masked %masked_sort3A_1563 : (vector<16xf32>, vector<16xf32>, vector<16xi1>) -> (vector<16xi1>, vector<16xf32>, vector<16xf32>)
      %masked_sort3A_1567 = arith.constant dense<true> : vector<16xi1>
      %masked_sort3A_1568, %masked_sort3A_1569, %masked_sort3A_1570 = tpu.sort %max3A_1562, %max3A_1562 masked %masked_sort3A_1567 : (vector<16xf32>, vector<16xf32>, vector<16xi1>) -> (vector<16xi1>, vector<16xf32>, vector<16xf32>)
      %rev3A_1571 = arith.constant 15 : i32
      %rev3A_1572 = vector.broadcast %rev3A_1571 : i32 to vector<16xi32>
      %rev3A_1573 = tpu.iota {dimensions = array<i32: 0>} : vector<16xi32>
      %rev3A_1574 = arith.subi %rev3A_1572, %rev3A_1573 : vector<16xi32>
      %rev3A_1575 = tpu.dynamic_gather %masked_sort3A_1275[%rev3A_1574] in [0] : vector<16xf32>, vector<16xi32> -> vector<16xf32>
      %min3A_1576 = arith.minimumf %masked_sort3A_1271, %rev3A_1575 : vector<16xf32>
      %max3A_1577 = arith.maximumf %masked_sort3A_1271, %rev3A_1575 : vector<16xf32>
      %masked_sort3A_1578 = arith.constant dense<true> : vector<16xi1>
      %masked_sort3A_1579, %masked_sort3A_1580, %masked_sort3A_1581 = tpu.sort %min3A_1576, %min3A_1576 masked %masked_sort3A_1578 : (vector<16xf32>, vector<16xf32>, vector<16xi1>) -> (vector<16xi1>, vector<16xf32>, vector<16xf32>)
      %masked_sort3A_1582 = arith.constant dense<true> : vector<16xi1>
      %masked_sort3A_1583, %masked_sort3A_1584, %masked_sort3A_1585 = tpu.sort %max3A_1577, %max3A_1577 masked %masked_sort3A_1582 : (vector<16xf32>, vector<16xf32>, vector<16xi1>) -> (vector<16xi1>, vector<16xf32>, vector<16xf32>)
      %rev3A_1586 = arith.constant 15 : i32
      %rev3A_1587 = vector.broadcast %rev3A_1586 : i32 to vector<16xi32>
      %rev3A_1588 = tpu.iota {dimensions = array<i32: 0>} : vector<16xi32>
      %rev3A_1589 = arith.subi %rev3A_1587, %rev3A_1588 : vector<16xi32>
      %rev3A_1590 = tpu.dynamic_gather %masked_sort3A_1283[%rev3A_1589] in [0] : vector<16xf32>, vector<16xi32> -> vector<16xf32>
      %min3A_1591 = arith.minimumf %masked_sort3A_1279, %rev3A_1590 : vector<16xf32>
      %max3A_1592 = arith.maximumf %masked_sort3A_1279, %rev3A_1590 : vector<16xf32>
      %masked_sort3A_1593 = arith.constant dense<true> : vector<16xi1>
      %masked_sort3A_1594, %masked_sort3A_1595, %masked_sort3A_1596 = tpu.sort %min3A_1591, %min3A_1591 masked %masked_sort3A_1593 : (vector<16xf32>, vector<16xf32>, vector<16xi1>) -> (vector<16xi1>, vector<16xf32>, vector<16xf32>)
      %masked_sort3A_1597 = arith.constant dense<true> : vector<16xi1>
      %masked_sort3A_1598, %masked_sort3A_1599, %masked_sort3A_1600 = tpu.sort %max3A_1592, %max3A_1592 masked %masked_sort3A_1597 : (vector<16xf32>, vector<16xf32>, vector<16xi1>) -> (vector<16xi1>, vector<16xf32>, vector<16xf32>)
      %rev3A_1601 = arith.constant 15 : i32
      %rev3A_1602 = vector.broadcast %rev3A_1601 : i32 to vector<16xi32>
      %rev3A_1603 = tpu.iota {dimensions = array<i32: 0>} : vector<16xi32>
      %rev3A_1604 = arith.subi %rev3A_1602, %rev3A_1603 : vector<16xi32>
      %rev3A_1605 = tpu.dynamic_gather %masked_sort3A_1291[%rev3A_1604] in [0] : vector<16xf32>, vector<16xi32> -> vector<16xf32>
      %min3A_1606 = arith.minimumf %masked_sort3A_1287, %rev3A_1605 : vector<16xf32>
      %max3A_1607 = arith.maximumf %masked_sort3A_1287, %rev3A_1605 : vector<16xf32>
      %masked_sort3A_1608 = arith.constant dense<true> : vector<16xi1>
      %masked_sort3A_1609, %masked_sort3A_1610, %masked_sort3A_1611 = tpu.sort %min3A_1606, %min3A_1606 masked %masked_sort3A_1608 : (vector<16xf32>, vector<16xf32>, vector<16xi1>) -> (vector<16xi1>, vector<16xf32>, vector<16xf32>)
      %masked_sort3A_1612 = arith.constant dense<true> : vector<16xi1>
      %masked_sort3A_1613, %masked_sort3A_1614, %masked_sort3A_1615 = tpu.sort %max3A_1607, %max3A_1607 masked %masked_sort3A_1612 : (vector<16xf32>, vector<16xf32>, vector<16xi1>) -> (vector<16xi1>, vector<16xf32>, vector<16xf32>)
      %rev3A_1616 = arith.constant 15 : i32
      %rev3A_1617 = vector.broadcast %rev3A_1616 : i32 to vector<16xi32>
      %rev3A_1618 = tpu.iota {dimensions = array<i32: 0>} : vector<16xi32>
      %rev3A_1619 = arith.subi %rev3A_1617, %rev3A_1618 : vector<16xi32>
      %rev3A_1620 = tpu.dynamic_gather %masked_sort3A_1299[%rev3A_1619] in [0] : vector<16xf32>, vector<16xi32> -> vector<16xf32>
      %min3A_1621 = arith.minimumf %masked_sort3A_1295, %rev3A_1620 : vector<16xf32>
      %max3A_1622 = arith.maximumf %masked_sort3A_1295, %rev3A_1620 : vector<16xf32>
      %masked_sort3A_1623 = arith.constant dense<true> : vector<16xi1>
      %masked_sort3A_1624, %masked_sort3A_1625, %masked_sort3A_1626 = tpu.sort %min3A_1621, %min3A_1621 masked %masked_sort3A_1623 : (vector<16xf32>, vector<16xf32>, vector<16xi1>) -> (vector<16xi1>, vector<16xf32>, vector<16xf32>)
      %masked_sort3A_1627 = arith.constant dense<true> : vector<16xi1>
      %masked_sort3A_1628, %masked_sort3A_1629, %masked_sort3A_1630 = tpu.sort %max3A_1622, %max3A_1622 masked %masked_sort3A_1627 : (vector<16xf32>, vector<16xf32>, vector<16xi1>) -> (vector<16xi1>, vector<16xf32>, vector<16xf32>)
      %rev3A_1631 = arith.constant 15 : i32
      %rev3A_1632 = vector.broadcast %rev3A_1631 : i32 to vector<16xi32>
      %rev3A_1633 = tpu.iota {dimensions = array<i32: 0>} : vector<16xi32>
      %rev3A_1634 = arith.subi %rev3A_1632, %rev3A_1633 : vector<16xi32>
      %rev3A_1635 = tpu.dynamic_gather %masked_sort3A_1307[%rev3A_1634] in [0] : vector<16xf32>, vector<16xi32> -> vector<16xf32>
      %min3A_1636 = arith.minimumf %masked_sort3A_1303, %rev3A_1635 : vector<16xf32>
      %max3A_1637 = arith.maximumf %masked_sort3A_1303, %rev3A_1635 : vector<16xf32>
      %masked_sort3A_1638 = arith.constant dense<true> : vector<16xi1>
      %masked_sort3A_1639, %masked_sort3A_1640, %masked_sort3A_1641 = tpu.sort %min3A_1636, %min3A_1636 masked %masked_sort3A_1638 : (vector<16xf32>, vector<16xf32>, vector<16xi1>) -> (vector<16xi1>, vector<16xf32>, vector<16xf32>)
      %masked_sort3A_1642 = arith.constant dense<true> : vector<16xi1>
      %masked_sort3A_1643, %masked_sort3A_1644, %masked_sort3A_1645 = tpu.sort %max3A_1637, %max3A_1637 masked %masked_sort3A_1642 : (vector<16xf32>, vector<16xf32>, vector<16xi1>) -> (vector<16xi1>, vector<16xf32>, vector<16xf32>)
      %rev3A_1646 = arith.constant 15 : i32
      %rev3A_1647 = vector.broadcast %rev3A_1646 : i32 to vector<16xi32>
      %rev3A_1648 = tpu.iota {dimensions = array<i32: 0>} : vector<16xi32>
      %rev3A_1649 = arith.subi %rev3A_1647, %rev3A_1648 : vector<16xi32>
      %rev3A_1650 = tpu.dynamic_gather %masked_sort3A_1315[%rev3A_1649] in [0] : vector<16xf32>, vector<16xi32> -> vector<16xf32>
      %min3A_1651 = arith.minimumf %masked_sort3A_1311, %rev3A_1650 : vector<16xf32>
      %max3A_1652 = arith.maximumf %masked_sort3A_1311, %rev3A_1650 : vector<16xf32>
      %masked_sort3A_1653 = arith.constant dense<true> : vector<16xi1>
      %masked_sort3A_1654, %masked_sort3A_1655, %masked_sort3A_1656 = tpu.sort %min3A_1651, %min3A_1651 masked %masked_sort3A_1653 : (vector<16xf32>, vector<16xf32>, vector<16xi1>) -> (vector<16xi1>, vector<16xf32>, vector<16xf32>)
      %masked_sort3A_1657 = arith.constant dense<true> : vector<16xi1>
      %masked_sort3A_1658, %masked_sort3A_1659, %masked_sort3A_1660 = tpu.sort %max3A_1652, %max3A_1652 masked %masked_sort3A_1657 : (vector<16xf32>, vector<16xf32>, vector<16xi1>) -> (vector<16xi1>, vector<16xf32>, vector<16xf32>)
      %rev3A_1661 = arith.constant 15 : i32
      %rev3A_1662 = vector.broadcast %rev3A_1661 : i32 to vector<16xi32>
      %rev3A_1663 = tpu.iota {dimensions = array<i32: 0>} : vector<16xi32>
      %rev3A_1664 = arith.subi %rev3A_1662, %rev3A_1663 : vector<16xi32>
      %rev3A_1665 = tpu.dynamic_gather %masked_sort3A_1323[%rev3A_1664] in [0] : vector<16xf32>, vector<16xi32> -> vector<16xf32>
      %min3A_1666 = arith.minimumf %masked_sort3A_1319, %rev3A_1665 : vector<16xf32>
      %max3A_1667 = arith.maximumf %masked_sort3A_1319, %rev3A_1665 : vector<16xf32>
      %masked_sort3A_1668 = arith.constant dense<true> : vector<16xi1>
      %masked_sort3A_1669, %masked_sort3A_1670, %masked_sort3A_1671 = tpu.sort %min3A_1666, %min3A_1666 masked %masked_sort3A_1668 : (vector<16xf32>, vector<16xf32>, vector<16xi1>) -> (vector<16xi1>, vector<16xf32>, vector<16xf32>)
      %masked_sort3A_1672 = arith.constant dense<true> : vector<16xi1>
      %masked_sort3A_1673, %masked_sort3A_1674, %masked_sort3A_1675 = tpu.sort %max3A_1667, %max3A_1667 masked %masked_sort3A_1672 : (vector<16xf32>, vector<16xf32>, vector<16xi1>) -> (vector<16xi1>, vector<16xf32>, vector<16xf32>)
      %rev3A_1676 = arith.constant 15 : i32
      %rev3A_1677 = vector.broadcast %rev3A_1676 : i32 to vector<16xi32>
      %rev3A_1678 = tpu.iota {dimensions = array<i32: 0>} : vector<16xi32>
      %rev3A_1679 = arith.subi %rev3A_1677, %rev3A_1678 : vector<16xi32>
      %rev3A_1680 = tpu.dynamic_gather %masked_sort3A_1331[%rev3A_1679] in [0] : vector<16xf32>, vector<16xi32> -> vector<16xf32>
      %min3A_1681 = arith.minimumf %masked_sort3A_1327, %rev3A_1680 : vector<16xf32>
      %max3A_1682 = arith.maximumf %masked_sort3A_1327, %rev3A_1680 : vector<16xf32>
      %masked_sort3A_1683 = arith.constant dense<true> : vector<16xi1>
      %masked_sort3A_1684, %masked_sort3A_1685, %masked_sort3A_1686 = tpu.sort %min3A_1681, %min3A_1681 masked %masked_sort3A_1683 : (vector<16xf32>, vector<16xf32>, vector<16xi1>) -> (vector<16xi1>, vector<16xf32>, vector<16xf32>)
      %masked_sort3A_1687 = arith.constant dense<true> : vector<16xi1>
      %masked_sort3A_1688, %masked_sort3A_1689, %masked_sort3A_1690 = tpu.sort %max3A_1682, %max3A_1682 masked %masked_sort3A_1687 : (vector<16xf32>, vector<16xf32>, vector<16xi1>) -> (vector<16xi1>, vector<16xf32>, vector<16xf32>)
      %rev3A_1691 = arith.constant 15 : i32
      %rev3A_1692 = vector.broadcast %rev3A_1691 : i32 to vector<16xi32>
      %rev3A_1693 = tpu.iota {dimensions = array<i32: 0>} : vector<16xi32>
      %rev3A_1694 = arith.subi %rev3A_1692, %rev3A_1693 : vector<16xi32>
      %rev3A_1695 = tpu.dynamic_gather %masked_sort3A_1339[%rev3A_1694] in [0] : vector<16xf32>, vector<16xi32> -> vector<16xf32>
      %min3A_1696 = arith.minimumf %masked_sort3A_1335, %rev3A_1695 : vector<16xf32>
      %max3A_1697 = arith.maximumf %masked_sort3A_1335, %rev3A_1695 : vector<16xf32>
      %masked_sort3A_1698 = arith.constant dense<true> : vector<16xi1>
      %masked_sort3A_1699, %masked_sort3A_1700, %masked_sort3A_1701 = tpu.sort %min3A_1696, %min3A_1696 masked %masked_sort3A_1698 : (vector<16xf32>, vector<16xf32>, vector<16xi1>) -> (vector<16xi1>, vector<16xf32>, vector<16xf32>)
      %masked_sort3A_1702 = arith.constant dense<true> : vector<16xi1>
      %masked_sort3A_1703, %masked_sort3A_1704, %masked_sort3A_1705 = tpu.sort %max3A_1697, %max3A_1697 masked %masked_sort3A_1702 : (vector<16xf32>, vector<16xf32>, vector<16xi1>) -> (vector<16xi1>, vector<16xf32>, vector<16xf32>)
      %rev3A_1706 = arith.constant 15 : i32
      %rev3A_1707 = vector.broadcast %rev3A_1706 : i32 to vector<16xi32>
      %rev3A_1708 = tpu.iota {dimensions = array<i32: 0>} : vector<16xi32>
      %rev3A_1709 = arith.subi %rev3A_1707, %rev3A_1708 : vector<16xi32>
      %rev3A_1710 = tpu.dynamic_gather %masked_sort3A_1347[%rev3A_1709] in [0] : vector<16xf32>, vector<16xi32> -> vector<16xf32>
      %min3A_1711 = arith.minimumf %masked_sort3A_1343, %rev3A_1710 : vector<16xf32>
      %max3A_1712 = arith.maximumf %masked_sort3A_1343, %rev3A_1710 : vector<16xf32>
      %masked_sort3A_1713 = arith.constant dense<true> : vector<16xi1>
      %masked_sort3A_1714, %masked_sort3A_1715, %masked_sort3A_1716 = tpu.sort %min3A_1711, %min3A_1711 masked %masked_sort3A_1713 : (vector<16xf32>, vector<16xf32>, vector<16xi1>) -> (vector<16xi1>, vector<16xf32>, vector<16xf32>)
      %masked_sort3A_1717 = arith.constant dense<true> : vector<16xi1>
      %masked_sort3A_1718, %masked_sort3A_1719, %masked_sort3A_1720 = tpu.sort %max3A_1712, %max3A_1712 masked %masked_sort3A_1717 : (vector<16xf32>, vector<16xf32>, vector<16xi1>) -> (vector<16xi1>, vector<16xf32>, vector<16xf32>)
      %rev3A_1721 = arith.constant 15 : i32
      %rev3A_1722 = vector.broadcast %rev3A_1721 : i32 to vector<16xi32>
      %rev3A_1723 = tpu.iota {dimensions = array<i32: 0>} : vector<16xi32>
      %rev3A_1724 = arith.subi %rev3A_1722, %rev3A_1723 : vector<16xi32>
      %rev3A_1725 = tpu.dynamic_gather %masked_sort3A_1355[%rev3A_1724] in [0] : vector<16xf32>, vector<16xi32> -> vector<16xf32>
      %min3A_1726 = arith.minimumf %masked_sort3A_1351, %rev3A_1725 : vector<16xf32>
      %max3A_1727 = arith.maximumf %masked_sort3A_1351, %rev3A_1725 : vector<16xf32>
      %masked_sort3A_1728 = arith.constant dense<true> : vector<16xi1>
      %masked_sort3A_1729, %masked_sort3A_1730, %masked_sort3A_1731 = tpu.sort %min3A_1726, %min3A_1726 masked %masked_sort3A_1728 : (vector<16xf32>, vector<16xf32>, vector<16xi1>) -> (vector<16xi1>, vector<16xf32>, vector<16xf32>)
      %masked_sort3A_1732 = arith.constant dense<true> : vector<16xi1>
      %masked_sort3A_1733, %masked_sort3A_1734, %masked_sort3A_1735 = tpu.sort %max3A_1727, %max3A_1727 masked %masked_sort3A_1732 : (vector<16xf32>, vector<16xf32>, vector<16xi1>) -> (vector<16xi1>, vector<16xf32>, vector<16xf32>)
      %rev3A_1736 = arith.constant 15 : i32
      %rev3A_1737 = vector.broadcast %rev3A_1736 : i32 to vector<16xi32>
      %rev3A_1738 = tpu.iota {dimensions = array<i32: 0>} : vector<16xi32>
      %rev3A_1739 = arith.subi %rev3A_1737, %rev3A_1738 : vector<16xi32>
      %rev3A_1740 = tpu.dynamic_gather %masked_sort3A_1363[%rev3A_1739] in [0] : vector<16xf32>, vector<16xi32> -> vector<16xf32>
      %min3A_1741 = arith.minimumf %masked_sort3A_1359, %rev3A_1740 : vector<16xf32>
      %max3A_1742 = arith.maximumf %masked_sort3A_1359, %rev3A_1740 : vector<16xf32>
      %masked_sort3A_1743 = arith.constant dense<true> : vector<16xi1>
      %masked_sort3A_1744, %masked_sort3A_1745, %masked_sort3A_1746 = tpu.sort %min3A_1741, %min3A_1741 masked %masked_sort3A_1743 : (vector<16xf32>, vector<16xf32>, vector<16xi1>) -> (vector<16xi1>, vector<16xf32>, vector<16xf32>)
      %masked_sort3A_1747 = arith.constant dense<true> : vector<16xi1>
      %masked_sort3A_1748, %masked_sort3A_1749, %masked_sort3A_1750 = tpu.sort %max3A_1742, %max3A_1742 masked %masked_sort3A_1747 : (vector<16xf32>, vector<16xf32>, vector<16xi1>) -> (vector<16xi1>, vector<16xf32>, vector<16xf32>)
      %rev3A_1751 = arith.constant 15 : i32
      %rev3A_1752 = vector.broadcast %rev3A_1751 : i32 to vector<16xi32>
      %rev3A_1753 = tpu.iota {dimensions = array<i32: 0>} : vector<16xi32>
      %rev3A_1754 = arith.subi %rev3A_1752, %rev3A_1753 : vector<16xi32>
      %rev3A_1755 = tpu.dynamic_gather %masked_sort3A_1371[%rev3A_1754] in [0] : vector<16xf32>, vector<16xi32> -> vector<16xf32>
      %min3A_1756 = arith.minimumf %masked_sort3A_1367, %rev3A_1755 : vector<16xf32>
      %max3A_1757 = arith.maximumf %masked_sort3A_1367, %rev3A_1755 : vector<16xf32>
      %masked_sort3A_1758 = arith.constant dense<true> : vector<16xi1>
      %masked_sort3A_1759, %masked_sort3A_1760, %masked_sort3A_1761 = tpu.sort %min3A_1756, %min3A_1756 masked %masked_sort3A_1758 : (vector<16xf32>, vector<16xf32>, vector<16xi1>) -> (vector<16xi1>, vector<16xf32>, vector<16xf32>)
      %masked_sort3A_1762 = arith.constant dense<true> : vector<16xi1>
      %masked_sort3A_1763, %masked_sort3A_1764, %masked_sort3A_1765 = tpu.sort %max3A_1757, %max3A_1757 masked %masked_sort3A_1762 : (vector<16xf32>, vector<16xf32>, vector<16xi1>) -> (vector<16xi1>, vector<16xf32>, vector<16xf32>)
      %rev3A_1766 = arith.constant 15 : i32
      %rev3A_1767 = vector.broadcast %rev3A_1766 : i32 to vector<16xi32>
      %rev3A_1768 = tpu.iota {dimensions = array<i32: 0>} : vector<16xi32>
      %rev3A_1769 = arith.subi %rev3A_1767, %rev3A_1768 : vector<16xi32>
      %rev3A_1770 = tpu.dynamic_gather %masked_sort3A_1379[%rev3A_1769] in [0] : vector<16xf32>, vector<16xi32> -> vector<16xf32>
      %min3A_1771 = arith.minimumf %masked_sort3A_1375, %rev3A_1770 : vector<16xf32>
      %max3A_1772 = arith.maximumf %masked_sort3A_1375, %rev3A_1770 : vector<16xf32>
      %masked_sort3A_1773 = arith.constant dense<true> : vector<16xi1>
      %masked_sort3A_1774, %masked_sort3A_1775, %masked_sort3A_1776 = tpu.sort %min3A_1771, %min3A_1771 masked %masked_sort3A_1773 : (vector<16xf32>, vector<16xf32>, vector<16xi1>) -> (vector<16xi1>, vector<16xf32>, vector<16xf32>)
      %masked_sort3A_1777 = arith.constant dense<true> : vector<16xi1>
      %masked_sort3A_1778, %masked_sort3A_1779, %masked_sort3A_1780 = tpu.sort %max3A_1772, %max3A_1772 masked %masked_sort3A_1777 : (vector<16xf32>, vector<16xf32>, vector<16xi1>) -> (vector<16xi1>, vector<16xf32>, vector<16xf32>)
      %rev3A_1781 = arith.constant 15 : i32
      %rev3A_1782 = vector.broadcast %rev3A_1781 : i32 to vector<16xi32>
      %rev3A_1783 = tpu.iota {dimensions = array<i32: 0>} : vector<16xi32>
      %rev3A_1784 = arith.subi %rev3A_1782, %rev3A_1783 : vector<16xi32>
      %rev3A_1785 = tpu.dynamic_gather %masked_sort3A_1387[%rev3A_1784] in [0] : vector<16xf32>, vector<16xi32> -> vector<16xf32>
      %min3A_1786 = arith.minimumf %masked_sort3A_1383, %rev3A_1785 : vector<16xf32>
      %max3A_1787 = arith.maximumf %masked_sort3A_1383, %rev3A_1785 : vector<16xf32>
      %masked_sort3A_1788 = arith.constant dense<true> : vector<16xi1>
      %masked_sort3A_1789, %masked_sort3A_1790, %masked_sort3A_1791 = tpu.sort %min3A_1786, %min3A_1786 masked %masked_sort3A_1788 : (vector<16xf32>, vector<16xf32>, vector<16xi1>) -> (vector<16xi1>, vector<16xf32>, vector<16xf32>)
      %masked_sort3A_1792 = arith.constant dense<true> : vector<16xi1>
      %masked_sort3A_1793, %masked_sort3A_1794, %masked_sort3A_1795 = tpu.sort %max3A_1787, %max3A_1787 masked %masked_sort3A_1792 : (vector<16xf32>, vector<16xf32>, vector<16xi1>) -> (vector<16xi1>, vector<16xf32>, vector<16xf32>)
      %rev3A_1796 = arith.constant 15 : i32
      %rev3A_1797 = vector.broadcast %rev3A_1796 : i32 to vector<16xi32>
      %rev3A_1798 = tpu.iota {dimensions = array<i32: 0>} : vector<16xi32>
      %rev3A_1799 = arith.subi %rev3A_1797, %rev3A_1798 : vector<16xi32>
      %rev3A_1800 = tpu.dynamic_gather %masked_sort3A_1395[%rev3A_1799] in [0] : vector<16xf32>, vector<16xi32> -> vector<16xf32>
      %min3A_1801 = arith.minimumf %masked_sort3A_1391, %rev3A_1800 : vector<16xf32>
      %max3A_1802 = arith.maximumf %masked_sort3A_1391, %rev3A_1800 : vector<16xf32>
      %masked_sort3A_1803 = arith.constant dense<true> : vector<16xi1>
      %masked_sort3A_1804, %masked_sort3A_1805, %masked_sort3A_1806 = tpu.sort %min3A_1801, %min3A_1801 masked %masked_sort3A_1803 : (vector<16xf32>, vector<16xf32>, vector<16xi1>) -> (vector<16xi1>, vector<16xf32>, vector<16xf32>)
      %masked_sort3A_1807 = arith.constant dense<true> : vector<16xi1>
      %masked_sort3A_1808, %masked_sort3A_1809, %masked_sort3A_1810 = tpu.sort %max3A_1802, %max3A_1802 masked %masked_sort3A_1807 : (vector<16xf32>, vector<16xf32>, vector<16xi1>) -> (vector<16xi1>, vector<16xf32>, vector<16xf32>)
      %rev3A_1811 = arith.constant 15 : i32
      %rev3A_1812 = vector.broadcast %rev3A_1811 : i32 to vector<16xi32>
      %rev3A_1813 = tpu.iota {dimensions = array<i32: 0>} : vector<16xi32>
      %rev3A_1814 = arith.subi %rev3A_1812, %rev3A_1813 : vector<16xi32>
      %rev3A_1815 = tpu.dynamic_gather %masked_sort3A_1403[%rev3A_1814] in [0] : vector<16xf32>, vector<16xi32> -> vector<16xf32>
      %min3A_1816 = arith.minimumf %masked_sort3A_1399, %rev3A_1815 : vector<16xf32>
      %max3A_1817 = arith.maximumf %masked_sort3A_1399, %rev3A_1815 : vector<16xf32>
      %masked_sort3A_1818 = arith.constant dense<true> : vector<16xi1>
      %masked_sort3A_1819, %masked_sort3A_1820, %masked_sort3A_1821 = tpu.sort %min3A_1816, %min3A_1816 masked %masked_sort3A_1818 : (vector<16xf32>, vector<16xf32>, vector<16xi1>) -> (vector<16xi1>, vector<16xf32>, vector<16xf32>)
      %masked_sort3A_1822 = arith.constant dense<true> : vector<16xi1>
      %masked_sort3A_1823, %masked_sort3A_1824, %masked_sort3A_1825 = tpu.sort %max3A_1817, %max3A_1817 masked %masked_sort3A_1822 : (vector<16xf32>, vector<16xf32>, vector<16xi1>) -> (vector<16xi1>, vector<16xf32>, vector<16xf32>)
      %rev3A_1826 = arith.constant 15 : i32
      %rev3A_1827 = vector.broadcast %rev3A_1826 : i32 to vector<16xi32>
      %rev3A_1828 = tpu.iota {dimensions = array<i32: 0>} : vector<16xi32>
      %rev3A_1829 = arith.subi %rev3A_1827, %rev3A_1828 : vector<16xi32>
      %rev3A_1830 = tpu.dynamic_gather %masked_sort3A_1411[%rev3A_1829] in [0] : vector<16xf32>, vector<16xi32> -> vector<16xf32>
      %min3A_1831 = arith.minimumf %masked_sort3A_1407, %rev3A_1830 : vector<16xf32>
      %max3A_1832 = arith.maximumf %masked_sort3A_1407, %rev3A_1830 : vector<16xf32>
      %masked_sort3A_1833 = arith.constant dense<true> : vector<16xi1>
      %masked_sort3A_1834, %masked_sort3A_1835, %masked_sort3A_1836 = tpu.sort %min3A_1831, %min3A_1831 masked %masked_sort3A_1833 : (vector<16xf32>, vector<16xf32>, vector<16xi1>) -> (vector<16xi1>, vector<16xf32>, vector<16xf32>)
      %masked_sort3A_1837 = arith.constant dense<true> : vector<16xi1>
      %masked_sort3A_1838, %masked_sort3A_1839, %masked_sort3A_1840 = tpu.sort %max3A_1832, %max3A_1832 masked %masked_sort3A_1837 : (vector<16xf32>, vector<16xf32>, vector<16xi1>) -> (vector<16xi1>, vector<16xf32>, vector<16xf32>)
      %rev3A_1841 = arith.constant 15 : i32
      %rev3A_1842 = vector.broadcast %rev3A_1841 : i32 to vector<16xi32>
      %rev3A_1843 = tpu.iota {dimensions = array<i32: 0>} : vector<16xi32>
      %rev3A_1844 = arith.subi %rev3A_1842, %rev3A_1843 : vector<16xi32>
      %rev3A_1845 = tpu.dynamic_gather %masked_sort3A_1419[%rev3A_1844] in [0] : vector<16xf32>, vector<16xi32> -> vector<16xf32>
      %min3A_1846 = arith.minimumf %masked_sort3A_1415, %rev3A_1845 : vector<16xf32>
      %max3A_1847 = arith.maximumf %masked_sort3A_1415, %rev3A_1845 : vector<16xf32>
      %masked_sort3A_1848 = arith.constant dense<true> : vector<16xi1>
      %masked_sort3A_1849, %masked_sort3A_1850, %masked_sort3A_1851 = tpu.sort %min3A_1846, %min3A_1846 masked %masked_sort3A_1848 : (vector<16xf32>, vector<16xf32>, vector<16xi1>) -> (vector<16xi1>, vector<16xf32>, vector<16xf32>)
      %masked_sort3A_1852 = arith.constant dense<true> : vector<16xi1>
      %masked_sort3A_1853, %masked_sort3A_1854, %masked_sort3A_1855 = tpu.sort %max3A_1847, %max3A_1847 masked %masked_sort3A_1852 : (vector<16xf32>, vector<16xf32>, vector<16xi1>) -> (vector<16xi1>, vector<16xf32>, vector<16xf32>)
      %rev3A_1856 = arith.constant 15 : i32
      %rev3A_1857 = vector.broadcast %rev3A_1856 : i32 to vector<16xi32>
      %rev3A_1858 = tpu.iota {dimensions = array<i32: 0>} : vector<16xi32>
      %rev3A_1859 = arith.subi %rev3A_1857, %rev3A_1858 : vector<16xi32>
      %rev3A_1860 = tpu.dynamic_gather %masked_sort3A_1427[%rev3A_1859] in [0] : vector<16xf32>, vector<16xi32> -> vector<16xf32>
      %min3A_1861 = arith.minimumf %masked_sort3A_1423, %rev3A_1860 : vector<16xf32>
      %max3A_1862 = arith.maximumf %masked_sort3A_1423, %rev3A_1860 : vector<16xf32>
      %masked_sort3A_1863 = arith.constant dense<true> : vector<16xi1>
      %masked_sort3A_1864, %masked_sort3A_1865, %masked_sort3A_1866 = tpu.sort %min3A_1861, %min3A_1861 masked %masked_sort3A_1863 : (vector<16xf32>, vector<16xf32>, vector<16xi1>) -> (vector<16xi1>, vector<16xf32>, vector<16xf32>)
      %masked_sort3A_1867 = arith.constant dense<true> : vector<16xi1>
      %masked_sort3A_1868, %masked_sort3A_1869, %masked_sort3A_1870 = tpu.sort %max3A_1862, %max3A_1862 masked %masked_sort3A_1867 : (vector<16xf32>, vector<16xf32>, vector<16xi1>) -> (vector<16xi1>, vector<16xf32>, vector<16xf32>)
      %rev3A_1871 = arith.constant 15 : i32
      %rev3A_1872 = vector.broadcast %rev3A_1871 : i32 to vector<16xi32>
      %rev3A_1873 = tpu.iota {dimensions = array<i32: 0>} : vector<16xi32>
      %rev3A_1874 = arith.subi %rev3A_1872, %rev3A_1873 : vector<16xi32>
      %rev3A_1875 = tpu.dynamic_gather %masked_sort3A_1435[%rev3A_1874] in [0] : vector<16xf32>, vector<16xi32> -> vector<16xf32>
      %min3A_1876 = arith.minimumf %masked_sort3A_1431, %rev3A_1875 : vector<16xf32>
      %max3A_1877 = arith.maximumf %masked_sort3A_1431, %rev3A_1875 : vector<16xf32>
      %masked_sort3A_1878 = arith.constant dense<true> : vector<16xi1>
      %masked_sort3A_1879, %masked_sort3A_1880, %masked_sort3A_1881 = tpu.sort %min3A_1876, %min3A_1876 masked %masked_sort3A_1878 : (vector<16xf32>, vector<16xf32>, vector<16xi1>) -> (vector<16xi1>, vector<16xf32>, vector<16xf32>)
      %masked_sort3A_1882 = arith.constant dense<true> : vector<16xi1>
      %masked_sort3A_1883, %masked_sort3A_1884, %masked_sort3A_1885 = tpu.sort %max3A_1877, %max3A_1877 masked %masked_sort3A_1882 : (vector<16xf32>, vector<16xf32>, vector<16xi1>) -> (vector<16xi1>, vector<16xf32>, vector<16xf32>)
      %rev3A_1886 = arith.constant 15 : i32
      %rev3A_1887 = vector.broadcast %rev3A_1886 : i32 to vector<16xi32>
      %rev3A_1888 = tpu.iota {dimensions = array<i32: 0>} : vector<16xi32>
      %rev3A_1889 = arith.subi %rev3A_1887, %rev3A_1888 : vector<16xi32>
      %rev3A_1890 = tpu.dynamic_gather %masked_sort3A_1443[%rev3A_1889] in [0] : vector<16xf32>, vector<16xi32> -> vector<16xf32>
      %min3A_1891 = arith.minimumf %masked_sort3A_1439, %rev3A_1890 : vector<16xf32>
      %max3A_1892 = arith.maximumf %masked_sort3A_1439, %rev3A_1890 : vector<16xf32>
      %masked_sort3A_1893 = arith.constant dense<true> : vector<16xi1>
      %masked_sort3A_1894, %masked_sort3A_1895, %masked_sort3A_1896 = tpu.sort %min3A_1891, %min3A_1891 masked %masked_sort3A_1893 : (vector<16xf32>, vector<16xf32>, vector<16xi1>) -> (vector<16xi1>, vector<16xf32>, vector<16xf32>)
      %masked_sort3A_1897 = arith.constant dense<true> : vector<16xi1>
      %masked_sort3A_1898, %masked_sort3A_1899, %masked_sort3A_1900 = tpu.sort %max3A_1892, %max3A_1892 masked %masked_sort3A_1897 : (vector<16xf32>, vector<16xf32>, vector<16xi1>) -> (vector<16xi1>, vector<16xf32>, vector<16xf32>)
      %rev3A_1901 = arith.constant 15 : i32
      %rev3A_1902 = vector.broadcast %rev3A_1901 : i32 to vector<16xi32>
      %rev3A_1903 = tpu.iota {dimensions = array<i32: 0>} : vector<16xi32>
      %rev3A_1904 = arith.subi %rev3A_1902, %rev3A_1903 : vector<16xi32>
      %rev3A_1905 = tpu.dynamic_gather %masked_sort3A_1451[%rev3A_1904] in [0] : vector<16xf32>, vector<16xi32> -> vector<16xf32>
      %min3A_1906 = arith.minimumf %masked_sort3A_1447, %rev3A_1905 : vector<16xf32>
      %max3A_1907 = arith.maximumf %masked_sort3A_1447, %rev3A_1905 : vector<16xf32>
      %masked_sort3A_1908 = arith.constant dense<true> : vector<16xi1>
      %masked_sort3A_1909, %masked_sort3A_1910, %masked_sort3A_1911 = tpu.sort %min3A_1906, %min3A_1906 masked %masked_sort3A_1908 : (vector<16xf32>, vector<16xf32>, vector<16xi1>) -> (vector<16xi1>, vector<16xf32>, vector<16xf32>)
      %masked_sort3A_1912 = arith.constant dense<true> : vector<16xi1>
      %masked_sort3A_1913, %masked_sort3A_1914, %masked_sort3A_1915 = tpu.sort %max3A_1907, %max3A_1907 masked %masked_sort3A_1912 : (vector<16xf32>, vector<16xf32>, vector<16xi1>) -> (vector<16xi1>, vector<16xf32>, vector<16xf32>)
      %rev3A_1916 = arith.constant 15 : i32
      %rev3A_1917 = vector.broadcast %rev3A_1916 : i32 to vector<16xi32>
      %rev3A_1918 = tpu.iota {dimensions = array<i32: 0>} : vector<16xi32>
      %rev3A_1919 = arith.subi %rev3A_1917, %rev3A_1918 : vector<16xi32>
      %rev3A_1920 = tpu.dynamic_gather %masked_sort3A_1459[%rev3A_1919] in [0] : vector<16xf32>, vector<16xi32> -> vector<16xf32>
      %min3A_1921 = arith.minimumf %masked_sort3A_1455, %rev3A_1920 : vector<16xf32>
      %max3A_1922 = arith.maximumf %masked_sort3A_1455, %rev3A_1920 : vector<16xf32>
      %masked_sort3A_1923 = arith.constant dense<true> : vector<16xi1>
      %masked_sort3A_1924, %masked_sort3A_1925, %masked_sort3A_1926 = tpu.sort %min3A_1921, %min3A_1921 masked %masked_sort3A_1923 : (vector<16xf32>, vector<16xf32>, vector<16xi1>) -> (vector<16xi1>, vector<16xf32>, vector<16xf32>)
      %masked_sort3A_1927 = arith.constant dense<true> : vector<16xi1>
      %masked_sort3A_1928, %masked_sort3A_1929, %masked_sort3A_1930 = tpu.sort %max3A_1922, %max3A_1922 masked %masked_sort3A_1927 : (vector<16xf32>, vector<16xf32>, vector<16xi1>) -> (vector<16xi1>, vector<16xf32>, vector<16xf32>)
      %rev3A_1931 = arith.constant 15 : i32
      %rev3A_1932 = vector.broadcast %rev3A_1931 : i32 to vector<16xi32>
      %rev3A_1933 = tpu.iota {dimensions = array<i32: 0>} : vector<16xi32>
      %rev3A_1934 = arith.subi %rev3A_1932, %rev3A_1933 : vector<16xi32>
      %rev3A_1935 = tpu.dynamic_gather %masked_sort3A_1467[%rev3A_1934] in [0] : vector<16xf32>, vector<16xi32> -> vector<16xf32>
      %min3A_1936 = arith.minimumf %masked_sort3A_1463, %rev3A_1935 : vector<16xf32>
      %max3A_1937 = arith.maximumf %masked_sort3A_1463, %rev3A_1935 : vector<16xf32>
      %masked_sort3A_1938 = arith.constant dense<true> : vector<16xi1>
      %masked_sort3A_1939, %masked_sort3A_1940, %masked_sort3A_1941 = tpu.sort %min3A_1936, %min3A_1936 masked %masked_sort3A_1938 : (vector<16xf32>, vector<16xf32>, vector<16xi1>) -> (vector<16xi1>, vector<16xf32>, vector<16xf32>)
      %masked_sort3A_1942 = arith.constant dense<true> : vector<16xi1>
      %masked_sort3A_1943, %masked_sort3A_1944, %masked_sort3A_1945 = tpu.sort %max3A_1937, %max3A_1937 masked %masked_sort3A_1942 : (vector<16xf32>, vector<16xf32>, vector<16xi1>) -> (vector<16xi1>, vector<16xf32>, vector<16xf32>)
      %rev3A_1946 = arith.constant 15 : i32
      %rev3A_1947 = vector.broadcast %rev3A_1946 : i32 to vector<16xi32>
      %rev3A_1948 = tpu.iota {dimensions = array<i32: 0>} : vector<16xi32>
      %rev3A_1949 = arith.subi %rev3A_1947, %rev3A_1948 : vector<16xi32>
      %rev3A_1950 = tpu.dynamic_gather %masked_sort3A_1494[%rev3A_1949] in [0] : vector<16xf32>, vector<16xi32> -> vector<16xf32>
      %max3A_1951 = arith.maximumf %masked_sort3A_1475, %rev3A_1950 : vector<16xf32>
      %rev3A_1952 = arith.constant 15 : i32
      %rev3A_1953 = vector.broadcast %rev3A_1952 : i32 to vector<16xi32>
      %rev3A_1954 = tpu.iota {dimensions = array<i32: 0>} : vector<16xi32>
      %rev3A_1955 = arith.subi %rev3A_1953, %rev3A_1954 : vector<16xi32>
      %rev3A_1956 = tpu.dynamic_gather %masked_sort3A_1490[%rev3A_1955] in [0] : vector<16xf32>, vector<16xi32> -> vector<16xf32>
      %max3A_1957 = arith.maximumf %masked_sort3A_1479, %rev3A_1956 : vector<16xf32>
      %min3A_1958 = arith.minimumf %max3A_1951, %max3A_1957 : vector<16xf32>
      %max3A_1959 = arith.maximumf %max3A_1951, %max3A_1957 : vector<16xf32>
      %masked_sort3A_1960 = arith.constant dense<true> : vector<16xi1>
      %masked_sort3A_1961, %masked_sort3A_1962, %masked_sort3A_1963 = tpu.sort %min3A_1958, %min3A_1958 masked %masked_sort3A_1960 : (vector<16xf32>, vector<16xf32>, vector<16xi1>) -> (vector<16xi1>, vector<16xf32>, vector<16xf32>)
      %masked_sort3A_1964 = arith.constant dense<true> : vector<16xi1>
      %masked_sort3A_1965, %masked_sort3A_1966, %masked_sort3A_1967 = tpu.sort %max3A_1959, %max3A_1959 masked %masked_sort3A_1964 : (vector<16xf32>, vector<16xf32>, vector<16xi1>) -> (vector<16xi1>, vector<16xf32>, vector<16xf32>)
      %rev3A_1968 = arith.constant 15 : i32
      %rev3A_1969 = vector.broadcast %rev3A_1968 : i32 to vector<16xi32>
      %rev3A_1970 = tpu.iota {dimensions = array<i32: 0>} : vector<16xi32>
      %rev3A_1971 = arith.subi %rev3A_1969, %rev3A_1970 : vector<16xi32>
      %rev3A_1972 = tpu.dynamic_gather %masked_sort3A_1524[%rev3A_1971] in [0] : vector<16xf32>, vector<16xi32> -> vector<16xf32>
      %max3A_1973 = arith.maximumf %masked_sort3A_1505, %rev3A_1972 : vector<16xf32>
      %rev3A_1974 = arith.constant 15 : i32
      %rev3A_1975 = vector.broadcast %rev3A_1974 : i32 to vector<16xi32>
      %rev3A_1976 = tpu.iota {dimensions = array<i32: 0>} : vector<16xi32>
      %rev3A_1977 = arith.subi %rev3A_1975, %rev3A_1976 : vector<16xi32>
      %rev3A_1978 = tpu.dynamic_gather %masked_sort3A_1520[%rev3A_1977] in [0] : vector<16xf32>, vector<16xi32> -> vector<16xf32>
      %max3A_1979 = arith.maximumf %masked_sort3A_1509, %rev3A_1978 : vector<16xf32>
      %min3A_1980 = arith.minimumf %max3A_1973, %max3A_1979 : vector<16xf32>
      %max3A_1981 = arith.maximumf %max3A_1973, %max3A_1979 : vector<16xf32>
      %masked_sort3A_1982 = arith.constant dense<true> : vector<16xi1>
      %masked_sort3A_1983, %masked_sort3A_1984, %masked_sort3A_1985 = tpu.sort %min3A_1980, %min3A_1980 masked %masked_sort3A_1982 : (vector<16xf32>, vector<16xf32>, vector<16xi1>) -> (vector<16xi1>, vector<16xf32>, vector<16xf32>)
      %masked_sort3A_1986 = arith.constant dense<true> : vector<16xi1>
      %masked_sort3A_1987, %masked_sort3A_1988, %masked_sort3A_1989 = tpu.sort %max3A_1981, %max3A_1981 masked %masked_sort3A_1986 : (vector<16xf32>, vector<16xf32>, vector<16xi1>) -> (vector<16xi1>, vector<16xf32>, vector<16xf32>)
      %rev3A_1990 = arith.constant 15 : i32
      %rev3A_1991 = vector.broadcast %rev3A_1990 : i32 to vector<16xi32>
      %rev3A_1992 = tpu.iota {dimensions = array<i32: 0>} : vector<16xi32>
      %rev3A_1993 = arith.subi %rev3A_1991, %rev3A_1992 : vector<16xi32>
      %rev3A_1994 = tpu.dynamic_gather %masked_sort3A_1554[%rev3A_1993] in [0] : vector<16xf32>, vector<16xi32> -> vector<16xf32>
      %max3A_1995 = arith.maximumf %masked_sort3A_1535, %rev3A_1994 : vector<16xf32>
      %rev3A_1996 = arith.constant 15 : i32
      %rev3A_1997 = vector.broadcast %rev3A_1996 : i32 to vector<16xi32>
      %rev3A_1998 = tpu.iota {dimensions = array<i32: 0>} : vector<16xi32>
      %rev3A_1999 = arith.subi %rev3A_1997, %rev3A_1998 : vector<16xi32>
      %rev3A_2000 = tpu.dynamic_gather %masked_sort3A_1550[%rev3A_1999] in [0] : vector<16xf32>, vector<16xi32> -> vector<16xf32>
      %max3A_2001 = arith.maximumf %masked_sort3A_1539, %rev3A_2000 : vector<16xf32>
      %min3A_2002 = arith.minimumf %max3A_1995, %max3A_2001 : vector<16xf32>
      %max3A_2003 = arith.maximumf %max3A_1995, %max3A_2001 : vector<16xf32>
      %masked_sort3A_2004 = arith.constant dense<true> : vector<16xi1>
      %masked_sort3A_2005, %masked_sort3A_2006, %masked_sort3A_2007 = tpu.sort %min3A_2002, %min3A_2002 masked %masked_sort3A_2004 : (vector<16xf32>, vector<16xf32>, vector<16xi1>) -> (vector<16xi1>, vector<16xf32>, vector<16xf32>)
      %masked_sort3A_2008 = arith.constant dense<true> : vector<16xi1>
      %masked_sort3A_2009, %masked_sort3A_2010, %masked_sort3A_2011 = tpu.sort %max3A_2003, %max3A_2003 masked %masked_sort3A_2008 : (vector<16xf32>, vector<16xf32>, vector<16xi1>) -> (vector<16xi1>, vector<16xf32>, vector<16xf32>)
      %rev3A_2012 = arith.constant 15 : i32
      %rev3A_2013 = vector.broadcast %rev3A_2012 : i32 to vector<16xi32>
      %rev3A_2014 = tpu.iota {dimensions = array<i32: 0>} : vector<16xi32>
      %rev3A_2015 = arith.subi %rev3A_2013, %rev3A_2014 : vector<16xi32>
      %rev3A_2016 = tpu.dynamic_gather %masked_sort3A_1584[%rev3A_2015] in [0] : vector<16xf32>, vector<16xi32> -> vector<16xf32>
      %max3A_2017 = arith.maximumf %masked_sort3A_1565, %rev3A_2016 : vector<16xf32>
      %rev3A_2018 = arith.constant 15 : i32
      %rev3A_2019 = vector.broadcast %rev3A_2018 : i32 to vector<16xi32>
      %rev3A_2020 = tpu.iota {dimensions = array<i32: 0>} : vector<16xi32>
      %rev3A_2021 = arith.subi %rev3A_2019, %rev3A_2020 : vector<16xi32>
      %rev3A_2022 = tpu.dynamic_gather %masked_sort3A_1580[%rev3A_2021] in [0] : vector<16xf32>, vector<16xi32> -> vector<16xf32>
      %max3A_2023 = arith.maximumf %masked_sort3A_1569, %rev3A_2022 : vector<16xf32>
      %min3A_2024 = arith.minimumf %max3A_2017, %max3A_2023 : vector<16xf32>
      %max3A_2025 = arith.maximumf %max3A_2017, %max3A_2023 : vector<16xf32>
      %masked_sort3A_2026 = arith.constant dense<true> : vector<16xi1>
      %masked_sort3A_2027, %masked_sort3A_2028, %masked_sort3A_2029 = tpu.sort %min3A_2024, %min3A_2024 masked %masked_sort3A_2026 : (vector<16xf32>, vector<16xf32>, vector<16xi1>) -> (vector<16xi1>, vector<16xf32>, vector<16xf32>)
      %masked_sort3A_2030 = arith.constant dense<true> : vector<16xi1>
      %masked_sort3A_2031, %masked_sort3A_2032, %masked_sort3A_2033 = tpu.sort %max3A_2025, %max3A_2025 masked %masked_sort3A_2030 : (vector<16xf32>, vector<16xf32>, vector<16xi1>) -> (vector<16xi1>, vector<16xf32>, vector<16xf32>)
      %rev3A_2034 = arith.constant 15 : i32
      %rev3A_2035 = vector.broadcast %rev3A_2034 : i32 to vector<16xi32>
      %rev3A_2036 = tpu.iota {dimensions = array<i32: 0>} : vector<16xi32>
      %rev3A_2037 = arith.subi %rev3A_2035, %rev3A_2036 : vector<16xi32>
      %rev3A_2038 = tpu.dynamic_gather %masked_sort3A_1614[%rev3A_2037] in [0] : vector<16xf32>, vector<16xi32> -> vector<16xf32>
      %max3A_2039 = arith.maximumf %masked_sort3A_1595, %rev3A_2038 : vector<16xf32>
      %rev3A_2040 = arith.constant 15 : i32
      %rev3A_2041 = vector.broadcast %rev3A_2040 : i32 to vector<16xi32>
      %rev3A_2042 = tpu.iota {dimensions = array<i32: 0>} : vector<16xi32>
      %rev3A_2043 = arith.subi %rev3A_2041, %rev3A_2042 : vector<16xi32>
      %rev3A_2044 = tpu.dynamic_gather %masked_sort3A_1610[%rev3A_2043] in [0] : vector<16xf32>, vector<16xi32> -> vector<16xf32>
      %max3A_2045 = arith.maximumf %masked_sort3A_1599, %rev3A_2044 : vector<16xf32>
      %min3A_2046 = arith.minimumf %max3A_2039, %max3A_2045 : vector<16xf32>
      %max3A_2047 = arith.maximumf %max3A_2039, %max3A_2045 : vector<16xf32>
      %masked_sort3A_2048 = arith.constant dense<true> : vector<16xi1>
      %masked_sort3A_2049, %masked_sort3A_2050, %masked_sort3A_2051 = tpu.sort %min3A_2046, %min3A_2046 masked %masked_sort3A_2048 : (vector<16xf32>, vector<16xf32>, vector<16xi1>) -> (vector<16xi1>, vector<16xf32>, vector<16xf32>)
      %masked_sort3A_2052 = arith.constant dense<true> : vector<16xi1>
      %masked_sort3A_2053, %masked_sort3A_2054, %masked_sort3A_2055 = tpu.sort %max3A_2047, %max3A_2047 masked %masked_sort3A_2052 : (vector<16xf32>, vector<16xf32>, vector<16xi1>) -> (vector<16xi1>, vector<16xf32>, vector<16xf32>)
      %rev3A_2056 = arith.constant 15 : i32
      %rev3A_2057 = vector.broadcast %rev3A_2056 : i32 to vector<16xi32>
      %rev3A_2058 = tpu.iota {dimensions = array<i32: 0>} : vector<16xi32>
      %rev3A_2059 = arith.subi %rev3A_2057, %rev3A_2058 : vector<16xi32>
      %rev3A_2060 = tpu.dynamic_gather %masked_sort3A_1644[%rev3A_2059] in [0] : vector<16xf32>, vector<16xi32> -> vector<16xf32>
      %max3A_2061 = arith.maximumf %masked_sort3A_1625, %rev3A_2060 : vector<16xf32>
      %rev3A_2062 = arith.constant 15 : i32
      %rev3A_2063 = vector.broadcast %rev3A_2062 : i32 to vector<16xi32>
      %rev3A_2064 = tpu.iota {dimensions = array<i32: 0>} : vector<16xi32>
      %rev3A_2065 = arith.subi %rev3A_2063, %rev3A_2064 : vector<16xi32>
      %rev3A_2066 = tpu.dynamic_gather %masked_sort3A_1640[%rev3A_2065] in [0] : vector<16xf32>, vector<16xi32> -> vector<16xf32>
      %max3A_2067 = arith.maximumf %masked_sort3A_1629, %rev3A_2066 : vector<16xf32>
      %min3A_2068 = arith.minimumf %max3A_2061, %max3A_2067 : vector<16xf32>
      %max3A_2069 = arith.maximumf %max3A_2061, %max3A_2067 : vector<16xf32>
      %masked_sort3A_2070 = arith.constant dense<true> : vector<16xi1>
      %masked_sort3A_2071, %masked_sort3A_2072, %masked_sort3A_2073 = tpu.sort %min3A_2068, %min3A_2068 masked %masked_sort3A_2070 : (vector<16xf32>, vector<16xf32>, vector<16xi1>) -> (vector<16xi1>, vector<16xf32>, vector<16xf32>)
      %masked_sort3A_2074 = arith.constant dense<true> : vector<16xi1>
      %masked_sort3A_2075, %masked_sort3A_2076, %masked_sort3A_2077 = tpu.sort %max3A_2069, %max3A_2069 masked %masked_sort3A_2074 : (vector<16xf32>, vector<16xf32>, vector<16xi1>) -> (vector<16xi1>, vector<16xf32>, vector<16xf32>)
      %rev3A_2078 = arith.constant 15 : i32
      %rev3A_2079 = vector.broadcast %rev3A_2078 : i32 to vector<16xi32>
      %rev3A_2080 = tpu.iota {dimensions = array<i32: 0>} : vector<16xi32>
      %rev3A_2081 = arith.subi %rev3A_2079, %rev3A_2080 : vector<16xi32>
      %rev3A_2082 = tpu.dynamic_gather %masked_sort3A_1674[%rev3A_2081] in [0] : vector<16xf32>, vector<16xi32> -> vector<16xf32>
      %max3A_2083 = arith.maximumf %masked_sort3A_1655, %rev3A_2082 : vector<16xf32>
      %rev3A_2084 = arith.constant 15 : i32
      %rev3A_2085 = vector.broadcast %rev3A_2084 : i32 to vector<16xi32>
      %rev3A_2086 = tpu.iota {dimensions = array<i32: 0>} : vector<16xi32>
      %rev3A_2087 = arith.subi %rev3A_2085, %rev3A_2086 : vector<16xi32>
      %rev3A_2088 = tpu.dynamic_gather %masked_sort3A_1670[%rev3A_2087] in [0] : vector<16xf32>, vector<16xi32> -> vector<16xf32>
      %max3A_2089 = arith.maximumf %masked_sort3A_1659, %rev3A_2088 : vector<16xf32>
      %min3A_2090 = arith.minimumf %max3A_2083, %max3A_2089 : vector<16xf32>
      %max3A_2091 = arith.maximumf %max3A_2083, %max3A_2089 : vector<16xf32>
      %masked_sort3A_2092 = arith.constant dense<true> : vector<16xi1>
      %masked_sort3A_2093, %masked_sort3A_2094, %masked_sort3A_2095 = tpu.sort %min3A_2090, %min3A_2090 masked %masked_sort3A_2092 : (vector<16xf32>, vector<16xf32>, vector<16xi1>) -> (vector<16xi1>, vector<16xf32>, vector<16xf32>)
      %masked_sort3A_2096 = arith.constant dense<true> : vector<16xi1>
      %masked_sort3A_2097, %masked_sort3A_2098, %masked_sort3A_2099 = tpu.sort %max3A_2091, %max3A_2091 masked %masked_sort3A_2096 : (vector<16xf32>, vector<16xf32>, vector<16xi1>) -> (vector<16xi1>, vector<16xf32>, vector<16xf32>)
      %rev3A_2100 = arith.constant 15 : i32
      %rev3A_2101 = vector.broadcast %rev3A_2100 : i32 to vector<16xi32>
      %rev3A_2102 = tpu.iota {dimensions = array<i32: 0>} : vector<16xi32>
      %rev3A_2103 = arith.subi %rev3A_2101, %rev3A_2102 : vector<16xi32>
      %rev3A_2104 = tpu.dynamic_gather %masked_sort3A_1704[%rev3A_2103] in [0] : vector<16xf32>, vector<16xi32> -> vector<16xf32>
      %max3A_2105 = arith.maximumf %masked_sort3A_1685, %rev3A_2104 : vector<16xf32>
      %rev3A_2106 = arith.constant 15 : i32
      %rev3A_2107 = vector.broadcast %rev3A_2106 : i32 to vector<16xi32>
      %rev3A_2108 = tpu.iota {dimensions = array<i32: 0>} : vector<16xi32>
      %rev3A_2109 = arith.subi %rev3A_2107, %rev3A_2108 : vector<16xi32>
      %rev3A_2110 = tpu.dynamic_gather %masked_sort3A_1700[%rev3A_2109] in [0] : vector<16xf32>, vector<16xi32> -> vector<16xf32>
      %max3A_2111 = arith.maximumf %masked_sort3A_1689, %rev3A_2110 : vector<16xf32>
      %min3A_2112 = arith.minimumf %max3A_2105, %max3A_2111 : vector<16xf32>
      %max3A_2113 = arith.maximumf %max3A_2105, %max3A_2111 : vector<16xf32>
      %masked_sort3A_2114 = arith.constant dense<true> : vector<16xi1>
      %masked_sort3A_2115, %masked_sort3A_2116, %masked_sort3A_2117 = tpu.sort %min3A_2112, %min3A_2112 masked %masked_sort3A_2114 : (vector<16xf32>, vector<16xf32>, vector<16xi1>) -> (vector<16xi1>, vector<16xf32>, vector<16xf32>)
      %masked_sort3A_2118 = arith.constant dense<true> : vector<16xi1>
      %masked_sort3A_2119, %masked_sort3A_2120, %masked_sort3A_2121 = tpu.sort %max3A_2113, %max3A_2113 masked %masked_sort3A_2118 : (vector<16xf32>, vector<16xf32>, vector<16xi1>) -> (vector<16xi1>, vector<16xf32>, vector<16xf32>)
      %rev3A_2122 = arith.constant 15 : i32
      %rev3A_2123 = vector.broadcast %rev3A_2122 : i32 to vector<16xi32>
      %rev3A_2124 = tpu.iota {dimensions = array<i32: 0>} : vector<16xi32>
      %rev3A_2125 = arith.subi %rev3A_2123, %rev3A_2124 : vector<16xi32>
      %rev3A_2126 = tpu.dynamic_gather %masked_sort3A_1734[%rev3A_2125] in [0] : vector<16xf32>, vector<16xi32> -> vector<16xf32>
      %max3A_2127 = arith.maximumf %masked_sort3A_1715, %rev3A_2126 : vector<16xf32>
      %rev3A_2128 = arith.constant 15 : i32
      %rev3A_2129 = vector.broadcast %rev3A_2128 : i32 to vector<16xi32>
      %rev3A_2130 = tpu.iota {dimensions = array<i32: 0>} : vector<16xi32>
      %rev3A_2131 = arith.subi %rev3A_2129, %rev3A_2130 : vector<16xi32>
      %rev3A_2132 = tpu.dynamic_gather %masked_sort3A_1730[%rev3A_2131] in [0] : vector<16xf32>, vector<16xi32> -> vector<16xf32>
      %max3A_2133 = arith.maximumf %masked_sort3A_1719, %rev3A_2132 : vector<16xf32>
      %min3A_2134 = arith.minimumf %max3A_2127, %max3A_2133 : vector<16xf32>
      %max3A_2135 = arith.maximumf %max3A_2127, %max3A_2133 : vector<16xf32>
      %masked_sort3A_2136 = arith.constant dense<true> : vector<16xi1>
      %masked_sort3A_2137, %masked_sort3A_2138, %masked_sort3A_2139 = tpu.sort %min3A_2134, %min3A_2134 masked %masked_sort3A_2136 : (vector<16xf32>, vector<16xf32>, vector<16xi1>) -> (vector<16xi1>, vector<16xf32>, vector<16xf32>)
      %masked_sort3A_2140 = arith.constant dense<true> : vector<16xi1>
      %masked_sort3A_2141, %masked_sort3A_2142, %masked_sort3A_2143 = tpu.sort %max3A_2135, %max3A_2135 masked %masked_sort3A_2140 : (vector<16xf32>, vector<16xf32>, vector<16xi1>) -> (vector<16xi1>, vector<16xf32>, vector<16xf32>)
      %rev3A_2144 = arith.constant 15 : i32
      %rev3A_2145 = vector.broadcast %rev3A_2144 : i32 to vector<16xi32>
      %rev3A_2146 = tpu.iota {dimensions = array<i32: 0>} : vector<16xi32>
      %rev3A_2147 = arith.subi %rev3A_2145, %rev3A_2146 : vector<16xi32>
      %rev3A_2148 = tpu.dynamic_gather %masked_sort3A_1764[%rev3A_2147] in [0] : vector<16xf32>, vector<16xi32> -> vector<16xf32>
      %max3A_2149 = arith.maximumf %masked_sort3A_1745, %rev3A_2148 : vector<16xf32>
      %rev3A_2150 = arith.constant 15 : i32
      %rev3A_2151 = vector.broadcast %rev3A_2150 : i32 to vector<16xi32>
      %rev3A_2152 = tpu.iota {dimensions = array<i32: 0>} : vector<16xi32>
      %rev3A_2153 = arith.subi %rev3A_2151, %rev3A_2152 : vector<16xi32>
      %rev3A_2154 = tpu.dynamic_gather %masked_sort3A_1760[%rev3A_2153] in [0] : vector<16xf32>, vector<16xi32> -> vector<16xf32>
      %max3A_2155 = arith.maximumf %masked_sort3A_1749, %rev3A_2154 : vector<16xf32>
      %min3A_2156 = arith.minimumf %max3A_2149, %max3A_2155 : vector<16xf32>
      %max3A_2157 = arith.maximumf %max3A_2149, %max3A_2155 : vector<16xf32>
      %masked_sort3A_2158 = arith.constant dense<true> : vector<16xi1>
      %masked_sort3A_2159, %masked_sort3A_2160, %masked_sort3A_2161 = tpu.sort %min3A_2156, %min3A_2156 masked %masked_sort3A_2158 : (vector<16xf32>, vector<16xf32>, vector<16xi1>) -> (vector<16xi1>, vector<16xf32>, vector<16xf32>)
      %masked_sort3A_2162 = arith.constant dense<true> : vector<16xi1>
      %masked_sort3A_2163, %masked_sort3A_2164, %masked_sort3A_2165 = tpu.sort %max3A_2157, %max3A_2157 masked %masked_sort3A_2162 : (vector<16xf32>, vector<16xf32>, vector<16xi1>) -> (vector<16xi1>, vector<16xf32>, vector<16xf32>)
      %rev3A_2166 = arith.constant 15 : i32
      %rev3A_2167 = vector.broadcast %rev3A_2166 : i32 to vector<16xi32>
      %rev3A_2168 = tpu.iota {dimensions = array<i32: 0>} : vector<16xi32>
      %rev3A_2169 = arith.subi %rev3A_2167, %rev3A_2168 : vector<16xi32>
      %rev3A_2170 = tpu.dynamic_gather %masked_sort3A_1794[%rev3A_2169] in [0] : vector<16xf32>, vector<16xi32> -> vector<16xf32>
      %max3A_2171 = arith.maximumf %masked_sort3A_1775, %rev3A_2170 : vector<16xf32>
      %rev3A_2172 = arith.constant 15 : i32
      %rev3A_2173 = vector.broadcast %rev3A_2172 : i32 to vector<16xi32>
      %rev3A_2174 = tpu.iota {dimensions = array<i32: 0>} : vector<16xi32>
      %rev3A_2175 = arith.subi %rev3A_2173, %rev3A_2174 : vector<16xi32>
      %rev3A_2176 = tpu.dynamic_gather %masked_sort3A_1790[%rev3A_2175] in [0] : vector<16xf32>, vector<16xi32> -> vector<16xf32>
      %max3A_2177 = arith.maximumf %masked_sort3A_1779, %rev3A_2176 : vector<16xf32>
      %min3A_2178 = arith.minimumf %max3A_2171, %max3A_2177 : vector<16xf32>
      %max3A_2179 = arith.maximumf %max3A_2171, %max3A_2177 : vector<16xf32>
      %masked_sort3A_2180 = arith.constant dense<true> : vector<16xi1>
      %masked_sort3A_2181, %masked_sort3A_2182, %masked_sort3A_2183 = tpu.sort %min3A_2178, %min3A_2178 masked %masked_sort3A_2180 : (vector<16xf32>, vector<16xf32>, vector<16xi1>) -> (vector<16xi1>, vector<16xf32>, vector<16xf32>)
      %masked_sort3A_2184 = arith.constant dense<true> : vector<16xi1>
      %masked_sort3A_2185, %masked_sort3A_2186, %masked_sort3A_2187 = tpu.sort %max3A_2179, %max3A_2179 masked %masked_sort3A_2184 : (vector<16xf32>, vector<16xf32>, vector<16xi1>) -> (vector<16xi1>, vector<16xf32>, vector<16xf32>)
      %rev3A_2188 = arith.constant 15 : i32
      %rev3A_2189 = vector.broadcast %rev3A_2188 : i32 to vector<16xi32>
      %rev3A_2190 = tpu.iota {dimensions = array<i32: 0>} : vector<16xi32>
      %rev3A_2191 = arith.subi %rev3A_2189, %rev3A_2190 : vector<16xi32>
      %rev3A_2192 = tpu.dynamic_gather %masked_sort3A_1824[%rev3A_2191] in [0] : vector<16xf32>, vector<16xi32> -> vector<16xf32>
      %max3A_2193 = arith.maximumf %masked_sort3A_1805, %rev3A_2192 : vector<16xf32>
      %rev3A_2194 = arith.constant 15 : i32
      %rev3A_2195 = vector.broadcast %rev3A_2194 : i32 to vector<16xi32>
      %rev3A_2196 = tpu.iota {dimensions = array<i32: 0>} : vector<16xi32>
      %rev3A_2197 = arith.subi %rev3A_2195, %rev3A_2196 : vector<16xi32>
      %rev3A_2198 = tpu.dynamic_gather %masked_sort3A_1820[%rev3A_2197] in [0] : vector<16xf32>, vector<16xi32> -> vector<16xf32>
      %max3A_2199 = arith.maximumf %masked_sort3A_1809, %rev3A_2198 : vector<16xf32>
      %min3A_2200 = arith.minimumf %max3A_2193, %max3A_2199 : vector<16xf32>
      %max3A_2201 = arith.maximumf %max3A_2193, %max3A_2199 : vector<16xf32>
      %masked_sort3A_2202 = arith.constant dense<true> : vector<16xi1>
      %masked_sort3A_2203, %masked_sort3A_2204, %masked_sort3A_2205 = tpu.sort %min3A_2200, %min3A_2200 masked %masked_sort3A_2202 : (vector<16xf32>, vector<16xf32>, vector<16xi1>) -> (vector<16xi1>, vector<16xf32>, vector<16xf32>)
      %masked_sort3A_2206 = arith.constant dense<true> : vector<16xi1>
      %masked_sort3A_2207, %masked_sort3A_2208, %masked_sort3A_2209 = tpu.sort %max3A_2201, %max3A_2201 masked %masked_sort3A_2206 : (vector<16xf32>, vector<16xf32>, vector<16xi1>) -> (vector<16xi1>, vector<16xf32>, vector<16xf32>)
      %rev3A_2210 = arith.constant 15 : i32
      %rev3A_2211 = vector.broadcast %rev3A_2210 : i32 to vector<16xi32>
      %rev3A_2212 = tpu.iota {dimensions = array<i32: 0>} : vector<16xi32>
      %rev3A_2213 = arith.subi %rev3A_2211, %rev3A_2212 : vector<16xi32>
      %rev3A_2214 = tpu.dynamic_gather %masked_sort3A_1854[%rev3A_2213] in [0] : vector<16xf32>, vector<16xi32> -> vector<16xf32>
      %max3A_2215 = arith.maximumf %masked_sort3A_1835, %rev3A_2214 : vector<16xf32>
      %rev3A_2216 = arith.constant 15 : i32
      %rev3A_2217 = vector.broadcast %rev3A_2216 : i32 to vector<16xi32>
      %rev3A_2218 = tpu.iota {dimensions = array<i32: 0>} : vector<16xi32>
      %rev3A_2219 = arith.subi %rev3A_2217, %rev3A_2218 : vector<16xi32>
      %rev3A_2220 = tpu.dynamic_gather %masked_sort3A_1850[%rev3A_2219] in [0] : vector<16xf32>, vector<16xi32> -> vector<16xf32>
      %max3A_2221 = arith.maximumf %masked_sort3A_1839, %rev3A_2220 : vector<16xf32>
      %min3A_2222 = arith.minimumf %max3A_2215, %max3A_2221 : vector<16xf32>
      %max3A_2223 = arith.maximumf %max3A_2215, %max3A_2221 : vector<16xf32>
      %masked_sort3A_2224 = arith.constant dense<true> : vector<16xi1>
      %masked_sort3A_2225, %masked_sort3A_2226, %masked_sort3A_2227 = tpu.sort %min3A_2222, %min3A_2222 masked %masked_sort3A_2224 : (vector<16xf32>, vector<16xf32>, vector<16xi1>) -> (vector<16xi1>, vector<16xf32>, vector<16xf32>)
      %masked_sort3A_2228 = arith.constant dense<true> : vector<16xi1>
      %masked_sort3A_2229, %masked_sort3A_2230, %masked_sort3A_2231 = tpu.sort %max3A_2223, %max3A_2223 masked %masked_sort3A_2228 : (vector<16xf32>, vector<16xf32>, vector<16xi1>) -> (vector<16xi1>, vector<16xf32>, vector<16xf32>)
      %rev3A_2232 = arith.constant 15 : i32
      %rev3A_2233 = vector.broadcast %rev3A_2232 : i32 to vector<16xi32>
      %rev3A_2234 = tpu.iota {dimensions = array<i32: 0>} : vector<16xi32>
      %rev3A_2235 = arith.subi %rev3A_2233, %rev3A_2234 : vector<16xi32>
      %rev3A_2236 = tpu.dynamic_gather %masked_sort3A_1884[%rev3A_2235] in [0] : vector<16xf32>, vector<16xi32> -> vector<16xf32>
      %max3A_2237 = arith.maximumf %masked_sort3A_1865, %rev3A_2236 : vector<16xf32>
      %rev3A_2238 = arith.constant 15 : i32
      %rev3A_2239 = vector.broadcast %rev3A_2238 : i32 to vector<16xi32>
      %rev3A_2240 = tpu.iota {dimensions = array<i32: 0>} : vector<16xi32>
      %rev3A_2241 = arith.subi %rev3A_2239, %rev3A_2240 : vector<16xi32>
      %rev3A_2242 = tpu.dynamic_gather %masked_sort3A_1880[%rev3A_2241] in [0] : vector<16xf32>, vector<16xi32> -> vector<16xf32>
      %max3A_2243 = arith.maximumf %masked_sort3A_1869, %rev3A_2242 : vector<16xf32>
      %min3A_2244 = arith.minimumf %max3A_2237, %max3A_2243 : vector<16xf32>
      %max3A_2245 = arith.maximumf %max3A_2237, %max3A_2243 : vector<16xf32>
      %masked_sort3A_2246 = arith.constant dense<true> : vector<16xi1>
      %masked_sort3A_2247, %masked_sort3A_2248, %masked_sort3A_2249 = tpu.sort %min3A_2244, %min3A_2244 masked %masked_sort3A_2246 : (vector<16xf32>, vector<16xf32>, vector<16xi1>) -> (vector<16xi1>, vector<16xf32>, vector<16xf32>)
      %masked_sort3A_2250 = arith.constant dense<true> : vector<16xi1>
      %masked_sort3A_2251, %masked_sort3A_2252, %masked_sort3A_2253 = tpu.sort %max3A_2245, %max3A_2245 masked %masked_sort3A_2250 : (vector<16xf32>, vector<16xf32>, vector<16xi1>) -> (vector<16xi1>, vector<16xf32>, vector<16xf32>)
      %rev3A_2254 = arith.constant 15 : i32
      %rev3A_2255 = vector.broadcast %rev3A_2254 : i32 to vector<16xi32>
      %rev3A_2256 = tpu.iota {dimensions = array<i32: 0>} : vector<16xi32>
      %rev3A_2257 = arith.subi %rev3A_2255, %rev3A_2256 : vector<16xi32>
      %rev3A_2258 = tpu.dynamic_gather %masked_sort3A_1914[%rev3A_2257] in [0] : vector<16xf32>, vector<16xi32> -> vector<16xf32>
      %max3A_2259 = arith.maximumf %masked_sort3A_1895, %rev3A_2258 : vector<16xf32>
      %rev3A_2260 = arith.constant 15 : i32
      %rev3A_2261 = vector.broadcast %rev3A_2260 : i32 to vector<16xi32>
      %rev3A_2262 = tpu.iota {dimensions = array<i32: 0>} : vector<16xi32>
      %rev3A_2263 = arith.subi %rev3A_2261, %rev3A_2262 : vector<16xi32>
      %rev3A_2264 = tpu.dynamic_gather %masked_sort3A_1910[%rev3A_2263] in [0] : vector<16xf32>, vector<16xi32> -> vector<16xf32>
      %max3A_2265 = arith.maximumf %masked_sort3A_1899, %rev3A_2264 : vector<16xf32>
      %min3A_2266 = arith.minimumf %max3A_2259, %max3A_2265 : vector<16xf32>
      %max3A_2267 = arith.maximumf %max3A_2259, %max3A_2265 : vector<16xf32>
      %masked_sort3A_2268 = arith.constant dense<true> : vector<16xi1>
      %masked_sort3A_2269, %masked_sort3A_2270, %masked_sort3A_2271 = tpu.sort %min3A_2266, %min3A_2266 masked %masked_sort3A_2268 : (vector<16xf32>, vector<16xf32>, vector<16xi1>) -> (vector<16xi1>, vector<16xf32>, vector<16xf32>)
      %masked_sort3A_2272 = arith.constant dense<true> : vector<16xi1>
      %masked_sort3A_2273, %masked_sort3A_2274, %masked_sort3A_2275 = tpu.sort %max3A_2267, %max3A_2267 masked %masked_sort3A_2272 : (vector<16xf32>, vector<16xf32>, vector<16xi1>) -> (vector<16xi1>, vector<16xf32>, vector<16xf32>)
      %rev3A_2276 = arith.constant 15 : i32
      %rev3A_2277 = vector.broadcast %rev3A_2276 : i32 to vector<16xi32>
      %rev3A_2278 = tpu.iota {dimensions = array<i32: 0>} : vector<16xi32>
      %rev3A_2279 = arith.subi %rev3A_2277, %rev3A_2278 : vector<16xi32>
      %rev3A_2280 = tpu.dynamic_gather %masked_sort3A_1944[%rev3A_2279] in [0] : vector<16xf32>, vector<16xi32> -> vector<16xf32>
      %max3A_2281 = arith.maximumf %masked_sort3A_1925, %rev3A_2280 : vector<16xf32>
      %rev3A_2282 = arith.constant 15 : i32
      %rev3A_2283 = vector.broadcast %rev3A_2282 : i32 to vector<16xi32>
      %rev3A_2284 = tpu.iota {dimensions = array<i32: 0>} : vector<16xi32>
      %rev3A_2285 = arith.subi %rev3A_2283, %rev3A_2284 : vector<16xi32>
      %rev3A_2286 = tpu.dynamic_gather %masked_sort3A_1940[%rev3A_2285] in [0] : vector<16xf32>, vector<16xi32> -> vector<16xf32>
      %max3A_2287 = arith.maximumf %masked_sort3A_1929, %rev3A_2286 : vector<16xf32>
      %min3A_2288 = arith.minimumf %max3A_2281, %max3A_2287 : vector<16xf32>
      %max3A_2289 = arith.maximumf %max3A_2281, %max3A_2287 : vector<16xf32>
      %masked_sort3A_2290 = arith.constant dense<true> : vector<16xi1>
      %masked_sort3A_2291, %masked_sort3A_2292, %masked_sort3A_2293 = tpu.sort %min3A_2288, %min3A_2288 masked %masked_sort3A_2290 : (vector<16xf32>, vector<16xf32>, vector<16xi1>) -> (vector<16xi1>, vector<16xf32>, vector<16xf32>)
      %masked_sort3A_2294 = arith.constant dense<true> : vector<16xi1>
      %masked_sort3A_2295, %masked_sort3A_2296, %masked_sort3A_2297 = tpu.sort %max3A_2289, %max3A_2289 masked %masked_sort3A_2294 : (vector<16xf32>, vector<16xf32>, vector<16xi1>) -> (vector<16xi1>, vector<16xf32>, vector<16xf32>)
      %rev3A_2298 = arith.constant 15 : i32
      %rev3A_2299 = vector.broadcast %rev3A_2298 : i32 to vector<16xi32>
      %rev3A_2300 = tpu.iota {dimensions = array<i32: 0>} : vector<16xi32>
      %rev3A_2301 = arith.subi %rev3A_2299, %rev3A_2300 : vector<16xi32>
      %rev3A_2302 = tpu.dynamic_gather %masked_sort3A_1988[%rev3A_2301] in [0] : vector<16xf32>, vector<16xi32> -> vector<16xf32>
      %max3A_2303 = arith.maximumf %masked_sort3A_1962, %rev3A_2302 : vector<16xf32>
      %rev3A_2304 = arith.constant 15 : i32
      %rev3A_2305 = vector.broadcast %rev3A_2304 : i32 to vector<16xi32>
      %rev3A_2306 = tpu.iota {dimensions = array<i32: 0>} : vector<16xi32>
      %rev3A_2307 = arith.subi %rev3A_2305, %rev3A_2306 : vector<16xi32>
      %rev3A_2308 = tpu.dynamic_gather %masked_sort3A_1984[%rev3A_2307] in [0] : vector<16xf32>, vector<16xi32> -> vector<16xf32>
      %max3A_2309 = arith.maximumf %masked_sort3A_1966, %rev3A_2308 : vector<16xf32>
      %min3A_2310 = arith.minimumf %max3A_2303, %max3A_2309 : vector<16xf32>
      %max3A_2311 = arith.maximumf %max3A_2303, %max3A_2309 : vector<16xf32>
      %masked_sort3A_2312 = arith.constant dense<true> : vector<16xi1>
      %masked_sort3A_2313, %masked_sort3A_2314, %masked_sort3A_2315 = tpu.sort %min3A_2310, %min3A_2310 masked %masked_sort3A_2312 : (vector<16xf32>, vector<16xf32>, vector<16xi1>) -> (vector<16xi1>, vector<16xf32>, vector<16xf32>)
      %masked_sort3A_2316 = arith.constant dense<true> : vector<16xi1>
      %masked_sort3A_2317, %masked_sort3A_2318, %masked_sort3A_2319 = tpu.sort %max3A_2311, %max3A_2311 masked %masked_sort3A_2316 : (vector<16xf32>, vector<16xf32>, vector<16xi1>) -> (vector<16xi1>, vector<16xf32>, vector<16xf32>)
      %rev3A_2320 = arith.constant 15 : i32
      %rev3A_2321 = vector.broadcast %rev3A_2320 : i32 to vector<16xi32>
      %rev3A_2322 = tpu.iota {dimensions = array<i32: 0>} : vector<16xi32>
      %rev3A_2323 = arith.subi %rev3A_2321, %rev3A_2322 : vector<16xi32>
      %rev3A_2324 = tpu.dynamic_gather %masked_sort3A_2032[%rev3A_2323] in [0] : vector<16xf32>, vector<16xi32> -> vector<16xf32>
      %max3A_2325 = arith.maximumf %masked_sort3A_2006, %rev3A_2324 : vector<16xf32>
      %rev3A_2326 = arith.constant 15 : i32
      %rev3A_2327 = vector.broadcast %rev3A_2326 : i32 to vector<16xi32>
      %rev3A_2328 = tpu.iota {dimensions = array<i32: 0>} : vector<16xi32>
      %rev3A_2329 = arith.subi %rev3A_2327, %rev3A_2328 : vector<16xi32>
      %rev3A_2330 = tpu.dynamic_gather %masked_sort3A_2028[%rev3A_2329] in [0] : vector<16xf32>, vector<16xi32> -> vector<16xf32>
      %max3A_2331 = arith.maximumf %masked_sort3A_2010, %rev3A_2330 : vector<16xf32>
      %min3A_2332 = arith.minimumf %max3A_2325, %max3A_2331 : vector<16xf32>
      %max3A_2333 = arith.maximumf %max3A_2325, %max3A_2331 : vector<16xf32>
      %masked_sort3A_2334 = arith.constant dense<true> : vector<16xi1>
      %masked_sort3A_2335, %masked_sort3A_2336, %masked_sort3A_2337 = tpu.sort %min3A_2332, %min3A_2332 masked %masked_sort3A_2334 : (vector<16xf32>, vector<16xf32>, vector<16xi1>) -> (vector<16xi1>, vector<16xf32>, vector<16xf32>)
      %masked_sort3A_2338 = arith.constant dense<true> : vector<16xi1>
      %masked_sort3A_2339, %masked_sort3A_2340, %masked_sort3A_2341 = tpu.sort %max3A_2333, %max3A_2333 masked %masked_sort3A_2338 : (vector<16xf32>, vector<16xf32>, vector<16xi1>) -> (vector<16xi1>, vector<16xf32>, vector<16xf32>)
      %rev3A_2342 = arith.constant 15 : i32
      %rev3A_2343 = vector.broadcast %rev3A_2342 : i32 to vector<16xi32>
      %rev3A_2344 = tpu.iota {dimensions = array<i32: 0>} : vector<16xi32>
      %rev3A_2345 = arith.subi %rev3A_2343, %rev3A_2344 : vector<16xi32>
      %rev3A_2346 = tpu.dynamic_gather %masked_sort3A_2076[%rev3A_2345] in [0] : vector<16xf32>, vector<16xi32> -> vector<16xf32>
      %max3A_2347 = arith.maximumf %masked_sort3A_2050, %rev3A_2346 : vector<16xf32>
      %rev3A_2348 = arith.constant 15 : i32
      %rev3A_2349 = vector.broadcast %rev3A_2348 : i32 to vector<16xi32>
      %rev3A_2350 = tpu.iota {dimensions = array<i32: 0>} : vector<16xi32>
      %rev3A_2351 = arith.subi %rev3A_2349, %rev3A_2350 : vector<16xi32>
      %rev3A_2352 = tpu.dynamic_gather %masked_sort3A_2072[%rev3A_2351] in [0] : vector<16xf32>, vector<16xi32> -> vector<16xf32>
      %max3A_2353 = arith.maximumf %masked_sort3A_2054, %rev3A_2352 : vector<16xf32>
      %min3A_2354 = arith.minimumf %max3A_2347, %max3A_2353 : vector<16xf32>
      %max3A_2355 = arith.maximumf %max3A_2347, %max3A_2353 : vector<16xf32>
      %masked_sort3A_2356 = arith.constant dense<true> : vector<16xi1>
      %masked_sort3A_2357, %masked_sort3A_2358, %masked_sort3A_2359 = tpu.sort %min3A_2354, %min3A_2354 masked %masked_sort3A_2356 : (vector<16xf32>, vector<16xf32>, vector<16xi1>) -> (vector<16xi1>, vector<16xf32>, vector<16xf32>)
      %masked_sort3A_2360 = arith.constant dense<true> : vector<16xi1>
      %masked_sort3A_2361, %masked_sort3A_2362, %masked_sort3A_2363 = tpu.sort %max3A_2355, %max3A_2355 masked %masked_sort3A_2360 : (vector<16xf32>, vector<16xf32>, vector<16xi1>) -> (vector<16xi1>, vector<16xf32>, vector<16xf32>)
      %rev3A_2364 = arith.constant 15 : i32
      %rev3A_2365 = vector.broadcast %rev3A_2364 : i32 to vector<16xi32>
      %rev3A_2366 = tpu.iota {dimensions = array<i32: 0>} : vector<16xi32>
      %rev3A_2367 = arith.subi %rev3A_2365, %rev3A_2366 : vector<16xi32>
      %rev3A_2368 = tpu.dynamic_gather %masked_sort3A_2120[%rev3A_2367] in [0] : vector<16xf32>, vector<16xi32> -> vector<16xf32>
      %max3A_2369 = arith.maximumf %masked_sort3A_2094, %rev3A_2368 : vector<16xf32>
      %rev3A_2370 = arith.constant 15 : i32
      %rev3A_2371 = vector.broadcast %rev3A_2370 : i32 to vector<16xi32>
      %rev3A_2372 = tpu.iota {dimensions = array<i32: 0>} : vector<16xi32>
      %rev3A_2373 = arith.subi %rev3A_2371, %rev3A_2372 : vector<16xi32>
      %rev3A_2374 = tpu.dynamic_gather %masked_sort3A_2116[%rev3A_2373] in [0] : vector<16xf32>, vector<16xi32> -> vector<16xf32>
      %max3A_2375 = arith.maximumf %masked_sort3A_2098, %rev3A_2374 : vector<16xf32>
      %min3A_2376 = arith.minimumf %max3A_2369, %max3A_2375 : vector<16xf32>
      %max3A_2377 = arith.maximumf %max3A_2369, %max3A_2375 : vector<16xf32>
      %masked_sort3A_2378 = arith.constant dense<true> : vector<16xi1>
      %masked_sort3A_2379, %masked_sort3A_2380, %masked_sort3A_2381 = tpu.sort %min3A_2376, %min3A_2376 masked %masked_sort3A_2378 : (vector<16xf32>, vector<16xf32>, vector<16xi1>) -> (vector<16xi1>, vector<16xf32>, vector<16xf32>)
      %masked_sort3A_2382 = arith.constant dense<true> : vector<16xi1>
      %masked_sort3A_2383, %masked_sort3A_2384, %masked_sort3A_2385 = tpu.sort %max3A_2377, %max3A_2377 masked %masked_sort3A_2382 : (vector<16xf32>, vector<16xf32>, vector<16xi1>) -> (vector<16xi1>, vector<16xf32>, vector<16xf32>)
      %rev3A_2386 = arith.constant 15 : i32
      %rev3A_2387 = vector.broadcast %rev3A_2386 : i32 to vector<16xi32>
      %rev3A_2388 = tpu.iota {dimensions = array<i32: 0>} : vector<16xi32>
      %rev3A_2389 = arith.subi %rev3A_2387, %rev3A_2388 : vector<16xi32>
      %rev3A_2390 = tpu.dynamic_gather %masked_sort3A_2164[%rev3A_2389] in [0] : vector<16xf32>, vector<16xi32> -> vector<16xf32>
      %max3A_2391 = arith.maximumf %masked_sort3A_2138, %rev3A_2390 : vector<16xf32>
      %rev3A_2392 = arith.constant 15 : i32
      %rev3A_2393 = vector.broadcast %rev3A_2392 : i32 to vector<16xi32>
      %rev3A_2394 = tpu.iota {dimensions = array<i32: 0>} : vector<16xi32>
      %rev3A_2395 = arith.subi %rev3A_2393, %rev3A_2394 : vector<16xi32>
      %rev3A_2396 = tpu.dynamic_gather %masked_sort3A_2160[%rev3A_2395] in [0] : vector<16xf32>, vector<16xi32> -> vector<16xf32>
      %max3A_2397 = arith.maximumf %masked_sort3A_2142, %rev3A_2396 : vector<16xf32>
      %min3A_2398 = arith.minimumf %max3A_2391, %max3A_2397 : vector<16xf32>
      %max3A_2399 = arith.maximumf %max3A_2391, %max3A_2397 : vector<16xf32>
      %masked_sort3A_2400 = arith.constant dense<true> : vector<16xi1>
      %masked_sort3A_2401, %masked_sort3A_2402, %masked_sort3A_2403 = tpu.sort %min3A_2398, %min3A_2398 masked %masked_sort3A_2400 : (vector<16xf32>, vector<16xf32>, vector<16xi1>) -> (vector<16xi1>, vector<16xf32>, vector<16xf32>)
      %masked_sort3A_2404 = arith.constant dense<true> : vector<16xi1>
      %masked_sort3A_2405, %masked_sort3A_2406, %masked_sort3A_2407 = tpu.sort %max3A_2399, %max3A_2399 masked %masked_sort3A_2404 : (vector<16xf32>, vector<16xf32>, vector<16xi1>) -> (vector<16xi1>, vector<16xf32>, vector<16xf32>)
      %rev3A_2408 = arith.constant 15 : i32
      %rev3A_2409 = vector.broadcast %rev3A_2408 : i32 to vector<16xi32>
      %rev3A_2410 = tpu.iota {dimensions = array<i32: 0>} : vector<16xi32>
      %rev3A_2411 = arith.subi %rev3A_2409, %rev3A_2410 : vector<16xi32>
      %rev3A_2412 = tpu.dynamic_gather %masked_sort3A_2208[%rev3A_2411] in [0] : vector<16xf32>, vector<16xi32> -> vector<16xf32>
      %max3A_2413 = arith.maximumf %masked_sort3A_2182, %rev3A_2412 : vector<16xf32>
      %rev3A_2414 = arith.constant 15 : i32
      %rev3A_2415 = vector.broadcast %rev3A_2414 : i32 to vector<16xi32>
      %rev3A_2416 = tpu.iota {dimensions = array<i32: 0>} : vector<16xi32>
      %rev3A_2417 = arith.subi %rev3A_2415, %rev3A_2416 : vector<16xi32>
      %rev3A_2418 = tpu.dynamic_gather %masked_sort3A_2204[%rev3A_2417] in [0] : vector<16xf32>, vector<16xi32> -> vector<16xf32>
      %max3A_2419 = arith.maximumf %masked_sort3A_2186, %rev3A_2418 : vector<16xf32>
      %min3A_2420 = arith.minimumf %max3A_2413, %max3A_2419 : vector<16xf32>
      %max3A_2421 = arith.maximumf %max3A_2413, %max3A_2419 : vector<16xf32>
      %masked_sort3A_2422 = arith.constant dense<true> : vector<16xi1>
      %masked_sort3A_2423, %masked_sort3A_2424, %masked_sort3A_2425 = tpu.sort %min3A_2420, %min3A_2420 masked %masked_sort3A_2422 : (vector<16xf32>, vector<16xf32>, vector<16xi1>) -> (vector<16xi1>, vector<16xf32>, vector<16xf32>)
      %masked_sort3A_2426 = arith.constant dense<true> : vector<16xi1>
      %masked_sort3A_2427, %masked_sort3A_2428, %masked_sort3A_2429 = tpu.sort %max3A_2421, %max3A_2421 masked %masked_sort3A_2426 : (vector<16xf32>, vector<16xf32>, vector<16xi1>) -> (vector<16xi1>, vector<16xf32>, vector<16xf32>)
      %rev3A_2430 = arith.constant 15 : i32
      %rev3A_2431 = vector.broadcast %rev3A_2430 : i32 to vector<16xi32>
      %rev3A_2432 = tpu.iota {dimensions = array<i32: 0>} : vector<16xi32>
      %rev3A_2433 = arith.subi %rev3A_2431, %rev3A_2432 : vector<16xi32>
      %rev3A_2434 = tpu.dynamic_gather %masked_sort3A_2252[%rev3A_2433] in [0] : vector<16xf32>, vector<16xi32> -> vector<16xf32>
      %max3A_2435 = arith.maximumf %masked_sort3A_2226, %rev3A_2434 : vector<16xf32>
      %rev3A_2436 = arith.constant 15 : i32
      %rev3A_2437 = vector.broadcast %rev3A_2436 : i32 to vector<16xi32>
      %rev3A_2438 = tpu.iota {dimensions = array<i32: 0>} : vector<16xi32>
      %rev3A_2439 = arith.subi %rev3A_2437, %rev3A_2438 : vector<16xi32>
      %rev3A_2440 = tpu.dynamic_gather %masked_sort3A_2248[%rev3A_2439] in [0] : vector<16xf32>, vector<16xi32> -> vector<16xf32>
      %max3A_2441 = arith.maximumf %masked_sort3A_2230, %rev3A_2440 : vector<16xf32>
      %min3A_2442 = arith.minimumf %max3A_2435, %max3A_2441 : vector<16xf32>
      %max3A_2443 = arith.maximumf %max3A_2435, %max3A_2441 : vector<16xf32>
      %masked_sort3A_2444 = arith.constant dense<true> : vector<16xi1>
      %masked_sort3A_2445, %masked_sort3A_2446, %masked_sort3A_2447 = tpu.sort %min3A_2442, %min3A_2442 masked %masked_sort3A_2444 : (vector<16xf32>, vector<16xf32>, vector<16xi1>) -> (vector<16xi1>, vector<16xf32>, vector<16xf32>)
      %masked_sort3A_2448 = arith.constant dense<true> : vector<16xi1>
      %masked_sort3A_2449, %masked_sort3A_2450, %masked_sort3A_2451 = tpu.sort %max3A_2443, %max3A_2443 masked %masked_sort3A_2448 : (vector<16xf32>, vector<16xf32>, vector<16xi1>) -> (vector<16xi1>, vector<16xf32>, vector<16xf32>)
      %rev3A_2452 = arith.constant 15 : i32
      %rev3A_2453 = vector.broadcast %rev3A_2452 : i32 to vector<16xi32>
      %rev3A_2454 = tpu.iota {dimensions = array<i32: 0>} : vector<16xi32>
      %rev3A_2455 = arith.subi %rev3A_2453, %rev3A_2454 : vector<16xi32>
      %rev3A_2456 = tpu.dynamic_gather %masked_sort3A_2296[%rev3A_2455] in [0] : vector<16xf32>, vector<16xi32> -> vector<16xf32>
      %max3A_2457 = arith.maximumf %masked_sort3A_2270, %rev3A_2456 : vector<16xf32>
      %rev3A_2458 = arith.constant 15 : i32
      %rev3A_2459 = vector.broadcast %rev3A_2458 : i32 to vector<16xi32>
      %rev3A_2460 = tpu.iota {dimensions = array<i32: 0>} : vector<16xi32>
      %rev3A_2461 = arith.subi %rev3A_2459, %rev3A_2460 : vector<16xi32>
      %rev3A_2462 = tpu.dynamic_gather %masked_sort3A_2292[%rev3A_2461] in [0] : vector<16xf32>, vector<16xi32> -> vector<16xf32>
      %max3A_2463 = arith.maximumf %masked_sort3A_2274, %rev3A_2462 : vector<16xf32>
      %min3A_2464 = arith.minimumf %max3A_2457, %max3A_2463 : vector<16xf32>
      %max3A_2465 = arith.maximumf %max3A_2457, %max3A_2463 : vector<16xf32>
      %masked_sort3A_2466 = arith.constant dense<true> : vector<16xi1>
      %masked_sort3A_2467, %masked_sort3A_2468, %masked_sort3A_2469 = tpu.sort %min3A_2464, %min3A_2464 masked %masked_sort3A_2466 : (vector<16xf32>, vector<16xf32>, vector<16xi1>) -> (vector<16xi1>, vector<16xf32>, vector<16xf32>)
      %masked_sort3A_2470 = arith.constant dense<true> : vector<16xi1>
      %masked_sort3A_2471, %masked_sort3A_2472, %masked_sort3A_2473 = tpu.sort %max3A_2465, %max3A_2465 masked %masked_sort3A_2470 : (vector<16xf32>, vector<16xf32>, vector<16xi1>) -> (vector<16xi1>, vector<16xf32>, vector<16xf32>)
      %rev3A_2474 = arith.constant 15 : i32
      %rev3A_2475 = vector.broadcast %rev3A_2474 : i32 to vector<16xi32>
      %rev3A_2476 = tpu.iota {dimensions = array<i32: 0>} : vector<16xi32>
      %rev3A_2477 = arith.subi %rev3A_2475, %rev3A_2476 : vector<16xi32>
      %rev3A_2478 = tpu.dynamic_gather %masked_sort3A_2340[%rev3A_2477] in [0] : vector<16xf32>, vector<16xi32> -> vector<16xf32>
      %max3A_2479 = arith.maximumf %masked_sort3A_2314, %rev3A_2478 : vector<16xf32>
      %rev3A_2480 = arith.constant 15 : i32
      %rev3A_2481 = vector.broadcast %rev3A_2480 : i32 to vector<16xi32>
      %rev3A_2482 = tpu.iota {dimensions = array<i32: 0>} : vector<16xi32>
      %rev3A_2483 = arith.subi %rev3A_2481, %rev3A_2482 : vector<16xi32>
      %rev3A_2484 = tpu.dynamic_gather %masked_sort3A_2336[%rev3A_2483] in [0] : vector<16xf32>, vector<16xi32> -> vector<16xf32>
      %max3A_2485 = arith.maximumf %masked_sort3A_2318, %rev3A_2484 : vector<16xf32>
      %min3A_2486 = arith.minimumf %max3A_2479, %max3A_2485 : vector<16xf32>
      %max3A_2487 = arith.maximumf %max3A_2479, %max3A_2485 : vector<16xf32>
      %masked_sort3A_2488 = arith.constant dense<true> : vector<16xi1>
      %masked_sort3A_2489, %masked_sort3A_2490, %masked_sort3A_2491 = tpu.sort %min3A_2486, %min3A_2486 masked %masked_sort3A_2488 : (vector<16xf32>, vector<16xf32>, vector<16xi1>) -> (vector<16xi1>, vector<16xf32>, vector<16xf32>)
      %masked_sort3A_2492 = arith.constant dense<true> : vector<16xi1>
      %masked_sort3A_2493, %masked_sort3A_2494, %masked_sort3A_2495 = tpu.sort %max3A_2487, %max3A_2487 masked %masked_sort3A_2492 : (vector<16xf32>, vector<16xf32>, vector<16xi1>) -> (vector<16xi1>, vector<16xf32>, vector<16xf32>)
      %rev3A_2496 = arith.constant 15 : i32
      %rev3A_2497 = vector.broadcast %rev3A_2496 : i32 to vector<16xi32>
      %rev3A_2498 = tpu.iota {dimensions = array<i32: 0>} : vector<16xi32>
      %rev3A_2499 = arith.subi %rev3A_2497, %rev3A_2498 : vector<16xi32>
      %rev3A_2500 = tpu.dynamic_gather %masked_sort3A_2384[%rev3A_2499] in [0] : vector<16xf32>, vector<16xi32> -> vector<16xf32>
      %max3A_2501 = arith.maximumf %masked_sort3A_2358, %rev3A_2500 : vector<16xf32>
      %rev3A_2502 = arith.constant 15 : i32
      %rev3A_2503 = vector.broadcast %rev3A_2502 : i32 to vector<16xi32>
      %rev3A_2504 = tpu.iota {dimensions = array<i32: 0>} : vector<16xi32>
      %rev3A_2505 = arith.subi %rev3A_2503, %rev3A_2504 : vector<16xi32>
      %rev3A_2506 = tpu.dynamic_gather %masked_sort3A_2380[%rev3A_2505] in [0] : vector<16xf32>, vector<16xi32> -> vector<16xf32>
      %max3A_2507 = arith.maximumf %masked_sort3A_2362, %rev3A_2506 : vector<16xf32>
      %min3A_2508 = arith.minimumf %max3A_2501, %max3A_2507 : vector<16xf32>
      %max3A_2509 = arith.maximumf %max3A_2501, %max3A_2507 : vector<16xf32>
      %masked_sort3A_2510 = arith.constant dense<true> : vector<16xi1>
      %masked_sort3A_2511, %masked_sort3A_2512, %masked_sort3A_2513 = tpu.sort %min3A_2508, %min3A_2508 masked %masked_sort3A_2510 : (vector<16xf32>, vector<16xf32>, vector<16xi1>) -> (vector<16xi1>, vector<16xf32>, vector<16xf32>)
      %masked_sort3A_2514 = arith.constant dense<true> : vector<16xi1>
      %masked_sort3A_2515, %masked_sort3A_2516, %masked_sort3A_2517 = tpu.sort %max3A_2509, %max3A_2509 masked %masked_sort3A_2514 : (vector<16xf32>, vector<16xf32>, vector<16xi1>) -> (vector<16xi1>, vector<16xf32>, vector<16xf32>)
      %rev3A_2518 = arith.constant 15 : i32
      %rev3A_2519 = vector.broadcast %rev3A_2518 : i32 to vector<16xi32>
      %rev3A_2520 = tpu.iota {dimensions = array<i32: 0>} : vector<16xi32>
      %rev3A_2521 = arith.subi %rev3A_2519, %rev3A_2520 : vector<16xi32>
      %rev3A_2522 = tpu.dynamic_gather %masked_sort3A_2428[%rev3A_2521] in [0] : vector<16xf32>, vector<16xi32> -> vector<16xf32>
      %max3A_2523 = arith.maximumf %masked_sort3A_2402, %rev3A_2522 : vector<16xf32>
      %rev3A_2524 = arith.constant 15 : i32
      %rev3A_2525 = vector.broadcast %rev3A_2524 : i32 to vector<16xi32>
      %rev3A_2526 = tpu.iota {dimensions = array<i32: 0>} : vector<16xi32>
      %rev3A_2527 = arith.subi %rev3A_2525, %rev3A_2526 : vector<16xi32>
      %rev3A_2528 = tpu.dynamic_gather %masked_sort3A_2424[%rev3A_2527] in [0] : vector<16xf32>, vector<16xi32> -> vector<16xf32>
      %max3A_2529 = arith.maximumf %masked_sort3A_2406, %rev3A_2528 : vector<16xf32>
      %min3A_2530 = arith.minimumf %max3A_2523, %max3A_2529 : vector<16xf32>
      %max3A_2531 = arith.maximumf %max3A_2523, %max3A_2529 : vector<16xf32>
      %masked_sort3A_2532 = arith.constant dense<true> : vector<16xi1>
      %masked_sort3A_2533, %masked_sort3A_2534, %masked_sort3A_2535 = tpu.sort %min3A_2530, %min3A_2530 masked %masked_sort3A_2532 : (vector<16xf32>, vector<16xf32>, vector<16xi1>) -> (vector<16xi1>, vector<16xf32>, vector<16xf32>)
      %masked_sort3A_2536 = arith.constant dense<true> : vector<16xi1>
      %masked_sort3A_2537, %masked_sort3A_2538, %masked_sort3A_2539 = tpu.sort %max3A_2531, %max3A_2531 masked %masked_sort3A_2536 : (vector<16xf32>, vector<16xf32>, vector<16xi1>) -> (vector<16xi1>, vector<16xf32>, vector<16xf32>)
      %rev3A_2540 = arith.constant 15 : i32
      %rev3A_2541 = vector.broadcast %rev3A_2540 : i32 to vector<16xi32>
      %rev3A_2542 = tpu.iota {dimensions = array<i32: 0>} : vector<16xi32>
      %rev3A_2543 = arith.subi %rev3A_2541, %rev3A_2542 : vector<16xi32>
      %rev3A_2544 = tpu.dynamic_gather %masked_sort3A_2472[%rev3A_2543] in [0] : vector<16xf32>, vector<16xi32> -> vector<16xf32>
      %max3A_2545 = arith.maximumf %masked_sort3A_2446, %rev3A_2544 : vector<16xf32>
      %rev3A_2546 = arith.constant 15 : i32
      %rev3A_2547 = vector.broadcast %rev3A_2546 : i32 to vector<16xi32>
      %rev3A_2548 = tpu.iota {dimensions = array<i32: 0>} : vector<16xi32>
      %rev3A_2549 = arith.subi %rev3A_2547, %rev3A_2548 : vector<16xi32>
      %rev3A_2550 = tpu.dynamic_gather %masked_sort3A_2468[%rev3A_2549] in [0] : vector<16xf32>, vector<16xi32> -> vector<16xf32>
      %max3A_2551 = arith.maximumf %masked_sort3A_2450, %rev3A_2550 : vector<16xf32>
      %min3A_2552 = arith.minimumf %max3A_2545, %max3A_2551 : vector<16xf32>
      %max3A_2553 = arith.maximumf %max3A_2545, %max3A_2551 : vector<16xf32>
      %masked_sort3A_2554 = arith.constant dense<true> : vector<16xi1>
      %masked_sort3A_2555, %masked_sort3A_2556, %masked_sort3A_2557 = tpu.sort %min3A_2552, %min3A_2552 masked %masked_sort3A_2554 : (vector<16xf32>, vector<16xf32>, vector<16xi1>) -> (vector<16xi1>, vector<16xf32>, vector<16xf32>)
      %masked_sort3A_2558 = arith.constant dense<true> : vector<16xi1>
      %masked_sort3A_2559, %masked_sort3A_2560, %masked_sort3A_2561 = tpu.sort %max3A_2553, %max3A_2553 masked %masked_sort3A_2558 : (vector<16xf32>, vector<16xf32>, vector<16xi1>) -> (vector<16xi1>, vector<16xf32>, vector<16xf32>)
      %rev3A_2562 = arith.constant 15 : i32
      %rev3A_2563 = vector.broadcast %rev3A_2562 : i32 to vector<16xi32>
      %rev3A_2564 = tpu.iota {dimensions = array<i32: 0>} : vector<16xi32>
      %rev3A_2565 = arith.subi %rev3A_2563, %rev3A_2564 : vector<16xi32>
      %rev3A_2566 = tpu.dynamic_gather %masked_sort3A_2516[%rev3A_2565] in [0] : vector<16xf32>, vector<16xi32> -> vector<16xf32>
      %max3A_2567 = arith.maximumf %masked_sort3A_2490, %rev3A_2566 : vector<16xf32>
      %rev3A_2568 = arith.constant 15 : i32
      %rev3A_2569 = vector.broadcast %rev3A_2568 : i32 to vector<16xi32>
      %rev3A_2570 = tpu.iota {dimensions = array<i32: 0>} : vector<16xi32>
      %rev3A_2571 = arith.subi %rev3A_2569, %rev3A_2570 : vector<16xi32>
      %rev3A_2572 = tpu.dynamic_gather %masked_sort3A_2512[%rev3A_2571] in [0] : vector<16xf32>, vector<16xi32> -> vector<16xf32>
      %max3A_2573 = arith.maximumf %masked_sort3A_2494, %rev3A_2572 : vector<16xf32>
      %min3A_2574 = arith.minimumf %max3A_2567, %max3A_2573 : vector<16xf32>
      %max3A_2575 = arith.maximumf %max3A_2567, %max3A_2573 : vector<16xf32>
      %masked_sort3A_2576 = arith.constant dense<true> : vector<16xi1>
      %masked_sort3A_2577, %masked_sort3A_2578, %masked_sort3A_2579 = tpu.sort %min3A_2574, %min3A_2574 masked %masked_sort3A_2576 : (vector<16xf32>, vector<16xf32>, vector<16xi1>) -> (vector<16xi1>, vector<16xf32>, vector<16xf32>)
      %masked_sort3A_2580 = arith.constant dense<true> : vector<16xi1>
      %masked_sort3A_2581, %masked_sort3A_2582, %masked_sort3A_2583 = tpu.sort %max3A_2575, %max3A_2575 masked %masked_sort3A_2580 : (vector<16xf32>, vector<16xf32>, vector<16xi1>) -> (vector<16xi1>, vector<16xf32>, vector<16xf32>)
      %rev3A_2584 = arith.constant 15 : i32
      %rev3A_2585 = vector.broadcast %rev3A_2584 : i32 to vector<16xi32>
      %rev3A_2586 = tpu.iota {dimensions = array<i32: 0>} : vector<16xi32>
      %rev3A_2587 = arith.subi %rev3A_2585, %rev3A_2586 : vector<16xi32>
      %rev3A_2588 = tpu.dynamic_gather %masked_sort3A_2560[%rev3A_2587] in [0] : vector<16xf32>, vector<16xi32> -> vector<16xf32>
      %max3A_2589 = arith.maximumf %masked_sort3A_2534, %rev3A_2588 : vector<16xf32>
      %rev3A_2590 = arith.constant 15 : i32
      %rev3A_2591 = vector.broadcast %rev3A_2590 : i32 to vector<16xi32>
      %rev3A_2592 = tpu.iota {dimensions = array<i32: 0>} : vector<16xi32>
      %rev3A_2593 = arith.subi %rev3A_2591, %rev3A_2592 : vector<16xi32>
      %rev3A_2594 = tpu.dynamic_gather %masked_sort3A_2556[%rev3A_2593] in [0] : vector<16xf32>, vector<16xi32> -> vector<16xf32>
      %max3A_2595 = arith.maximumf %masked_sort3A_2538, %rev3A_2594 : vector<16xf32>
      %min3A_2596 = arith.minimumf %max3A_2589, %max3A_2595 : vector<16xf32>
      %max3A_2597 = arith.maximumf %max3A_2589, %max3A_2595 : vector<16xf32>
      %masked_sort3A_2598 = arith.constant dense<true> : vector<16xi1>
      %masked_sort3A_2599, %masked_sort3A_2600, %masked_sort3A_2601 = tpu.sort %min3A_2596, %min3A_2596 masked %masked_sort3A_2598 : (vector<16xf32>, vector<16xf32>, vector<16xi1>) -> (vector<16xi1>, vector<16xf32>, vector<16xf32>)
      %masked_sort3A_2602 = arith.constant dense<true> : vector<16xi1>
      %masked_sort3A_2603, %masked_sort3A_2604, %masked_sort3A_2605 = tpu.sort %max3A_2597, %max3A_2597 masked %masked_sort3A_2602 : (vector<16xf32>, vector<16xf32>, vector<16xi1>) -> (vector<16xi1>, vector<16xf32>, vector<16xf32>)
      %rev3A_2606 = arith.constant 15 : i32
      %rev3A_2607 = vector.broadcast %rev3A_2606 : i32 to vector<16xi32>
      %rev3A_2608 = tpu.iota {dimensions = array<i32: 0>} : vector<16xi32>
      %rev3A_2609 = arith.subi %rev3A_2607, %rev3A_2608 : vector<16xi32>
      %rev3A_2610 = tpu.dynamic_gather %masked_sort3A_2604[%rev3A_2609] in [0] : vector<16xf32>, vector<16xi32> -> vector<16xf32>
      %max3A_2611 = arith.maximumf %masked_sort3A_2578, %rev3A_2610 : vector<16xf32>
      %rev3A_2612 = arith.constant 15 : i32
      %rev3A_2613 = vector.broadcast %rev3A_2612 : i32 to vector<16xi32>
      %rev3A_2614 = tpu.iota {dimensions = array<i32: 0>} : vector<16xi32>
      %rev3A_2615 = arith.subi %rev3A_2613, %rev3A_2614 : vector<16xi32>
      %rev3A_2616 = tpu.dynamic_gather %masked_sort3A_2600[%rev3A_2615] in [0] : vector<16xf32>, vector<16xi32> -> vector<16xf32>
      %max3A_2617 = arith.maximumf %masked_sort3A_2582, %rev3A_2616 : vector<16xf32>
      %min3A_2618 = arith.minimumf %max3A_2611, %max3A_2617 : vector<16xf32>
      %max3A_2619 = arith.maximumf %max3A_2611, %max3A_2617 : vector<16xf32>
      %masked_sort3A_2620 = arith.constant dense<true> : vector<16xi1>
      %masked_sort3A_2621, %masked_sort3A_2622, %masked_sort3A_2623 = tpu.sort %min3A_2618, %min3A_2618 masked %masked_sort3A_2620 : (vector<16xf32>, vector<16xf32>, vector<16xi1>) -> (vector<16xi1>, vector<16xf32>, vector<16xf32>)
      %masked_sort3A_2624 = arith.constant dense<true> : vector<16xi1>
      %masked_sort3A_2625, %masked_sort3A_2626, %masked_sort3A_2627 = tpu.sort %max3A_2619, %max3A_2619 masked %masked_sort3A_2624 : (vector<16xf32>, vector<16xf32>, vector<16xi1>) -> (vector<16xi1>, vector<16xf32>, vector<16xf32>)
      %masked_sort3A_2628 = arith.constant dense<true> : vector<16xi1>
      %masked_sort3A_2629, %masked_sort3A_2630, %masked_sort3A_2631 = tpu.sort %select_n3A_16, %select_n3A_16 masked %masked_sort3A_2628 : (vector<16xf32>, vector<16xf32>, vector<16xi1>) -> (vector<16xi1>, vector<16xf32>, vector<16xf32>)
      %masked_sort3A_2632 = arith.constant dense<true> : vector<16xi1>
      %masked_sort3A_2633, %masked_sort3A_2634, %masked_sort3A_2635 = tpu.sort %select_n3A_35, %select_n3A_35 masked %masked_sort3A_2632 : (vector<16xf32>, vector<16xf32>, vector<16xi1>) -> (vector<16xi1>, vector<16xf32>, vector<16xf32>)
      %masked_sort3A_2636 = arith.constant dense<true> : vector<16xi1>
      %masked_sort3A_2637, %masked_sort3A_2638, %masked_sort3A_2639 = tpu.sort %select_n3A_54, %select_n3A_54 masked %masked_sort3A_2636 : (vector<16xf32>, vector<16xf32>, vector<16xi1>) -> (vector<16xi1>, vector<16xf32>, vector<16xf32>)
      %masked_sort3A_2640 = arith.constant dense<true> : vector<16xi1>
      %masked_sort3A_2641, %masked_sort3A_2642, %masked_sort3A_2643 = tpu.sort %select_n3A_73, %select_n3A_73 masked %masked_sort3A_2640 : (vector<16xf32>, vector<16xf32>, vector<16xi1>) -> (vector<16xi1>, vector<16xf32>, vector<16xf32>)
      %masked_sort3A_2644 = arith.constant dense<true> : vector<16xi1>
      %masked_sort3A_2645, %masked_sort3A_2646, %masked_sort3A_2647 = tpu.sort %select_n3A_92, %select_n3A_92 masked %masked_sort3A_2644 : (vector<16xf32>, vector<16xf32>, vector<16xi1>) -> (vector<16xi1>, vector<16xf32>, vector<16xf32>)
      %masked_sort3A_2648 = arith.constant dense<true> : vector<16xi1>
      %masked_sort3A_2649, %masked_sort3A_2650, %masked_sort3A_2651 = tpu.sort %select_n3A_111, %select_n3A_111 masked %masked_sort3A_2648 : (vector<16xf32>, vector<16xf32>, vector<16xi1>) -> (vector<16xi1>, vector<16xf32>, vector<16xf32>)
      %masked_sort3A_2652 = arith.constant dense<true> : vector<16xi1>
      %masked_sort3A_2653, %masked_sort3A_2654, %masked_sort3A_2655 = tpu.sort %select_n3A_130, %select_n3A_130 masked %masked_sort3A_2652 : (vector<16xf32>, vector<16xf32>, vector<16xi1>) -> (vector<16xi1>, vector<16xf32>, vector<16xf32>)
      %masked_sort3A_2656 = arith.constant dense<true> : vector<16xi1>
      %masked_sort3A_2657, %masked_sort3A_2658, %masked_sort3A_2659 = tpu.sort %select_n3A_149, %select_n3A_149 masked %masked_sort3A_2656 : (vector<16xf32>, vector<16xf32>, vector<16xi1>) -> (vector<16xi1>, vector<16xf32>, vector<16xf32>)
      %masked_sort3A_2660 = arith.constant dense<true> : vector<16xi1>
      %masked_sort3A_2661, %masked_sort3A_2662, %masked_sort3A_2663 = tpu.sort %select_n3A_168, %select_n3A_168 masked %masked_sort3A_2660 : (vector<16xf32>, vector<16xf32>, vector<16xi1>) -> (vector<16xi1>, vector<16xf32>, vector<16xf32>)
      %masked_sort3A_2664 = arith.constant dense<true> : vector<16xi1>
      %masked_sort3A_2665, %masked_sort3A_2666, %masked_sort3A_2667 = tpu.sort %select_n3A_187, %select_n3A_187 masked %masked_sort3A_2664 : (vector<16xf32>, vector<16xf32>, vector<16xi1>) -> (vector<16xi1>, vector<16xf32>, vector<16xf32>)
      %masked_sort3A_2668 = arith.constant dense<true> : vector<16xi1>
      %masked_sort3A_2669, %masked_sort3A_2670, %masked_sort3A_2671 = tpu.sort %select_n3A_206, %select_n3A_206 masked %masked_sort3A_2668 : (vector<16xf32>, vector<16xf32>, vector<16xi1>) -> (vector<16xi1>, vector<16xf32>, vector<16xf32>)
      %masked_sort3A_2672 = arith.constant dense<true> : vector<16xi1>
      %masked_sort3A_2673, %masked_sort3A_2674, %masked_sort3A_2675 = tpu.sort %select_n3A_225, %select_n3A_225 masked %masked_sort3A_2672 : (vector<16xf32>, vector<16xf32>, vector<16xi1>) -> (vector<16xi1>, vector<16xf32>, vector<16xf32>)
      %masked_sort3A_2676 = arith.constant dense<true> : vector<16xi1>
      %masked_sort3A_2677, %masked_sort3A_2678, %masked_sort3A_2679 = tpu.sort %select_n3A_244, %select_n3A_244 masked %masked_sort3A_2676 : (vector<16xf32>, vector<16xf32>, vector<16xi1>) -> (vector<16xi1>, vector<16xf32>, vector<16xf32>)
      %masked_sort3A_2680 = arith.constant dense<true> : vector<16xi1>
      %masked_sort3A_2681, %masked_sort3A_2682, %masked_sort3A_2683 = tpu.sort %select_n3A_263, %select_n3A_263 masked %masked_sort3A_2680 : (vector<16xf32>, vector<16xf32>, vector<16xi1>) -> (vector<16xi1>, vector<16xf32>, vector<16xf32>)
      %masked_sort3A_2684 = arith.constant dense<true> : vector<16xi1>
      %masked_sort3A_2685, %masked_sort3A_2686, %masked_sort3A_2687 = tpu.sort %select_n3A_282, %select_n3A_282 masked %masked_sort3A_2684 : (vector<16xf32>, vector<16xf32>, vector<16xi1>) -> (vector<16xi1>, vector<16xf32>, vector<16xf32>)
      %masked_sort3A_2688 = arith.constant dense<true> : vector<16xi1>
      %masked_sort3A_2689, %masked_sort3A_2690, %masked_sort3A_2691 = tpu.sort %select_n3A_301, %select_n3A_301 masked %masked_sort3A_2688 : (vector<16xf32>, vector<16xf32>, vector<16xi1>) -> (vector<16xi1>, vector<16xf32>, vector<16xf32>)
      %masked_sort3A_2692 = arith.constant dense<true> : vector<16xi1>
      %masked_sort3A_2693, %masked_sort3A_2694, %masked_sort3A_2695 = tpu.sort %select_n3A_320, %select_n3A_320 masked %masked_sort3A_2692 : (vector<16xf32>, vector<16xf32>, vector<16xi1>) -> (vector<16xi1>, vector<16xf32>, vector<16xf32>)
      %masked_sort3A_2696 = arith.constant dense<true> : vector<16xi1>
      %masked_sort3A_2697, %masked_sort3A_2698, %masked_sort3A_2699 = tpu.sort %select_n3A_339, %select_n3A_339 masked %masked_sort3A_2696 : (vector<16xf32>, vector<16xf32>, vector<16xi1>) -> (vector<16xi1>, vector<16xf32>, vector<16xf32>)
      %masked_sort3A_2700 = arith.constant dense<true> : vector<16xi1>
      %masked_sort3A_2701, %masked_sort3A_2702, %masked_sort3A_2703 = tpu.sort %select_n3A_358, %select_n3A_358 masked %masked_sort3A_2700 : (vector<16xf32>, vector<16xf32>, vector<16xi1>) -> (vector<16xi1>, vector<16xf32>, vector<16xf32>)
      %masked_sort3A_2704 = arith.constant dense<true> : vector<16xi1>
      %masked_sort3A_2705, %masked_sort3A_2706, %masked_sort3A_2707 = tpu.sort %select_n3A_377, %select_n3A_377 masked %masked_sort3A_2704 : (vector<16xf32>, vector<16xf32>, vector<16xi1>) -> (vector<16xi1>, vector<16xf32>, vector<16xf32>)
      %masked_sort3A_2708 = arith.constant dense<true> : vector<16xi1>
      %masked_sort3A_2709, %masked_sort3A_2710, %masked_sort3A_2711 = tpu.sort %select_n3A_396, %select_n3A_396 masked %masked_sort3A_2708 : (vector<16xf32>, vector<16xf32>, vector<16xi1>) -> (vector<16xi1>, vector<16xf32>, vector<16xf32>)
      %masked_sort3A_2712 = arith.constant dense<true> : vector<16xi1>
      %masked_sort3A_2713, %masked_sort3A_2714, %masked_sort3A_2715 = tpu.sort %select_n3A_415, %select_n3A_415 masked %masked_sort3A_2712 : (vector<16xf32>, vector<16xf32>, vector<16xi1>) -> (vector<16xi1>, vector<16xf32>, vector<16xf32>)
      %masked_sort3A_2716 = arith.constant dense<true> : vector<16xi1>
      %masked_sort3A_2717, %masked_sort3A_2718, %masked_sort3A_2719 = tpu.sort %select_n3A_434, %select_n3A_434 masked %masked_sort3A_2716 : (vector<16xf32>, vector<16xf32>, vector<16xi1>) -> (vector<16xi1>, vector<16xf32>, vector<16xf32>)
      %masked_sort3A_2720 = arith.constant dense<true> : vector<16xi1>
      %masked_sort3A_2721, %masked_sort3A_2722, %masked_sort3A_2723 = tpu.sort %select_n3A_453, %select_n3A_453 masked %masked_sort3A_2720 : (vector<16xf32>, vector<16xf32>, vector<16xi1>) -> (vector<16xi1>, vector<16xf32>, vector<16xf32>)
      %masked_sort3A_2724 = arith.constant dense<true> : vector<16xi1>
      %masked_sort3A_2725, %masked_sort3A_2726, %masked_sort3A_2727 = tpu.sort %select_n3A_472, %select_n3A_472 masked %masked_sort3A_2724 : (vector<16xf32>, vector<16xf32>, vector<16xi1>) -> (vector<16xi1>, vector<16xf32>, vector<16xf32>)
      %masked_sort3A_2728 = arith.constant dense<true> : vector<16xi1>
      %masked_sort3A_2729, %masked_sort3A_2730, %masked_sort3A_2731 = tpu.sort %select_n3A_491, %select_n3A_491 masked %masked_sort3A_2728 : (vector<16xf32>, vector<16xf32>, vector<16xi1>) -> (vector<16xi1>, vector<16xf32>, vector<16xf32>)
      %masked_sort3A_2732 = arith.constant dense<true> : vector<16xi1>
      %masked_sort3A_2733, %masked_sort3A_2734, %masked_sort3A_2735 = tpu.sort %select_n3A_510, %select_n3A_510 masked %masked_sort3A_2732 : (vector<16xf32>, vector<16xf32>, vector<16xi1>) -> (vector<16xi1>, vector<16xf32>, vector<16xf32>)
      %masked_sort3A_2736 = arith.constant dense<true> : vector<16xi1>
      %masked_sort3A_2737, %masked_sort3A_2738, %masked_sort3A_2739 = tpu.sort %select_n3A_529, %select_n3A_529 masked %masked_sort3A_2736 : (vector<16xf32>, vector<16xf32>, vector<16xi1>) -> (vector<16xi1>, vector<16xf32>, vector<16xf32>)
      %masked_sort3A_2740 = arith.constant dense<true> : vector<16xi1>
      %masked_sort3A_2741, %masked_sort3A_2742, %masked_sort3A_2743 = tpu.sort %select_n3A_548, %select_n3A_548 masked %masked_sort3A_2740 : (vector<16xf32>, vector<16xf32>, vector<16xi1>) -> (vector<16xi1>, vector<16xf32>, vector<16xf32>)
      %masked_sort3A_2744 = arith.constant dense<true> : vector<16xi1>
      %masked_sort3A_2745, %masked_sort3A_2746, %masked_sort3A_2747 = tpu.sort %select_n3A_567, %select_n3A_567 masked %masked_sort3A_2744 : (vector<16xf32>, vector<16xf32>, vector<16xi1>) -> (vector<16xi1>, vector<16xf32>, vector<16xf32>)
      %masked_sort3A_2748 = arith.constant dense<true> : vector<16xi1>
      %masked_sort3A_2749, %masked_sort3A_2750, %masked_sort3A_2751 = tpu.sort %select_n3A_586, %select_n3A_586 masked %masked_sort3A_2748 : (vector<16xf32>, vector<16xf32>, vector<16xi1>) -> (vector<16xi1>, vector<16xf32>, vector<16xf32>)
      %masked_sort3A_2752 = arith.constant dense<true> : vector<16xi1>
      %masked_sort3A_2753, %masked_sort3A_2754, %masked_sort3A_2755 = tpu.sort %select_n3A_605, %select_n3A_605 masked %masked_sort3A_2752 : (vector<16xf32>, vector<16xf32>, vector<16xi1>) -> (vector<16xi1>, vector<16xf32>, vector<16xf32>)
      %masked_sort3A_2756 = arith.constant dense<true> : vector<16xi1>
      %masked_sort3A_2757, %masked_sort3A_2758, %masked_sort3A_2759 = tpu.sort %select_n3A_624, %select_n3A_624 masked %masked_sort3A_2756 : (vector<16xf32>, vector<16xf32>, vector<16xi1>) -> (vector<16xi1>, vector<16xf32>, vector<16xf32>)
      %masked_sort3A_2760 = arith.constant dense<true> : vector<16xi1>
      %masked_sort3A_2761, %masked_sort3A_2762, %masked_sort3A_2763 = tpu.sort %select_n3A_643, %select_n3A_643 masked %masked_sort3A_2760 : (vector<16xf32>, vector<16xf32>, vector<16xi1>) -> (vector<16xi1>, vector<16xf32>, vector<16xf32>)
      %masked_sort3A_2764 = arith.constant dense<true> : vector<16xi1>
      %masked_sort3A_2765, %masked_sort3A_2766, %masked_sort3A_2767 = tpu.sort %select_n3A_662, %select_n3A_662 masked %masked_sort3A_2764 : (vector<16xf32>, vector<16xf32>, vector<16xi1>) -> (vector<16xi1>, vector<16xf32>, vector<16xf32>)
      %masked_sort3A_2768 = arith.constant dense<true> : vector<16xi1>
      %masked_sort3A_2769, %masked_sort3A_2770, %masked_sort3A_2771 = tpu.sort %select_n3A_681, %select_n3A_681 masked %masked_sort3A_2768 : (vector<16xf32>, vector<16xf32>, vector<16xi1>) -> (vector<16xi1>, vector<16xf32>, vector<16xf32>)
      %masked_sort3A_2772 = arith.constant dense<true> : vector<16xi1>
      %masked_sort3A_2773, %masked_sort3A_2774, %masked_sort3A_2775 = tpu.sort %select_n3A_700, %select_n3A_700 masked %masked_sort3A_2772 : (vector<16xf32>, vector<16xf32>, vector<16xi1>) -> (vector<16xi1>, vector<16xf32>, vector<16xf32>)
      %masked_sort3A_2776 = arith.constant dense<true> : vector<16xi1>
      %masked_sort3A_2777, %masked_sort3A_2778, %masked_sort3A_2779 = tpu.sort %select_n3A_719, %select_n3A_719 masked %masked_sort3A_2776 : (vector<16xf32>, vector<16xf32>, vector<16xi1>) -> (vector<16xi1>, vector<16xf32>, vector<16xf32>)
      %masked_sort3A_2780 = arith.constant dense<true> : vector<16xi1>
      %masked_sort3A_2781, %masked_sort3A_2782, %masked_sort3A_2783 = tpu.sort %select_n3A_738, %select_n3A_738 masked %masked_sort3A_2780 : (vector<16xf32>, vector<16xf32>, vector<16xi1>) -> (vector<16xi1>, vector<16xf32>, vector<16xf32>)
      %masked_sort3A_2784 = arith.constant dense<true> : vector<16xi1>
      %masked_sort3A_2785, %masked_sort3A_2786, %masked_sort3A_2787 = tpu.sort %select_n3A_757, %select_n3A_757 masked %masked_sort3A_2784 : (vector<16xf32>, vector<16xf32>, vector<16xi1>) -> (vector<16xi1>, vector<16xf32>, vector<16xf32>)
      %masked_sort3A_2788 = arith.constant dense<true> : vector<16xi1>
      %masked_sort3A_2789, %masked_sort3A_2790, %masked_sort3A_2791 = tpu.sort %select_n3A_776, %select_n3A_776 masked %masked_sort3A_2788 : (vector<16xf32>, vector<16xf32>, vector<16xi1>) -> (vector<16xi1>, vector<16xf32>, vector<16xf32>)
      %masked_sort3A_2792 = arith.constant dense<true> : vector<16xi1>
      %masked_sort3A_2793, %masked_sort3A_2794, %masked_sort3A_2795 = tpu.sort %select_n3A_795, %select_n3A_795 masked %masked_sort3A_2792 : (vector<16xf32>, vector<16xf32>, vector<16xi1>) -> (vector<16xi1>, vector<16xf32>, vector<16xf32>)
      %masked_sort3A_2796 = arith.constant dense<true> : vector<16xi1>
      %masked_sort3A_2797, %masked_sort3A_2798, %masked_sort3A_2799 = tpu.sort %select_n3A_814, %select_n3A_814 masked %masked_sort3A_2796 : (vector<16xf32>, vector<16xf32>, vector<16xi1>) -> (vector<16xi1>, vector<16xf32>, vector<16xf32>)
      %masked_sort3A_2800 = arith.constant dense<true> : vector<16xi1>
      %masked_sort3A_2801, %masked_sort3A_2802, %masked_sort3A_2803 = tpu.sort %select_n3A_833, %select_n3A_833 masked %masked_sort3A_2800 : (vector<16xf32>, vector<16xf32>, vector<16xi1>) -> (vector<16xi1>, vector<16xf32>, vector<16xf32>)
      %masked_sort3A_2804 = arith.constant dense<true> : vector<16xi1>
      %masked_sort3A_2805, %masked_sort3A_2806, %masked_sort3A_2807 = tpu.sort %select_n3A_852, %select_n3A_852 masked %masked_sort3A_2804 : (vector<16xf32>, vector<16xf32>, vector<16xi1>) -> (vector<16xi1>, vector<16xf32>, vector<16xf32>)
      %masked_sort3A_2808 = arith.constant dense<true> : vector<16xi1>
      %masked_sort3A_2809, %masked_sort3A_2810, %masked_sort3A_2811 = tpu.sort %select_n3A_871, %select_n3A_871 masked %masked_sort3A_2808 : (vector<16xf32>, vector<16xf32>, vector<16xi1>) -> (vector<16xi1>, vector<16xf32>, vector<16xf32>)
      %masked_sort3A_2812 = arith.constant dense<true> : vector<16xi1>
      %masked_sort3A_2813, %masked_sort3A_2814, %masked_sort3A_2815 = tpu.sort %select_n3A_890, %select_n3A_890 masked %masked_sort3A_2812 : (vector<16xf32>, vector<16xf32>, vector<16xi1>) -> (vector<16xi1>, vector<16xf32>, vector<16xf32>)
      %masked_sort3A_2816 = arith.constant dense<true> : vector<16xi1>
      %masked_sort3A_2817, %masked_sort3A_2818, %masked_sort3A_2819 = tpu.sort %select_n3A_909, %select_n3A_909 masked %masked_sort3A_2816 : (vector<16xf32>, vector<16xf32>, vector<16xi1>) -> (vector<16xi1>, vector<16xf32>, vector<16xf32>)
      %masked_sort3A_2820 = arith.constant dense<true> : vector<16xi1>
      %masked_sort3A_2821, %masked_sort3A_2822, %masked_sort3A_2823 = tpu.sort %select_n3A_928, %select_n3A_928 masked %masked_sort3A_2820 : (vector<16xf32>, vector<16xf32>, vector<16xi1>) -> (vector<16xi1>, vector<16xf32>, vector<16xf32>)
      %masked_sort3A_2824 = arith.constant dense<true> : vector<16xi1>
      %masked_sort3A_2825, %masked_sort3A_2826, %masked_sort3A_2827 = tpu.sort %select_n3A_947, %select_n3A_947 masked %masked_sort3A_2824 : (vector<16xf32>, vector<16xf32>, vector<16xi1>) -> (vector<16xi1>, vector<16xf32>, vector<16xf32>)
      %masked_sort3A_2828 = arith.constant dense<true> : vector<16xi1>
      %masked_sort3A_2829, %masked_sort3A_2830, %masked_sort3A_2831 = tpu.sort %select_n3A_966, %select_n3A_966 masked %masked_sort3A_2828 : (vector<16xf32>, vector<16xf32>, vector<16xi1>) -> (vector<16xi1>, vector<16xf32>, vector<16xf32>)
      %masked_sort3A_2832 = arith.constant dense<true> : vector<16xi1>
      %masked_sort3A_2833, %masked_sort3A_2834, %masked_sort3A_2835 = tpu.sort %select_n3A_985, %select_n3A_985 masked %masked_sort3A_2832 : (vector<16xf32>, vector<16xf32>, vector<16xi1>) -> (vector<16xi1>, vector<16xf32>, vector<16xf32>)
      %masked_sort3A_2836 = arith.constant dense<true> : vector<16xi1>
      %masked_sort3A_2837, %masked_sort3A_2838, %masked_sort3A_2839 = tpu.sort %select_n3A_1004, %select_n3A_1004 masked %masked_sort3A_2836 : (vector<16xf32>, vector<16xf32>, vector<16xi1>) -> (vector<16xi1>, vector<16xf32>, vector<16xf32>)
      %masked_sort3A_2840 = arith.constant dense<true> : vector<16xi1>
      %masked_sort3A_2841, %masked_sort3A_2842, %masked_sort3A_2843 = tpu.sort %select_n3A_1023, %select_n3A_1023 masked %masked_sort3A_2840 : (vector<16xf32>, vector<16xf32>, vector<16xi1>) -> (vector<16xi1>, vector<16xf32>, vector<16xf32>)
      %masked_sort3A_2844 = arith.constant dense<true> : vector<16xi1>
      %masked_sort3A_2845, %masked_sort3A_2846, %masked_sort3A_2847 = tpu.sort %select_n3A_1042, %select_n3A_1042 masked %masked_sort3A_2844 : (vector<16xf32>, vector<16xf32>, vector<16xi1>) -> (vector<16xi1>, vector<16xf32>, vector<16xf32>)
      %masked_sort3A_2848 = arith.constant dense<true> : vector<16xi1>
      %masked_sort3A_2849, %masked_sort3A_2850, %masked_sort3A_2851 = tpu.sort %select_n3A_1061, %select_n3A_1061 masked %masked_sort3A_2848 : (vector<16xf32>, vector<16xf32>, vector<16xi1>) -> (vector<16xi1>, vector<16xf32>, vector<16xf32>)
      %masked_sort3A_2852 = arith.constant dense<true> : vector<16xi1>
      %masked_sort3A_2853, %masked_sort3A_2854, %masked_sort3A_2855 = tpu.sort %select_n3A_1080, %select_n3A_1080 masked %masked_sort3A_2852 : (vector<16xf32>, vector<16xf32>, vector<16xi1>) -> (vector<16xi1>, vector<16xf32>, vector<16xf32>)
      %masked_sort3A_2856 = arith.constant dense<true> : vector<16xi1>
      %masked_sort3A_2857, %masked_sort3A_2858, %masked_sort3A_2859 = tpu.sort %select_n3A_1099, %select_n3A_1099 masked %masked_sort3A_2856 : (vector<16xf32>, vector<16xf32>, vector<16xi1>) -> (vector<16xi1>, vector<16xf32>, vector<16xf32>)
      %masked_sort3A_2860 = arith.constant dense<true> : vector<16xi1>
      %masked_sort3A_2861, %masked_sort3A_2862, %masked_sort3A_2863 = tpu.sort %select_n3A_1118, %select_n3A_1118 masked %masked_sort3A_2860 : (vector<16xf32>, vector<16xf32>, vector<16xi1>) -> (vector<16xi1>, vector<16xf32>, vector<16xf32>)
      %masked_sort3A_2864 = arith.constant dense<true> : vector<16xi1>
      %masked_sort3A_2865, %masked_sort3A_2866, %masked_sort3A_2867 = tpu.sort %select_n3A_1137, %select_n3A_1137 masked %masked_sort3A_2864 : (vector<16xf32>, vector<16xf32>, vector<16xi1>) -> (vector<16xi1>, vector<16xf32>, vector<16xf32>)
      %masked_sort3A_2868 = arith.constant dense<true> : vector<16xi1>
      %masked_sort3A_2869, %masked_sort3A_2870, %masked_sort3A_2871 = tpu.sort %select_n3A_1156, %select_n3A_1156 masked %masked_sort3A_2868 : (vector<16xf32>, vector<16xf32>, vector<16xi1>) -> (vector<16xi1>, vector<16xf32>, vector<16xf32>)
      %masked_sort3A_2872 = arith.constant dense<true> : vector<16xi1>
      %masked_sort3A_2873, %masked_sort3A_2874, %masked_sort3A_2875 = tpu.sort %select_n3A_1175, %select_n3A_1175 masked %masked_sort3A_2872 : (vector<16xf32>, vector<16xf32>, vector<16xi1>) -> (vector<16xi1>, vector<16xf32>, vector<16xf32>)
      %masked_sort3A_2876 = arith.constant dense<true> : vector<16xi1>
      %masked_sort3A_2877, %masked_sort3A_2878, %masked_sort3A_2879 = tpu.sort %select_n3A_1194, %select_n3A_1194 masked %masked_sort3A_2876 : (vector<16xf32>, vector<16xf32>, vector<16xi1>) -> (vector<16xi1>, vector<16xf32>, vector<16xf32>)
      %masked_sort3A_2880 = arith.constant dense<true> : vector<16xi1>
      %masked_sort3A_2881, %masked_sort3A_2882, %masked_sort3A_2883 = tpu.sort %select_n3A_1213, %select_n3A_1213 masked %masked_sort3A_2880 : (vector<16xf32>, vector<16xf32>, vector<16xi1>) -> (vector<16xi1>, vector<16xf32>, vector<16xf32>)
      %rev3A_2884 = arith.constant 15 : i32
      %rev3A_2885 = vector.broadcast %rev3A_2884 : i32 to vector<16xi32>
      %rev3A_2886 = tpu.iota {dimensions = array<i32: 0>} : vector<16xi32>
      %rev3A_2887 = arith.subi %rev3A_2885, %rev3A_2886 : vector<16xi32>
      %rev3A_2888 = tpu.dynamic_gather %masked_sort3A_2634[%rev3A_2887] in [0] : vector<16xf32>, vector<16xi32> -> vector<16xf32>
      %min3A_2889 = arith.minimumf %masked_sort3A_2630, %rev3A_2888 : vector<16xf32>
      %max3A_2890 = arith.maximumf %masked_sort3A_2630, %rev3A_2888 : vector<16xf32>
      %masked_sort3A_2891 = arith.constant dense<true> : vector<16xi1>
      %masked_sort3A_2892, %masked_sort3A_2893, %masked_sort3A_2894 = tpu.sort %min3A_2889, %min3A_2889 masked %masked_sort3A_2891 : (vector<16xf32>, vector<16xf32>, vector<16xi1>) -> (vector<16xi1>, vector<16xf32>, vector<16xf32>)
      %masked_sort3A_2895 = arith.constant dense<true> : vector<16xi1>
      %masked_sort3A_2896, %masked_sort3A_2897, %masked_sort3A_2898 = tpu.sort %max3A_2890, %max3A_2890 masked %masked_sort3A_2895 : (vector<16xf32>, vector<16xf32>, vector<16xi1>) -> (vector<16xi1>, vector<16xf32>, vector<16xf32>)
      %rev3A_2899 = arith.constant 15 : i32
      %rev3A_2900 = vector.broadcast %rev3A_2899 : i32 to vector<16xi32>
      %rev3A_2901 = tpu.iota {dimensions = array<i32: 0>} : vector<16xi32>
      %rev3A_2902 = arith.subi %rev3A_2900, %rev3A_2901 : vector<16xi32>
      %rev3A_2903 = tpu.dynamic_gather %masked_sort3A_2642[%rev3A_2902] in [0] : vector<16xf32>, vector<16xi32> -> vector<16xf32>
      %min3A_2904 = arith.minimumf %masked_sort3A_2638, %rev3A_2903 : vector<16xf32>
      %max3A_2905 = arith.maximumf %masked_sort3A_2638, %rev3A_2903 : vector<16xf32>
      %masked_sort3A_2906 = arith.constant dense<true> : vector<16xi1>
      %masked_sort3A_2907, %masked_sort3A_2908, %masked_sort3A_2909 = tpu.sort %min3A_2904, %min3A_2904 masked %masked_sort3A_2906 : (vector<16xf32>, vector<16xf32>, vector<16xi1>) -> (vector<16xi1>, vector<16xf32>, vector<16xf32>)
      %masked_sort3A_2910 = arith.constant dense<true> : vector<16xi1>
      %masked_sort3A_2911, %masked_sort3A_2912, %masked_sort3A_2913 = tpu.sort %max3A_2905, %max3A_2905 masked %masked_sort3A_2910 : (vector<16xf32>, vector<16xf32>, vector<16xi1>) -> (vector<16xi1>, vector<16xf32>, vector<16xf32>)
      %rev3A_2914 = arith.constant 15 : i32
      %rev3A_2915 = vector.broadcast %rev3A_2914 : i32 to vector<16xi32>
      %rev3A_2916 = tpu.iota {dimensions = array<i32: 0>} : vector<16xi32>
      %rev3A_2917 = arith.subi %rev3A_2915, %rev3A_2916 : vector<16xi32>
      %rev3A_2918 = tpu.dynamic_gather %masked_sort3A_2650[%rev3A_2917] in [0] : vector<16xf32>, vector<16xi32> -> vector<16xf32>
      %min3A_2919 = arith.minimumf %masked_sort3A_2646, %rev3A_2918 : vector<16xf32>
      %max3A_2920 = arith.maximumf %masked_sort3A_2646, %rev3A_2918 : vector<16xf32>
      %masked_sort3A_2921 = arith.constant dense<true> : vector<16xi1>
      %masked_sort3A_2922, %masked_sort3A_2923, %masked_sort3A_2924 = tpu.sort %min3A_2919, %min3A_2919 masked %masked_sort3A_2921 : (vector<16xf32>, vector<16xf32>, vector<16xi1>) -> (vector<16xi1>, vector<16xf32>, vector<16xf32>)
      %masked_sort3A_2925 = arith.constant dense<true> : vector<16xi1>
      %masked_sort3A_2926, %masked_sort3A_2927, %masked_sort3A_2928 = tpu.sort %max3A_2920, %max3A_2920 masked %masked_sort3A_2925 : (vector<16xf32>, vector<16xf32>, vector<16xi1>) -> (vector<16xi1>, vector<16xf32>, vector<16xf32>)
      %rev3A_2929 = arith.constant 15 : i32
      %rev3A_2930 = vector.broadcast %rev3A_2929 : i32 to vector<16xi32>
      %rev3A_2931 = tpu.iota {dimensions = array<i32: 0>} : vector<16xi32>
      %rev3A_2932 = arith.subi %rev3A_2930, %rev3A_2931 : vector<16xi32>
      %rev3A_2933 = tpu.dynamic_gather %masked_sort3A_2658[%rev3A_2932] in [0] : vector<16xf32>, vector<16xi32> -> vector<16xf32>
      %min3A_2934 = arith.minimumf %masked_sort3A_2654, %rev3A_2933 : vector<16xf32>
      %max3A_2935 = arith.maximumf %masked_sort3A_2654, %rev3A_2933 : vector<16xf32>
      %masked_sort3A_2936 = arith.constant dense<true> : vector<16xi1>
      %masked_sort3A_2937, %masked_sort3A_2938, %masked_sort3A_2939 = tpu.sort %min3A_2934, %min3A_2934 masked %masked_sort3A_2936 : (vector<16xf32>, vector<16xf32>, vector<16xi1>) -> (vector<16xi1>, vector<16xf32>, vector<16xf32>)
      %masked_sort3A_2940 = arith.constant dense<true> : vector<16xi1>
      %masked_sort3A_2941, %masked_sort3A_2942, %masked_sort3A_2943 = tpu.sort %max3A_2935, %max3A_2935 masked %masked_sort3A_2940 : (vector<16xf32>, vector<16xf32>, vector<16xi1>) -> (vector<16xi1>, vector<16xf32>, vector<16xf32>)
      %rev3A_2944 = arith.constant 15 : i32
      %rev3A_2945 = vector.broadcast %rev3A_2944 : i32 to vector<16xi32>
      %rev3A_2946 = tpu.iota {dimensions = array<i32: 0>} : vector<16xi32>
      %rev3A_2947 = arith.subi %rev3A_2945, %rev3A_2946 : vector<16xi32>
      %rev3A_2948 = tpu.dynamic_gather %masked_sort3A_2666[%rev3A_2947] in [0] : vector<16xf32>, vector<16xi32> -> vector<16xf32>
      %min3A_2949 = arith.minimumf %masked_sort3A_2662, %rev3A_2948 : vector<16xf32>
      %max3A_2950 = arith.maximumf %masked_sort3A_2662, %rev3A_2948 : vector<16xf32>
      %masked_sort3A_2951 = arith.constant dense<true> : vector<16xi1>
      %masked_sort3A_2952, %masked_sort3A_2953, %masked_sort3A_2954 = tpu.sort %min3A_2949, %min3A_2949 masked %masked_sort3A_2951 : (vector<16xf32>, vector<16xf32>, vector<16xi1>) -> (vector<16xi1>, vector<16xf32>, vector<16xf32>)
      %masked_sort3A_2955 = arith.constant dense<true> : vector<16xi1>
      %masked_sort3A_2956, %masked_sort3A_2957, %masked_sort3A_2958 = tpu.sort %max3A_2950, %max3A_2950 masked %masked_sort3A_2955 : (vector<16xf32>, vector<16xf32>, vector<16xi1>) -> (vector<16xi1>, vector<16xf32>, vector<16xf32>)
      %rev3A_2959 = arith.constant 15 : i32
      %rev3A_2960 = vector.broadcast %rev3A_2959 : i32 to vector<16xi32>
      %rev3A_2961 = tpu.iota {dimensions = array<i32: 0>} : vector<16xi32>
      %rev3A_2962 = arith.subi %rev3A_2960, %rev3A_2961 : vector<16xi32>
      %rev3A_2963 = tpu.dynamic_gather %masked_sort3A_2674[%rev3A_2962] in [0] : vector<16xf32>, vector<16xi32> -> vector<16xf32>
      %min3A_2964 = arith.minimumf %masked_sort3A_2670, %rev3A_2963 : vector<16xf32>
      %max3A_2965 = arith.maximumf %masked_sort3A_2670, %rev3A_2963 : vector<16xf32>
      %masked_sort3A_2966 = arith.constant dense<true> : vector<16xi1>
      %masked_sort3A_2967, %masked_sort3A_2968, %masked_sort3A_2969 = tpu.sort %min3A_2964, %min3A_2964 masked %masked_sort3A_2966 : (vector<16xf32>, vector<16xf32>, vector<16xi1>) -> (vector<16xi1>, vector<16xf32>, vector<16xf32>)
      %masked_sort3A_2970 = arith.constant dense<true> : vector<16xi1>
      %masked_sort3A_2971, %masked_sort3A_2972, %masked_sort3A_2973 = tpu.sort %max3A_2965, %max3A_2965 masked %masked_sort3A_2970 : (vector<16xf32>, vector<16xf32>, vector<16xi1>) -> (vector<16xi1>, vector<16xf32>, vector<16xf32>)
      %rev3A_2974 = arith.constant 15 : i32
      %rev3A_2975 = vector.broadcast %rev3A_2974 : i32 to vector<16xi32>
      %rev3A_2976 = tpu.iota {dimensions = array<i32: 0>} : vector<16xi32>
      %rev3A_2977 = arith.subi %rev3A_2975, %rev3A_2976 : vector<16xi32>
      %rev3A_2978 = tpu.dynamic_gather %masked_sort3A_2682[%rev3A_2977] in [0] : vector<16xf32>, vector<16xi32> -> vector<16xf32>
      %min3A_2979 = arith.minimumf %masked_sort3A_2678, %rev3A_2978 : vector<16xf32>
      %max3A_2980 = arith.maximumf %masked_sort3A_2678, %rev3A_2978 : vector<16xf32>
      %masked_sort3A_2981 = arith.constant dense<true> : vector<16xi1>
      %masked_sort3A_2982, %masked_sort3A_2983, %masked_sort3A_2984 = tpu.sort %min3A_2979, %min3A_2979 masked %masked_sort3A_2981 : (vector<16xf32>, vector<16xf32>, vector<16xi1>) -> (vector<16xi1>, vector<16xf32>, vector<16xf32>)
      %masked_sort3A_2985 = arith.constant dense<true> : vector<16xi1>
      %masked_sort3A_2986, %masked_sort3A_2987, %masked_sort3A_2988 = tpu.sort %max3A_2980, %max3A_2980 masked %masked_sort3A_2985 : (vector<16xf32>, vector<16xf32>, vector<16xi1>) -> (vector<16xi1>, vector<16xf32>, vector<16xf32>)
      %rev3A_2989 = arith.constant 15 : i32
      %rev3A_2990 = vector.broadcast %rev3A_2989 : i32 to vector<16xi32>
      %rev3A_2991 = tpu.iota {dimensions = array<i32: 0>} : vector<16xi32>
      %rev3A_2992 = arith.subi %rev3A_2990, %rev3A_2991 : vector<16xi32>
      %rev3A_2993 = tpu.dynamic_gather %masked_sort3A_2690[%rev3A_2992] in [0] : vector<16xf32>, vector<16xi32> -> vector<16xf32>
      %min3A_2994 = arith.minimumf %masked_sort3A_2686, %rev3A_2993 : vector<16xf32>
      %max3A_2995 = arith.maximumf %masked_sort3A_2686, %rev3A_2993 : vector<16xf32>
      %masked_sort3A_2996 = arith.constant dense<true> : vector<16xi1>
      %masked_sort3A_2997, %masked_sort3A_2998, %masked_sort3A_2999 = tpu.sort %min3A_2994, %min3A_2994 masked %masked_sort3A_2996 : (vector<16xf32>, vector<16xf32>, vector<16xi1>) -> (vector<16xi1>, vector<16xf32>, vector<16xf32>)
      %masked_sort3A_3000 = arith.constant dense<true> : vector<16xi1>
      %masked_sort3A_3001, %masked_sort3A_3002, %masked_sort3A_3003 = tpu.sort %max3A_2995, %max3A_2995 masked %masked_sort3A_3000 : (vector<16xf32>, vector<16xf32>, vector<16xi1>) -> (vector<16xi1>, vector<16xf32>, vector<16xf32>)
      %rev3A_3004 = arith.constant 15 : i32
      %rev3A_3005 = vector.broadcast %rev3A_3004 : i32 to vector<16xi32>
      %rev3A_3006 = tpu.iota {dimensions = array<i32: 0>} : vector<16xi32>
      %rev3A_3007 = arith.subi %rev3A_3005, %rev3A_3006 : vector<16xi32>
      %rev3A_3008 = tpu.dynamic_gather %masked_sort3A_2698[%rev3A_3007] in [0] : vector<16xf32>, vector<16xi32> -> vector<16xf32>
      %min3A_3009 = arith.minimumf %masked_sort3A_2694, %rev3A_3008 : vector<16xf32>
      %max3A_3010 = arith.maximumf %masked_sort3A_2694, %rev3A_3008 : vector<16xf32>
      %masked_sort3A_3011 = arith.constant dense<true> : vector<16xi1>
      %masked_sort3A_3012, %masked_sort3A_3013, %masked_sort3A_3014 = tpu.sort %min3A_3009, %min3A_3009 masked %masked_sort3A_3011 : (vector<16xf32>, vector<16xf32>, vector<16xi1>) -> (vector<16xi1>, vector<16xf32>, vector<16xf32>)
      %masked_sort3A_3015 = arith.constant dense<true> : vector<16xi1>
      %masked_sort3A_3016, %masked_sort3A_3017, %masked_sort3A_3018 = tpu.sort %max3A_3010, %max3A_3010 masked %masked_sort3A_3015 : (vector<16xf32>, vector<16xf32>, vector<16xi1>) -> (vector<16xi1>, vector<16xf32>, vector<16xf32>)
      %rev3A_3019 = arith.constant 15 : i32
      %rev3A_3020 = vector.broadcast %rev3A_3019 : i32 to vector<16xi32>
      %rev3A_3021 = tpu.iota {dimensions = array<i32: 0>} : vector<16xi32>
      %rev3A_3022 = arith.subi %rev3A_3020, %rev3A_3021 : vector<16xi32>
      %rev3A_3023 = tpu.dynamic_gather %masked_sort3A_2706[%rev3A_3022] in [0] : vector<16xf32>, vector<16xi32> -> vector<16xf32>
      %min3A_3024 = arith.minimumf %masked_sort3A_2702, %rev3A_3023 : vector<16xf32>
      %max3A_3025 = arith.maximumf %masked_sort3A_2702, %rev3A_3023 : vector<16xf32>
      %masked_sort3A_3026 = arith.constant dense<true> : vector<16xi1>
      %masked_sort3A_3027, %masked_sort3A_3028, %masked_sort3A_3029 = tpu.sort %min3A_3024, %min3A_3024 masked %masked_sort3A_3026 : (vector<16xf32>, vector<16xf32>, vector<16xi1>) -> (vector<16xi1>, vector<16xf32>, vector<16xf32>)
      %masked_sort3A_3030 = arith.constant dense<true> : vector<16xi1>
      %masked_sort3A_3031, %masked_sort3A_3032, %masked_sort3A_3033 = tpu.sort %max3A_3025, %max3A_3025 masked %masked_sort3A_3030 : (vector<16xf32>, vector<16xf32>, vector<16xi1>) -> (vector<16xi1>, vector<16xf32>, vector<16xf32>)
      %rev3A_3034 = arith.constant 15 : i32
      %rev3A_3035 = vector.broadcast %rev3A_3034 : i32 to vector<16xi32>
      %rev3A_3036 = tpu.iota {dimensions = array<i32: 0>} : vector<16xi32>
      %rev3A_3037 = arith.subi %rev3A_3035, %rev3A_3036 : vector<16xi32>
      %rev3A_3038 = tpu.dynamic_gather %masked_sort3A_2714[%rev3A_3037] in [0] : vector<16xf32>, vector<16xi32> -> vector<16xf32>
      %min3A_3039 = arith.minimumf %masked_sort3A_2710, %rev3A_3038 : vector<16xf32>
      %max3A_3040 = arith.maximumf %masked_sort3A_2710, %rev3A_3038 : vector<16xf32>
      %masked_sort3A_3041 = arith.constant dense<true> : vector<16xi1>
      %masked_sort3A_3042, %masked_sort3A_3043, %masked_sort3A_3044 = tpu.sort %min3A_3039, %min3A_3039 masked %masked_sort3A_3041 : (vector<16xf32>, vector<16xf32>, vector<16xi1>) -> (vector<16xi1>, vector<16xf32>, vector<16xf32>)
      %masked_sort3A_3045 = arith.constant dense<true> : vector<16xi1>
      %masked_sort3A_3046, %masked_sort3A_3047, %masked_sort3A_3048 = tpu.sort %max3A_3040, %max3A_3040 masked %masked_sort3A_3045 : (vector<16xf32>, vector<16xf32>, vector<16xi1>) -> (vector<16xi1>, vector<16xf32>, vector<16xf32>)
      %rev3A_3049 = arith.constant 15 : i32
      %rev3A_3050 = vector.broadcast %rev3A_3049 : i32 to vector<16xi32>
      %rev3A_3051 = tpu.iota {dimensions = array<i32: 0>} : vector<16xi32>
      %rev3A_3052 = arith.subi %rev3A_3050, %rev3A_3051 : vector<16xi32>
      %rev3A_3053 = tpu.dynamic_gather %masked_sort3A_2722[%rev3A_3052] in [0] : vector<16xf32>, vector<16xi32> -> vector<16xf32>
      %min3A_3054 = arith.minimumf %masked_sort3A_2718, %rev3A_3053 : vector<16xf32>
      %max3A_3055 = arith.maximumf %masked_sort3A_2718, %rev3A_3053 : vector<16xf32>
      %masked_sort3A_3056 = arith.constant dense<true> : vector<16xi1>
      %masked_sort3A_3057, %masked_sort3A_3058, %masked_sort3A_3059 = tpu.sort %min3A_3054, %min3A_3054 masked %masked_sort3A_3056 : (vector<16xf32>, vector<16xf32>, vector<16xi1>) -> (vector<16xi1>, vector<16xf32>, vector<16xf32>)
      %masked_sort3A_3060 = arith.constant dense<true> : vector<16xi1>
      %masked_sort3A_3061, %masked_sort3A_3062, %masked_sort3A_3063 = tpu.sort %max3A_3055, %max3A_3055 masked %masked_sort3A_3060 : (vector<16xf32>, vector<16xf32>, vector<16xi1>) -> (vector<16xi1>, vector<16xf32>, vector<16xf32>)
      %rev3A_3064 = arith.constant 15 : i32
      %rev3A_3065 = vector.broadcast %rev3A_3064 : i32 to vector<16xi32>
      %rev3A_3066 = tpu.iota {dimensions = array<i32: 0>} : vector<16xi32>
      %rev3A_3067 = arith.subi %rev3A_3065, %rev3A_3066 : vector<16xi32>
      %rev3A_3068 = tpu.dynamic_gather %masked_sort3A_2730[%rev3A_3067] in [0] : vector<16xf32>, vector<16xi32> -> vector<16xf32>
      %min3A_3069 = arith.minimumf %masked_sort3A_2726, %rev3A_3068 : vector<16xf32>
      %max3A_3070 = arith.maximumf %masked_sort3A_2726, %rev3A_3068 : vector<16xf32>
      %masked_sort3A_3071 = arith.constant dense<true> : vector<16xi1>
      %masked_sort3A_3072, %masked_sort3A_3073, %masked_sort3A_3074 = tpu.sort %min3A_3069, %min3A_3069 masked %masked_sort3A_3071 : (vector<16xf32>, vector<16xf32>, vector<16xi1>) -> (vector<16xi1>, vector<16xf32>, vector<16xf32>)
      %masked_sort3A_3075 = arith.constant dense<true> : vector<16xi1>
      %masked_sort3A_3076, %masked_sort3A_3077, %masked_sort3A_3078 = tpu.sort %max3A_3070, %max3A_3070 masked %masked_sort3A_3075 : (vector<16xf32>, vector<16xf32>, vector<16xi1>) -> (vector<16xi1>, vector<16xf32>, vector<16xf32>)
      %rev3A_3079 = arith.constant 15 : i32
      %rev3A_3080 = vector.broadcast %rev3A_3079 : i32 to vector<16xi32>
      %rev3A_3081 = tpu.iota {dimensions = array<i32: 0>} : vector<16xi32>
      %rev3A_3082 = arith.subi %rev3A_3080, %rev3A_3081 : vector<16xi32>
      %rev3A_3083 = tpu.dynamic_gather %masked_sort3A_2738[%rev3A_3082] in [0] : vector<16xf32>, vector<16xi32> -> vector<16xf32>
      %min3A_3084 = arith.minimumf %masked_sort3A_2734, %rev3A_3083 : vector<16xf32>
      %max3A_3085 = arith.maximumf %masked_sort3A_2734, %rev3A_3083 : vector<16xf32>
      %masked_sort3A_3086 = arith.constant dense<true> : vector<16xi1>
      %masked_sort3A_3087, %masked_sort3A_3088, %masked_sort3A_3089 = tpu.sort %min3A_3084, %min3A_3084 masked %masked_sort3A_3086 : (vector<16xf32>, vector<16xf32>, vector<16xi1>) -> (vector<16xi1>, vector<16xf32>, vector<16xf32>)
      %masked_sort3A_3090 = arith.constant dense<true> : vector<16xi1>
      %masked_sort3A_3091, %masked_sort3A_3092, %masked_sort3A_3093 = tpu.sort %max3A_3085, %max3A_3085 masked %masked_sort3A_3090 : (vector<16xf32>, vector<16xf32>, vector<16xi1>) -> (vector<16xi1>, vector<16xf32>, vector<16xf32>)
      %rev3A_3094 = arith.constant 15 : i32
      %rev3A_3095 = vector.broadcast %rev3A_3094 : i32 to vector<16xi32>
      %rev3A_3096 = tpu.iota {dimensions = array<i32: 0>} : vector<16xi32>
      %rev3A_3097 = arith.subi %rev3A_3095, %rev3A_3096 : vector<16xi32>
      %rev3A_3098 = tpu.dynamic_gather %masked_sort3A_2746[%rev3A_3097] in [0] : vector<16xf32>, vector<16xi32> -> vector<16xf32>
      %min3A_3099 = arith.minimumf %masked_sort3A_2742, %rev3A_3098 : vector<16xf32>
      %max3A_3100 = arith.maximumf %masked_sort3A_2742, %rev3A_3098 : vector<16xf32>
      %masked_sort3A_3101 = arith.constant dense<true> : vector<16xi1>
      %masked_sort3A_3102, %masked_sort3A_3103, %masked_sort3A_3104 = tpu.sort %min3A_3099, %min3A_3099 masked %masked_sort3A_3101 : (vector<16xf32>, vector<16xf32>, vector<16xi1>) -> (vector<16xi1>, vector<16xf32>, vector<16xf32>)
      %masked_sort3A_3105 = arith.constant dense<true> : vector<16xi1>
      %masked_sort3A_3106, %masked_sort3A_3107, %masked_sort3A_3108 = tpu.sort %max3A_3100, %max3A_3100 masked %masked_sort3A_3105 : (vector<16xf32>, vector<16xf32>, vector<16xi1>) -> (vector<16xi1>, vector<16xf32>, vector<16xf32>)
      %rev3A_3109 = arith.constant 15 : i32
      %rev3A_3110 = vector.broadcast %rev3A_3109 : i32 to vector<16xi32>
      %rev3A_3111 = tpu.iota {dimensions = array<i32: 0>} : vector<16xi32>
      %rev3A_3112 = arith.subi %rev3A_3110, %rev3A_3111 : vector<16xi32>
      %rev3A_3113 = tpu.dynamic_gather %masked_sort3A_2754[%rev3A_3112] in [0] : vector<16xf32>, vector<16xi32> -> vector<16xf32>
      %min3A_3114 = arith.minimumf %masked_sort3A_2750, %rev3A_3113 : vector<16xf32>
      %max3A_3115 = arith.maximumf %masked_sort3A_2750, %rev3A_3113 : vector<16xf32>
      %masked_sort3A_3116 = arith.constant dense<true> : vector<16xi1>
      %masked_sort3A_3117, %masked_sort3A_3118, %masked_sort3A_3119 = tpu.sort %min3A_3114, %min3A_3114 masked %masked_sort3A_3116 : (vector<16xf32>, vector<16xf32>, vector<16xi1>) -> (vector<16xi1>, vector<16xf32>, vector<16xf32>)
      %masked_sort3A_3120 = arith.constant dense<true> : vector<16xi1>
      %masked_sort3A_3121, %masked_sort3A_3122, %masked_sort3A_3123 = tpu.sort %max3A_3115, %max3A_3115 masked %masked_sort3A_3120 : (vector<16xf32>, vector<16xf32>, vector<16xi1>) -> (vector<16xi1>, vector<16xf32>, vector<16xf32>)
      %rev3A_3124 = arith.constant 15 : i32
      %rev3A_3125 = vector.broadcast %rev3A_3124 : i32 to vector<16xi32>
      %rev3A_3126 = tpu.iota {dimensions = array<i32: 0>} : vector<16xi32>
      %rev3A_3127 = arith.subi %rev3A_3125, %rev3A_3126 : vector<16xi32>
      %rev3A_3128 = tpu.dynamic_gather %masked_sort3A_2762[%rev3A_3127] in [0] : vector<16xf32>, vector<16xi32> -> vector<16xf32>
      %min3A_3129 = arith.minimumf %masked_sort3A_2758, %rev3A_3128 : vector<16xf32>
      %max3A_3130 = arith.maximumf %masked_sort3A_2758, %rev3A_3128 : vector<16xf32>
      %masked_sort3A_3131 = arith.constant dense<true> : vector<16xi1>
      %masked_sort3A_3132, %masked_sort3A_3133, %masked_sort3A_3134 = tpu.sort %min3A_3129, %min3A_3129 masked %masked_sort3A_3131 : (vector<16xf32>, vector<16xf32>, vector<16xi1>) -> (vector<16xi1>, vector<16xf32>, vector<16xf32>)
      %masked_sort3A_3135 = arith.constant dense<true> : vector<16xi1>
      %masked_sort3A_3136, %masked_sort3A_3137, %masked_sort3A_3138 = tpu.sort %max3A_3130, %max3A_3130 masked %masked_sort3A_3135 : (vector<16xf32>, vector<16xf32>, vector<16xi1>) -> (vector<16xi1>, vector<16xf32>, vector<16xf32>)
      %rev3A_3139 = arith.constant 15 : i32
      %rev3A_3140 = vector.broadcast %rev3A_3139 : i32 to vector<16xi32>
      %rev3A_3141 = tpu.iota {dimensions = array<i32: 0>} : vector<16xi32>
      %rev3A_3142 = arith.subi %rev3A_3140, %rev3A_3141 : vector<16xi32>
      %rev3A_3143 = tpu.dynamic_gather %masked_sort3A_2770[%rev3A_3142] in [0] : vector<16xf32>, vector<16xi32> -> vector<16xf32>
      %min3A_3144 = arith.minimumf %masked_sort3A_2766, %rev3A_3143 : vector<16xf32>
      %max3A_3145 = arith.maximumf %masked_sort3A_2766, %rev3A_3143 : vector<16xf32>
      %masked_sort3A_3146 = arith.constant dense<true> : vector<16xi1>
      %masked_sort3A_3147, %masked_sort3A_3148, %masked_sort3A_3149 = tpu.sort %min3A_3144, %min3A_3144 masked %masked_sort3A_3146 : (vector<16xf32>, vector<16xf32>, vector<16xi1>) -> (vector<16xi1>, vector<16xf32>, vector<16xf32>)
      %masked_sort3A_3150 = arith.constant dense<true> : vector<16xi1>
      %masked_sort3A_3151, %masked_sort3A_3152, %masked_sort3A_3153 = tpu.sort %max3A_3145, %max3A_3145 masked %masked_sort3A_3150 : (vector<16xf32>, vector<16xf32>, vector<16xi1>) -> (vector<16xi1>, vector<16xf32>, vector<16xf32>)
      %rev3A_3154 = arith.constant 15 : i32
      %rev3A_3155 = vector.broadcast %rev3A_3154 : i32 to vector<16xi32>
      %rev3A_3156 = tpu.iota {dimensions = array<i32: 0>} : vector<16xi32>
      %rev3A_3157 = arith.subi %rev3A_3155, %rev3A_3156 : vector<16xi32>
      %rev3A_3158 = tpu.dynamic_gather %masked_sort3A_2778[%rev3A_3157] in [0] : vector<16xf32>, vector<16xi32> -> vector<16xf32>
      %min3A_3159 = arith.minimumf %masked_sort3A_2774, %rev3A_3158 : vector<16xf32>
      %max3A_3160 = arith.maximumf %masked_sort3A_2774, %rev3A_3158 : vector<16xf32>
      %masked_sort3A_3161 = arith.constant dense<true> : vector<16xi1>
      %masked_sort3A_3162, %masked_sort3A_3163, %masked_sort3A_3164 = tpu.sort %min3A_3159, %min3A_3159 masked %masked_sort3A_3161 : (vector<16xf32>, vector<16xf32>, vector<16xi1>) -> (vector<16xi1>, vector<16xf32>, vector<16xf32>)
      %masked_sort3A_3165 = arith.constant dense<true> : vector<16xi1>
      %masked_sort3A_3166, %masked_sort3A_3167, %masked_sort3A_3168 = tpu.sort %max3A_3160, %max3A_3160 masked %masked_sort3A_3165 : (vector<16xf32>, vector<16xf32>, vector<16xi1>) -> (vector<16xi1>, vector<16xf32>, vector<16xf32>)
      %rev3A_3169 = arith.constant 15 : i32
      %rev3A_3170 = vector.broadcast %rev3A_3169 : i32 to vector<16xi32>
      %rev3A_3171 = tpu.iota {dimensions = array<i32: 0>} : vector<16xi32>
      %rev3A_3172 = arith.subi %rev3A_3170, %rev3A_3171 : vector<16xi32>
      %rev3A_3173 = tpu.dynamic_gather %masked_sort3A_2786[%rev3A_3172] in [0] : vector<16xf32>, vector<16xi32> -> vector<16xf32>
      %min3A_3174 = arith.minimumf %masked_sort3A_2782, %rev3A_3173 : vector<16xf32>
      %max3A_3175 = arith.maximumf %masked_sort3A_2782, %rev3A_3173 : vector<16xf32>
      %masked_sort3A_3176 = arith.constant dense<true> : vector<16xi1>
      %masked_sort3A_3177, %masked_sort3A_3178, %masked_sort3A_3179 = tpu.sort %min3A_3174, %min3A_3174 masked %masked_sort3A_3176 : (vector<16xf32>, vector<16xf32>, vector<16xi1>) -> (vector<16xi1>, vector<16xf32>, vector<16xf32>)
      %masked_sort3A_3180 = arith.constant dense<true> : vector<16xi1>
      %masked_sort3A_3181, %masked_sort3A_3182, %masked_sort3A_3183 = tpu.sort %max3A_3175, %max3A_3175 masked %masked_sort3A_3180 : (vector<16xf32>, vector<16xf32>, vector<16xi1>) -> (vector<16xi1>, vector<16xf32>, vector<16xf32>)
      %rev3A_3184 = arith.constant 15 : i32
      %rev3A_3185 = vector.broadcast %rev3A_3184 : i32 to vector<16xi32>
      %rev3A_3186 = tpu.iota {dimensions = array<i32: 0>} : vector<16xi32>
      %rev3A_3187 = arith.subi %rev3A_3185, %rev3A_3186 : vector<16xi32>
      %rev3A_3188 = tpu.dynamic_gather %masked_sort3A_2794[%rev3A_3187] in [0] : vector<16xf32>, vector<16xi32> -> vector<16xf32>
      %min3A_3189 = arith.minimumf %masked_sort3A_2790, %rev3A_3188 : vector<16xf32>
      %max3A_3190 = arith.maximumf %masked_sort3A_2790, %rev3A_3188 : vector<16xf32>
      %masked_sort3A_3191 = arith.constant dense<true> : vector<16xi1>
      %masked_sort3A_3192, %masked_sort3A_3193, %masked_sort3A_3194 = tpu.sort %min3A_3189, %min3A_3189 masked %masked_sort3A_3191 : (vector<16xf32>, vector<16xf32>, vector<16xi1>) -> (vector<16xi1>, vector<16xf32>, vector<16xf32>)
      %masked_sort3A_3195 = arith.constant dense<true> : vector<16xi1>
      %masked_sort3A_3196, %masked_sort3A_3197, %masked_sort3A_3198 = tpu.sort %max3A_3190, %max3A_3190 masked %masked_sort3A_3195 : (vector<16xf32>, vector<16xf32>, vector<16xi1>) -> (vector<16xi1>, vector<16xf32>, vector<16xf32>)
      %rev3A_3199 = arith.constant 15 : i32
      %rev3A_3200 = vector.broadcast %rev3A_3199 : i32 to vector<16xi32>
      %rev3A_3201 = tpu.iota {dimensions = array<i32: 0>} : vector<16xi32>
      %rev3A_3202 = arith.subi %rev3A_3200, %rev3A_3201 : vector<16xi32>
      %rev3A_3203 = tpu.dynamic_gather %masked_sort3A_2802[%rev3A_3202] in [0] : vector<16xf32>, vector<16xi32> -> vector<16xf32>
      %min3A_3204 = arith.minimumf %masked_sort3A_2798, %rev3A_3203 : vector<16xf32>
      %max3A_3205 = arith.maximumf %masked_sort3A_2798, %rev3A_3203 : vector<16xf32>
      %masked_sort3A_3206 = arith.constant dense<true> : vector<16xi1>
      %masked_sort3A_3207, %masked_sort3A_3208, %masked_sort3A_3209 = tpu.sort %min3A_3204, %min3A_3204 masked %masked_sort3A_3206 : (vector<16xf32>, vector<16xf32>, vector<16xi1>) -> (vector<16xi1>, vector<16xf32>, vector<16xf32>)
      %masked_sort3A_3210 = arith.constant dense<true> : vector<16xi1>
      %masked_sort3A_3211, %masked_sort3A_3212, %masked_sort3A_3213 = tpu.sort %max3A_3205, %max3A_3205 masked %masked_sort3A_3210 : (vector<16xf32>, vector<16xf32>, vector<16xi1>) -> (vector<16xi1>, vector<16xf32>, vector<16xf32>)
      %rev3A_3214 = arith.constant 15 : i32
      %rev3A_3215 = vector.broadcast %rev3A_3214 : i32 to vector<16xi32>
      %rev3A_3216 = tpu.iota {dimensions = array<i32: 0>} : vector<16xi32>
      %rev3A_3217 = arith.subi %rev3A_3215, %rev3A_3216 : vector<16xi32>
      %rev3A_3218 = tpu.dynamic_gather %masked_sort3A_2810[%rev3A_3217] in [0] : vector<16xf32>, vector<16xi32> -> vector<16xf32>
      %min3A_3219 = arith.minimumf %masked_sort3A_2806, %rev3A_3218 : vector<16xf32>
      %max3A_3220 = arith.maximumf %masked_sort3A_2806, %rev3A_3218 : vector<16xf32>
      %masked_sort3A_3221 = arith.constant dense<true> : vector<16xi1>
      %masked_sort3A_3222, %masked_sort3A_3223, %masked_sort3A_3224 = tpu.sort %min3A_3219, %min3A_3219 masked %masked_sort3A_3221 : (vector<16xf32>, vector<16xf32>, vector<16xi1>) -> (vector<16xi1>, vector<16xf32>, vector<16xf32>)
      %masked_sort3A_3225 = arith.constant dense<true> : vector<16xi1>
      %masked_sort3A_3226, %masked_sort3A_3227, %masked_sort3A_3228 = tpu.sort %max3A_3220, %max3A_3220 masked %masked_sort3A_3225 : (vector<16xf32>, vector<16xf32>, vector<16xi1>) -> (vector<16xi1>, vector<16xf32>, vector<16xf32>)
      %rev3A_3229 = arith.constant 15 : i32
      %rev3A_3230 = vector.broadcast %rev3A_3229 : i32 to vector<16xi32>
      %rev3A_3231 = tpu.iota {dimensions = array<i32: 0>} : vector<16xi32>
      %rev3A_3232 = arith.subi %rev3A_3230, %rev3A_3231 : vector<16xi32>
      %rev3A_3233 = tpu.dynamic_gather %masked_sort3A_2818[%rev3A_3232] in [0] : vector<16xf32>, vector<16xi32> -> vector<16xf32>
      %min3A_3234 = arith.minimumf %masked_sort3A_2814, %rev3A_3233 : vector<16xf32>
      %max3A_3235 = arith.maximumf %masked_sort3A_2814, %rev3A_3233 : vector<16xf32>
      %masked_sort3A_3236 = arith.constant dense<true> : vector<16xi1>
      %masked_sort3A_3237, %masked_sort3A_3238, %masked_sort3A_3239 = tpu.sort %min3A_3234, %min3A_3234 masked %masked_sort3A_3236 : (vector<16xf32>, vector<16xf32>, vector<16xi1>) -> (vector<16xi1>, vector<16xf32>, vector<16xf32>)
      %masked_sort3A_3240 = arith.constant dense<true> : vector<16xi1>
      %masked_sort3A_3241, %masked_sort3A_3242, %masked_sort3A_3243 = tpu.sort %max3A_3235, %max3A_3235 masked %masked_sort3A_3240 : (vector<16xf32>, vector<16xf32>, vector<16xi1>) -> (vector<16xi1>, vector<16xf32>, vector<16xf32>)
      %rev3A_3244 = arith.constant 15 : i32
      %rev3A_3245 = vector.broadcast %rev3A_3244 : i32 to vector<16xi32>
      %rev3A_3246 = tpu.iota {dimensions = array<i32: 0>} : vector<16xi32>
      %rev3A_3247 = arith.subi %rev3A_3245, %rev3A_3246 : vector<16xi32>
      %rev3A_3248 = tpu.dynamic_gather %masked_sort3A_2826[%rev3A_3247] in [0] : vector<16xf32>, vector<16xi32> -> vector<16xf32>
      %min3A_3249 = arith.minimumf %masked_sort3A_2822, %rev3A_3248 : vector<16xf32>
      %max3A_3250 = arith.maximumf %masked_sort3A_2822, %rev3A_3248 : vector<16xf32>
      %masked_sort3A_3251 = arith.constant dense<true> : vector<16xi1>
      %masked_sort3A_3252, %masked_sort3A_3253, %masked_sort3A_3254 = tpu.sort %min3A_3249, %min3A_3249 masked %masked_sort3A_3251 : (vector<16xf32>, vector<16xf32>, vector<16xi1>) -> (vector<16xi1>, vector<16xf32>, vector<16xf32>)
      %masked_sort3A_3255 = arith.constant dense<true> : vector<16xi1>
      %masked_sort3A_3256, %masked_sort3A_3257, %masked_sort3A_3258 = tpu.sort %max3A_3250, %max3A_3250 masked %masked_sort3A_3255 : (vector<16xf32>, vector<16xf32>, vector<16xi1>) -> (vector<16xi1>, vector<16xf32>, vector<16xf32>)
      %rev3A_3259 = arith.constant 15 : i32
      %rev3A_3260 = vector.broadcast %rev3A_3259 : i32 to vector<16xi32>
      %rev3A_3261 = tpu.iota {dimensions = array<i32: 0>} : vector<16xi32>
      %rev3A_3262 = arith.subi %rev3A_3260, %rev3A_3261 : vector<16xi32>
      %rev3A_3263 = tpu.dynamic_gather %masked_sort3A_2834[%rev3A_3262] in [0] : vector<16xf32>, vector<16xi32> -> vector<16xf32>
      %min3A_3264 = arith.minimumf %masked_sort3A_2830, %rev3A_3263 : vector<16xf32>
      %max3A_3265 = arith.maximumf %masked_sort3A_2830, %rev3A_3263 : vector<16xf32>
      %masked_sort3A_3266 = arith.constant dense<true> : vector<16xi1>
      %masked_sort3A_3267, %masked_sort3A_3268, %masked_sort3A_3269 = tpu.sort %min3A_3264, %min3A_3264 masked %masked_sort3A_3266 : (vector<16xf32>, vector<16xf32>, vector<16xi1>) -> (vector<16xi1>, vector<16xf32>, vector<16xf32>)
      %masked_sort3A_3270 = arith.constant dense<true> : vector<16xi1>
      %masked_sort3A_3271, %masked_sort3A_3272, %masked_sort3A_3273 = tpu.sort %max3A_3265, %max3A_3265 masked %masked_sort3A_3270 : (vector<16xf32>, vector<16xf32>, vector<16xi1>) -> (vector<16xi1>, vector<16xf32>, vector<16xf32>)
      %rev3A_3274 = arith.constant 15 : i32
      %rev3A_3275 = vector.broadcast %rev3A_3274 : i32 to vector<16xi32>
      %rev3A_3276 = tpu.iota {dimensions = array<i32: 0>} : vector<16xi32>
      %rev3A_3277 = arith.subi %rev3A_3275, %rev3A_3276 : vector<16xi32>
      %rev3A_3278 = tpu.dynamic_gather %masked_sort3A_2842[%rev3A_3277] in [0] : vector<16xf32>, vector<16xi32> -> vector<16xf32>
      %min3A_3279 = arith.minimumf %masked_sort3A_2838, %rev3A_3278 : vector<16xf32>
      %max3A_3280 = arith.maximumf %masked_sort3A_2838, %rev3A_3278 : vector<16xf32>
      %masked_sort3A_3281 = arith.constant dense<true> : vector<16xi1>
      %masked_sort3A_3282, %masked_sort3A_3283, %masked_sort3A_3284 = tpu.sort %min3A_3279, %min3A_3279 masked %masked_sort3A_3281 : (vector<16xf32>, vector<16xf32>, vector<16xi1>) -> (vector<16xi1>, vector<16xf32>, vector<16xf32>)
      %masked_sort3A_3285 = arith.constant dense<true> : vector<16xi1>
      %masked_sort3A_3286, %masked_sort3A_3287, %masked_sort3A_3288 = tpu.sort %max3A_3280, %max3A_3280 masked %masked_sort3A_3285 : (vector<16xf32>, vector<16xf32>, vector<16xi1>) -> (vector<16xi1>, vector<16xf32>, vector<16xf32>)
      %rev3A_3289 = arith.constant 15 : i32
      %rev3A_3290 = vector.broadcast %rev3A_3289 : i32 to vector<16xi32>
      %rev3A_3291 = tpu.iota {dimensions = array<i32: 0>} : vector<16xi32>
      %rev3A_3292 = arith.subi %rev3A_3290, %rev3A_3291 : vector<16xi32>
      %rev3A_3293 = tpu.dynamic_gather %masked_sort3A_2850[%rev3A_3292] in [0] : vector<16xf32>, vector<16xi32> -> vector<16xf32>
      %min3A_3294 = arith.minimumf %masked_sort3A_2846, %rev3A_3293 : vector<16xf32>
      %max3A_3295 = arith.maximumf %masked_sort3A_2846, %rev3A_3293 : vector<16xf32>
      %masked_sort3A_3296 = arith.constant dense<true> : vector<16xi1>
      %masked_sort3A_3297, %masked_sort3A_3298, %masked_sort3A_3299 = tpu.sort %min3A_3294, %min3A_3294 masked %masked_sort3A_3296 : (vector<16xf32>, vector<16xf32>, vector<16xi1>) -> (vector<16xi1>, vector<16xf32>, vector<16xf32>)
      %masked_sort3A_3300 = arith.constant dense<true> : vector<16xi1>
      %masked_sort3A_3301, %masked_sort3A_3302, %masked_sort3A_3303 = tpu.sort %max3A_3295, %max3A_3295 masked %masked_sort3A_3300 : (vector<16xf32>, vector<16xf32>, vector<16xi1>) -> (vector<16xi1>, vector<16xf32>, vector<16xf32>)
      %rev3A_3304 = arith.constant 15 : i32
      %rev3A_3305 = vector.broadcast %rev3A_3304 : i32 to vector<16xi32>
      %rev3A_3306 = tpu.iota {dimensions = array<i32: 0>} : vector<16xi32>
      %rev3A_3307 = arith.subi %rev3A_3305, %rev3A_3306 : vector<16xi32>
      %rev3A_3308 = tpu.dynamic_gather %masked_sort3A_2858[%rev3A_3307] in [0] : vector<16xf32>, vector<16xi32> -> vector<16xf32>
      %min3A_3309 = arith.minimumf %masked_sort3A_2854, %rev3A_3308 : vector<16xf32>
      %max3A_3310 = arith.maximumf %masked_sort3A_2854, %rev3A_3308 : vector<16xf32>
      %masked_sort3A_3311 = arith.constant dense<true> : vector<16xi1>
      %masked_sort3A_3312, %masked_sort3A_3313, %masked_sort3A_3314 = tpu.sort %min3A_3309, %min3A_3309 masked %masked_sort3A_3311 : (vector<16xf32>, vector<16xf32>, vector<16xi1>) -> (vector<16xi1>, vector<16xf32>, vector<16xf32>)
      %masked_sort3A_3315 = arith.constant dense<true> : vector<16xi1>
      %masked_sort3A_3316, %masked_sort3A_3317, %masked_sort3A_3318 = tpu.sort %max3A_3310, %max3A_3310 masked %masked_sort3A_3315 : (vector<16xf32>, vector<16xf32>, vector<16xi1>) -> (vector<16xi1>, vector<16xf32>, vector<16xf32>)
      %rev3A_3319 = arith.constant 15 : i32
      %rev3A_3320 = vector.broadcast %rev3A_3319 : i32 to vector<16xi32>
      %rev3A_3321 = tpu.iota {dimensions = array<i32: 0>} : vector<16xi32>
      %rev3A_3322 = arith.subi %rev3A_3320, %rev3A_3321 : vector<16xi32>
      %rev3A_3323 = tpu.dynamic_gather %masked_sort3A_2866[%rev3A_3322] in [0] : vector<16xf32>, vector<16xi32> -> vector<16xf32>
      %min3A_3324 = arith.minimumf %masked_sort3A_2862, %rev3A_3323 : vector<16xf32>
      %max3A_3325 = arith.maximumf %masked_sort3A_2862, %rev3A_3323 : vector<16xf32>
      %masked_sort3A_3326 = arith.constant dense<true> : vector<16xi1>
      %masked_sort3A_3327, %masked_sort3A_3328, %masked_sort3A_3329 = tpu.sort %min3A_3324, %min3A_3324 masked %masked_sort3A_3326 : (vector<16xf32>, vector<16xf32>, vector<16xi1>) -> (vector<16xi1>, vector<16xf32>, vector<16xf32>)
      %masked_sort3A_3330 = arith.constant dense<true> : vector<16xi1>
      %masked_sort3A_3331, %masked_sort3A_3332, %masked_sort3A_3333 = tpu.sort %max3A_3325, %max3A_3325 masked %masked_sort3A_3330 : (vector<16xf32>, vector<16xf32>, vector<16xi1>) -> (vector<16xi1>, vector<16xf32>, vector<16xf32>)
      %rev3A_3334 = arith.constant 15 : i32
      %rev3A_3335 = vector.broadcast %rev3A_3334 : i32 to vector<16xi32>
      %rev3A_3336 = tpu.iota {dimensions = array<i32: 0>} : vector<16xi32>
      %rev3A_3337 = arith.subi %rev3A_3335, %rev3A_3336 : vector<16xi32>
      %rev3A_3338 = tpu.dynamic_gather %masked_sort3A_2874[%rev3A_3337] in [0] : vector<16xf32>, vector<16xi32> -> vector<16xf32>
      %min3A_3339 = arith.minimumf %masked_sort3A_2870, %rev3A_3338 : vector<16xf32>
      %max3A_3340 = arith.maximumf %masked_sort3A_2870, %rev3A_3338 : vector<16xf32>
      %masked_sort3A_3341 = arith.constant dense<true> : vector<16xi1>
      %masked_sort3A_3342, %masked_sort3A_3343, %masked_sort3A_3344 = tpu.sort %min3A_3339, %min3A_3339 masked %masked_sort3A_3341 : (vector<16xf32>, vector<16xf32>, vector<16xi1>) -> (vector<16xi1>, vector<16xf32>, vector<16xf32>)
      %masked_sort3A_3345 = arith.constant dense<true> : vector<16xi1>
      %masked_sort3A_3346, %masked_sort3A_3347, %masked_sort3A_3348 = tpu.sort %max3A_3340, %max3A_3340 masked %masked_sort3A_3345 : (vector<16xf32>, vector<16xf32>, vector<16xi1>) -> (vector<16xi1>, vector<16xf32>, vector<16xf32>)
      %rev3A_3349 = arith.constant 15 : i32
      %rev3A_3350 = vector.broadcast %rev3A_3349 : i32 to vector<16xi32>
      %rev3A_3351 = tpu.iota {dimensions = array<i32: 0>} : vector<16xi32>
      %rev3A_3352 = arith.subi %rev3A_3350, %rev3A_3351 : vector<16xi32>
      %rev3A_3353 = tpu.dynamic_gather %masked_sort3A_2882[%rev3A_3352] in [0] : vector<16xf32>, vector<16xi32> -> vector<16xf32>
      %min3A_3354 = arith.minimumf %masked_sort3A_2878, %rev3A_3353 : vector<16xf32>
      %max3A_3355 = arith.maximumf %masked_sort3A_2878, %rev3A_3353 : vector<16xf32>
      %masked_sort3A_3356 = arith.constant dense<true> : vector<16xi1>
      %masked_sort3A_3357, %masked_sort3A_3358, %masked_sort3A_3359 = tpu.sort %min3A_3354, %min3A_3354 masked %masked_sort3A_3356 : (vector<16xf32>, vector<16xf32>, vector<16xi1>) -> (vector<16xi1>, vector<16xf32>, vector<16xf32>)
      %masked_sort3A_3360 = arith.constant dense<true> : vector<16xi1>
      %masked_sort3A_3361, %masked_sort3A_3362, %masked_sort3A_3363 = tpu.sort %max3A_3355, %max3A_3355 masked %masked_sort3A_3360 : (vector<16xf32>, vector<16xf32>, vector<16xi1>) -> (vector<16xi1>, vector<16xf32>, vector<16xf32>)
      %rev3A_3364 = arith.constant 15 : i32
      %rev3A_3365 = vector.broadcast %rev3A_3364 : i32 to vector<16xi32>
      %rev3A_3366 = tpu.iota {dimensions = array<i32: 0>} : vector<16xi32>
      %rev3A_3367 = arith.subi %rev3A_3365, %rev3A_3366 : vector<16xi32>
      %rev3A_3368 = tpu.dynamic_gather %masked_sort3A_2912[%rev3A_3367] in [0] : vector<16xf32>, vector<16xi32> -> vector<16xf32>
      %max3A_3369 = arith.maximumf %masked_sort3A_2893, %rev3A_3368 : vector<16xf32>
      %rev3A_3370 = arith.constant 15 : i32
      %rev3A_3371 = vector.broadcast %rev3A_3370 : i32 to vector<16xi32>
      %rev3A_3372 = tpu.iota {dimensions = array<i32: 0>} : vector<16xi32>
      %rev3A_3373 = arith.subi %rev3A_3371, %rev3A_3372 : vector<16xi32>
      %rev3A_3374 = tpu.dynamic_gather %masked_sort3A_2908[%rev3A_3373] in [0] : vector<16xf32>, vector<16xi32> -> vector<16xf32>
      %max3A_3375 = arith.maximumf %masked_sort3A_2897, %rev3A_3374 : vector<16xf32>
      %min3A_3376 = arith.minimumf %max3A_3369, %max3A_3375 : vector<16xf32>
      %max3A_3377 = arith.maximumf %max3A_3369, %max3A_3375 : vector<16xf32>
      %masked_sort3A_3378 = arith.constant dense<true> : vector<16xi1>
      %masked_sort3A_3379, %masked_sort3A_3380, %masked_sort3A_3381 = tpu.sort %min3A_3376, %min3A_3376 masked %masked_sort3A_3378 : (vector<16xf32>, vector<16xf32>, vector<16xi1>) -> (vector<16xi1>, vector<16xf32>, vector<16xf32>)
      %masked_sort3A_3382 = arith.constant dense<true> : vector<16xi1>
      %masked_sort3A_3383, %masked_sort3A_3384, %masked_sort3A_3385 = tpu.sort %max3A_3377, %max3A_3377 masked %masked_sort3A_3382 : (vector<16xf32>, vector<16xf32>, vector<16xi1>) -> (vector<16xi1>, vector<16xf32>, vector<16xf32>)
      %rev3A_3386 = arith.constant 15 : i32
      %rev3A_3387 = vector.broadcast %rev3A_3386 : i32 to vector<16xi32>
      %rev3A_3388 = tpu.iota {dimensions = array<i32: 0>} : vector<16xi32>
      %rev3A_3389 = arith.subi %rev3A_3387, %rev3A_3388 : vector<16xi32>
      %rev3A_3390 = tpu.dynamic_gather %masked_sort3A_2942[%rev3A_3389] in [0] : vector<16xf32>, vector<16xi32> -> vector<16xf32>
      %max3A_3391 = arith.maximumf %masked_sort3A_2923, %rev3A_3390 : vector<16xf32>
      %rev3A_3392 = arith.constant 15 : i32
      %rev3A_3393 = vector.broadcast %rev3A_3392 : i32 to vector<16xi32>
      %rev3A_3394 = tpu.iota {dimensions = array<i32: 0>} : vector<16xi32>
      %rev3A_3395 = arith.subi %rev3A_3393, %rev3A_3394 : vector<16xi32>
      %rev3A_3396 = tpu.dynamic_gather %masked_sort3A_2938[%rev3A_3395] in [0] : vector<16xf32>, vector<16xi32> -> vector<16xf32>
      %max3A_3397 = arith.maximumf %masked_sort3A_2927, %rev3A_3396 : vector<16xf32>
      %min3A_3398 = arith.minimumf %max3A_3391, %max3A_3397 : vector<16xf32>
      %max3A_3399 = arith.maximumf %max3A_3391, %max3A_3397 : vector<16xf32>
      %masked_sort3A_3400 = arith.constant dense<true> : vector<16xi1>
      %masked_sort3A_3401, %masked_sort3A_3402, %masked_sort3A_3403 = tpu.sort %min3A_3398, %min3A_3398 masked %masked_sort3A_3400 : (vector<16xf32>, vector<16xf32>, vector<16xi1>) -> (vector<16xi1>, vector<16xf32>, vector<16xf32>)
      %masked_sort3A_3404 = arith.constant dense<true> : vector<16xi1>
      %masked_sort3A_3405, %masked_sort3A_3406, %masked_sort3A_3407 = tpu.sort %max3A_3399, %max3A_3399 masked %masked_sort3A_3404 : (vector<16xf32>, vector<16xf32>, vector<16xi1>) -> (vector<16xi1>, vector<16xf32>, vector<16xf32>)
      %rev3A_3408 = arith.constant 15 : i32
      %rev3A_3409 = vector.broadcast %rev3A_3408 : i32 to vector<16xi32>
      %rev3A_3410 = tpu.iota {dimensions = array<i32: 0>} : vector<16xi32>
      %rev3A_3411 = arith.subi %rev3A_3409, %rev3A_3410 : vector<16xi32>
      %rev3A_3412 = tpu.dynamic_gather %masked_sort3A_2972[%rev3A_3411] in [0] : vector<16xf32>, vector<16xi32> -> vector<16xf32>
      %max3A_3413 = arith.maximumf %masked_sort3A_2953, %rev3A_3412 : vector<16xf32>
      %rev3A_3414 = arith.constant 15 : i32
      %rev3A_3415 = vector.broadcast %rev3A_3414 : i32 to vector<16xi32>
      %rev3A_3416 = tpu.iota {dimensions = array<i32: 0>} : vector<16xi32>
      %rev3A_3417 = arith.subi %rev3A_3415, %rev3A_3416 : vector<16xi32>
      %rev3A_3418 = tpu.dynamic_gather %masked_sort3A_2968[%rev3A_3417] in [0] : vector<16xf32>, vector<16xi32> -> vector<16xf32>
      %max3A_3419 = arith.maximumf %masked_sort3A_2957, %rev3A_3418 : vector<16xf32>
      %min3A_3420 = arith.minimumf %max3A_3413, %max3A_3419 : vector<16xf32>
      %max3A_3421 = arith.maximumf %max3A_3413, %max3A_3419 : vector<16xf32>
      %masked_sort3A_3422 = arith.constant dense<true> : vector<16xi1>
      %masked_sort3A_3423, %masked_sort3A_3424, %masked_sort3A_3425 = tpu.sort %min3A_3420, %min3A_3420 masked %masked_sort3A_3422 : (vector<16xf32>, vector<16xf32>, vector<16xi1>) -> (vector<16xi1>, vector<16xf32>, vector<16xf32>)
      %masked_sort3A_3426 = arith.constant dense<true> : vector<16xi1>
      %masked_sort3A_3427, %masked_sort3A_3428, %masked_sort3A_3429 = tpu.sort %max3A_3421, %max3A_3421 masked %masked_sort3A_3426 : (vector<16xf32>, vector<16xf32>, vector<16xi1>) -> (vector<16xi1>, vector<16xf32>, vector<16xf32>)
      %rev3A_3430 = arith.constant 15 : i32
      %rev3A_3431 = vector.broadcast %rev3A_3430 : i32 to vector<16xi32>
      %rev3A_3432 = tpu.iota {dimensions = array<i32: 0>} : vector<16xi32>
      %rev3A_3433 = arith.subi %rev3A_3431, %rev3A_3432 : vector<16xi32>
      %rev3A_3434 = tpu.dynamic_gather %masked_sort3A_3002[%rev3A_3433] in [0] : vector<16xf32>, vector<16xi32> -> vector<16xf32>
      %max3A_3435 = arith.maximumf %masked_sort3A_2983, %rev3A_3434 : vector<16xf32>
      %rev3A_3436 = arith.constant 15 : i32
      %rev3A_3437 = vector.broadcast %rev3A_3436 : i32 to vector<16xi32>
      %rev3A_3438 = tpu.iota {dimensions = array<i32: 0>} : vector<16xi32>
      %rev3A_3439 = arith.subi %rev3A_3437, %rev3A_3438 : vector<16xi32>
      %rev3A_3440 = tpu.dynamic_gather %masked_sort3A_2998[%rev3A_3439] in [0] : vector<16xf32>, vector<16xi32> -> vector<16xf32>
      %max3A_3441 = arith.maximumf %masked_sort3A_2987, %rev3A_3440 : vector<16xf32>
      %min3A_3442 = arith.minimumf %max3A_3435, %max3A_3441 : vector<16xf32>
      %max3A_3443 = arith.maximumf %max3A_3435, %max3A_3441 : vector<16xf32>
      %masked_sort3A_3444 = arith.constant dense<true> : vector<16xi1>
      %masked_sort3A_3445, %masked_sort3A_3446, %masked_sort3A_3447 = tpu.sort %min3A_3442, %min3A_3442 masked %masked_sort3A_3444 : (vector<16xf32>, vector<16xf32>, vector<16xi1>) -> (vector<16xi1>, vector<16xf32>, vector<16xf32>)
      %masked_sort3A_3448 = arith.constant dense<true> : vector<16xi1>
      %masked_sort3A_3449, %masked_sort3A_3450, %masked_sort3A_3451 = tpu.sort %max3A_3443, %max3A_3443 masked %masked_sort3A_3448 : (vector<16xf32>, vector<16xf32>, vector<16xi1>) -> (vector<16xi1>, vector<16xf32>, vector<16xf32>)
      %rev3A_3452 = arith.constant 15 : i32
      %rev3A_3453 = vector.broadcast %rev3A_3452 : i32 to vector<16xi32>
      %rev3A_3454 = tpu.iota {dimensions = array<i32: 0>} : vector<16xi32>
      %rev3A_3455 = arith.subi %rev3A_3453, %rev3A_3454 : vector<16xi32>
      %rev3A_3456 = tpu.dynamic_gather %masked_sort3A_3032[%rev3A_3455] in [0] : vector<16xf32>, vector<16xi32> -> vector<16xf32>
      %max3A_3457 = arith.maximumf %masked_sort3A_3013, %rev3A_3456 : vector<16xf32>
      %rev3A_3458 = arith.constant 15 : i32
      %rev3A_3459 = vector.broadcast %rev3A_3458 : i32 to vector<16xi32>
      %rev3A_3460 = tpu.iota {dimensions = array<i32: 0>} : vector<16xi32>
      %rev3A_3461 = arith.subi %rev3A_3459, %rev3A_3460 : vector<16xi32>
      %rev3A_3462 = tpu.dynamic_gather %masked_sort3A_3028[%rev3A_3461] in [0] : vector<16xf32>, vector<16xi32> -> vector<16xf32>
      %max3A_3463 = arith.maximumf %masked_sort3A_3017, %rev3A_3462 : vector<16xf32>
      %min3A_3464 = arith.minimumf %max3A_3457, %max3A_3463 : vector<16xf32>
      %max3A_3465 = arith.maximumf %max3A_3457, %max3A_3463 : vector<16xf32>
      %masked_sort3A_3466 = arith.constant dense<true> : vector<16xi1>
      %masked_sort3A_3467, %masked_sort3A_3468, %masked_sort3A_3469 = tpu.sort %min3A_3464, %min3A_3464 masked %masked_sort3A_3466 : (vector<16xf32>, vector<16xf32>, vector<16xi1>) -> (vector<16xi1>, vector<16xf32>, vector<16xf32>)
      %masked_sort3A_3470 = arith.constant dense<true> : vector<16xi1>
      %masked_sort3A_3471, %masked_sort3A_3472, %masked_sort3A_3473 = tpu.sort %max3A_3465, %max3A_3465 masked %masked_sort3A_3470 : (vector<16xf32>, vector<16xf32>, vector<16xi1>) -> (vector<16xi1>, vector<16xf32>, vector<16xf32>)
      %rev3A_3474 = arith.constant 15 : i32
      %rev3A_3475 = vector.broadcast %rev3A_3474 : i32 to vector<16xi32>
      %rev3A_3476 = tpu.iota {dimensions = array<i32: 0>} : vector<16xi32>
      %rev3A_3477 = arith.subi %rev3A_3475, %rev3A_3476 : vector<16xi32>
      %rev3A_3478 = tpu.dynamic_gather %masked_sort3A_3062[%rev3A_3477] in [0] : vector<16xf32>, vector<16xi32> -> vector<16xf32>
      %max3A_3479 = arith.maximumf %masked_sort3A_3043, %rev3A_3478 : vector<16xf32>
      %rev3A_3480 = arith.constant 15 : i32
      %rev3A_3481 = vector.broadcast %rev3A_3480 : i32 to vector<16xi32>
      %rev3A_3482 = tpu.iota {dimensions = array<i32: 0>} : vector<16xi32>
      %rev3A_3483 = arith.subi %rev3A_3481, %rev3A_3482 : vector<16xi32>
      %rev3A_3484 = tpu.dynamic_gather %masked_sort3A_3058[%rev3A_3483] in [0] : vector<16xf32>, vector<16xi32> -> vector<16xf32>
      %max3A_3485 = arith.maximumf %masked_sort3A_3047, %rev3A_3484 : vector<16xf32>
      %min3A_3486 = arith.minimumf %max3A_3479, %max3A_3485 : vector<16xf32>
      %max3A_3487 = arith.maximumf %max3A_3479, %max3A_3485 : vector<16xf32>
      %masked_sort3A_3488 = arith.constant dense<true> : vector<16xi1>
      %masked_sort3A_3489, %masked_sort3A_3490, %masked_sort3A_3491 = tpu.sort %min3A_3486, %min3A_3486 masked %masked_sort3A_3488 : (vector<16xf32>, vector<16xf32>, vector<16xi1>) -> (vector<16xi1>, vector<16xf32>, vector<16xf32>)
      %masked_sort3A_3492 = arith.constant dense<true> : vector<16xi1>
      %masked_sort3A_3493, %masked_sort3A_3494, %masked_sort3A_3495 = tpu.sort %max3A_3487, %max3A_3487 masked %masked_sort3A_3492 : (vector<16xf32>, vector<16xf32>, vector<16xi1>) -> (vector<16xi1>, vector<16xf32>, vector<16xf32>)
      %rev3A_3496 = arith.constant 15 : i32
      %rev3A_3497 = vector.broadcast %rev3A_3496 : i32 to vector<16xi32>
      %rev3A_3498 = tpu.iota {dimensions = array<i32: 0>} : vector<16xi32>
      %rev3A_3499 = arith.subi %rev3A_3497, %rev3A_3498 : vector<16xi32>
      %rev3A_3500 = tpu.dynamic_gather %masked_sort3A_3092[%rev3A_3499] in [0] : vector<16xf32>, vector<16xi32> -> vector<16xf32>
      %max3A_3501 = arith.maximumf %masked_sort3A_3073, %rev3A_3500 : vector<16xf32>
      %rev3A_3502 = arith.constant 15 : i32
      %rev3A_3503 = vector.broadcast %rev3A_3502 : i32 to vector<16xi32>
      %rev3A_3504 = tpu.iota {dimensions = array<i32: 0>} : vector<16xi32>
      %rev3A_3505 = arith.subi %rev3A_3503, %rev3A_3504 : vector<16xi32>
      %rev3A_3506 = tpu.dynamic_gather %masked_sort3A_3088[%rev3A_3505] in [0] : vector<16xf32>, vector<16xi32> -> vector<16xf32>
      %max3A_3507 = arith.maximumf %masked_sort3A_3077, %rev3A_3506 : vector<16xf32>
      %min3A_3508 = arith.minimumf %max3A_3501, %max3A_3507 : vector<16xf32>
      %max3A_3509 = arith.maximumf %max3A_3501, %max3A_3507 : vector<16xf32>
      %masked_sort3A_3510 = arith.constant dense<true> : vector<16xi1>
      %masked_sort3A_3511, %masked_sort3A_3512, %masked_sort3A_3513 = tpu.sort %min3A_3508, %min3A_3508 masked %masked_sort3A_3510 : (vector<16xf32>, vector<16xf32>, vector<16xi1>) -> (vector<16xi1>, vector<16xf32>, vector<16xf32>)
      %masked_sort3A_3514 = arith.constant dense<true> : vector<16xi1>
      %masked_sort3A_3515, %masked_sort3A_3516, %masked_sort3A_3517 = tpu.sort %max3A_3509, %max3A_3509 masked %masked_sort3A_3514 : (vector<16xf32>, vector<16xf32>, vector<16xi1>) -> (vector<16xi1>, vector<16xf32>, vector<16xf32>)
      %rev3A_3518 = arith.constant 15 : i32
      %rev3A_3519 = vector.broadcast %rev3A_3518 : i32 to vector<16xi32>
      %rev3A_3520 = tpu.iota {dimensions = array<i32: 0>} : vector<16xi32>
      %rev3A_3521 = arith.subi %rev3A_3519, %rev3A_3520 : vector<16xi32>
      %rev3A_3522 = tpu.dynamic_gather %masked_sort3A_3122[%rev3A_3521] in [0] : vector<16xf32>, vector<16xi32> -> vector<16xf32>
      %max3A_3523 = arith.maximumf %masked_sort3A_3103, %rev3A_3522 : vector<16xf32>
      %rev3A_3524 = arith.constant 15 : i32
      %rev3A_3525 = vector.broadcast %rev3A_3524 : i32 to vector<16xi32>
      %rev3A_3526 = tpu.iota {dimensions = array<i32: 0>} : vector<16xi32>
      %rev3A_3527 = arith.subi %rev3A_3525, %rev3A_3526 : vector<16xi32>
      %rev3A_3528 = tpu.dynamic_gather %masked_sort3A_3118[%rev3A_3527] in [0] : vector<16xf32>, vector<16xi32> -> vector<16xf32>
      %max3A_3529 = arith.maximumf %masked_sort3A_3107, %rev3A_3528 : vector<16xf32>
      %min3A_3530 = arith.minimumf %max3A_3523, %max3A_3529 : vector<16xf32>
      %max3A_3531 = arith.maximumf %max3A_3523, %max3A_3529 : vector<16xf32>
      %masked_sort3A_3532 = arith.constant dense<true> : vector<16xi1>
      %masked_sort3A_3533, %masked_sort3A_3534, %masked_sort3A_3535 = tpu.sort %min3A_3530, %min3A_3530 masked %masked_sort3A_3532 : (vector<16xf32>, vector<16xf32>, vector<16xi1>) -> (vector<16xi1>, vector<16xf32>, vector<16xf32>)
      %masked_sort3A_3536 = arith.constant dense<true> : vector<16xi1>
      %masked_sort3A_3537, %masked_sort3A_3538, %masked_sort3A_3539 = tpu.sort %max3A_3531, %max3A_3531 masked %masked_sort3A_3536 : (vector<16xf32>, vector<16xf32>, vector<16xi1>) -> (vector<16xi1>, vector<16xf32>, vector<16xf32>)
      %rev3A_3540 = arith.constant 15 : i32
      %rev3A_3541 = vector.broadcast %rev3A_3540 : i32 to vector<16xi32>
      %rev3A_3542 = tpu.iota {dimensions = array<i32: 0>} : vector<16xi32>
      %rev3A_3543 = arith.subi %rev3A_3541, %rev3A_3542 : vector<16xi32>
      %rev3A_3544 = tpu.dynamic_gather %masked_sort3A_3152[%rev3A_3543] in [0] : vector<16xf32>, vector<16xi32> -> vector<16xf32>
      %max3A_3545 = arith.maximumf %masked_sort3A_3133, %rev3A_3544 : vector<16xf32>
      %rev3A_3546 = arith.constant 15 : i32
      %rev3A_3547 = vector.broadcast %rev3A_3546 : i32 to vector<16xi32>
      %rev3A_3548 = tpu.iota {dimensions = array<i32: 0>} : vector<16xi32>
      %rev3A_3549 = arith.subi %rev3A_3547, %rev3A_3548 : vector<16xi32>
      %rev3A_3550 = tpu.dynamic_gather %masked_sort3A_3148[%rev3A_3549] in [0] : vector<16xf32>, vector<16xi32> -> vector<16xf32>
      %max3A_3551 = arith.maximumf %masked_sort3A_3137, %rev3A_3550 : vector<16xf32>
      %min3A_3552 = arith.minimumf %max3A_3545, %max3A_3551 : vector<16xf32>
      %max3A_3553 = arith.maximumf %max3A_3545, %max3A_3551 : vector<16xf32>
      %masked_sort3A_3554 = arith.constant dense<true> : vector<16xi1>
      %masked_sort3A_3555, %masked_sort3A_3556, %masked_sort3A_3557 = tpu.sort %min3A_3552, %min3A_3552 masked %masked_sort3A_3554 : (vector<16xf32>, vector<16xf32>, vector<16xi1>) -> (vector<16xi1>, vector<16xf32>, vector<16xf32>)
      %masked_sort3A_3558 = arith.constant dense<true> : vector<16xi1>
      %masked_sort3A_3559, %masked_sort3A_3560, %masked_sort3A_3561 = tpu.sort %max3A_3553, %max3A_3553 masked %masked_sort3A_3558 : (vector<16xf32>, vector<16xf32>, vector<16xi1>) -> (vector<16xi1>, vector<16xf32>, vector<16xf32>)
      %rev3A_3562 = arith.constant 15 : i32
      %rev3A_3563 = vector.broadcast %rev3A_3562 : i32 to vector<16xi32>
      %rev3A_3564 = tpu.iota {dimensions = array<i32: 0>} : vector<16xi32>
      %rev3A_3565 = arith.subi %rev3A_3563, %rev3A_3564 : vector<16xi32>
      %rev3A_3566 = tpu.dynamic_gather %masked_sort3A_3182[%rev3A_3565] in [0] : vector<16xf32>, vector<16xi32> -> vector<16xf32>
      %max3A_3567 = arith.maximumf %masked_sort3A_3163, %rev3A_3566 : vector<16xf32>
      %rev3A_3568 = arith.constant 15 : i32
      %rev3A_3569 = vector.broadcast %rev3A_3568 : i32 to vector<16xi32>
      %rev3A_3570 = tpu.iota {dimensions = array<i32: 0>} : vector<16xi32>
      %rev3A_3571 = arith.subi %rev3A_3569, %rev3A_3570 : vector<16xi32>
      %rev3A_3572 = tpu.dynamic_gather %masked_sort3A_3178[%rev3A_3571] in [0] : vector<16xf32>, vector<16xi32> -> vector<16xf32>
      %max3A_3573 = arith.maximumf %masked_sort3A_3167, %rev3A_3572 : vector<16xf32>
      %min3A_3574 = arith.minimumf %max3A_3567, %max3A_3573 : vector<16xf32>
      %max3A_3575 = arith.maximumf %max3A_3567, %max3A_3573 : vector<16xf32>
      %masked_sort3A_3576 = arith.constant dense<true> : vector<16xi1>
      %masked_sort3A_3577, %masked_sort3A_3578, %masked_sort3A_3579 = tpu.sort %min3A_3574, %min3A_3574 masked %masked_sort3A_3576 : (vector<16xf32>, vector<16xf32>, vector<16xi1>) -> (vector<16xi1>, vector<16xf32>, vector<16xf32>)
      %masked_sort3A_3580 = arith.constant dense<true> : vector<16xi1>
      %masked_sort3A_3581, %masked_sort3A_3582, %masked_sort3A_3583 = tpu.sort %max3A_3575, %max3A_3575 masked %masked_sort3A_3580 : (vector<16xf32>, vector<16xf32>, vector<16xi1>) -> (vector<16xi1>, vector<16xf32>, vector<16xf32>)
      %rev3A_3584 = arith.constant 15 : i32
      %rev3A_3585 = vector.broadcast %rev3A_3584 : i32 to vector<16xi32>
      %rev3A_3586 = tpu.iota {dimensions = array<i32: 0>} : vector<16xi32>
      %rev3A_3587 = arith.subi %rev3A_3585, %rev3A_3586 : vector<16xi32>
      %rev3A_3588 = tpu.dynamic_gather %masked_sort3A_3212[%rev3A_3587] in [0] : vector<16xf32>, vector<16xi32> -> vector<16xf32>
      %max3A_3589 = arith.maximumf %masked_sort3A_3193, %rev3A_3588 : vector<16xf32>
      %rev3A_3590 = arith.constant 15 : i32
      %rev3A_3591 = vector.broadcast %rev3A_3590 : i32 to vector<16xi32>
      %rev3A_3592 = tpu.iota {dimensions = array<i32: 0>} : vector<16xi32>
      %rev3A_3593 = arith.subi %rev3A_3591, %rev3A_3592 : vector<16xi32>
      %rev3A_3594 = tpu.dynamic_gather %masked_sort3A_3208[%rev3A_3593] in [0] : vector<16xf32>, vector<16xi32> -> vector<16xf32>
      %max3A_3595 = arith.maximumf %masked_sort3A_3197, %rev3A_3594 : vector<16xf32>
      %min3A_3596 = arith.minimumf %max3A_3589, %max3A_3595 : vector<16xf32>
      %max3A_3597 = arith.maximumf %max3A_3589, %max3A_3595 : vector<16xf32>
      %masked_sort3A_3598 = arith.constant dense<true> : vector<16xi1>
      %masked_sort3A_3599, %masked_sort3A_3600, %masked_sort3A_3601 = tpu.sort %min3A_3596, %min3A_3596 masked %masked_sort3A_3598 : (vector<16xf32>, vector<16xf32>, vector<16xi1>) -> (vector<16xi1>, vector<16xf32>, vector<16xf32>)
      %masked_sort3A_3602 = arith.constant dense<true> : vector<16xi1>
      %masked_sort3A_3603, %masked_sort3A_3604, %masked_sort3A_3605 = tpu.sort %max3A_3597, %max3A_3597 masked %masked_sort3A_3602 : (vector<16xf32>, vector<16xf32>, vector<16xi1>) -> (vector<16xi1>, vector<16xf32>, vector<16xf32>)
      %rev3A_3606 = arith.constant 15 : i32
      %rev3A_3607 = vector.broadcast %rev3A_3606 : i32 to vector<16xi32>
      %rev3A_3608 = tpu.iota {dimensions = array<i32: 0>} : vector<16xi32>
      %rev3A_3609 = arith.subi %rev3A_3607, %rev3A_3608 : vector<16xi32>
      %rev3A_3610 = tpu.dynamic_gather %masked_sort3A_3242[%rev3A_3609] in [0] : vector<16xf32>, vector<16xi32> -> vector<16xf32>
      %max3A_3611 = arith.maximumf %masked_sort3A_3223, %rev3A_3610 : vector<16xf32>
      %rev3A_3612 = arith.constant 15 : i32
      %rev3A_3613 = vector.broadcast %rev3A_3612 : i32 to vector<16xi32>
      %rev3A_3614 = tpu.iota {dimensions = array<i32: 0>} : vector<16xi32>
      %rev3A_3615 = arith.subi %rev3A_3613, %rev3A_3614 : vector<16xi32>
      %rev3A_3616 = tpu.dynamic_gather %masked_sort3A_3238[%rev3A_3615] in [0] : vector<16xf32>, vector<16xi32> -> vector<16xf32>
      %max3A_3617 = arith.maximumf %masked_sort3A_3227, %rev3A_3616 : vector<16xf32>
      %min3A_3618 = arith.minimumf %max3A_3611, %max3A_3617 : vector<16xf32>
      %max3A_3619 = arith.maximumf %max3A_3611, %max3A_3617 : vector<16xf32>
      %masked_sort3A_3620 = arith.constant dense<true> : vector<16xi1>
      %masked_sort3A_3621, %masked_sort3A_3622, %masked_sort3A_3623 = tpu.sort %min3A_3618, %min3A_3618 masked %masked_sort3A_3620 : (vector<16xf32>, vector<16xf32>, vector<16xi1>) -> (vector<16xi1>, vector<16xf32>, vector<16xf32>)
      %masked_sort3A_3624 = arith.constant dense<true> : vector<16xi1>
      %masked_sort3A_3625, %masked_sort3A_3626, %masked_sort3A_3627 = tpu.sort %max3A_3619, %max3A_3619 masked %masked_sort3A_3624 : (vector<16xf32>, vector<16xf32>, vector<16xi1>) -> (vector<16xi1>, vector<16xf32>, vector<16xf32>)
      %rev3A_3628 = arith.constant 15 : i32
      %rev3A_3629 = vector.broadcast %rev3A_3628 : i32 to vector<16xi32>
      %rev3A_3630 = tpu.iota {dimensions = array<i32: 0>} : vector<16xi32>
      %rev3A_3631 = arith.subi %rev3A_3629, %rev3A_3630 : vector<16xi32>
      %rev3A_3632 = tpu.dynamic_gather %masked_sort3A_3272[%rev3A_3631] in [0] : vector<16xf32>, vector<16xi32> -> vector<16xf32>
      %max3A_3633 = arith.maximumf %masked_sort3A_3253, %rev3A_3632 : vector<16xf32>
      %rev3A_3634 = arith.constant 15 : i32
      %rev3A_3635 = vector.broadcast %rev3A_3634 : i32 to vector<16xi32>
      %rev3A_3636 = tpu.iota {dimensions = array<i32: 0>} : vector<16xi32>
      %rev3A_3637 = arith.subi %rev3A_3635, %rev3A_3636 : vector<16xi32>
      %rev3A_3638 = tpu.dynamic_gather %masked_sort3A_3268[%rev3A_3637] in [0] : vector<16xf32>, vector<16xi32> -> vector<16xf32>
      %max3A_3639 = arith.maximumf %masked_sort3A_3257, %rev3A_3638 : vector<16xf32>
      %min3A_3640 = arith.minimumf %max3A_3633, %max3A_3639 : vector<16xf32>
      %max3A_3641 = arith.maximumf %max3A_3633, %max3A_3639 : vector<16xf32>
      %masked_sort3A_3642 = arith.constant dense<true> : vector<16xi1>
      %masked_sort3A_3643, %masked_sort3A_3644, %masked_sort3A_3645 = tpu.sort %min3A_3640, %min3A_3640 masked %masked_sort3A_3642 : (vector<16xf32>, vector<16xf32>, vector<16xi1>) -> (vector<16xi1>, vector<16xf32>, vector<16xf32>)
      %masked_sort3A_3646 = arith.constant dense<true> : vector<16xi1>
      %masked_sort3A_3647, %masked_sort3A_3648, %masked_sort3A_3649 = tpu.sort %max3A_3641, %max3A_3641 masked %masked_sort3A_3646 : (vector<16xf32>, vector<16xf32>, vector<16xi1>) -> (vector<16xi1>, vector<16xf32>, vector<16xf32>)
      %rev3A_3650 = arith.constant 15 : i32
      %rev3A_3651 = vector.broadcast %rev3A_3650 : i32 to vector<16xi32>
      %rev3A_3652 = tpu.iota {dimensions = array<i32: 0>} : vector<16xi32>
      %rev3A_3653 = arith.subi %rev3A_3651, %rev3A_3652 : vector<16xi32>
      %rev3A_3654 = tpu.dynamic_gather %masked_sort3A_3302[%rev3A_3653] in [0] : vector<16xf32>, vector<16xi32> -> vector<16xf32>
      %max3A_3655 = arith.maximumf %masked_sort3A_3283, %rev3A_3654 : vector<16xf32>
      %rev3A_3656 = arith.constant 15 : i32
      %rev3A_3657 = vector.broadcast %rev3A_3656 : i32 to vector<16xi32>
      %rev3A_3658 = tpu.iota {dimensions = array<i32: 0>} : vector<16xi32>
      %rev3A_3659 = arith.subi %rev3A_3657, %rev3A_3658 : vector<16xi32>
      %rev3A_3660 = tpu.dynamic_gather %masked_sort3A_3298[%rev3A_3659] in [0] : vector<16xf32>, vector<16xi32> -> vector<16xf32>
      %max3A_3661 = arith.maximumf %masked_sort3A_3287, %rev3A_3660 : vector<16xf32>
      %min3A_3662 = arith.minimumf %max3A_3655, %max3A_3661 : vector<16xf32>
      %max3A_3663 = arith.maximumf %max3A_3655, %max3A_3661 : vector<16xf32>
      %masked_sort3A_3664 = arith.constant dense<true> : vector<16xi1>
      %masked_sort3A_3665, %masked_sort3A_3666, %masked_sort3A_3667 = tpu.sort %min3A_3662, %min3A_3662 masked %masked_sort3A_3664 : (vector<16xf32>, vector<16xf32>, vector<16xi1>) -> (vector<16xi1>, vector<16xf32>, vector<16xf32>)
      %masked_sort3A_3668 = arith.constant dense<true> : vector<16xi1>
      %masked_sort3A_3669, %masked_sort3A_3670, %masked_sort3A_3671 = tpu.sort %max3A_3663, %max3A_3663 masked %masked_sort3A_3668 : (vector<16xf32>, vector<16xf32>, vector<16xi1>) -> (vector<16xi1>, vector<16xf32>, vector<16xf32>)
      %rev3A_3672 = arith.constant 15 : i32
      %rev3A_3673 = vector.broadcast %rev3A_3672 : i32 to vector<16xi32>
      %rev3A_3674 = tpu.iota {dimensions = array<i32: 0>} : vector<16xi32>
      %rev3A_3675 = arith.subi %rev3A_3673, %rev3A_3674 : vector<16xi32>
      %rev3A_3676 = tpu.dynamic_gather %masked_sort3A_3332[%rev3A_3675] in [0] : vector<16xf32>, vector<16xi32> -> vector<16xf32>
      %max3A_3677 = arith.maximumf %masked_sort3A_3313, %rev3A_3676 : vector<16xf32>
      %rev3A_3678 = arith.constant 15 : i32
      %rev3A_3679 = vector.broadcast %rev3A_3678 : i32 to vector<16xi32>
      %rev3A_3680 = tpu.iota {dimensions = array<i32: 0>} : vector<16xi32>
      %rev3A_3681 = arith.subi %rev3A_3679, %rev3A_3680 : vector<16xi32>
      %rev3A_3682 = tpu.dynamic_gather %masked_sort3A_3328[%rev3A_3681] in [0] : vector<16xf32>, vector<16xi32> -> vector<16xf32>
      %max3A_3683 = arith.maximumf %masked_sort3A_3317, %rev3A_3682 : vector<16xf32>
      %min3A_3684 = arith.minimumf %max3A_3677, %max3A_3683 : vector<16xf32>
      %max3A_3685 = arith.maximumf %max3A_3677, %max3A_3683 : vector<16xf32>
      %masked_sort3A_3686 = arith.constant dense<true> : vector<16xi1>
      %masked_sort3A_3687, %masked_sort3A_3688, %masked_sort3A_3689 = tpu.sort %min3A_3684, %min3A_3684 masked %masked_sort3A_3686 : (vector<16xf32>, vector<16xf32>, vector<16xi1>) -> (vector<16xi1>, vector<16xf32>, vector<16xf32>)
      %masked_sort3A_3690 = arith.constant dense<true> : vector<16xi1>
      %masked_sort3A_3691, %masked_sort3A_3692, %masked_sort3A_3693 = tpu.sort %max3A_3685, %max3A_3685 masked %masked_sort3A_3690 : (vector<16xf32>, vector<16xf32>, vector<16xi1>) -> (vector<16xi1>, vector<16xf32>, vector<16xf32>)
      %rev3A_3694 = arith.constant 15 : i32
      %rev3A_3695 = vector.broadcast %rev3A_3694 : i32 to vector<16xi32>
      %rev3A_3696 = tpu.iota {dimensions = array<i32: 0>} : vector<16xi32>
      %rev3A_3697 = arith.subi %rev3A_3695, %rev3A_3696 : vector<16xi32>
      %rev3A_3698 = tpu.dynamic_gather %masked_sort3A_3362[%rev3A_3697] in [0] : vector<16xf32>, vector<16xi32> -> vector<16xf32>
      %max3A_3699 = arith.maximumf %masked_sort3A_3343, %rev3A_3698 : vector<16xf32>
      %rev3A_3700 = arith.constant 15 : i32
      %rev3A_3701 = vector.broadcast %rev3A_3700 : i32 to vector<16xi32>
      %rev3A_3702 = tpu.iota {dimensions = array<i32: 0>} : vector<16xi32>
      %rev3A_3703 = arith.subi %rev3A_3701, %rev3A_3702 : vector<16xi32>
      %rev3A_3704 = tpu.dynamic_gather %masked_sort3A_3358[%rev3A_3703] in [0] : vector<16xf32>, vector<16xi32> -> vector<16xf32>
      %max3A_3705 = arith.maximumf %masked_sort3A_3347, %rev3A_3704 : vector<16xf32>
      %min3A_3706 = arith.minimumf %max3A_3699, %max3A_3705 : vector<16xf32>
      %max3A_3707 = arith.maximumf %max3A_3699, %max3A_3705 : vector<16xf32>
      %masked_sort3A_3708 = arith.constant dense<true> : vector<16xi1>
      %masked_sort3A_3709, %masked_sort3A_3710, %masked_sort3A_3711 = tpu.sort %min3A_3706, %min3A_3706 masked %masked_sort3A_3708 : (vector<16xf32>, vector<16xf32>, vector<16xi1>) -> (vector<16xi1>, vector<16xf32>, vector<16xf32>)
      %masked_sort3A_3712 = arith.constant dense<true> : vector<16xi1>
      %masked_sort3A_3713, %masked_sort3A_3714, %masked_sort3A_3715 = tpu.sort %max3A_3707, %max3A_3707 masked %masked_sort3A_3712 : (vector<16xf32>, vector<16xf32>, vector<16xi1>) -> (vector<16xi1>, vector<16xf32>, vector<16xf32>)
      %rev3A_3716 = arith.constant 15 : i32
      %rev3A_3717 = vector.broadcast %rev3A_3716 : i32 to vector<16xi32>
      %rev3A_3718 = tpu.iota {dimensions = array<i32: 0>} : vector<16xi32>
      %rev3A_3719 = arith.subi %rev3A_3717, %rev3A_3718 : vector<16xi32>
      %rev3A_3720 = tpu.dynamic_gather %masked_sort3A_3406[%rev3A_3719] in [0] : vector<16xf32>, vector<16xi32> -> vector<16xf32>
      %max3A_3721 = arith.maximumf %masked_sort3A_3380, %rev3A_3720 : vector<16xf32>
      %rev3A_3722 = arith.constant 15 : i32
      %rev3A_3723 = vector.broadcast %rev3A_3722 : i32 to vector<16xi32>
      %rev3A_3724 = tpu.iota {dimensions = array<i32: 0>} : vector<16xi32>
      %rev3A_3725 = arith.subi %rev3A_3723, %rev3A_3724 : vector<16xi32>
      %rev3A_3726 = tpu.dynamic_gather %masked_sort3A_3402[%rev3A_3725] in [0] : vector<16xf32>, vector<16xi32> -> vector<16xf32>
      %max3A_3727 = arith.maximumf %masked_sort3A_3384, %rev3A_3726 : vector<16xf32>
      %min3A_3728 = arith.minimumf %max3A_3721, %max3A_3727 : vector<16xf32>
      %max3A_3729 = arith.maximumf %max3A_3721, %max3A_3727 : vector<16xf32>
      %masked_sort3A_3730 = arith.constant dense<true> : vector<16xi1>
      %masked_sort3A_3731, %masked_sort3A_3732, %masked_sort3A_3733 = tpu.sort %min3A_3728, %min3A_3728 masked %masked_sort3A_3730 : (vector<16xf32>, vector<16xf32>, vector<16xi1>) -> (vector<16xi1>, vector<16xf32>, vector<16xf32>)
      %masked_sort3A_3734 = arith.constant dense<true> : vector<16xi1>
      %masked_sort3A_3735, %masked_sort3A_3736, %masked_sort3A_3737 = tpu.sort %max3A_3729, %max3A_3729 masked %masked_sort3A_3734 : (vector<16xf32>, vector<16xf32>, vector<16xi1>) -> (vector<16xi1>, vector<16xf32>, vector<16xf32>)
      %rev3A_3738 = arith.constant 15 : i32
      %rev3A_3739 = vector.broadcast %rev3A_3738 : i32 to vector<16xi32>
      %rev3A_3740 = tpu.iota {dimensions = array<i32: 0>} : vector<16xi32>
      %rev3A_3741 = arith.subi %rev3A_3739, %rev3A_3740 : vector<16xi32>
      %rev3A_3742 = tpu.dynamic_gather %masked_sort3A_3450[%rev3A_3741] in [0] : vector<16xf32>, vector<16xi32> -> vector<16xf32>
      %max3A_3743 = arith.maximumf %masked_sort3A_3424, %rev3A_3742 : vector<16xf32>
      %rev3A_3744 = arith.constant 15 : i32
      %rev3A_3745 = vector.broadcast %rev3A_3744 : i32 to vector<16xi32>
      %rev3A_3746 = tpu.iota {dimensions = array<i32: 0>} : vector<16xi32>
      %rev3A_3747 = arith.subi %rev3A_3745, %rev3A_3746 : vector<16xi32>
      %rev3A_3748 = tpu.dynamic_gather %masked_sort3A_3446[%rev3A_3747] in [0] : vector<16xf32>, vector<16xi32> -> vector<16xf32>
      %max3A_3749 = arith.maximumf %masked_sort3A_3428, %rev3A_3748 : vector<16xf32>
      %min3A_3750 = arith.minimumf %max3A_3743, %max3A_3749 : vector<16xf32>
      %max3A_3751 = arith.maximumf %max3A_3743, %max3A_3749 : vector<16xf32>
      %masked_sort3A_3752 = arith.constant dense<true> : vector<16xi1>
      %masked_sort3A_3753, %masked_sort3A_3754, %masked_sort3A_3755 = tpu.sort %min3A_3750, %min3A_3750 masked %masked_sort3A_3752 : (vector<16xf32>, vector<16xf32>, vector<16xi1>) -> (vector<16xi1>, vector<16xf32>, vector<16xf32>)
      %masked_sort3A_3756 = arith.constant dense<true> : vector<16xi1>
      %masked_sort3A_3757, %masked_sort3A_3758, %masked_sort3A_3759 = tpu.sort %max3A_3751, %max3A_3751 masked %masked_sort3A_3756 : (vector<16xf32>, vector<16xf32>, vector<16xi1>) -> (vector<16xi1>, vector<16xf32>, vector<16xf32>)
      %rev3A_3760 = arith.constant 15 : i32
      %rev3A_3761 = vector.broadcast %rev3A_3760 : i32 to vector<16xi32>
      %rev3A_3762 = tpu.iota {dimensions = array<i32: 0>} : vector<16xi32>
      %rev3A_3763 = arith.subi %rev3A_3761, %rev3A_3762 : vector<16xi32>
      %rev3A_3764 = tpu.dynamic_gather %masked_sort3A_3494[%rev3A_3763] in [0] : vector<16xf32>, vector<16xi32> -> vector<16xf32>
      %max3A_3765 = arith.maximumf %masked_sort3A_3468, %rev3A_3764 : vector<16xf32>
      %rev3A_3766 = arith.constant 15 : i32
      %rev3A_3767 = vector.broadcast %rev3A_3766 : i32 to vector<16xi32>
      %rev3A_3768 = tpu.iota {dimensions = array<i32: 0>} : vector<16xi32>
      %rev3A_3769 = arith.subi %rev3A_3767, %rev3A_3768 : vector<16xi32>
      %rev3A_3770 = tpu.dynamic_gather %masked_sort3A_3490[%rev3A_3769] in [0] : vector<16xf32>, vector<16xi32> -> vector<16xf32>
      %max3A_3771 = arith.maximumf %masked_sort3A_3472, %rev3A_3770 : vector<16xf32>
      %min3A_3772 = arith.minimumf %max3A_3765, %max3A_3771 : vector<16xf32>
      %max3A_3773 = arith.maximumf %max3A_3765, %max3A_3771 : vector<16xf32>
      %masked_sort3A_3774 = arith.constant dense<true> : vector<16xi1>
      %masked_sort3A_3775, %masked_sort3A_3776, %masked_sort3A_3777 = tpu.sort %min3A_3772, %min3A_3772 masked %masked_sort3A_3774 : (vector<16xf32>, vector<16xf32>, vector<16xi1>) -> (vector<16xi1>, vector<16xf32>, vector<16xf32>)
      %masked_sort3A_3778 = arith.constant dense<true> : vector<16xi1>
      %masked_sort3A_3779, %masked_sort3A_3780, %masked_sort3A_3781 = tpu.sort %max3A_3773, %max3A_3773 masked %masked_sort3A_3778 : (vector<16xf32>, vector<16xf32>, vector<16xi1>) -> (vector<16xi1>, vector<16xf32>, vector<16xf32>)
      %rev3A_3782 = arith.constant 15 : i32
      %rev3A_3783 = vector.broadcast %rev3A_3782 : i32 to vector<16xi32>
      %rev3A_3784 = tpu.iota {dimensions = array<i32: 0>} : vector<16xi32>
      %rev3A_3785 = arith.subi %rev3A_3783, %rev3A_3784 : vector<16xi32>
      %rev3A_3786 = tpu.dynamic_gather %masked_sort3A_3538[%rev3A_3785] in [0] : vector<16xf32>, vector<16xi32> -> vector<16xf32>
      %max3A_3787 = arith.maximumf %masked_sort3A_3512, %rev3A_3786 : vector<16xf32>
      %rev3A_3788 = arith.constant 15 : i32
      %rev3A_3789 = vector.broadcast %rev3A_3788 : i32 to vector<16xi32>
      %rev3A_3790 = tpu.iota {dimensions = array<i32: 0>} : vector<16xi32>
      %rev3A_3791 = arith.subi %rev3A_3789, %rev3A_3790 : vector<16xi32>
      %rev3A_3792 = tpu.dynamic_gather %masked_sort3A_3534[%rev3A_3791] in [0] : vector<16xf32>, vector<16xi32> -> vector<16xf32>
      %max3A_3793 = arith.maximumf %masked_sort3A_3516, %rev3A_3792 : vector<16xf32>
      %min3A_3794 = arith.minimumf %max3A_3787, %max3A_3793 : vector<16xf32>
      %max3A_3795 = arith.maximumf %max3A_3787, %max3A_3793 : vector<16xf32>
      %masked_sort3A_3796 = arith.constant dense<true> : vector<16xi1>
      %masked_sort3A_3797, %masked_sort3A_3798, %masked_sort3A_3799 = tpu.sort %min3A_3794, %min3A_3794 masked %masked_sort3A_3796 : (vector<16xf32>, vector<16xf32>, vector<16xi1>) -> (vector<16xi1>, vector<16xf32>, vector<16xf32>)
      %masked_sort3A_3800 = arith.constant dense<true> : vector<16xi1>
      %masked_sort3A_3801, %masked_sort3A_3802, %masked_sort3A_3803 = tpu.sort %max3A_3795, %max3A_3795 masked %masked_sort3A_3800 : (vector<16xf32>, vector<16xf32>, vector<16xi1>) -> (vector<16xi1>, vector<16xf32>, vector<16xf32>)
      %rev3A_3804 = arith.constant 15 : i32
      %rev3A_3805 = vector.broadcast %rev3A_3804 : i32 to vector<16xi32>
      %rev3A_3806 = tpu.iota {dimensions = array<i32: 0>} : vector<16xi32>
      %rev3A_3807 = arith.subi %rev3A_3805, %rev3A_3806 : vector<16xi32>
      %rev3A_3808 = tpu.dynamic_gather %masked_sort3A_3582[%rev3A_3807] in [0] : vector<16xf32>, vector<16xi32> -> vector<16xf32>
      %max3A_3809 = arith.maximumf %masked_sort3A_3556, %rev3A_3808 : vector<16xf32>
      %rev3A_3810 = arith.constant 15 : i32
      %rev3A_3811 = vector.broadcast %rev3A_3810 : i32 to vector<16xi32>
      %rev3A_3812 = tpu.iota {dimensions = array<i32: 0>} : vector<16xi32>
      %rev3A_3813 = arith.subi %rev3A_3811, %rev3A_3812 : vector<16xi32>
      %rev3A_3814 = tpu.dynamic_gather %masked_sort3A_3578[%rev3A_3813] in [0] : vector<16xf32>, vector<16xi32> -> vector<16xf32>
      %max3A_3815 = arith.maximumf %masked_sort3A_3560, %rev3A_3814 : vector<16xf32>
      %min3A_3816 = arith.minimumf %max3A_3809, %max3A_3815 : vector<16xf32>
      %max3A_3817 = arith.maximumf %max3A_3809, %max3A_3815 : vector<16xf32>
      %masked_sort3A_3818 = arith.constant dense<true> : vector<16xi1>
      %masked_sort3A_3819, %masked_sort3A_3820, %masked_sort3A_3821 = tpu.sort %min3A_3816, %min3A_3816 masked %masked_sort3A_3818 : (vector<16xf32>, vector<16xf32>, vector<16xi1>) -> (vector<16xi1>, vector<16xf32>, vector<16xf32>)
      %masked_sort3A_3822 = arith.constant dense<true> : vector<16xi1>
      %masked_sort3A_3823, %masked_sort3A_3824, %masked_sort3A_3825 = tpu.sort %max3A_3817, %max3A_3817 masked %masked_sort3A_3822 : (vector<16xf32>, vector<16xf32>, vector<16xi1>) -> (vector<16xi1>, vector<16xf32>, vector<16xf32>)
      %rev3A_3826 = arith.constant 15 : i32
      %rev3A_3827 = vector.broadcast %rev3A_3826 : i32 to vector<16xi32>
      %rev3A_3828 = tpu.iota {dimensions = array<i32: 0>} : vector<16xi32>
      %rev3A_3829 = arith.subi %rev3A_3827, %rev3A_3828 : vector<16xi32>
      %rev3A_3830 = tpu.dynamic_gather %masked_sort3A_3626[%rev3A_3829] in [0] : vector<16xf32>, vector<16xi32> -> vector<16xf32>
      %max3A_3831 = arith.maximumf %masked_sort3A_3600, %rev3A_3830 : vector<16xf32>
      %rev3A_3832 = arith.constant 15 : i32
      %rev3A_3833 = vector.broadcast %rev3A_3832 : i32 to vector<16xi32>
      %rev3A_3834 = tpu.iota {dimensions = array<i32: 0>} : vector<16xi32>
      %rev3A_3835 = arith.subi %rev3A_3833, %rev3A_3834 : vector<16xi32>
      %rev3A_3836 = tpu.dynamic_gather %masked_sort3A_3622[%rev3A_3835] in [0] : vector<16xf32>, vector<16xi32> -> vector<16xf32>
      %max3A_3837 = arith.maximumf %masked_sort3A_3604, %rev3A_3836 : vector<16xf32>
      %min3A_3838 = arith.minimumf %max3A_3831, %max3A_3837 : vector<16xf32>
      %max3A_3839 = arith.maximumf %max3A_3831, %max3A_3837 : vector<16xf32>
      %masked_sort3A_3840 = arith.constant dense<true> : vector<16xi1>
      %masked_sort3A_3841, %masked_sort3A_3842, %masked_sort3A_3843 = tpu.sort %min3A_3838, %min3A_3838 masked %masked_sort3A_3840 : (vector<16xf32>, vector<16xf32>, vector<16xi1>) -> (vector<16xi1>, vector<16xf32>, vector<16xf32>)
      %masked_sort3A_3844 = arith.constant dense<true> : vector<16xi1>
      %masked_sort3A_3845, %masked_sort3A_3846, %masked_sort3A_3847 = tpu.sort %max3A_3839, %max3A_3839 masked %masked_sort3A_3844 : (vector<16xf32>, vector<16xf32>, vector<16xi1>) -> (vector<16xi1>, vector<16xf32>, vector<16xf32>)
      %rev3A_3848 = arith.constant 15 : i32
      %rev3A_3849 = vector.broadcast %rev3A_3848 : i32 to vector<16xi32>
      %rev3A_3850 = tpu.iota {dimensions = array<i32: 0>} : vector<16xi32>
      %rev3A_3851 = arith.subi %rev3A_3849, %rev3A_3850 : vector<16xi32>
      %rev3A_3852 = tpu.dynamic_gather %masked_sort3A_3670[%rev3A_3851] in [0] : vector<16xf32>, vector<16xi32> -> vector<16xf32>
      %max3A_3853 = arith.maximumf %masked_sort3A_3644, %rev3A_3852 : vector<16xf32>
      %rev3A_3854 = arith.constant 15 : i32
      %rev3A_3855 = vector.broadcast %rev3A_3854 : i32 to vector<16xi32>
      %rev3A_3856 = tpu.iota {dimensions = array<i32: 0>} : vector<16xi32>
      %rev3A_3857 = arith.subi %rev3A_3855, %rev3A_3856 : vector<16xi32>
      %rev3A_3858 = tpu.dynamic_gather %masked_sort3A_3666[%rev3A_3857] in [0] : vector<16xf32>, vector<16xi32> -> vector<16xf32>
      %max3A_3859 = arith.maximumf %masked_sort3A_3648, %rev3A_3858 : vector<16xf32>
      %min3A_3860 = arith.minimumf %max3A_3853, %max3A_3859 : vector<16xf32>
      %max3A_3861 = arith.maximumf %max3A_3853, %max3A_3859 : vector<16xf32>
      %masked_sort3A_3862 = arith.constant dense<true> : vector<16xi1>
      %masked_sort3A_3863, %masked_sort3A_3864, %masked_sort3A_3865 = tpu.sort %min3A_3860, %min3A_3860 masked %masked_sort3A_3862 : (vector<16xf32>, vector<16xf32>, vector<16xi1>) -> (vector<16xi1>, vector<16xf32>, vector<16xf32>)
      %masked_sort3A_3866 = arith.constant dense<true> : vector<16xi1>
      %masked_sort3A_3867, %masked_sort3A_3868, %masked_sort3A_3869 = tpu.sort %max3A_3861, %max3A_3861 masked %masked_sort3A_3866 : (vector<16xf32>, vector<16xf32>, vector<16xi1>) -> (vector<16xi1>, vector<16xf32>, vector<16xf32>)
      %rev3A_3870 = arith.constant 15 : i32
      %rev3A_3871 = vector.broadcast %rev3A_3870 : i32 to vector<16xi32>
      %rev3A_3872 = tpu.iota {dimensions = array<i32: 0>} : vector<16xi32>
      %rev3A_3873 = arith.subi %rev3A_3871, %rev3A_3872 : vector<16xi32>
      %rev3A_3874 = tpu.dynamic_gather %masked_sort3A_3714[%rev3A_3873] in [0] : vector<16xf32>, vector<16xi32> -> vector<16xf32>
      %max3A_3875 = arith.maximumf %masked_sort3A_3688, %rev3A_3874 : vector<16xf32>
      %rev3A_3876 = arith.constant 15 : i32
      %rev3A_3877 = vector.broadcast %rev3A_3876 : i32 to vector<16xi32>
      %rev3A_3878 = tpu.iota {dimensions = array<i32: 0>} : vector<16xi32>
      %rev3A_3879 = arith.subi %rev3A_3877, %rev3A_3878 : vector<16xi32>
      %rev3A_3880 = tpu.dynamic_gather %masked_sort3A_3710[%rev3A_3879] in [0] : vector<16xf32>, vector<16xi32> -> vector<16xf32>
      %max3A_3881 = arith.maximumf %masked_sort3A_3692, %rev3A_3880 : vector<16xf32>
      %min3A_3882 = arith.minimumf %max3A_3875, %max3A_3881 : vector<16xf32>
      %max3A_3883 = arith.maximumf %max3A_3875, %max3A_3881 : vector<16xf32>
      %masked_sort3A_3884 = arith.constant dense<true> : vector<16xi1>
      %masked_sort3A_3885, %masked_sort3A_3886, %masked_sort3A_3887 = tpu.sort %min3A_3882, %min3A_3882 masked %masked_sort3A_3884 : (vector<16xf32>, vector<16xf32>, vector<16xi1>) -> (vector<16xi1>, vector<16xf32>, vector<16xf32>)
      %masked_sort3A_3888 = arith.constant dense<true> : vector<16xi1>
      %masked_sort3A_3889, %masked_sort3A_3890, %masked_sort3A_3891 = tpu.sort %max3A_3883, %max3A_3883 masked %masked_sort3A_3888 : (vector<16xf32>, vector<16xf32>, vector<16xi1>) -> (vector<16xi1>, vector<16xf32>, vector<16xf32>)
      %rev3A_3892 = arith.constant 15 : i32
      %rev3A_3893 = vector.broadcast %rev3A_3892 : i32 to vector<16xi32>
      %rev3A_3894 = tpu.iota {dimensions = array<i32: 0>} : vector<16xi32>
      %rev3A_3895 = arith.subi %rev3A_3893, %rev3A_3894 : vector<16xi32>
      %rev3A_3896 = tpu.dynamic_gather %masked_sort3A_3758[%rev3A_3895] in [0] : vector<16xf32>, vector<16xi32> -> vector<16xf32>
      %max3A_3897 = arith.maximumf %masked_sort3A_3732, %rev3A_3896 : vector<16xf32>
      %rev3A_3898 = arith.constant 15 : i32
      %rev3A_3899 = vector.broadcast %rev3A_3898 : i32 to vector<16xi32>
      %rev3A_3900 = tpu.iota {dimensions = array<i32: 0>} : vector<16xi32>
      %rev3A_3901 = arith.subi %rev3A_3899, %rev3A_3900 : vector<16xi32>
      %rev3A_3902 = tpu.dynamic_gather %masked_sort3A_3754[%rev3A_3901] in [0] : vector<16xf32>, vector<16xi32> -> vector<16xf32>
      %max3A_3903 = arith.maximumf %masked_sort3A_3736, %rev3A_3902 : vector<16xf32>
      %min3A_3904 = arith.minimumf %max3A_3897, %max3A_3903 : vector<16xf32>
      %max3A_3905 = arith.maximumf %max3A_3897, %max3A_3903 : vector<16xf32>
      %masked_sort3A_3906 = arith.constant dense<true> : vector<16xi1>
      %masked_sort3A_3907, %masked_sort3A_3908, %masked_sort3A_3909 = tpu.sort %min3A_3904, %min3A_3904 masked %masked_sort3A_3906 : (vector<16xf32>, vector<16xf32>, vector<16xi1>) -> (vector<16xi1>, vector<16xf32>, vector<16xf32>)
      %masked_sort3A_3910 = arith.constant dense<true> : vector<16xi1>
      %masked_sort3A_3911, %masked_sort3A_3912, %masked_sort3A_3913 = tpu.sort %max3A_3905, %max3A_3905 masked %masked_sort3A_3910 : (vector<16xf32>, vector<16xf32>, vector<16xi1>) -> (vector<16xi1>, vector<16xf32>, vector<16xf32>)
      %rev3A_3914 = arith.constant 15 : i32
      %rev3A_3915 = vector.broadcast %rev3A_3914 : i32 to vector<16xi32>
      %rev3A_3916 = tpu.iota {dimensions = array<i32: 0>} : vector<16xi32>
      %rev3A_3917 = arith.subi %rev3A_3915, %rev3A_3916 : vector<16xi32>
      %rev3A_3918 = tpu.dynamic_gather %masked_sort3A_3802[%rev3A_3917] in [0] : vector<16xf32>, vector<16xi32> -> vector<16xf32>
      %max3A_3919 = arith.maximumf %masked_sort3A_3776, %rev3A_3918 : vector<16xf32>
      %rev3A_3920 = arith.constant 15 : i32
      %rev3A_3921 = vector.broadcast %rev3A_3920 : i32 to vector<16xi32>
      %rev3A_3922 = tpu.iota {dimensions = array<i32: 0>} : vector<16xi32>
      %rev3A_3923 = arith.subi %rev3A_3921, %rev3A_3922 : vector<16xi32>
      %rev3A_3924 = tpu.dynamic_gather %masked_sort3A_3798[%rev3A_3923] in [0] : vector<16xf32>, vector<16xi32> -> vector<16xf32>
      %max3A_3925 = arith.maximumf %masked_sort3A_3780, %rev3A_3924 : vector<16xf32>
      %min3A_3926 = arith.minimumf %max3A_3919, %max3A_3925 : vector<16xf32>
      %max3A_3927 = arith.maximumf %max3A_3919, %max3A_3925 : vector<16xf32>
      %masked_sort3A_3928 = arith.constant dense<true> : vector<16xi1>
      %masked_sort3A_3929, %masked_sort3A_3930, %masked_sort3A_3931 = tpu.sort %min3A_3926, %min3A_3926 masked %masked_sort3A_3928 : (vector<16xf32>, vector<16xf32>, vector<16xi1>) -> (vector<16xi1>, vector<16xf32>, vector<16xf32>)
      %masked_sort3A_3932 = arith.constant dense<true> : vector<16xi1>
      %masked_sort3A_3933, %masked_sort3A_3934, %masked_sort3A_3935 = tpu.sort %max3A_3927, %max3A_3927 masked %masked_sort3A_3932 : (vector<16xf32>, vector<16xf32>, vector<16xi1>) -> (vector<16xi1>, vector<16xf32>, vector<16xf32>)
      %rev3A_3936 = arith.constant 15 : i32
      %rev3A_3937 = vector.broadcast %rev3A_3936 : i32 to vector<16xi32>
      %rev3A_3938 = tpu.iota {dimensions = array<i32: 0>} : vector<16xi32>
      %rev3A_3939 = arith.subi %rev3A_3937, %rev3A_3938 : vector<16xi32>
      %rev3A_3940 = tpu.dynamic_gather %masked_sort3A_3846[%rev3A_3939] in [0] : vector<16xf32>, vector<16xi32> -> vector<16xf32>
      %max3A_3941 = arith.maximumf %masked_sort3A_3820, %rev3A_3940 : vector<16xf32>
      %rev3A_3942 = arith.constant 15 : i32
      %rev3A_3943 = vector.broadcast %rev3A_3942 : i32 to vector<16xi32>
      %rev3A_3944 = tpu.iota {dimensions = array<i32: 0>} : vector<16xi32>
      %rev3A_3945 = arith.subi %rev3A_3943, %rev3A_3944 : vector<16xi32>
      %rev3A_3946 = tpu.dynamic_gather %masked_sort3A_3842[%rev3A_3945] in [0] : vector<16xf32>, vector<16xi32> -> vector<16xf32>
      %max3A_3947 = arith.maximumf %masked_sort3A_3824, %rev3A_3946 : vector<16xf32>
      %min3A_3948 = arith.minimumf %max3A_3941, %max3A_3947 : vector<16xf32>
      %max3A_3949 = arith.maximumf %max3A_3941, %max3A_3947 : vector<16xf32>
      %masked_sort3A_3950 = arith.constant dense<true> : vector<16xi1>
      %masked_sort3A_3951, %masked_sort3A_3952, %masked_sort3A_3953 = tpu.sort %min3A_3948, %min3A_3948 masked %masked_sort3A_3950 : (vector<16xf32>, vector<16xf32>, vector<16xi1>) -> (vector<16xi1>, vector<16xf32>, vector<16xf32>)
      %masked_sort3A_3954 = arith.constant dense<true> : vector<16xi1>
      %masked_sort3A_3955, %masked_sort3A_3956, %masked_sort3A_3957 = tpu.sort %max3A_3949, %max3A_3949 masked %masked_sort3A_3954 : (vector<16xf32>, vector<16xf32>, vector<16xi1>) -> (vector<16xi1>, vector<16xf32>, vector<16xf32>)
      %rev3A_3958 = arith.constant 15 : i32
      %rev3A_3959 = vector.broadcast %rev3A_3958 : i32 to vector<16xi32>
      %rev3A_3960 = tpu.iota {dimensions = array<i32: 0>} : vector<16xi32>
      %rev3A_3961 = arith.subi %rev3A_3959, %rev3A_3960 : vector<16xi32>
      %rev3A_3962 = tpu.dynamic_gather %masked_sort3A_3890[%rev3A_3961] in [0] : vector<16xf32>, vector<16xi32> -> vector<16xf32>
      %max3A_3963 = arith.maximumf %masked_sort3A_3864, %rev3A_3962 : vector<16xf32>
      %rev3A_3964 = arith.constant 15 : i32
      %rev3A_3965 = vector.broadcast %rev3A_3964 : i32 to vector<16xi32>
      %rev3A_3966 = tpu.iota {dimensions = array<i32: 0>} : vector<16xi32>
      %rev3A_3967 = arith.subi %rev3A_3965, %rev3A_3966 : vector<16xi32>
      %rev3A_3968 = tpu.dynamic_gather %masked_sort3A_3886[%rev3A_3967] in [0] : vector<16xf32>, vector<16xi32> -> vector<16xf32>
      %max3A_3969 = arith.maximumf %masked_sort3A_3868, %rev3A_3968 : vector<16xf32>
      %min3A_3970 = arith.minimumf %max3A_3963, %max3A_3969 : vector<16xf32>
      %max3A_3971 = arith.maximumf %max3A_3963, %max3A_3969 : vector<16xf32>
      %masked_sort3A_3972 = arith.constant dense<true> : vector<16xi1>
      %masked_sort3A_3973, %masked_sort3A_3974, %masked_sort3A_3975 = tpu.sort %min3A_3970, %min3A_3970 masked %masked_sort3A_3972 : (vector<16xf32>, vector<16xf32>, vector<16xi1>) -> (vector<16xi1>, vector<16xf32>, vector<16xf32>)
      %masked_sort3A_3976 = arith.constant dense<true> : vector<16xi1>
      %masked_sort3A_3977, %masked_sort3A_3978, %masked_sort3A_3979 = tpu.sort %max3A_3971, %max3A_3971 masked %masked_sort3A_3976 : (vector<16xf32>, vector<16xf32>, vector<16xi1>) -> (vector<16xi1>, vector<16xf32>, vector<16xf32>)
      %rev3A_3980 = arith.constant 15 : i32
      %rev3A_3981 = vector.broadcast %rev3A_3980 : i32 to vector<16xi32>
      %rev3A_3982 = tpu.iota {dimensions = array<i32: 0>} : vector<16xi32>
      %rev3A_3983 = arith.subi %rev3A_3981, %rev3A_3982 : vector<16xi32>
      %rev3A_3984 = tpu.dynamic_gather %masked_sort3A_3934[%rev3A_3983] in [0] : vector<16xf32>, vector<16xi32> -> vector<16xf32>
      %max3A_3985 = arith.maximumf %masked_sort3A_3908, %rev3A_3984 : vector<16xf32>
      %rev3A_3986 = arith.constant 15 : i32
      %rev3A_3987 = vector.broadcast %rev3A_3986 : i32 to vector<16xi32>
      %rev3A_3988 = tpu.iota {dimensions = array<i32: 0>} : vector<16xi32>
      %rev3A_3989 = arith.subi %rev3A_3987, %rev3A_3988 : vector<16xi32>
      %rev3A_3990 = tpu.dynamic_gather %masked_sort3A_3930[%rev3A_3989] in [0] : vector<16xf32>, vector<16xi32> -> vector<16xf32>
      %max3A_3991 = arith.maximumf %masked_sort3A_3912, %rev3A_3990 : vector<16xf32>
      %min3A_3992 = arith.minimumf %max3A_3985, %max3A_3991 : vector<16xf32>
      %max3A_3993 = arith.maximumf %max3A_3985, %max3A_3991 : vector<16xf32>
      %masked_sort3A_3994 = arith.constant dense<true> : vector<16xi1>
      %masked_sort3A_3995, %masked_sort3A_3996, %masked_sort3A_3997 = tpu.sort %min3A_3992, %min3A_3992 masked %masked_sort3A_3994 : (vector<16xf32>, vector<16xf32>, vector<16xi1>) -> (vector<16xi1>, vector<16xf32>, vector<16xf32>)
      %masked_sort3A_3998 = arith.constant dense<true> : vector<16xi1>
      %masked_sort3A_3999, %masked_sort3A_4000, %masked_sort3A_4001 = tpu.sort %max3A_3993, %max3A_3993 masked %masked_sort3A_3998 : (vector<16xf32>, vector<16xf32>, vector<16xi1>) -> (vector<16xi1>, vector<16xf32>, vector<16xf32>)
      %rev3A_4002 = arith.constant 15 : i32
      %rev3A_4003 = vector.broadcast %rev3A_4002 : i32 to vector<16xi32>
      %rev3A_4004 = tpu.iota {dimensions = array<i32: 0>} : vector<16xi32>
      %rev3A_4005 = arith.subi %rev3A_4003, %rev3A_4004 : vector<16xi32>
      %rev3A_4006 = tpu.dynamic_gather %masked_sort3A_3978[%rev3A_4005] in [0] : vector<16xf32>, vector<16xi32> -> vector<16xf32>
      %max3A_4007 = arith.maximumf %masked_sort3A_3952, %rev3A_4006 : vector<16xf32>
      %rev3A_4008 = arith.constant 15 : i32
      %rev3A_4009 = vector.broadcast %rev3A_4008 : i32 to vector<16xi32>
      %rev3A_4010 = tpu.iota {dimensions = array<i32: 0>} : vector<16xi32>
      %rev3A_4011 = arith.subi %rev3A_4009, %rev3A_4010 : vector<16xi32>
      %rev3A_4012 = tpu.dynamic_gather %masked_sort3A_3974[%rev3A_4011] in [0] : vector<16xf32>, vector<16xi32> -> vector<16xf32>
      %max3A_4013 = arith.maximumf %masked_sort3A_3956, %rev3A_4012 : vector<16xf32>
      %min3A_4014 = arith.minimumf %max3A_4007, %max3A_4013 : vector<16xf32>
      %max3A_4015 = arith.maximumf %max3A_4007, %max3A_4013 : vector<16xf32>
      %masked_sort3A_4016 = arith.constant dense<true> : vector<16xi1>
      %masked_sort3A_4017, %masked_sort3A_4018, %masked_sort3A_4019 = tpu.sort %min3A_4014, %min3A_4014 masked %masked_sort3A_4016 : (vector<16xf32>, vector<16xf32>, vector<16xi1>) -> (vector<16xi1>, vector<16xf32>, vector<16xf32>)
      %masked_sort3A_4020 = arith.constant dense<true> : vector<16xi1>
      %masked_sort3A_4021, %masked_sort3A_4022, %masked_sort3A_4023 = tpu.sort %max3A_4015, %max3A_4015 masked %masked_sort3A_4020 : (vector<16xf32>, vector<16xf32>, vector<16xi1>) -> (vector<16xi1>, vector<16xf32>, vector<16xf32>)
      %rev3A_4024 = arith.constant 15 : i32
      %rev3A_4025 = vector.broadcast %rev3A_4024 : i32 to vector<16xi32>
      %rev3A_4026 = tpu.iota {dimensions = array<i32: 0>} : vector<16xi32>
      %rev3A_4027 = arith.subi %rev3A_4025, %rev3A_4026 : vector<16xi32>
      %rev3A_4028 = tpu.dynamic_gather %masked_sort3A_4022[%rev3A_4027] in [0] : vector<16xf32>, vector<16xi32> -> vector<16xf32>
      %max3A_4029 = arith.maximumf %masked_sort3A_3996, %rev3A_4028 : vector<16xf32>
      %rev3A_4030 = arith.constant 15 : i32
      %rev3A_4031 = vector.broadcast %rev3A_4030 : i32 to vector<16xi32>
      %rev3A_4032 = tpu.iota {dimensions = array<i32: 0>} : vector<16xi32>
      %rev3A_4033 = arith.subi %rev3A_4031, %rev3A_4032 : vector<16xi32>
      %rev3A_4034 = tpu.dynamic_gather %masked_sort3A_4018[%rev3A_4033] in [0] : vector<16xf32>, vector<16xi32> -> vector<16xf32>
      %max3A_4035 = arith.maximumf %masked_sort3A_4000, %rev3A_4034 : vector<16xf32>
      %min3A_4036 = arith.minimumf %max3A_4029, %max3A_4035 : vector<16xf32>
      %max3A_4037 = arith.maximumf %max3A_4029, %max3A_4035 : vector<16xf32>
      %masked_sort3A_4038 = arith.constant dense<true> : vector<16xi1>
      %masked_sort3A_4039, %masked_sort3A_4040, %masked_sort3A_4041 = tpu.sort %min3A_4036, %min3A_4036 masked %masked_sort3A_4038 : (vector<16xf32>, vector<16xf32>, vector<16xi1>) -> (vector<16xi1>, vector<16xf32>, vector<16xf32>)
      %masked_sort3A_4042 = arith.constant dense<true> : vector<16xi1>
      %masked_sort3A_4043, %masked_sort3A_4044, %masked_sort3A_4045 = tpu.sort %max3A_4037, %max3A_4037 masked %masked_sort3A_4042 : (vector<16xf32>, vector<16xf32>, vector<16xi1>) -> (vector<16xi1>, vector<16xf32>, vector<16xf32>)
      %swap3A = arith.constant 0 : index
      %swap3A_4046 = tpu.vector_load %arg7[%swap3A] {strides = array<i32>} : memref<64xf32, #tpu.memory_space<vmem>>, vector<16xf32>,
      tpu.vector_store %arg7[%swap3A], %masked_sort3A_2622 {strides = array<i32>} : memref<64xf32, #tpu.memory_space<vmem>>, vector<16xf32>,
      %swap3A_4047 = arith.constant 16 : index
      %swap3A_4048 = tpu.vector_load %arg7[%swap3A_4047] {strides = array<i32>} : memref<64xf32, #tpu.memory_space<vmem>>, vector<16xf32>,
      tpu.vector_store %arg7[%swap3A_4047], %masked_sort3A_2626 {strides = array<i32>} : memref<64xf32, #tpu.memory_space<vmem>>, vector<16xf32>,
      %swap3A_4049 = arith.constant 32 : index
      %swap3A_4050 = tpu.vector_load %arg7[%swap3A_4049] {strides = array<i32>} : memref<64xf32, #tpu.memory_space<vmem>>, vector<16xf32>,
      tpu.vector_store %arg7[%swap3A_4049], %masked_sort3A_4040 {strides = array<i32>} : memref<64xf32, #tpu.memory_space<vmem>>, vector<16xf32>,
      %swap3A_4051 = arith.constant 48 : index
      %swap3A_4052 = tpu.vector_load %arg7[%swap3A_4051] {strides = array<i32>} : memref<64xf32, #tpu.memory_space<vmem>>, vector<16xf32>,
      tpu.vector_store %arg7[%swap3A_4051], %masked_sort3A_4044 {strides = array<i32>} : memref<64xf32, #tpu.memory_space<vmem>>, vector<16xf32>,
      %mul3A_4053 = arith.constant 64 : i32
      %mul3A_4054 = arith.muli %arg1, %mul3A_4053 : i32
      "tpu.region"() ({
        %run_scoped3A = tpu.sem_alloc : memref<!tpu.dma_semaphore, #tpu.memory_space<semaphore_mem>>
        %dma_start3A = tpu.memref_slice %arg9[%mul3A_4054] : memref<1024xf32, #tpu.memory_space<vmem_shared>> -> memref<64xf32, #tpu.memory_space<vmem_shared>>
        %dma_start3A_4060 = tpu.memref_slice %arg9[%mul3A_4054] : memref<1024xf32, #tpu.memory_space<vmem_shared>> -> memref<64xf32, #tpu.memory_space<vmem_shared>>
        tpu.enqueue_dma source(%arg7 : memref<64xf32, #tpu.memory_space<vmem>>) target(%dma_start3A_4060 : memref<64xf32, #tpu.memory_space<vmem_shared>>) target_semaphore(%run_scoped3A : memref<!tpu.dma_semaphore, #tpu.memory_space<semaphore_mem>>)
        %dma_wait3A = tpu.memref_slice %arg9[%mul3A_4054] : memref<1024xf32, #tpu.memory_space<vmem_shared>> -> memref<64xf32, #tpu.memory_space<vmem_shared>>
        %dma_wait3A_4061 = tpu.memref_slice %arg9[%mul3A_4054] : memref<1024xf32, #tpu.memory_space<vmem_shared>> -> memref<64xf32, #tpu.memory_space<vmem_shared>>
        tpu.wait_dma2 semaphore(%run_scoped3A : memref<!tpu.dma_semaphore, #tpu.memory_space<semaphore_mem>>) src(%arg7 : memref<64xf32, #tpu.memory_space<vmem>>) dst(%dma_wait3A_4061 : memref<64xf32, #tpu.memory_space<vmem_shared>>)
        tpu.yield
      }) : () -> ()
      %barrier3A = arith.constant 0 : index
      tpu.barrier barrier_id(%barrier3A)
      %eq3A_4055 = arith.constant 0 : i32
      %eq3A_4056 = arith.cmpi eq, %arg1, %eq3A_4055 : i32
      %convert_element_type3A_4057 = arith.extui %eq3A_4056 : i1 to i32
      %cond3A_4058 = arith.constant 0 : i32
      %cond3A_4059 = arith.cmpi ne, %convert_element_type3A_4057, %cond3A_4058 : i32
      scf.if %cond3A_4059 {
        "tpu.region"() ({
          %run_scoped3A = tpu.sem_alloc : memref<!tpu.dma_semaphore, #tpu.memory_space<semaphore_mem>>
          tpu.enqueue_dma source(%arg9 : memref<1024xf32, #tpu.memory_space<vmem_shared>>) target(%arg8 : memref<1024xf32, #tpu.memory_space<vmem>>) target_semaphore(%run_scoped3A : memref<!tpu.dma_semaphore, #tpu.memory_space<semaphore_mem>>)
          tpu.wait_dma2 semaphore(%run_scoped3A : memref<!tpu.dma_semaphore, #tpu.memory_space<semaphore_mem>>) src(%arg9 : memref<1024xf32, #tpu.memory_space<vmem_shared>>) dst(%arg8 : memref<1024xf32, #tpu.memory_space<vmem>>)
          tpu.yield
        }) : () -> ()
        %get3A_4060 = arith.constant 0 : index
        %get3A_4061 = tpu.vector_load %arg8[%get3A_4060] {strides = array<i32>} : memref<1024xf32, #tpu.memory_space<vmem>>, vector<16xf32>,
        %get3A_4062 = arith.constant 16 : index
        %get3A_4063 = tpu.vector_load %arg8[%get3A_4062] {strides = array<i32>} : memref<1024xf32, #tpu.memory_space<vmem>>, vector<16xf32>,
        %get3A_4064 = arith.constant 32 : index
        %get3A_4065 = tpu.vector_load %arg8[%get3A_4064] {strides = array<i32>} : memref<1024xf32, #tpu.memory_space<vmem>>, vector<16xf32>,
        %get3A_4066 = arith.constant 48 : index
        %get3A_4067 = tpu.vector_load %arg8[%get3A_4066] {strides = array<i32>} : memref<1024xf32, #tpu.memory_space<vmem>>, vector<16xf32>,
        %get3A_4068 = arith.constant 64 : index
        %get3A_4069 = tpu.vector_load %arg8[%get3A_4068] {strides = array<i32>} : memref<1024xf32, #tpu.memory_space<vmem>>, vector<16xf32>,
        %get3A_4070 = arith.constant 80 : index
        %get3A_4071 = tpu.vector_load %arg8[%get3A_4070] {strides = array<i32>} : memref<1024xf32, #tpu.memory_space<vmem>>, vector<16xf32>,
        %get3A_4072 = arith.constant 96 : index
        %get3A_4073 = tpu.vector_load %arg8[%get3A_4072] {strides = array<i32>} : memref<1024xf32, #tpu.memory_space<vmem>>, vector<16xf32>,
        %get3A_4074 = arith.constant 112 : index
        %get3A_4075 = tpu.vector_load %arg8[%get3A_4074] {strides = array<i32>} : memref<1024xf32, #tpu.memory_space<vmem>>, vector<16xf32>,
        %get3A_4076 = arith.constant 128 : index
        %get3A_4077 = tpu.vector_load %arg8[%get3A_4076] {strides = array<i32>} : memref<1024xf32, #tpu.memory_space<vmem>>, vector<16xf32>,
        %get3A_4078 = arith.constant 144 : index
        %get3A_4079 = tpu.vector_load %arg8[%get3A_4078] {strides = array<i32>} : memref<1024xf32, #tpu.memory_space<vmem>>, vector<16xf32>,
        %get3A_4080 = arith.constant 160 : index
        %get3A_4081 = tpu.vector_load %arg8[%get3A_4080] {strides = array<i32>} : memref<1024xf32, #tpu.memory_space<vmem>>, vector<16xf32>,
        %get3A_4082 = arith.constant 176 : index
        %get3A_4083 = tpu.vector_load %arg8[%get3A_4082] {strides = array<i32>} : memref<1024xf32, #tpu.memory_space<vmem>>, vector<16xf32>,
        %get3A_4084 = arith.constant 192 : index
        %get3A_4085 = tpu.vector_load %arg8[%get3A_4084] {strides = array<i32>} : memref<1024xf32, #tpu.memory_space<vmem>>, vector<16xf32>,
        %get3A_4086 = arith.constant 208 : index
        %get3A_4087 = tpu.vector_load %arg8[%get3A_4086] {strides = array<i32>} : memref<1024xf32, #tpu.memory_space<vmem>>, vector<16xf32>,
        %get3A_4088 = arith.constant 224 : index
        %get3A_4089 = tpu.vector_load %arg8[%get3A_4088] {strides = array<i32>} : memref<1024xf32, #tpu.memory_space<vmem>>, vector<16xf32>,
        %get3A_4090 = arith.constant 240 : index
        %get3A_4091 = tpu.vector_load %arg8[%get3A_4090] {strides = array<i32>} : memref<1024xf32, #tpu.memory_space<vmem>>, vector<16xf32>,
        %get3A_4092 = arith.constant 256 : index
        %get3A_4093 = tpu.vector_load %arg8[%get3A_4092] {strides = array<i32>} : memref<1024xf32, #tpu.memory_space<vmem>>, vector<16xf32>,
        %get3A_4094 = arith.constant 272 : index
        %get3A_4095 = tpu.vector_load %arg8[%get3A_4094] {strides = array<i32>} : memref<1024xf32, #tpu.memory_space<vmem>>, vector<16xf32>,
        %get3A_4096 = arith.constant 288 : index
        %get3A_4097 = tpu.vector_load %arg8[%get3A_4096] {strides = array<i32>} : memref<1024xf32, #tpu.memory_space<vmem>>, vector<16xf32>,
        %get3A_4098 = arith.constant 304 : index
        %get3A_4099 = tpu.vector_load %arg8[%get3A_4098] {strides = array<i32>} : memref<1024xf32, #tpu.memory_space<vmem>>, vector<16xf32>,
        %get3A_4100 = arith.constant 320 : index
        %get3A_4101 = tpu.vector_load %arg8[%get3A_4100] {strides = array<i32>} : memref<1024xf32, #tpu.memory_space<vmem>>, vector<16xf32>,
        %get3A_4102 = arith.constant 336 : index
        %get3A_4103 = tpu.vector_load %arg8[%get3A_4102] {strides = array<i32>} : memref<1024xf32, #tpu.memory_space<vmem>>, vector<16xf32>,
        %get3A_4104 = arith.constant 352 : index
        %get3A_4105 = tpu.vector_load %arg8[%get3A_4104] {strides = array<i32>} : memref<1024xf32, #tpu.memory_space<vmem>>, vector<16xf32>,
        %get3A_4106 = arith.constant 368 : index
        %get3A_4107 = tpu.vector_load %arg8[%get3A_4106] {strides = array<i32>} : memref<1024xf32, #tpu.memory_space<vmem>>, vector<16xf32>,
        %get3A_4108 = arith.constant 384 : index
        %get3A_4109 = tpu.vector_load %arg8[%get3A_4108] {strides = array<i32>} : memref<1024xf32, #tpu.memory_space<vmem>>, vector<16xf32>,
        %get3A_4110 = arith.constant 400 : index
        %get3A_4111 = tpu.vector_load %arg8[%get3A_4110] {strides = array<i32>} : memref<1024xf32, #tpu.memory_space<vmem>>, vector<16xf32>,
        %get3A_4112 = arith.constant 416 : index
        %get3A_4113 = tpu.vector_load %arg8[%get3A_4112] {strides = array<i32>} : memref<1024xf32, #tpu.memory_space<vmem>>, vector<16xf32>,
        %get3A_4114 = arith.constant 432 : index
        %get3A_4115 = tpu.vector_load %arg8[%get3A_4114] {strides = array<i32>} : memref<1024xf32, #tpu.memory_space<vmem>>, vector<16xf32>,
        %get3A_4116 = arith.constant 448 : index
        %get3A_4117 = tpu.vector_load %arg8[%get3A_4116] {strides = array<i32>} : memref<1024xf32, #tpu.memory_space<vmem>>, vector<16xf32>,
        %get3A_4118 = arith.constant 464 : index
        %get3A_4119 = tpu.vector_load %arg8[%get3A_4118] {strides = array<i32>} : memref<1024xf32, #tpu.memory_space<vmem>>, vector<16xf32>,
        %get3A_4120 = arith.constant 480 : index
        %get3A_4121 = tpu.vector_load %arg8[%get3A_4120] {strides = array<i32>} : memref<1024xf32, #tpu.memory_space<vmem>>, vector<16xf32>,
        %get3A_4122 = arith.constant 496 : index
        %get3A_4123 = tpu.vector_load %arg8[%get3A_4122] {strides = array<i32>} : memref<1024xf32, #tpu.memory_space<vmem>>, vector<16xf32>,
        %get3A_4124 = arith.constant 512 : index
        %get3A_4125 = tpu.vector_load %arg8[%get3A_4124] {strides = array<i32>} : memref<1024xf32, #tpu.memory_space<vmem>>, vector<16xf32>,
        %get3A_4126 = arith.constant 528 : index
        %get3A_4127 = tpu.vector_load %arg8[%get3A_4126] {strides = array<i32>} : memref<1024xf32, #tpu.memory_space<vmem>>, vector<16xf32>,
        %get3A_4128 = arith.constant 544 : index
        %get3A_4129 = tpu.vector_load %arg8[%get3A_4128] {strides = array<i32>} : memref<1024xf32, #tpu.memory_space<vmem>>, vector<16xf32>,
        %get3A_4130 = arith.constant 560 : index
        %get3A_4131 = tpu.vector_load %arg8[%get3A_4130] {strides = array<i32>} : memref<1024xf32, #tpu.memory_space<vmem>>, vector<16xf32>,
        %get3A_4132 = arith.constant 576 : index
        %get3A_4133 = tpu.vector_load %arg8[%get3A_4132] {strides = array<i32>} : memref<1024xf32, #tpu.memory_space<vmem>>, vector<16xf32>,
        %get3A_4134 = arith.constant 592 : index
        %get3A_4135 = tpu.vector_load %arg8[%get3A_4134] {strides = array<i32>} : memref<1024xf32, #tpu.memory_space<vmem>>, vector<16xf32>,
        %get3A_4136 = arith.constant 608 : index
        %get3A_4137 = tpu.vector_load %arg8[%get3A_4136] {strides = array<i32>} : memref<1024xf32, #tpu.memory_space<vmem>>, vector<16xf32>,
        %get3A_4138 = arith.constant 624 : index
        %get3A_4139 = tpu.vector_load %arg8[%get3A_4138] {strides = array<i32>} : memref<1024xf32, #tpu.memory_space<vmem>>, vector<16xf32>,
        %get3A_4140 = arith.constant 640 : index
        %get3A_4141 = tpu.vector_load %arg8[%get3A_4140] {strides = array<i32>} : memref<1024xf32, #tpu.memory_space<vmem>>, vector<16xf32>,
        %get3A_4142 = arith.constant 656 : index
        %get3A_4143 = tpu.vector_load %arg8[%get3A_4142] {strides = array<i32>} : memref<1024xf32, #tpu.memory_space<vmem>>, vector<16xf32>,
        %get3A_4144 = arith.constant 672 : index
        %get3A_4145 = tpu.vector_load %arg8[%get3A_4144] {strides = array<i32>} : memref<1024xf32, #tpu.memory_space<vmem>>, vector<16xf32>,
        %get3A_4146 = arith.constant 688 : index
        %get3A_4147 = tpu.vector_load %arg8[%get3A_4146] {strides = array<i32>} : memref<1024xf32, #tpu.memory_space<vmem>>, vector<16xf32>,
        %get3A_4148 = arith.constant 704 : index
        %get3A_4149 = tpu.vector_load %arg8[%get3A_4148] {strides = array<i32>} : memref<1024xf32, #tpu.memory_space<vmem>>, vector<16xf32>,
        %get3A_4150 = arith.constant 720 : index
        %get3A_4151 = tpu.vector_load %arg8[%get3A_4150] {strides = array<i32>} : memref<1024xf32, #tpu.memory_space<vmem>>, vector<16xf32>,
        %get3A_4152 = arith.constant 736 : index
        %get3A_4153 = tpu.vector_load %arg8[%get3A_4152] {strides = array<i32>} : memref<1024xf32, #tpu.memory_space<vmem>>, vector<16xf32>,
        %get3A_4154 = arith.constant 752 : index
        %get3A_4155 = tpu.vector_load %arg8[%get3A_4154] {strides = array<i32>} : memref<1024xf32, #tpu.memory_space<vmem>>, vector<16xf32>,
        %get3A_4156 = arith.constant 768 : index
        %get3A_4157 = tpu.vector_load %arg8[%get3A_4156] {strides = array<i32>} : memref<1024xf32, #tpu.memory_space<vmem>>, vector<16xf32>,
        %get3A_4158 = arith.constant 784 : index
        %get3A_4159 = tpu.vector_load %arg8[%get3A_4158] {strides = array<i32>} : memref<1024xf32, #tpu.memory_space<vmem>>, vector<16xf32>,
        %get3A_4160 = arith.constant 800 : index
        %get3A_4161 = tpu.vector_load %arg8[%get3A_4160] {strides = array<i32>} : memref<1024xf32, #tpu.memory_space<vmem>>, vector<16xf32>,
        %get3A_4162 = arith.constant 816 : index
        %get3A_4163 = tpu.vector_load %arg8[%get3A_4162] {strides = array<i32>} : memref<1024xf32, #tpu.memory_space<vmem>>, vector<16xf32>,
        %get3A_4164 = arith.constant 832 : index
        %get3A_4165 = tpu.vector_load %arg8[%get3A_4164] {strides = array<i32>} : memref<1024xf32, #tpu.memory_space<vmem>>, vector<16xf32>,
        %get3A_4166 = arith.constant 848 : index
        %get3A_4167 = tpu.vector_load %arg8[%get3A_4166] {strides = array<i32>} : memref<1024xf32, #tpu.memory_space<vmem>>, vector<16xf32>,
        %get3A_4168 = arith.constant 864 : index
        %get3A_4169 = tpu.vector_load %arg8[%get3A_4168] {strides = array<i32>} : memref<1024xf32, #tpu.memory_space<vmem>>, vector<16xf32>,
        %get3A_4170 = arith.constant 880 : index
        %get3A_4171 = tpu.vector_load %arg8[%get3A_4170] {strides = array<i32>} : memref<1024xf32, #tpu.memory_space<vmem>>, vector<16xf32>,
        %get3A_4172 = arith.constant 896 : index
        %get3A_4173 = tpu.vector_load %arg8[%get3A_4172] {strides = array<i32>} : memref<1024xf32, #tpu.memory_space<vmem>>, vector<16xf32>,
        %get3A_4174 = arith.constant 912 : index
        %get3A_4175 = tpu.vector_load %arg8[%get3A_4174] {strides = array<i32>} : memref<1024xf32, #tpu.memory_space<vmem>>, vector<16xf32>,
        %get3A_4176 = arith.constant 928 : index
        %get3A_4177 = tpu.vector_load %arg8[%get3A_4176] {strides = array<i32>} : memref<1024xf32, #tpu.memory_space<vmem>>, vector<16xf32>,
        %get3A_4178 = arith.constant 944 : index
        %get3A_4179 = tpu.vector_load %arg8[%get3A_4178] {strides = array<i32>} : memref<1024xf32, #tpu.memory_space<vmem>>, vector<16xf32>,
        %get3A_4180 = arith.constant 960 : index
        %get3A_4181 = tpu.vector_load %arg8[%get3A_4180] {strides = array<i32>} : memref<1024xf32, #tpu.memory_space<vmem>>, vector<16xf32>,
        %get3A_4182 = arith.constant 976 : index
        %get3A_4183 = tpu.vector_load %arg8[%get3A_4182] {strides = array<i32>} : memref<1024xf32, #tpu.memory_space<vmem>>, vector<16xf32>,
        %get3A_4184 = arith.constant 992 : index
        %get3A_4185 = tpu.vector_load %arg8[%get3A_4184] {strides = array<i32>} : memref<1024xf32, #tpu.memory_space<vmem>>, vector<16xf32>,
        %get3A_4186 = arith.constant 1008 : index
        %get3A_4187 = tpu.vector_load %arg8[%get3A_4186] {strides = array<i32>} : memref<1024xf32, #tpu.memory_space<vmem>>, vector<16xf32>,
        %rev3A_4188 = arith.constant 15 : i32
        %rev3A_4189 = vector.broadcast %rev3A_4188 : i32 to vector<16xi32>
        %rev3A_4190 = tpu.iota {dimensions = array<i32: 0>} : vector<16xi32>
        %rev3A_4191 = arith.subi %rev3A_4189, %rev3A_4190 : vector<16xi32>
        %rev3A_4192 = tpu.dynamic_gather %get3A_4071[%rev3A_4191] in [0] : vector<16xf32>, vector<16xi32> -> vector<16xf32>
        %max3A_4193 = arith.maximumf %get3A_4061, %rev3A_4192 : vector<16xf32>
        %rev3A_4194 = arith.constant 15 : i32
        %rev3A_4195 = vector.broadcast %rev3A_4194 : i32 to vector<16xi32>
        %rev3A_4196 = tpu.iota {dimensions = array<i32: 0>} : vector<16xi32>
        %rev3A_4197 = arith.subi %rev3A_4195, %rev3A_4196 : vector<16xi32>
        %rev3A_4198 = tpu.dynamic_gather %get3A_4069[%rev3A_4197] in [0] : vector<16xf32>, vector<16xi32> -> vector<16xf32>
        %max3A_4199 = arith.maximumf %get3A_4063, %rev3A_4198 : vector<16xf32>
        %min3A_4200 = arith.minimumf %max3A_4193, %max3A_4199 : vector<16xf32>
        %max3A_4201 = arith.maximumf %max3A_4193, %max3A_4199 : vector<16xf32>
        %masked_sort3A_4202 = arith.constant dense<true> : vector<16xi1>
        %masked_sort3A_4203, %masked_sort3A_4204, %masked_sort3A_4205 = tpu.sort %min3A_4200, %min3A_4200 masked %masked_sort3A_4202 : (vector<16xf32>, vector<16xf32>, vector<16xi1>) -> (vector<16xi1>, vector<16xf32>, vector<16xf32>)
        %masked_sort3A_4206 = arith.constant dense<true> : vector<16xi1>
        %masked_sort3A_4207, %masked_sort3A_4208, %masked_sort3A_4209 = tpu.sort %max3A_4201, %max3A_4201 masked %masked_sort3A_4206 : (vector<16xf32>, vector<16xf32>, vector<16xi1>) -> (vector<16xi1>, vector<16xf32>, vector<16xf32>)
        %rev3A_4210 = arith.constant 15 : i32
        %rev3A_4211 = vector.broadcast %rev3A_4210 : i32 to vector<16xi32>
        %rev3A_4212 = tpu.iota {dimensions = array<i32: 0>} : vector<16xi32>
        %rev3A_4213 = arith.subi %rev3A_4211, %rev3A_4212 : vector<16xi32>
        %rev3A_4214 = tpu.dynamic_gather %get3A_4087[%rev3A_4213] in [0] : vector<16xf32>, vector<16xi32> -> vector<16xf32>
        %max3A_4215 = arith.maximumf %get3A_4077, %rev3A_4214 : vector<16xf32>
        %rev3A_4216 = arith.constant 15 : i32
        %rev3A_4217 = vector.broadcast %rev3A_4216 : i32 to vector<16xi32>
        %rev3A_4218 = tpu.iota {dimensions = array<i32: 0>} : vector<16xi32>
        %rev3A_4219 = arith.subi %rev3A_4217, %rev3A_4218 : vector<16xi32>
        %rev3A_4220 = tpu.dynamic_gather %get3A_4085[%rev3A_4219] in [0] : vector<16xf32>, vector<16xi32> -> vector<16xf32>
        %max3A_4221 = arith.maximumf %get3A_4079, %rev3A_4220 : vector<16xf32>
        %min3A_4222 = arith.minimumf %max3A_4215, %max3A_4221 : vector<16xf32>
        %max3A_4223 = arith.maximumf %max3A_4215, %max3A_4221 : vector<16xf32>
        %masked_sort3A_4224 = arith.constant dense<true> : vector<16xi1>
        %masked_sort3A_4225, %masked_sort3A_4226, %masked_sort3A_4227 = tpu.sort %min3A_4222, %min3A_4222 masked %masked_sort3A_4224 : (vector<16xf32>, vector<16xf32>, vector<16xi1>) -> (vector<16xi1>, vector<16xf32>, vector<16xf32>)
        %masked_sort3A_4228 = arith.constant dense<true> : vector<16xi1>
        %masked_sort3A_4229, %masked_sort3A_4230, %masked_sort3A_4231 = tpu.sort %max3A_4223, %max3A_4223 masked %masked_sort3A_4228 : (vector<16xf32>, vector<16xf32>, vector<16xi1>) -> (vector<16xi1>, vector<16xf32>, vector<16xf32>)
        %rev3A_4232 = arith.constant 15 : i32
        %rev3A_4233 = vector.broadcast %rev3A_4232 : i32 to vector<16xi32>
        %rev3A_4234 = tpu.iota {dimensions = array<i32: 0>} : vector<16xi32>
        %rev3A_4235 = arith.subi %rev3A_4233, %rev3A_4234 : vector<16xi32>
        %rev3A_4236 = tpu.dynamic_gather %get3A_4103[%rev3A_4235] in [0] : vector<16xf32>, vector<16xi32> -> vector<16xf32>
        %max3A_4237 = arith.maximumf %get3A_4093, %rev3A_4236 : vector<16xf32>
        %rev3A_4238 = arith.constant 15 : i32
        %rev3A_4239 = vector.broadcast %rev3A_4238 : i32 to vector<16xi32>
        %rev3A_4240 = tpu.iota {dimensions = array<i32: 0>} : vector<16xi32>
        %rev3A_4241 = arith.subi %rev3A_4239, %rev3A_4240 : vector<16xi32>
        %rev3A_4242 = tpu.dynamic_gather %get3A_4101[%rev3A_4241] in [0] : vector<16xf32>, vector<16xi32> -> vector<16xf32>
        %max3A_4243 = arith.maximumf %get3A_4095, %rev3A_4242 : vector<16xf32>
        %min3A_4244 = arith.minimumf %max3A_4237, %max3A_4243 : vector<16xf32>
        %max3A_4245 = arith.maximumf %max3A_4237, %max3A_4243 : vector<16xf32>
        %masked_sort3A_4246 = arith.constant dense<true> : vector<16xi1>
        %masked_sort3A_4247, %masked_sort3A_4248, %masked_sort3A_4249 = tpu.sort %min3A_4244, %min3A_4244 masked %masked_sort3A_4246 : (vector<16xf32>, vector<16xf32>, vector<16xi1>) -> (vector<16xi1>, vector<16xf32>, vector<16xf32>)
        %masked_sort3A_4250 = arith.constant dense<true> : vector<16xi1>
        %masked_sort3A_4251, %masked_sort3A_4252, %masked_sort3A_4253 = tpu.sort %max3A_4245, %max3A_4245 masked %masked_sort3A_4250 : (vector<16xf32>, vector<16xf32>, vector<16xi1>) -> (vector<16xi1>, vector<16xf32>, vector<16xf32>)
        %rev3A_4254 = arith.constant 15 : i32
        %rev3A_4255 = vector.broadcast %rev3A_4254 : i32 to vector<16xi32>
        %rev3A_4256 = tpu.iota {dimensions = array<i32: 0>} : vector<16xi32>
        %rev3A_4257 = arith.subi %rev3A_4255, %rev3A_4256 : vector<16xi32>
        %rev3A_4258 = tpu.dynamic_gather %get3A_4119[%rev3A_4257] in [0] : vector<16xf32>, vector<16xi32> -> vector<16xf32>
        %max3A_4259 = arith.maximumf %get3A_4109, %rev3A_4258 : vector<16xf32>
        %rev3A_4260 = arith.constant 15 : i32
        %rev3A_4261 = vector.broadcast %rev3A_4260 : i32 to vector<16xi32>
        %rev3A_4262 = tpu.iota {dimensions = array<i32: 0>} : vector<16xi32>
        %rev3A_4263 = arith.subi %rev3A_4261, %rev3A_4262 : vector<16xi32>
        %rev3A_4264 = tpu.dynamic_gather %get3A_4117[%rev3A_4263] in [0] : vector<16xf32>, vector<16xi32> -> vector<16xf32>
        %max3A_4265 = arith.maximumf %get3A_4111, %rev3A_4264 : vector<16xf32>
        %min3A_4266 = arith.minimumf %max3A_4259, %max3A_4265 : vector<16xf32>
        %max3A_4267 = arith.maximumf %max3A_4259, %max3A_4265 : vector<16xf32>
        %masked_sort3A_4268 = arith.constant dense<true> : vector<16xi1>
        %masked_sort3A_4269, %masked_sort3A_4270, %masked_sort3A_4271 = tpu.sort %min3A_4266, %min3A_4266 masked %masked_sort3A_4268 : (vector<16xf32>, vector<16xf32>, vector<16xi1>) -> (vector<16xi1>, vector<16xf32>, vector<16xf32>)
        %masked_sort3A_4272 = arith.constant dense<true> : vector<16xi1>
        %masked_sort3A_4273, %masked_sort3A_4274, %masked_sort3A_4275 = tpu.sort %max3A_4267, %max3A_4267 masked %masked_sort3A_4272 : (vector<16xf32>, vector<16xf32>, vector<16xi1>) -> (vector<16xi1>, vector<16xf32>, vector<16xf32>)
        %rev3A_4276 = arith.constant 15 : i32
        %rev3A_4277 = vector.broadcast %rev3A_4276 : i32 to vector<16xi32>
        %rev3A_4278 = tpu.iota {dimensions = array<i32: 0>} : vector<16xi32>
        %rev3A_4279 = arith.subi %rev3A_4277, %rev3A_4278 : vector<16xi32>
        %rev3A_4280 = tpu.dynamic_gather %get3A_4135[%rev3A_4279] in [0] : vector<16xf32>, vector<16xi32> -> vector<16xf32>
        %max3A_4281 = arith.maximumf %get3A_4125, %rev3A_4280 : vector<16xf32>
        %rev3A_4282 = arith.constant 15 : i32
        %rev3A_4283 = vector.broadcast %rev3A_4282 : i32 to vector<16xi32>
        %rev3A_4284 = tpu.iota {dimensions = array<i32: 0>} : vector<16xi32>
        %rev3A_4285 = arith.subi %rev3A_4283, %rev3A_4284 : vector<16xi32>
        %rev3A_4286 = tpu.dynamic_gather %get3A_4133[%rev3A_4285] in [0] : vector<16xf32>, vector<16xi32> -> vector<16xf32>
        %max3A_4287 = arith.maximumf %get3A_4127, %rev3A_4286 : vector<16xf32>
        %min3A_4288 = arith.minimumf %max3A_4281, %max3A_4287 : vector<16xf32>
        %max3A_4289 = arith.maximumf %max3A_4281, %max3A_4287 : vector<16xf32>
        %masked_sort3A_4290 = arith.constant dense<true> : vector<16xi1>
        %masked_sort3A_4291, %masked_sort3A_4292, %masked_sort3A_4293 = tpu.sort %min3A_4288, %min3A_4288 masked %masked_sort3A_4290 : (vector<16xf32>, vector<16xf32>, vector<16xi1>) -> (vector<16xi1>, vector<16xf32>, vector<16xf32>)
        %masked_sort3A_4294 = arith.constant dense<true> : vector<16xi1>
        %masked_sort3A_4295, %masked_sort3A_4296, %masked_sort3A_4297 = tpu.sort %max3A_4289, %max3A_4289 masked %masked_sort3A_4294 : (vector<16xf32>, vector<16xf32>, vector<16xi1>) -> (vector<16xi1>, vector<16xf32>, vector<16xf32>)
        %rev3A_4298 = arith.constant 15 : i32
        %rev3A_4299 = vector.broadcast %rev3A_4298 : i32 to vector<16xi32>
        %rev3A_4300 = tpu.iota {dimensions = array<i32: 0>} : vector<16xi32>
        %rev3A_4301 = arith.subi %rev3A_4299, %rev3A_4300 : vector<16xi32>
        %rev3A_4302 = tpu.dynamic_gather %get3A_4151[%rev3A_4301] in [0] : vector<16xf32>, vector<16xi32> -> vector<16xf32>
        %max3A_4303 = arith.maximumf %get3A_4141, %rev3A_4302 : vector<16xf32>
        %rev3A_4304 = arith.constant 15 : i32
        %rev3A_4305 = vector.broadcast %rev3A_4304 : i32 to vector<16xi32>
        %rev3A_4306 = tpu.iota {dimensions = array<i32: 0>} : vector<16xi32>
        %rev3A_4307 = arith.subi %rev3A_4305, %rev3A_4306 : vector<16xi32>
        %rev3A_4308 = tpu.dynamic_gather %get3A_4149[%rev3A_4307] in [0] : vector<16xf32>, vector<16xi32> -> vector<16xf32>
        %max3A_4309 = arith.maximumf %get3A_4143, %rev3A_4308 : vector<16xf32>
        %min3A_4310 = arith.minimumf %max3A_4303, %max3A_4309 : vector<16xf32>
        %max3A_4311 = arith.maximumf %max3A_4303, %max3A_4309 : vector<16xf32>
        %masked_sort3A_4312 = arith.constant dense<true> : vector<16xi1>
        %masked_sort3A_4313, %masked_sort3A_4314, %masked_sort3A_4315 = tpu.sort %min3A_4310, %min3A_4310 masked %masked_sort3A_4312 : (vector<16xf32>, vector<16xf32>, vector<16xi1>) -> (vector<16xi1>, vector<16xf32>, vector<16xf32>)
        %masked_sort3A_4316 = arith.constant dense<true> : vector<16xi1>
        %masked_sort3A_4317, %masked_sort3A_4318, %masked_sort3A_4319 = tpu.sort %max3A_4311, %max3A_4311 masked %masked_sort3A_4316 : (vector<16xf32>, vector<16xf32>, vector<16xi1>) -> (vector<16xi1>, vector<16xf32>, vector<16xf32>)
        %rev3A_4320 = arith.constant 15 : i32
        %rev3A_4321 = vector.broadcast %rev3A_4320 : i32 to vector<16xi32>
        %rev3A_4322 = tpu.iota {dimensions = array<i32: 0>} : vector<16xi32>
        %rev3A_4323 = arith.subi %rev3A_4321, %rev3A_4322 : vector<16xi32>
        %rev3A_4324 = tpu.dynamic_gather %get3A_4167[%rev3A_4323] in [0] : vector<16xf32>, vector<16xi32> -> vector<16xf32>
        %max3A_4325 = arith.maximumf %get3A_4157, %rev3A_4324 : vector<16xf32>
        %rev3A_4326 = arith.constant 15 : i32
        %rev3A_4327 = vector.broadcast %rev3A_4326 : i32 to vector<16xi32>
        %rev3A_4328 = tpu.iota {dimensions = array<i32: 0>} : vector<16xi32>
        %rev3A_4329 = arith.subi %rev3A_4327, %rev3A_4328 : vector<16xi32>
        %rev3A_4330 = tpu.dynamic_gather %get3A_4165[%rev3A_4329] in [0] : vector<16xf32>, vector<16xi32> -> vector<16xf32>
        %max3A_4331 = arith.maximumf %get3A_4159, %rev3A_4330 : vector<16xf32>
        %min3A_4332 = arith.minimumf %max3A_4325, %max3A_4331 : vector<16xf32>
        %max3A_4333 = arith.maximumf %max3A_4325, %max3A_4331 : vector<16xf32>
        %masked_sort3A_4334 = arith.constant dense<true> : vector<16xi1>
        %masked_sort3A_4335, %masked_sort3A_4336, %masked_sort3A_4337 = tpu.sort %min3A_4332, %min3A_4332 masked %masked_sort3A_4334 : (vector<16xf32>, vector<16xf32>, vector<16xi1>) -> (vector<16xi1>, vector<16xf32>, vector<16xf32>)
        %masked_sort3A_4338 = arith.constant dense<true> : vector<16xi1>
        %masked_sort3A_4339, %masked_sort3A_4340, %masked_sort3A_4341 = tpu.sort %max3A_4333, %max3A_4333 masked %masked_sort3A_4338 : (vector<16xf32>, vector<16xf32>, vector<16xi1>) -> (vector<16xi1>, vector<16xf32>, vector<16xf32>)
        %rev3A_4342 = arith.constant 15 : i32
        %rev3A_4343 = vector.broadcast %rev3A_4342 : i32 to vector<16xi32>
        %rev3A_4344 = tpu.iota {dimensions = array<i32: 0>} : vector<16xi32>
        %rev3A_4345 = arith.subi %rev3A_4343, %rev3A_4344 : vector<16xi32>
        %rev3A_4346 = tpu.dynamic_gather %get3A_4183[%rev3A_4345] in [0] : vector<16xf32>, vector<16xi32> -> vector<16xf32>
        %max3A_4347 = arith.maximumf %get3A_4173, %rev3A_4346 : vector<16xf32>
        %rev3A_4348 = arith.constant 15 : i32
        %rev3A_4349 = vector.broadcast %rev3A_4348 : i32 to vector<16xi32>
        %rev3A_4350 = tpu.iota {dimensions = array<i32: 0>} : vector<16xi32>
        %rev3A_4351 = arith.subi %rev3A_4349, %rev3A_4350 : vector<16xi32>
        %rev3A_4352 = tpu.dynamic_gather %get3A_4181[%rev3A_4351] in [0] : vector<16xf32>, vector<16xi32> -> vector<16xf32>
        %max3A_4353 = arith.maximumf %get3A_4175, %rev3A_4352 : vector<16xf32>
        %min3A_4354 = arith.minimumf %max3A_4347, %max3A_4353 : vector<16xf32>
        %max3A_4355 = arith.maximumf %max3A_4347, %max3A_4353 : vector<16xf32>
        %masked_sort3A_4356 = arith.constant dense<true> : vector<16xi1>
        %masked_sort3A_4357, %masked_sort3A_4358, %masked_sort3A_4359 = tpu.sort %min3A_4354, %min3A_4354 masked %masked_sort3A_4356 : (vector<16xf32>, vector<16xf32>, vector<16xi1>) -> (vector<16xi1>, vector<16xf32>, vector<16xf32>)
        %masked_sort3A_4360 = arith.constant dense<true> : vector<16xi1>
        %masked_sort3A_4361, %masked_sort3A_4362, %masked_sort3A_4363 = tpu.sort %max3A_4355, %max3A_4355 masked %masked_sort3A_4360 : (vector<16xf32>, vector<16xf32>, vector<16xi1>) -> (vector<16xi1>, vector<16xf32>, vector<16xf32>)
        %rev3A_4364 = arith.constant 15 : i32
        %rev3A_4365 = vector.broadcast %rev3A_4364 : i32 to vector<16xi32>
        %rev3A_4366 = tpu.iota {dimensions = array<i32: 0>} : vector<16xi32>
        %rev3A_4367 = arith.subi %rev3A_4365, %rev3A_4366 : vector<16xi32>
        %rev3A_4368 = tpu.dynamic_gather %get3A_4075[%rev3A_4367] in [0] : vector<16xf32>, vector<16xi32> -> vector<16xf32>
        %max3A_4369 = arith.maximumf %get3A_4065, %rev3A_4368 : vector<16xf32>
        %rev3A_4370 = arith.constant 15 : i32
        %rev3A_4371 = vector.broadcast %rev3A_4370 : i32 to vector<16xi32>
        %rev3A_4372 = tpu.iota {dimensions = array<i32: 0>} : vector<16xi32>
        %rev3A_4373 = arith.subi %rev3A_4371, %rev3A_4372 : vector<16xi32>
        %rev3A_4374 = tpu.dynamic_gather %get3A_4073[%rev3A_4373] in [0] : vector<16xf32>, vector<16xi32> -> vector<16xf32>
        %max3A_4375 = arith.maximumf %get3A_4067, %rev3A_4374 : vector<16xf32>
        %min3A_4376 = arith.minimumf %max3A_4369, %max3A_4375 : vector<16xf32>
        %max3A_4377 = arith.maximumf %max3A_4369, %max3A_4375 : vector<16xf32>
        %masked_sort3A_4378 = arith.constant dense<true> : vector<16xi1>
        %masked_sort3A_4379, %masked_sort3A_4380, %masked_sort3A_4381 = tpu.sort %min3A_4376, %min3A_4376 masked %masked_sort3A_4378 : (vector<16xf32>, vector<16xf32>, vector<16xi1>) -> (vector<16xi1>, vector<16xf32>, vector<16xf32>)
        %masked_sort3A_4382 = arith.constant dense<true> : vector<16xi1>
        %masked_sort3A_4383, %masked_sort3A_4384, %masked_sort3A_4385 = tpu.sort %max3A_4377, %max3A_4377 masked %masked_sort3A_4382 : (vector<16xf32>, vector<16xf32>, vector<16xi1>) -> (vector<16xi1>, vector<16xf32>, vector<16xf32>)
        %rev3A_4386 = arith.constant 15 : i32
        %rev3A_4387 = vector.broadcast %rev3A_4386 : i32 to vector<16xi32>
        %rev3A_4388 = tpu.iota {dimensions = array<i32: 0>} : vector<16xi32>
        %rev3A_4389 = arith.subi %rev3A_4387, %rev3A_4388 : vector<16xi32>
        %rev3A_4390 = tpu.dynamic_gather %get3A_4091[%rev3A_4389] in [0] : vector<16xf32>, vector<16xi32> -> vector<16xf32>
        %max3A_4391 = arith.maximumf %get3A_4081, %rev3A_4390 : vector<16xf32>
        %rev3A_4392 = arith.constant 15 : i32
        %rev3A_4393 = vector.broadcast %rev3A_4392 : i32 to vector<16xi32>
        %rev3A_4394 = tpu.iota {dimensions = array<i32: 0>} : vector<16xi32>
        %rev3A_4395 = arith.subi %rev3A_4393, %rev3A_4394 : vector<16xi32>
        %rev3A_4396 = tpu.dynamic_gather %get3A_4089[%rev3A_4395] in [0] : vector<16xf32>, vector<16xi32> -> vector<16xf32>
        %max3A_4397 = arith.maximumf %get3A_4083, %rev3A_4396 : vector<16xf32>
        %min3A_4398 = arith.minimumf %max3A_4391, %max3A_4397 : vector<16xf32>
        %max3A_4399 = arith.maximumf %max3A_4391, %max3A_4397 : vector<16xf32>
        %masked_sort3A_4400 = arith.constant dense<true> : vector<16xi1>
        %masked_sort3A_4401, %masked_sort3A_4402, %masked_sort3A_4403 = tpu.sort %min3A_4398, %min3A_4398 masked %masked_sort3A_4400 : (vector<16xf32>, vector<16xf32>, vector<16xi1>) -> (vector<16xi1>, vector<16xf32>, vector<16xf32>)
        %masked_sort3A_4404 = arith.constant dense<true> : vector<16xi1>
        %masked_sort3A_4405, %masked_sort3A_4406, %masked_sort3A_4407 = tpu.sort %max3A_4399, %max3A_4399 masked %masked_sort3A_4404 : (vector<16xf32>, vector<16xf32>, vector<16xi1>) -> (vector<16xi1>, vector<16xf32>, vector<16xf32>)
        %rev3A_4408 = arith.constant 15 : i32
        %rev3A_4409 = vector.broadcast %rev3A_4408 : i32 to vector<16xi32>
        %rev3A_4410 = tpu.iota {dimensions = array<i32: 0>} : vector<16xi32>
        %rev3A_4411 = arith.subi %rev3A_4409, %rev3A_4410 : vector<16xi32>
        %rev3A_4412 = tpu.dynamic_gather %get3A_4107[%rev3A_4411] in [0] : vector<16xf32>, vector<16xi32> -> vector<16xf32>
        %max3A_4413 = arith.maximumf %get3A_4097, %rev3A_4412 : vector<16xf32>
        %rev3A_4414 = arith.constant 15 : i32
        %rev3A_4415 = vector.broadcast %rev3A_4414 : i32 to vector<16xi32>
        %rev3A_4416 = tpu.iota {dimensions = array<i32: 0>} : vector<16xi32>
        %rev3A_4417 = arith.subi %rev3A_4415, %rev3A_4416 : vector<16xi32>
        %rev3A_4418 = tpu.dynamic_gather %get3A_4105[%rev3A_4417] in [0] : vector<16xf32>, vector<16xi32> -> vector<16xf32>
        %max3A_4419 = arith.maximumf %get3A_4099, %rev3A_4418 : vector<16xf32>
        %min3A_4420 = arith.minimumf %max3A_4413, %max3A_4419 : vector<16xf32>
        %max3A_4421 = arith.maximumf %max3A_4413, %max3A_4419 : vector<16xf32>
        %masked_sort3A_4422 = arith.constant dense<true> : vector<16xi1>
        %masked_sort3A_4423, %masked_sort3A_4424, %masked_sort3A_4425 = tpu.sort %min3A_4420, %min3A_4420 masked %masked_sort3A_4422 : (vector<16xf32>, vector<16xf32>, vector<16xi1>) -> (vector<16xi1>, vector<16xf32>, vector<16xf32>)
        %masked_sort3A_4426 = arith.constant dense<true> : vector<16xi1>
        %masked_sort3A_4427, %masked_sort3A_4428, %masked_sort3A_4429 = tpu.sort %max3A_4421, %max3A_4421 masked %masked_sort3A_4426 : (vector<16xf32>, vector<16xf32>, vector<16xi1>) -> (vector<16xi1>, vector<16xf32>, vector<16xf32>)
        %rev3A_4430 = arith.constant 15 : i32
        %rev3A_4431 = vector.broadcast %rev3A_4430 : i32 to vector<16xi32>
        %rev3A_4432 = tpu.iota {dimensions = array<i32: 0>} : vector<16xi32>
        %rev3A_4433 = arith.subi %rev3A_4431, %rev3A_4432 : vector<16xi32>
        %rev3A_4434 = tpu.dynamic_gather %get3A_4123[%rev3A_4433] in [0] : vector<16xf32>, vector<16xi32> -> vector<16xf32>
        %max3A_4435 = arith.maximumf %get3A_4113, %rev3A_4434 : vector<16xf32>
        %rev3A_4436 = arith.constant 15 : i32
        %rev3A_4437 = vector.broadcast %rev3A_4436 : i32 to vector<16xi32>
        %rev3A_4438 = tpu.iota {dimensions = array<i32: 0>} : vector<16xi32>
        %rev3A_4439 = arith.subi %rev3A_4437, %rev3A_4438 : vector<16xi32>
        %rev3A_4440 = tpu.dynamic_gather %get3A_4121[%rev3A_4439] in [0] : vector<16xf32>, vector<16xi32> -> vector<16xf32>
        %max3A_4441 = arith.maximumf %get3A_4115, %rev3A_4440 : vector<16xf32>
        %min3A_4442 = arith.minimumf %max3A_4435, %max3A_4441 : vector<16xf32>
        %max3A_4443 = arith.maximumf %max3A_4435, %max3A_4441 : vector<16xf32>
        %masked_sort3A_4444 = arith.constant dense<true> : vector<16xi1>
        %masked_sort3A_4445, %masked_sort3A_4446, %masked_sort3A_4447 = tpu.sort %min3A_4442, %min3A_4442 masked %masked_sort3A_4444 : (vector<16xf32>, vector<16xf32>, vector<16xi1>) -> (vector<16xi1>, vector<16xf32>, vector<16xf32>)
        %masked_sort3A_4448 = arith.constant dense<true> : vector<16xi1>
        %masked_sort3A_4449, %masked_sort3A_4450, %masked_sort3A_4451 = tpu.sort %max3A_4443, %max3A_4443 masked %masked_sort3A_4448 : (vector<16xf32>, vector<16xf32>, vector<16xi1>) -> (vector<16xi1>, vector<16xf32>, vector<16xf32>)
        %rev3A_4452 = arith.constant 15 : i32
        %rev3A_4453 = vector.broadcast %rev3A_4452 : i32 to vector<16xi32>
        %rev3A_4454 = tpu.iota {dimensions = array<i32: 0>} : vector<16xi32>
        %rev3A_4455 = arith.subi %rev3A_4453, %rev3A_4454 : vector<16xi32>
        %rev3A_4456 = tpu.dynamic_gather %get3A_4139[%rev3A_4455] in [0] : vector<16xf32>, vector<16xi32> -> vector<16xf32>
        %max3A_4457 = arith.maximumf %get3A_4129, %rev3A_4456 : vector<16xf32>
        %rev3A_4458 = arith.constant 15 : i32
        %rev3A_4459 = vector.broadcast %rev3A_4458 : i32 to vector<16xi32>
        %rev3A_4460 = tpu.iota {dimensions = array<i32: 0>} : vector<16xi32>
        %rev3A_4461 = arith.subi %rev3A_4459, %rev3A_4460 : vector<16xi32>
        %rev3A_4462 = tpu.dynamic_gather %get3A_4137[%rev3A_4461] in [0] : vector<16xf32>, vector<16xi32> -> vector<16xf32>
        %max3A_4463 = arith.maximumf %get3A_4131, %rev3A_4462 : vector<16xf32>
        %min3A_4464 = arith.minimumf %max3A_4457, %max3A_4463 : vector<16xf32>
        %max3A_4465 = arith.maximumf %max3A_4457, %max3A_4463 : vector<16xf32>
        %masked_sort3A_4466 = arith.constant dense<true> : vector<16xi1>
        %masked_sort3A_4467, %masked_sort3A_4468, %masked_sort3A_4469 = tpu.sort %min3A_4464, %min3A_4464 masked %masked_sort3A_4466 : (vector<16xf32>, vector<16xf32>, vector<16xi1>) -> (vector<16xi1>, vector<16xf32>, vector<16xf32>)
        %masked_sort3A_4470 = arith.constant dense<true> : vector<16xi1>
        %masked_sort3A_4471, %masked_sort3A_4472, %masked_sort3A_4473 = tpu.sort %max3A_4465, %max3A_4465 masked %masked_sort3A_4470 : (vector<16xf32>, vector<16xf32>, vector<16xi1>) -> (vector<16xi1>, vector<16xf32>, vector<16xf32>)
        %rev3A_4474 = arith.constant 15 : i32
        %rev3A_4475 = vector.broadcast %rev3A_4474 : i32 to vector<16xi32>
        %rev3A_4476 = tpu.iota {dimensions = array<i32: 0>} : vector<16xi32>
        %rev3A_4477 = arith.subi %rev3A_4475, %rev3A_4476 : vector<16xi32>
        %rev3A_4478 = tpu.dynamic_gather %get3A_4155[%rev3A_4477] in [0] : vector<16xf32>, vector<16xi32> -> vector<16xf32>
        %max3A_4479 = arith.maximumf %get3A_4145, %rev3A_4478 : vector<16xf32>
        %rev3A_4480 = arith.constant 15 : i32
        %rev3A_4481 = vector.broadcast %rev3A_4480 : i32 to vector<16xi32>
        %rev3A_4482 = tpu.iota {dimensions = array<i32: 0>} : vector<16xi32>
        %rev3A_4483 = arith.subi %rev3A_4481, %rev3A_4482 : vector<16xi32>
        %rev3A_4484 = tpu.dynamic_gather %get3A_4153[%rev3A_4483] in [0] : vector<16xf32>, vector<16xi32> -> vector<16xf32>
        %max3A_4485 = arith.maximumf %get3A_4147, %rev3A_4484 : vector<16xf32>
        %min3A_4486 = arith.minimumf %max3A_4479, %max3A_4485 : vector<16xf32>
        %max3A_4487 = arith.maximumf %max3A_4479, %max3A_4485 : vector<16xf32>
        %masked_sort3A_4488 = arith.constant dense<true> : vector<16xi1>
        %masked_sort3A_4489, %masked_sort3A_4490, %masked_sort3A_4491 = tpu.sort %min3A_4486, %min3A_4486 masked %masked_sort3A_4488 : (vector<16xf32>, vector<16xf32>, vector<16xi1>) -> (vector<16xi1>, vector<16xf32>, vector<16xf32>)
        %masked_sort3A_4492 = arith.constant dense<true> : vector<16xi1>
        %masked_sort3A_4493, %masked_sort3A_4494, %masked_sort3A_4495 = tpu.sort %max3A_4487, %max3A_4487 masked %masked_sort3A_4492 : (vector<16xf32>, vector<16xf32>, vector<16xi1>) -> (vector<16xi1>, vector<16xf32>, vector<16xf32>)
        %rev3A_4496 = arith.constant 15 : i32
        %rev3A_4497 = vector.broadcast %rev3A_4496 : i32 to vector<16xi32>
        %rev3A_4498 = tpu.iota {dimensions = array<i32: 0>} : vector<16xi32>
        %rev3A_4499 = arith.subi %rev3A_4497, %rev3A_4498 : vector<16xi32>
        %rev3A_4500 = tpu.dynamic_gather %get3A_4171[%rev3A_4499] in [0] : vector<16xf32>, vector<16xi32> -> vector<16xf32>
        %max3A_4501 = arith.maximumf %get3A_4161, %rev3A_4500 : vector<16xf32>
        %rev3A_4502 = arith.constant 15 : i32
        %rev3A_4503 = vector.broadcast %rev3A_4502 : i32 to vector<16xi32>
        %rev3A_4504 = tpu.iota {dimensions = array<i32: 0>} : vector<16xi32>
        %rev3A_4505 = arith.subi %rev3A_4503, %rev3A_4504 : vector<16xi32>
        %rev3A_4506 = tpu.dynamic_gather %get3A_4169[%rev3A_4505] in [0] : vector<16xf32>, vector<16xi32> -> vector<16xf32>
        %max3A_4507 = arith.maximumf %get3A_4163, %rev3A_4506 : vector<16xf32>
        %min3A_4508 = arith.minimumf %max3A_4501, %max3A_4507 : vector<16xf32>
        %max3A_4509 = arith.maximumf %max3A_4501, %max3A_4507 : vector<16xf32>
        %masked_sort3A_4510 = arith.constant dense<true> : vector<16xi1>
        %masked_sort3A_4511, %masked_sort3A_4512, %masked_sort3A_4513 = tpu.sort %min3A_4508, %min3A_4508 masked %masked_sort3A_4510 : (vector<16xf32>, vector<16xf32>, vector<16xi1>) -> (vector<16xi1>, vector<16xf32>, vector<16xf32>)
        %masked_sort3A_4514 = arith.constant dense<true> : vector<16xi1>
        %masked_sort3A_4515, %masked_sort3A_4516, %masked_sort3A_4517 = tpu.sort %max3A_4509, %max3A_4509 masked %masked_sort3A_4514 : (vector<16xf32>, vector<16xf32>, vector<16xi1>) -> (vector<16xi1>, vector<16xf32>, vector<16xf32>)
        %rev3A_4518 = arith.constant 15 : i32
        %rev3A_4519 = vector.broadcast %rev3A_4518 : i32 to vector<16xi32>
        %rev3A_4520 = tpu.iota {dimensions = array<i32: 0>} : vector<16xi32>
        %rev3A_4521 = arith.subi %rev3A_4519, %rev3A_4520 : vector<16xi32>
        %rev3A_4522 = tpu.dynamic_gather %get3A_4187[%rev3A_4521] in [0] : vector<16xf32>, vector<16xi32> -> vector<16xf32>
        %max3A_4523 = arith.maximumf %get3A_4177, %rev3A_4522 : vector<16xf32>
        %rev3A_4524 = arith.constant 15 : i32
        %rev3A_4525 = vector.broadcast %rev3A_4524 : i32 to vector<16xi32>
        %rev3A_4526 = tpu.iota {dimensions = array<i32: 0>} : vector<16xi32>
        %rev3A_4527 = arith.subi %rev3A_4525, %rev3A_4526 : vector<16xi32>
        %rev3A_4528 = tpu.dynamic_gather %get3A_4185[%rev3A_4527] in [0] : vector<16xf32>, vector<16xi32> -> vector<16xf32>
        %max3A_4529 = arith.maximumf %get3A_4179, %rev3A_4528 : vector<16xf32>
        %min3A_4530 = arith.minimumf %max3A_4523, %max3A_4529 : vector<16xf32>
        %max3A_4531 = arith.maximumf %max3A_4523, %max3A_4529 : vector<16xf32>
        %masked_sort3A_4532 = arith.constant dense<true> : vector<16xi1>
        %masked_sort3A_4533, %masked_sort3A_4534, %masked_sort3A_4535 = tpu.sort %min3A_4530, %min3A_4530 masked %masked_sort3A_4532 : (vector<16xf32>, vector<16xf32>, vector<16xi1>) -> (vector<16xi1>, vector<16xf32>, vector<16xf32>)
        %masked_sort3A_4536 = arith.constant dense<true> : vector<16xi1>
        %masked_sort3A_4537, %masked_sort3A_4538, %masked_sort3A_4539 = tpu.sort %max3A_4531, %max3A_4531 masked %masked_sort3A_4536 : (vector<16xf32>, vector<16xf32>, vector<16xi1>) -> (vector<16xi1>, vector<16xf32>, vector<16xf32>)
        %rev3A_4540 = arith.constant 15 : i32
        %rev3A_4541 = vector.broadcast %rev3A_4540 : i32 to vector<16xi32>
        %rev3A_4542 = tpu.iota {dimensions = array<i32: 0>} : vector<16xi32>
        %rev3A_4543 = arith.subi %rev3A_4541, %rev3A_4542 : vector<16xi32>
        %rev3A_4544 = tpu.dynamic_gather %masked_sort3A_4230[%rev3A_4543] in [0] : vector<16xf32>, vector<16xi32> -> vector<16xf32>
        %max3A_4545 = arith.maximumf %masked_sort3A_4204, %rev3A_4544 : vector<16xf32>
        %rev3A_4546 = arith.constant 15 : i32
        %rev3A_4547 = vector.broadcast %rev3A_4546 : i32 to vector<16xi32>
        %rev3A_4548 = tpu.iota {dimensions = array<i32: 0>} : vector<16xi32>
        %rev3A_4549 = arith.subi %rev3A_4547, %rev3A_4548 : vector<16xi32>
        %rev3A_4550 = tpu.dynamic_gather %masked_sort3A_4226[%rev3A_4549] in [0] : vector<16xf32>, vector<16xi32> -> vector<16xf32>
        %max3A_4551 = arith.maximumf %masked_sort3A_4208, %rev3A_4550 : vector<16xf32>
        %min3A_4552 = arith.minimumf %max3A_4545, %max3A_4551 : vector<16xf32>
        %max3A_4553 = arith.maximumf %max3A_4545, %max3A_4551 : vector<16xf32>
        %masked_sort3A_4554 = arith.constant dense<true> : vector<16xi1>
        %masked_sort3A_4555, %masked_sort3A_4556, %masked_sort3A_4557 = tpu.sort %min3A_4552, %min3A_4552 masked %masked_sort3A_4554 : (vector<16xf32>, vector<16xf32>, vector<16xi1>) -> (vector<16xi1>, vector<16xf32>, vector<16xf32>)
        %masked_sort3A_4558 = arith.constant dense<true> : vector<16xi1>
        %masked_sort3A_4559, %masked_sort3A_4560, %masked_sort3A_4561 = tpu.sort %max3A_4553, %max3A_4553 masked %masked_sort3A_4558 : (vector<16xf32>, vector<16xf32>, vector<16xi1>) -> (vector<16xi1>, vector<16xf32>, vector<16xf32>)
        %rev3A_4562 = arith.constant 15 : i32
        %rev3A_4563 = vector.broadcast %rev3A_4562 : i32 to vector<16xi32>
        %rev3A_4564 = tpu.iota {dimensions = array<i32: 0>} : vector<16xi32>
        %rev3A_4565 = arith.subi %rev3A_4563, %rev3A_4564 : vector<16xi32>
        %rev3A_4566 = tpu.dynamic_gather %masked_sort3A_4274[%rev3A_4565] in [0] : vector<16xf32>, vector<16xi32> -> vector<16xf32>
        %max3A_4567 = arith.maximumf %masked_sort3A_4248, %rev3A_4566 : vector<16xf32>
        %rev3A_4568 = arith.constant 15 : i32
        %rev3A_4569 = vector.broadcast %rev3A_4568 : i32 to vector<16xi32>
        %rev3A_4570 = tpu.iota {dimensions = array<i32: 0>} : vector<16xi32>
        %rev3A_4571 = arith.subi %rev3A_4569, %rev3A_4570 : vector<16xi32>
        %rev3A_4572 = tpu.dynamic_gather %masked_sort3A_4270[%rev3A_4571] in [0] : vector<16xf32>, vector<16xi32> -> vector<16xf32>
        %max3A_4573 = arith.maximumf %masked_sort3A_4252, %rev3A_4572 : vector<16xf32>
        %min3A_4574 = arith.minimumf %max3A_4567, %max3A_4573 : vector<16xf32>
        %max3A_4575 = arith.maximumf %max3A_4567, %max3A_4573 : vector<16xf32>
        %masked_sort3A_4576 = arith.constant dense<true> : vector<16xi1>
        %masked_sort3A_4577, %masked_sort3A_4578, %masked_sort3A_4579 = tpu.sort %min3A_4574, %min3A_4574 masked %masked_sort3A_4576 : (vector<16xf32>, vector<16xf32>, vector<16xi1>) -> (vector<16xi1>, vector<16xf32>, vector<16xf32>)
        %masked_sort3A_4580 = arith.constant dense<true> : vector<16xi1>
        %masked_sort3A_4581, %masked_sort3A_4582, %masked_sort3A_4583 = tpu.sort %max3A_4575, %max3A_4575 masked %masked_sort3A_4580 : (vector<16xf32>, vector<16xf32>, vector<16xi1>) -> (vector<16xi1>, vector<16xf32>, vector<16xf32>)
        %rev3A_4584 = arith.constant 15 : i32
        %rev3A_4585 = vector.broadcast %rev3A_4584 : i32 to vector<16xi32>
        %rev3A_4586 = tpu.iota {dimensions = array<i32: 0>} : vector<16xi32>
        %rev3A_4587 = arith.subi %rev3A_4585, %rev3A_4586 : vector<16xi32>
        %rev3A_4588 = tpu.dynamic_gather %masked_sort3A_4318[%rev3A_4587] in [0] : vector<16xf32>, vector<16xi32> -> vector<16xf32>
        %max3A_4589 = arith.maximumf %masked_sort3A_4292, %rev3A_4588 : vector<16xf32>
        %rev3A_4590 = arith.constant 15 : i32
        %rev3A_4591 = vector.broadcast %rev3A_4590 : i32 to vector<16xi32>
        %rev3A_4592 = tpu.iota {dimensions = array<i32: 0>} : vector<16xi32>
        %rev3A_4593 = arith.subi %rev3A_4591, %rev3A_4592 : vector<16xi32>
        %rev3A_4594 = tpu.dynamic_gather %masked_sort3A_4314[%rev3A_4593] in [0] : vector<16xf32>, vector<16xi32> -> vector<16xf32>
        %max3A_4595 = arith.maximumf %masked_sort3A_4296, %rev3A_4594 : vector<16xf32>
        %min3A_4596 = arith.minimumf %max3A_4589, %max3A_4595 : vector<16xf32>
        %max3A_4597 = arith.maximumf %max3A_4589, %max3A_4595 : vector<16xf32>
        %masked_sort3A_4598 = arith.constant dense<true> : vector<16xi1>
        %masked_sort3A_4599, %masked_sort3A_4600, %masked_sort3A_4601 = tpu.sort %min3A_4596, %min3A_4596 masked %masked_sort3A_4598 : (vector<16xf32>, vector<16xf32>, vector<16xi1>) -> (vector<16xi1>, vector<16xf32>, vector<16xf32>)
        %masked_sort3A_4602 = arith.constant dense<true> : vector<16xi1>
        %masked_sort3A_4603, %masked_sort3A_4604, %masked_sort3A_4605 = tpu.sort %max3A_4597, %max3A_4597 masked %masked_sort3A_4602 : (vector<16xf32>, vector<16xf32>, vector<16xi1>) -> (vector<16xi1>, vector<16xf32>, vector<16xf32>)
        %rev3A_4606 = arith.constant 15 : i32
        %rev3A_4607 = vector.broadcast %rev3A_4606 : i32 to vector<16xi32>
        %rev3A_4608 = tpu.iota {dimensions = array<i32: 0>} : vector<16xi32>
        %rev3A_4609 = arith.subi %rev3A_4607, %rev3A_4608 : vector<16xi32>
        %rev3A_4610 = tpu.dynamic_gather %masked_sort3A_4362[%rev3A_4609] in [0] : vector<16xf32>, vector<16xi32> -> vector<16xf32>
        %max3A_4611 = arith.maximumf %masked_sort3A_4336, %rev3A_4610 : vector<16xf32>
        %rev3A_4612 = arith.constant 15 : i32
        %rev3A_4613 = vector.broadcast %rev3A_4612 : i32 to vector<16xi32>
        %rev3A_4614 = tpu.iota {dimensions = array<i32: 0>} : vector<16xi32>
        %rev3A_4615 = arith.subi %rev3A_4613, %rev3A_4614 : vector<16xi32>
        %rev3A_4616 = tpu.dynamic_gather %masked_sort3A_4358[%rev3A_4615] in [0] : vector<16xf32>, vector<16xi32> -> vector<16xf32>
        %max3A_4617 = arith.maximumf %masked_sort3A_4340, %rev3A_4616 : vector<16xf32>
        %min3A_4618 = arith.minimumf %max3A_4611, %max3A_4617 : vector<16xf32>
        %max3A_4619 = arith.maximumf %max3A_4611, %max3A_4617 : vector<16xf32>
        %masked_sort3A_4620 = arith.constant dense<true> : vector<16xi1>
        %masked_sort3A_4621, %masked_sort3A_4622, %masked_sort3A_4623 = tpu.sort %min3A_4618, %min3A_4618 masked %masked_sort3A_4620 : (vector<16xf32>, vector<16xf32>, vector<16xi1>) -> (vector<16xi1>, vector<16xf32>, vector<16xf32>)
        %masked_sort3A_4624 = arith.constant dense<true> : vector<16xi1>
        %masked_sort3A_4625, %masked_sort3A_4626, %masked_sort3A_4627 = tpu.sort %max3A_4619, %max3A_4619 masked %masked_sort3A_4624 : (vector<16xf32>, vector<16xf32>, vector<16xi1>) -> (vector<16xi1>, vector<16xf32>, vector<16xf32>)
        %rev3A_4628 = arith.constant 15 : i32
        %rev3A_4629 = vector.broadcast %rev3A_4628 : i32 to vector<16xi32>
        %rev3A_4630 = tpu.iota {dimensions = array<i32: 0>} : vector<16xi32>
        %rev3A_4631 = arith.subi %rev3A_4629, %rev3A_4630 : vector<16xi32>
        %rev3A_4632 = tpu.dynamic_gather %masked_sort3A_4406[%rev3A_4631] in [0] : vector<16xf32>, vector<16xi32> -> vector<16xf32>
        %max3A_4633 = arith.maximumf %masked_sort3A_4380, %rev3A_4632 : vector<16xf32>
        %rev3A_4634 = arith.constant 15 : i32
        %rev3A_4635 = vector.broadcast %rev3A_4634 : i32 to vector<16xi32>
        %rev3A_4636 = tpu.iota {dimensions = array<i32: 0>} : vector<16xi32>
        %rev3A_4637 = arith.subi %rev3A_4635, %rev3A_4636 : vector<16xi32>
        %rev3A_4638 = tpu.dynamic_gather %masked_sort3A_4402[%rev3A_4637] in [0] : vector<16xf32>, vector<16xi32> -> vector<16xf32>
        %max3A_4639 = arith.maximumf %masked_sort3A_4384, %rev3A_4638 : vector<16xf32>
        %min3A_4640 = arith.minimumf %max3A_4633, %max3A_4639 : vector<16xf32>
        %max3A_4641 = arith.maximumf %max3A_4633, %max3A_4639 : vector<16xf32>
        %masked_sort3A_4642 = arith.constant dense<true> : vector<16xi1>
        %masked_sort3A_4643, %masked_sort3A_4644, %masked_sort3A_4645 = tpu.sort %min3A_4640, %min3A_4640 masked %masked_sort3A_4642 : (vector<16xf32>, vector<16xf32>, vector<16xi1>) -> (vector<16xi1>, vector<16xf32>, vector<16xf32>)
        %masked_sort3A_4646 = arith.constant dense<true> : vector<16xi1>
        %masked_sort3A_4647, %masked_sort3A_4648, %masked_sort3A_4649 = tpu.sort %max3A_4641, %max3A_4641 masked %masked_sort3A_4646 : (vector<16xf32>, vector<16xf32>, vector<16xi1>) -> (vector<16xi1>, vector<16xf32>, vector<16xf32>)
        %rev3A_4650 = arith.constant 15 : i32
        %rev3A_4651 = vector.broadcast %rev3A_4650 : i32 to vector<16xi32>
        %rev3A_4652 = tpu.iota {dimensions = array<i32: 0>} : vector<16xi32>
        %rev3A_4653 = arith.subi %rev3A_4651, %rev3A_4652 : vector<16xi32>
        %rev3A_4654 = tpu.dynamic_gather %masked_sort3A_4450[%rev3A_4653] in [0] : vector<16xf32>, vector<16xi32> -> vector<16xf32>
        %max3A_4655 = arith.maximumf %masked_sort3A_4424, %rev3A_4654 : vector<16xf32>
        %rev3A_4656 = arith.constant 15 : i32
        %rev3A_4657 = vector.broadcast %rev3A_4656 : i32 to vector<16xi32>
        %rev3A_4658 = tpu.iota {dimensions = array<i32: 0>} : vector<16xi32>
        %rev3A_4659 = arith.subi %rev3A_4657, %rev3A_4658 : vector<16xi32>
        %rev3A_4660 = tpu.dynamic_gather %masked_sort3A_4446[%rev3A_4659] in [0] : vector<16xf32>, vector<16xi32> -> vector<16xf32>
        %max3A_4661 = arith.maximumf %masked_sort3A_4428, %rev3A_4660 : vector<16xf32>
        %min3A_4662 = arith.minimumf %max3A_4655, %max3A_4661 : vector<16xf32>
        %max3A_4663 = arith.maximumf %max3A_4655, %max3A_4661 : vector<16xf32>
        %masked_sort3A_4664 = arith.constant dense<true> : vector<16xi1>
        %masked_sort3A_4665, %masked_sort3A_4666, %masked_sort3A_4667 = tpu.sort %min3A_4662, %min3A_4662 masked %masked_sort3A_4664 : (vector<16xf32>, vector<16xf32>, vector<16xi1>) -> (vector<16xi1>, vector<16xf32>, vector<16xf32>)
        %masked_sort3A_4668 = arith.constant dense<true> : vector<16xi1>
        %masked_sort3A_4669, %masked_sort3A_4670, %masked_sort3A_4671 = tpu.sort %max3A_4663, %max3A_4663 masked %masked_sort3A_4668 : (vector<16xf32>, vector<16xf32>, vector<16xi1>) -> (vector<16xi1>, vector<16xf32>, vector<16xf32>)
        %rev3A_4672 = arith.constant 15 : i32
        %rev3A_4673 = vector.broadcast %rev3A_4672 : i32 to vector<16xi32>
        %rev3A_4674 = tpu.iota {dimensions = array<i32: 0>} : vector<16xi32>
        %rev3A_4675 = arith.subi %rev3A_4673, %rev3A_4674 : vector<16xi32>
        %rev3A_4676 = tpu.dynamic_gather %masked_sort3A_4494[%rev3A_4675] in [0] : vector<16xf32>, vector<16xi32> -> vector<16xf32>
        %max3A_4677 = arith.maximumf %masked_sort3A_4468, %rev3A_4676 : vector<16xf32>
        %rev3A_4678 = arith.constant 15 : i32
        %rev3A_4679 = vector.broadcast %rev3A_4678 : i32 to vector<16xi32>
        %rev3A_4680 = tpu.iota {dimensions = array<i32: 0>} : vector<16xi32>
        %rev3A_4681 = arith.subi %rev3A_4679, %rev3A_4680 : vector<16xi32>
        %rev3A_4682 = tpu.dynamic_gather %masked_sort3A_4490[%rev3A_4681] in [0] : vector<16xf32>, vector<16xi32> -> vector<16xf32>
        %max3A_4683 = arith.maximumf %masked_sort3A_4472, %rev3A_4682 : vector<16xf32>
        %min3A_4684 = arith.minimumf %max3A_4677, %max3A_4683 : vector<16xf32>
        %max3A_4685 = arith.maximumf %max3A_4677, %max3A_4683 : vector<16xf32>
        %masked_sort3A_4686 = arith.constant dense<true> : vector<16xi1>
        %masked_sort3A_4687, %masked_sort3A_4688, %masked_sort3A_4689 = tpu.sort %min3A_4684, %min3A_4684 masked %masked_sort3A_4686 : (vector<16xf32>, vector<16xf32>, vector<16xi1>) -> (vector<16xi1>, vector<16xf32>, vector<16xf32>)
        %masked_sort3A_4690 = arith.constant dense<true> : vector<16xi1>
        %masked_sort3A_4691, %masked_sort3A_4692, %masked_sort3A_4693 = tpu.sort %max3A_4685, %max3A_4685 masked %masked_sort3A_4690 : (vector<16xf32>, vector<16xf32>, vector<16xi1>) -> (vector<16xi1>, vector<16xf32>, vector<16xf32>)
        %rev3A_4694 = arith.constant 15 : i32
        %rev3A_4695 = vector.broadcast %rev3A_4694 : i32 to vector<16xi32>
        %rev3A_4696 = tpu.iota {dimensions = array<i32: 0>} : vector<16xi32>
        %rev3A_4697 = arith.subi %rev3A_4695, %rev3A_4696 : vector<16xi32>
        %rev3A_4698 = tpu.dynamic_gather %masked_sort3A_4538[%rev3A_4697] in [0] : vector<16xf32>, vector<16xi32> -> vector<16xf32>
        %max3A_4699 = arith.maximumf %masked_sort3A_4512, %rev3A_4698 : vector<16xf32>
        %rev3A_4700 = arith.constant 15 : i32
        %rev3A_4701 = vector.broadcast %rev3A_4700 : i32 to vector<16xi32>
        %rev3A_4702 = tpu.iota {dimensions = array<i32: 0>} : vector<16xi32>
        %rev3A_4703 = arith.subi %rev3A_4701, %rev3A_4702 : vector<16xi32>
        %rev3A_4704 = tpu.dynamic_gather %masked_sort3A_4534[%rev3A_4703] in [0] : vector<16xf32>, vector<16xi32> -> vector<16xf32>
        %max3A_4705 = arith.maximumf %masked_sort3A_4516, %rev3A_4704 : vector<16xf32>
        %min3A_4706 = arith.minimumf %max3A_4699, %max3A_4705 : vector<16xf32>
        %max3A_4707 = arith.maximumf %max3A_4699, %max3A_4705 : vector<16xf32>
        %masked_sort3A_4708 = arith.constant dense<true> : vector<16xi1>
        %masked_sort3A_4709, %masked_sort3A_4710, %masked_sort3A_4711 = tpu.sort %min3A_4706, %min3A_4706 masked %masked_sort3A_4708 : (vector<16xf32>, vector<16xf32>, vector<16xi1>) -> (vector<16xi1>, vector<16xf32>, vector<16xf32>)
        %masked_sort3A_4712 = arith.constant dense<true> : vector<16xi1>
        %masked_sort3A_4713, %masked_sort3A_4714, %masked_sort3A_4715 = tpu.sort %max3A_4707, %max3A_4707 masked %masked_sort3A_4712 : (vector<16xf32>, vector<16xf32>, vector<16xi1>) -> (vector<16xi1>, vector<16xf32>, vector<16xf32>)
        %rev3A_4716 = arith.constant 15 : i32
        %rev3A_4717 = vector.broadcast %rev3A_4716 : i32 to vector<16xi32>
        %rev3A_4718 = tpu.iota {dimensions = array<i32: 0>} : vector<16xi32>
        %rev3A_4719 = arith.subi %rev3A_4717, %rev3A_4718 : vector<16xi32>
        %rev3A_4720 = tpu.dynamic_gather %masked_sort3A_4582[%rev3A_4719] in [0] : vector<16xf32>, vector<16xi32> -> vector<16xf32>
        %max3A_4721 = arith.maximumf %masked_sort3A_4556, %rev3A_4720 : vector<16xf32>
        %rev3A_4722 = arith.constant 15 : i32
        %rev3A_4723 = vector.broadcast %rev3A_4722 : i32 to vector<16xi32>
        %rev3A_4724 = tpu.iota {dimensions = array<i32: 0>} : vector<16xi32>
        %rev3A_4725 = arith.subi %rev3A_4723, %rev3A_4724 : vector<16xi32>
        %rev3A_4726 = tpu.dynamic_gather %masked_sort3A_4578[%rev3A_4725] in [0] : vector<16xf32>, vector<16xi32> -> vector<16xf32>
        %max3A_4727 = arith.maximumf %masked_sort3A_4560, %rev3A_4726 : vector<16xf32>
        %min3A_4728 = arith.minimumf %max3A_4721, %max3A_4727 : vector<16xf32>
        %max3A_4729 = arith.maximumf %max3A_4721, %max3A_4727 : vector<16xf32>
        %masked_sort3A_4730 = arith.constant dense<true> : vector<16xi1>
        %masked_sort3A_4731, %masked_sort3A_4732, %masked_sort3A_4733 = tpu.sort %min3A_4728, %min3A_4728 masked %masked_sort3A_4730 : (vector<16xf32>, vector<16xf32>, vector<16xi1>) -> (vector<16xi1>, vector<16xf32>, vector<16xf32>)
        %masked_sort3A_4734 = arith.constant dense<true> : vector<16xi1>
        %masked_sort3A_4735, %masked_sort3A_4736, %masked_sort3A_4737 = tpu.sort %max3A_4729, %max3A_4729 masked %masked_sort3A_4734 : (vector<16xf32>, vector<16xf32>, vector<16xi1>) -> (vector<16xi1>, vector<16xf32>, vector<16xf32>)
        %rev3A_4738 = arith.constant 15 : i32
        %rev3A_4739 = vector.broadcast %rev3A_4738 : i32 to vector<16xi32>
        %rev3A_4740 = tpu.iota {dimensions = array<i32: 0>} : vector<16xi32>
        %rev3A_4741 = arith.subi %rev3A_4739, %rev3A_4740 : vector<16xi32>
        %rev3A_4742 = tpu.dynamic_gather %masked_sort3A_4626[%rev3A_4741] in [0] : vector<16xf32>, vector<16xi32> -> vector<16xf32>
        %max3A_4743 = arith.maximumf %masked_sort3A_4600, %rev3A_4742 : vector<16xf32>
        %rev3A_4744 = arith.constant 15 : i32
        %rev3A_4745 = vector.broadcast %rev3A_4744 : i32 to vector<16xi32>
        %rev3A_4746 = tpu.iota {dimensions = array<i32: 0>} : vector<16xi32>
        %rev3A_4747 = arith.subi %rev3A_4745, %rev3A_4746 : vector<16xi32>
        %rev3A_4748 = tpu.dynamic_gather %masked_sort3A_4622[%rev3A_4747] in [0] : vector<16xf32>, vector<16xi32> -> vector<16xf32>
        %max3A_4749 = arith.maximumf %masked_sort3A_4604, %rev3A_4748 : vector<16xf32>
        %min3A_4750 = arith.minimumf %max3A_4743, %max3A_4749 : vector<16xf32>
        %max3A_4751 = arith.maximumf %max3A_4743, %max3A_4749 : vector<16xf32>
        %masked_sort3A_4752 = arith.constant dense<true> : vector<16xi1>
        %masked_sort3A_4753, %masked_sort3A_4754, %masked_sort3A_4755 = tpu.sort %min3A_4750, %min3A_4750 masked %masked_sort3A_4752 : (vector<16xf32>, vector<16xf32>, vector<16xi1>) -> (vector<16xi1>, vector<16xf32>, vector<16xf32>)
        %masked_sort3A_4756 = arith.constant dense<true> : vector<16xi1>
        %masked_sort3A_4757, %masked_sort3A_4758, %masked_sort3A_4759 = tpu.sort %max3A_4751, %max3A_4751 masked %masked_sort3A_4756 : (vector<16xf32>, vector<16xf32>, vector<16xi1>) -> (vector<16xi1>, vector<16xf32>, vector<16xf32>)
        %rev3A_4760 = arith.constant 15 : i32
        %rev3A_4761 = vector.broadcast %rev3A_4760 : i32 to vector<16xi32>
        %rev3A_4762 = tpu.iota {dimensions = array<i32: 0>} : vector<16xi32>
        %rev3A_4763 = arith.subi %rev3A_4761, %rev3A_4762 : vector<16xi32>
        %rev3A_4764 = tpu.dynamic_gather %masked_sort3A_4670[%rev3A_4763] in [0] : vector<16xf32>, vector<16xi32> -> vector<16xf32>
        %max3A_4765 = arith.maximumf %masked_sort3A_4644, %rev3A_4764 : vector<16xf32>
        %rev3A_4766 = arith.constant 15 : i32
        %rev3A_4767 = vector.broadcast %rev3A_4766 : i32 to vector<16xi32>
        %rev3A_4768 = tpu.iota {dimensions = array<i32: 0>} : vector<16xi32>
        %rev3A_4769 = arith.subi %rev3A_4767, %rev3A_4768 : vector<16xi32>
        %rev3A_4770 = tpu.dynamic_gather %masked_sort3A_4666[%rev3A_4769] in [0] : vector<16xf32>, vector<16xi32> -> vector<16xf32>
        %max3A_4771 = arith.maximumf %masked_sort3A_4648, %rev3A_4770 : vector<16xf32>
        %min3A_4772 = arith.minimumf %max3A_4765, %max3A_4771 : vector<16xf32>
        %max3A_4773 = arith.maximumf %max3A_4765, %max3A_4771 : vector<16xf32>
        %masked_sort3A_4774 = arith.constant dense<true> : vector<16xi1>
        %masked_sort3A_4775, %masked_sort3A_4776, %masked_sort3A_4777 = tpu.sort %min3A_4772, %min3A_4772 masked %masked_sort3A_4774 : (vector<16xf32>, vector<16xf32>, vector<16xi1>) -> (vector<16xi1>, vector<16xf32>, vector<16xf32>)
        %masked_sort3A_4778 = arith.constant dense<true> : vector<16xi1>
        %masked_sort3A_4779, %masked_sort3A_4780, %masked_sort3A_4781 = tpu.sort %max3A_4773, %max3A_4773 masked %masked_sort3A_4778 : (vector<16xf32>, vector<16xf32>, vector<16xi1>) -> (vector<16xi1>, vector<16xf32>, vector<16xf32>)
        %rev3A_4782 = arith.constant 15 : i32
        %rev3A_4783 = vector.broadcast %rev3A_4782 : i32 to vector<16xi32>
        %rev3A_4784 = tpu.iota {dimensions = array<i32: 0>} : vector<16xi32>
        %rev3A_4785 = arith.subi %rev3A_4783, %rev3A_4784 : vector<16xi32>
        %rev3A_4786 = tpu.dynamic_gather %masked_sort3A_4714[%rev3A_4785] in [0] : vector<16xf32>, vector<16xi32> -> vector<16xf32>
        %max3A_4787 = arith.maximumf %masked_sort3A_4688, %rev3A_4786 : vector<16xf32>
        %rev3A_4788 = arith.constant 15 : i32
        %rev3A_4789 = vector.broadcast %rev3A_4788 : i32 to vector<16xi32>
        %rev3A_4790 = tpu.iota {dimensions = array<i32: 0>} : vector<16xi32>
        %rev3A_4791 = arith.subi %rev3A_4789, %rev3A_4790 : vector<16xi32>
        %rev3A_4792 = tpu.dynamic_gather %masked_sort3A_4710[%rev3A_4791] in [0] : vector<16xf32>, vector<16xi32> -> vector<16xf32>
        %max3A_4793 = arith.maximumf %masked_sort3A_4692, %rev3A_4792 : vector<16xf32>
        %min3A_4794 = arith.minimumf %max3A_4787, %max3A_4793 : vector<16xf32>
        %max3A_4795 = arith.maximumf %max3A_4787, %max3A_4793 : vector<16xf32>
        %masked_sort3A_4796 = arith.constant dense<true> : vector<16xi1>
        %masked_sort3A_4797, %masked_sort3A_4798, %masked_sort3A_4799 = tpu.sort %min3A_4794, %min3A_4794 masked %masked_sort3A_4796 : (vector<16xf32>, vector<16xf32>, vector<16xi1>) -> (vector<16xi1>, vector<16xf32>, vector<16xf32>)
        %masked_sort3A_4800 = arith.constant dense<true> : vector<16xi1>
        %masked_sort3A_4801, %masked_sort3A_4802, %masked_sort3A_4803 = tpu.sort %max3A_4795, %max3A_4795 masked %masked_sort3A_4800 : (vector<16xf32>, vector<16xf32>, vector<16xi1>) -> (vector<16xi1>, vector<16xf32>, vector<16xf32>)
        %rev3A_4804 = arith.constant 15 : i32
        %rev3A_4805 = vector.broadcast %rev3A_4804 : i32 to vector<16xi32>
        %rev3A_4806 = tpu.iota {dimensions = array<i32: 0>} : vector<16xi32>
        %rev3A_4807 = arith.subi %rev3A_4805, %rev3A_4806 : vector<16xi32>
        %rev3A_4808 = tpu.dynamic_gather %masked_sort3A_4758[%rev3A_4807] in [0] : vector<16xf32>, vector<16xi32> -> vector<16xf32>
        %max3A_4809 = arith.maximumf %masked_sort3A_4732, %rev3A_4808 : vector<16xf32>
        %rev3A_4810 = arith.constant 15 : i32
        %rev3A_4811 = vector.broadcast %rev3A_4810 : i32 to vector<16xi32>
        %rev3A_4812 = tpu.iota {dimensions = array<i32: 0>} : vector<16xi32>
        %rev3A_4813 = arith.subi %rev3A_4811, %rev3A_4812 : vector<16xi32>
        %rev3A_4814 = tpu.dynamic_gather %masked_sort3A_4754[%rev3A_4813] in [0] : vector<16xf32>, vector<16xi32> -> vector<16xf32>
        %max3A_4815 = arith.maximumf %masked_sort3A_4736, %rev3A_4814 : vector<16xf32>
        %min3A_4816 = arith.minimumf %max3A_4809, %max3A_4815 : vector<16xf32>
        %max3A_4817 = arith.maximumf %max3A_4809, %max3A_4815 : vector<16xf32>
        %masked_sort3A_4818 = arith.constant dense<true> : vector<16xi1>
        %masked_sort3A_4819, %masked_sort3A_4820, %masked_sort3A_4821 = tpu.sort %min3A_4816, %min3A_4816 masked %masked_sort3A_4818 : (vector<16xf32>, vector<16xf32>, vector<16xi1>) -> (vector<16xi1>, vector<16xf32>, vector<16xf32>)
        %masked_sort3A_4822 = arith.constant dense<true> : vector<16xi1>
        %masked_sort3A_4823, %masked_sort3A_4824, %masked_sort3A_4825 = tpu.sort %max3A_4817, %max3A_4817 masked %masked_sort3A_4822 : (vector<16xf32>, vector<16xf32>, vector<16xi1>) -> (vector<16xi1>, vector<16xf32>, vector<16xf32>)
        %rev3A_4826 = arith.constant 15 : i32
        %rev3A_4827 = vector.broadcast %rev3A_4826 : i32 to vector<16xi32>
        %rev3A_4828 = tpu.iota {dimensions = array<i32: 0>} : vector<16xi32>
        %rev3A_4829 = arith.subi %rev3A_4827, %rev3A_4828 : vector<16xi32>
        %rev3A_4830 = tpu.dynamic_gather %masked_sort3A_4802[%rev3A_4829] in [0] : vector<16xf32>, vector<16xi32> -> vector<16xf32>
        %max3A_4831 = arith.maximumf %masked_sort3A_4776, %rev3A_4830 : vector<16xf32>
        %rev3A_4832 = arith.constant 15 : i32
        %rev3A_4833 = vector.broadcast %rev3A_4832 : i32 to vector<16xi32>
        %rev3A_4834 = tpu.iota {dimensions = array<i32: 0>} : vector<16xi32>
        %rev3A_4835 = arith.subi %rev3A_4833, %rev3A_4834 : vector<16xi32>
        %rev3A_4836 = tpu.dynamic_gather %masked_sort3A_4798[%rev3A_4835] in [0] : vector<16xf32>, vector<16xi32> -> vector<16xf32>
        %max3A_4837 = arith.maximumf %masked_sort3A_4780, %rev3A_4836 : vector<16xf32>
        %min3A_4838 = arith.minimumf %max3A_4831, %max3A_4837 : vector<16xf32>
        %max3A_4839 = arith.maximumf %max3A_4831, %max3A_4837 : vector<16xf32>
        %masked_sort3A_4840 = arith.constant dense<true> : vector<16xi1>
        %masked_sort3A_4841, %masked_sort3A_4842, %masked_sort3A_4843 = tpu.sort %min3A_4838, %min3A_4838 masked %masked_sort3A_4840 : (vector<16xf32>, vector<16xf32>, vector<16xi1>) -> (vector<16xi1>, vector<16xf32>, vector<16xf32>)
        %masked_sort3A_4844 = arith.constant dense<true> : vector<16xi1>
        %masked_sort3A_4845, %masked_sort3A_4846, %masked_sort3A_4847 = tpu.sort %max3A_4839, %max3A_4839 masked %masked_sort3A_4844 : (vector<16xf32>, vector<16xf32>, vector<16xi1>) -> (vector<16xi1>, vector<16xf32>, vector<16xf32>)
        %iota3A = tpu.iota {dimensions = array<i32: 0>} : vector<16xi32>
        %ge3A = arith.constant 12 : i32
        %ge3A_4848 = vector.broadcast %ge3A : i32 to vector<16xi32>
        %ge3A_4849 = arith.cmpi sge, %iota3A, %ge3A_4848 : vector<16xi32>
        %broadcast_in_dim3A_4850 = arith.constant 0.000000e+00 : f32
        %broadcast_in_dim3A_4851 = vector.broadcast %broadcast_in_dim3A_4850 : f32 to vector<16xf32>
        %mul3A_4852 = arith.mulf %masked_sort3A_4820, %masked_sort3A_4820 : vector<16xf32>
        %select_n3A_4853 = arith.select %ge3A_4849, %mul3A_4852, %broadcast_in_dim3A_4851 : vector<16xi1>, vector<16xf32>
        %reduce_sum3A = arith.constant true
        %reduce_sum3A_4854 = vector.broadcast %reduce_sum3A : i1 to vector<16xi1>
        %reduce_sum3A_4855 = tpu.scan <sum>, %select_n3A_4853 masked %reduce_sum3A_4854 : vector<16xf32>, vector<16xi1> -> vector<16xf32>
        %reduce_sum3A_4856 = vector.extract %reduce_sum3A_4855[15] : f32 from vector<16xf32>
        %mul3A_4857 = arith.mulf %masked_sort3A_4824, %masked_sort3A_4824 : vector<16xf32>
        %reduce_sum3A_4858 = arith.constant true
        %reduce_sum3A_4859 = vector.broadcast %reduce_sum3A_4858 : i1 to vector<16xi1>
        %reduce_sum3A_4860 = tpu.scan <sum>, %mul3A_4857 masked %reduce_sum3A_4859 : vector<16xf32>, vector<16xi1> -> vector<16xf32>
        %reduce_sum3A_4861 = vector.extract %reduce_sum3A_4860[15] : f32 from vector<16xf32>
        %add3A = arith.addf %reduce_sum3A_4856, %reduce_sum3A_4861 : f32
        %add3A_4862 = arith.constant 1.000000e+00 : f32
        %add3A_4863 = vector.broadcast %add3A_4862 : f32 to vector<16xf32>
        %add3A_4864 = arith.addf %masked_sort3A_4842, %add3A_4863 : vector<16xf32>
        %add3A_4865 = arith.constant 1.000000e+00 : f32
        %add3A_4866 = vector.broadcast %add3A_4865 : f32 to vector<16xf32>
        %add3A_4867 = arith.addf %masked_sort3A_4846, %add3A_4866 : vector<16xf32>
        %mul3A_4868 = arith.mulf %add3A_4864, %add3A_4864 : vector<16xf32>
        %select_n3A_4869 = arith.select %ge3A_4849, %mul3A_4868, %broadcast_in_dim3A_4851 : vector<16xi1>, vector<16xf32>
        %reduce_sum3A_4870 = arith.constant true
        %reduce_sum3A_4871 = vector.broadcast %reduce_sum3A_4870 : i1 to vector<16xi1>
        %reduce_sum3A_4872 = tpu.scan <sum>, %select_n3A_4869 masked %reduce_sum3A_4871 : vector<16xf32>, vector<16xi1> -> vector<16xf32>
        %reduce_sum3A_4873 = vector.extract %reduce_sum3A_4872[15] : f32 from vector<16xf32>
        %mul3A_4874 = arith.mulf %add3A_4867, %add3A_4867 : vector<16xf32>
        %reduce_sum3A_4875 = arith.constant true
        %reduce_sum3A_4876 = vector.broadcast %reduce_sum3A_4875 : i1 to vector<16xi1>
        %reduce_sum3A_4877 = tpu.scan <sum>, %mul3A_4874 masked %reduce_sum3A_4876 : vector<16xf32>, vector<16xi1> -> vector<16xf32>
        %reduce_sum3A_4878 = vector.extract %reduce_sum3A_4877[15] : f32 from vector<16xf32>
        %add3A_4879 = arith.addf %reduce_sum3A_4873, %reduce_sum3A_4878 : f32
        %add3A_4880 = arith.addf %add3A, %add3A_4879 : f32
        %mul3A_4881 = arith.constant 2.500000e-02 : f32
        %mul3A_4882 = arith.mulf %add3A_4880, %mul3A_4881 : f32
        %broadcast_in_dim3A_4883 = arith.constant 0.000000e+00 : f32
        %broadcast_in_dim3A_4884 = vector.broadcast %broadcast_in_dim3A_4883 : f32 to vector<16xf32>
        %add3A_4885 = vector.broadcast %mul3A_4882 : f32 to vector<16xf32>
        %add3A_4886 = arith.addf %broadcast_in_dim3A_4884, %add3A_4885 : vector<16xf32>
        %swap3A_4887 = arith.constant 0 : index
        %swap3A_4888 = tpu.vector_load %arg10[%swap3A_4887] {strides = array<i32>} : memref<16xf32, #tpu.memory_space<vmem>>, vector<16xf32>,
        tpu.vector_store %arg10[%swap3A_4887], %add3A_4886 {strides = array<i32>} : memref<16xf32, #tpu.memory_space<vmem>>, vector<16xf32>,
        "tpu.region"() ({
          %run_scoped3A = tpu.sem_alloc : memref<!tpu.dma_semaphore, #tpu.memory_space<semaphore_mem>>
          tpu.enqueue_dma source(%arg10 : memref<16xf32, #tpu.memory_space<vmem>>) target(%arg4 : memref<16xf32, #tpu.memory_space<hbm>>) target_semaphore(%run_scoped3A : memref<!tpu.dma_semaphore, #tpu.memory_space<semaphore_mem>>)
          tpu.wait_dma2 semaphore(%run_scoped3A : memref<!tpu.dma_semaphore, #tpu.memory_space<semaphore_mem>>) src(%arg10 : memref<16xf32, #tpu.memory_space<vmem>>) dst(%arg4 : memref<16xf32, #tpu.memory_space<hbm>>)
          tpu.yield
        }) : () -> ()
      } else {
      }
    } else {
    }
    return
  }
}

module attributes {stable_mosaic.version = 14 : i64} {
  func.func @_sim_kernel(%arg0: i32, %arg1: memref<512x1024xf32, #tpu.memory_space<vmem>>, %arg2: memref<512x1024xf32, #tpu.memory_space<vmem>>, %arg3: memref<512x1xf32, #tpu.memory_space<vmem>>) attributes {dimension_semantics = [#tpu.dimension_semantics<arbitrary>], iteration_bounds = array<i64: 32>, scalar_prefetch = 0 : i64, scratch_operands = 0 : i64, tpu.core_type = #tpu.core_type<tc>, window_params = [{transform_indices = @transform_0, window_bounds = array<i64: 512, 1024>}, {transform_indices = @transform_1, window_bounds = array<i64: 512, 1024>}, {transform_indices = @transform_2, window_bounds = array<i64: 512, 1>}]} {
    %get3A = arith.constant 0 : index
    %get3A_0 = arith.constant 0 : index
    %get3A_1 = vector.load %arg1[%get3A, %get3A_0] : memref<512x1024xf32, #tpu.memory_space<vmem>>, vector<512x1024xf32>
    %get3A_2 = arith.constant 0 : index
    %get3A_3 = arith.constant 0 : index
    %get3A_4 = vector.load %arg2[%get3A_2, %get3A_3] : memref<512x1024xf32, #tpu.memory_space<vmem>>, vector<512x1024xf32>
    %mul3A = arith.mulf %get3A_1, %get3A_4 : vector<512x1024xf32>
    %reduce_sum3A = arith.constant dense<0.000000e+00> : vector<512xf32>
    %reduce_sum3A_5 = vector.multi_reduction <add>, %mul3A, %reduce_sum3A [1] : vector<512x1024xf32> to vector<512xf32>
    %broadcast_in_dim3A = vector.shape_cast %reduce_sum3A_5 : vector<512xf32> to vector<512x1xf32>
    %mul3A_6 = arith.mulf %get3A_1, %get3A_1 : vector<512x1024xf32>
    %reduce_sum3A_7 = arith.constant dense<0.000000e+00> : vector<512xf32>
    %reduce_sum3A_8 = vector.multi_reduction <add>, %mul3A_6, %reduce_sum3A_7 [1] : vector<512x1024xf32> to vector<512xf32>
    %broadcast_in_dim3A_9 = vector.shape_cast %reduce_sum3A_8 : vector<512xf32> to vector<512x1xf32>
    %sqrt3A = math.sqrt %broadcast_in_dim3A_9 : vector<512x1xf32>
    %mul3A_10 = arith.mulf %get3A_4, %get3A_4 : vector<512x1024xf32>
    %reduce_sum3A_11 = arith.constant dense<0.000000e+00> : vector<512xf32>
    %reduce_sum3A_12 = vector.multi_reduction <add>, %mul3A_10, %reduce_sum3A_11 [1] : vector<512x1024xf32> to vector<512xf32>
    %broadcast_in_dim3A_13 = vector.shape_cast %reduce_sum3A_12 : vector<512xf32> to vector<512x1xf32>
    %sqrt3A_14 = math.sqrt %broadcast_in_dim3A_13 : vector<512x1xf32>
    %mul3A_15 = arith.mulf %sqrt3A, %sqrt3A_14 : vector<512x1xf32>
    %max3A = arith.constant 9.99999993E-9 : f32
    %max3A_16 = vector.broadcast %max3A : f32 to vector<512x1xf32>
    %max3A_17 = arith.maximumf %mul3A_15, %max3A_16 : vector<512x1xf32>
    %div3A = arith.divf %broadcast_in_dim3A, %max3A_17 : vector<512x1xf32>
    %swap3A = arith.constant 0 : index
    %swap3A_18 = arith.constant 0 : index
    %swap3A_19 = vector.load %arg3[%swap3A, %swap3A_18] : memref<512x1xf32, #tpu.memory_space<vmem>>, vector<512x1xf32>
    tpu.vector_store %arg3[%swap3A, %swap3A_18], %div3A {strides = array<i32>} : memref<512x1xf32, #tpu.memory_space<vmem>>, vector<512x1xf32>,
    return
  }
  func.func @transform_0(%arg0: i32) -> (i32, i32) {
    %c0_i32 = arith.constant 0 : i32
    %c0_i32_0 = arith.constant 0 : i32
    return %arg0, %c0_i32 : i32, i32
  }
  func.func @transform_1(%arg0: i32) -> (i32, i32) {
    %c0_i32 = arith.constant 0 : i32
    %c0_i32_0 = arith.constant 0 : i32
    return %arg0, %c0_i32 : i32, i32
  }
  func.func @transform_2(%arg0: i32) -> (i32, i32) {
    %c0_i32 = arith.constant 0 : i32
    %c0_i32_0 = arith.constant 0 : i32
    return %arg0, %c0_i32 : i32, i32
  }
}

</mosaic_0001>

<sc_bundles>
// kernel: kernel.4.cloned.1.call-start
scs
__scs_entry_jumppad:
0x0: {  	(pc) =	sbr.rel $0x88, $3  }
0x1: {  	(tag) =	ssettag $0x0;
	lr =	simm.s32 $0x1  }
0x2: {  	[smem:$0x3F9D] =	sst lr;
	_ =	strace $0xD0000000  }
0x3: {  	_ = 	snop  }
0x4: {  	_ = 	snop  }
0x5: {  	_ = 	snop  }
0x6: {  	_ = 	snop  }
0x7: {  	_ = 	snop  }
__scs_overlays_trampoline_lowered:
0x8: {  	[smem:$0x3FAC] =	sst s0  }
0x9: {  	[smem:$0x3FAD] =	sst s1  }
0xa: {  	[smem:$0x3FAE] =	sst s2  }
0xb: {  	[smem:$0x3FAF] =	sst s3  }
0xc: {  	[smem:$0x3FB0] =	sst s4  }
0xd: {  	[smem:$0x3FB1] =	sst s5  }
0xe: {  	[smem:$0x3FB2] =	sst s6  }
0xf: {  	[smem:$0x3FB3] =	sst s7  }
0x10: {  	[smem:$0x3FB4] =	sst s8  }
0x11: {  	[smem:$0x3FB5] =	sst s9;
	s0 =	simm.s32 @!p0 $0x0  }
0x12: {  	s1 =	sld [smem:$0x3F9B];
	s0 =	simm.s32 @p0 $0x1  }
0x13: {  	[smem:$0x3FB6] =	sst s0;
	s0 =	simm.s32 @!p1 $0x0  }
0x14: {  	s2 =	sld [smem:$0x3F9A];
	s0 =	simm.s32 @p1 $0x1  }
0x15: {  	[smem:$0x3FB7] =	sst s0;
	s0 =	simm.s32 @!p2 $0x0  }
0x16: {  	s3 =	sld [smem:$0x3FDB];
	s0 =	simm.s32 @p2 $0x1  }
0x17: {  	s4 =	simm.s32 $0x1BF5;
	[smem:$0x3FB9] =	sst s0  }
0x18: {  	s0 =	sld [smem:$0x3F9C];
	_ =	swait.ge [sflag:s4], $0x0  }
0x19: {  	s7 =	sld [smem:$0x3F9D]  }
0x1a: {  	s8 =	sadd.s32 $0xFFFFE003, lr  }
0x1b: {  	s9 =	sadd.s32 $0xFFFFFEF7, lr;
	s5 =	simm.s32 $0xFFFFFFFF;
	p2 =	slt.u32 s8, $0xFFFFF086  }
0x1c: {  	p1 =	slt.u32 s9, $0xF7A;
	s5 =	simm.s32 @!p2 $0x0  }
0x1d: {  	s5 =	simm.s32 @p1 $0x1;
	p0 =	seq.s32 s7, s2  }
0x1e: {  	s7 =	smul.u32 @!p0 $0xF7A, s2;
	p2 =	seq.s32 @!p0 s5, $0x0  }
0x1f: {  	s9 =	smul.u32 $0xF7A, s1;
	s8 =	simm.s32 @!p0 $0x1BF5;
	p2 =	por !p2, p0  }
0x20: {  	[sflag:s8] =	ssyncset.s32 @!p0 $0xFFFFF086;
	s6 =	sadd.s32 @!p0 s3, s7;
	s7 =	simm.s32 @!p0 $0x108  }
0x21: {  	s3 =	sadd.s32 s3, s9;
	s6 =	sadd.s32 @!p0 $0x88, s6;
	s7 =	simm.s32 @p2 $0x1082  }
0x22: {  	[simem:s7], [sflag:s8] =	dma.local @!p0 [hbm:s6], $0xF7A  }
0x23: {  	s9 =	sor.u32 $0xD0000000, s2;
	s6 =	simm.s32 $0x108;
	_ =	swait.ge @!p0 [sflag:s8], $0x0  }
0x24: {  	s3 =	sadd.s32 $0x88, s3;
	s6 =	simm.s32 @!p1 $0x1082;
	[sflag:s4] =	ssyncset.s32 $0xFFFFF086  }
0x25: {  	[simem:s6], [sflag:s4] =	dma.local [hbm:s3], $0xF7A  }
0x26: {  	[smem:$0x3F9D] =	sst s1;
	(tag) =	ssettag s2;
	_ =	strace s9  }
0x27: {  	s1 =	sld [smem:$0x3FAD]  }
0x28: {  	s2 =	sld [smem:$0x3FAE]  }
0x29: {  	s4 =	sld [smem:$0x3FB0]  }
0x2a: {  	p0 =	seq.s32 s5, $0x0;
	s5 =	sld [smem:$0x3FB1]  }
0x2b: {  	s6 =	sld [smem:$0x3FB2]  }
0x2c: {  	s7 =	sld [smem:$0x3FB3]  }
0x2d: {  	s3 =	simm.s32 $0x108;
	s8 =	sld [smem:$0x3FB4]  }
0x2e: {  	s3 =	simm.s32 @!p0 $0x1082;
	s9 =	sld [smem:$0x3FB5]  }
0x2f: {  	lr =	sadd.s32 s0, s3;
	s0 =	sld [smem:$0x3FAC]  }
0x30: {  	s3 =	sld [smem:$0x3FAF]  }
0x31: {  	[smem:$0x3FB8] =	sst s10  }
0x32: {  	s10 =	sld [smem:$0x3FB6];
	_ =	sdelay $0x3  }
0x33: {  	p0 =	seq.s32 s10, $0x1;
	s10 =	sld [smem:$0x3FB8];
	_ =	sdelay $0x3  }
0x34: {  	[smem:$0x3FB8] =	sst s10  }
0x35: {  	s10 =	sld [smem:$0x3FB7];
	_ =	sdelay $0x3  }
0x36: {  	p1 =	seq.s32 s10, $0x1;
	s10 =	sld [smem:$0x3FB8];
	_ =	sdelay $0x3  }
0x37: {  	[smem:$0x3FB8] =	sst s10  }
0x38: {  	s10 =	sld [smem:$0x3FB9]  }
0x39: {  	_ = 	snop;
	(pc) =	sbr.ind lr, $3  }
0x3a: {  	_ = 	snop  }
0x3b: {  	_ = 	snop  }
0x3c: {  	p2 =	seq.s32 s10, $0x1;
	s10 =	sld [smem:$0x3FB8]  }
0x3d: {  	_ =	shalt  }
0x3e: {  	_ =	shalt  }
0x3f: {  	_ =	shalt  }
0x40: {  	_ =	shalt  }
0x41: {  	_ =	shalt  }
0x42: {  	_ =	shalt  }
0x43: {  	_ =	shalt  }
0x44: {  	_ =	shalt  }
0x45: {  	_ =	shalt  }
0x46: {  	_ =	shalt  }
0x47: {  	_ =	shalt  }
0x48: {  	_ =	shalt  }
0x49: {  	_ =	shalt  }
0x4a: {  	_ =	shalt  }
0x4b: {  	_ =	shalt  }
0x4c: {  	_ =	shalt  }
0x4d: {  	_ =	shalt  }
0x4e: {  	_ =	shalt  }
0x4f: {  	_ =	shalt  }
0x50: {  	_ =	shalt  }
0x51: {  	_ =	shalt  }
0x52: {  	_ =	shalt  }
0x53: {  	_ =	shalt  }
0x54: {  	_ =	shalt  }
0x55: {  	_ =	shalt  }
0x56: {  	_ =	shalt  }
0x57: {  	_ =	shalt  }
0x58: {  	_ =	shalt  }
0x59: {  	_ =	shalt  }
0x5a: {  	_ =	shalt  }
0x5b: {  	_ =	shalt  }
0x5c: {  	_ =	shalt  }
0x5d: {  	_ =	shalt  }
0x5e: {  	_ =	shalt  }
0x5f: {  	_ =	shalt  }
0x60: {  	_ =	shalt  }
0x61: {  	_ =	shalt  }
0x62: {  	_ =	shalt  }
0x63: {  	_ =	shalt  }
0x64: {  	_ =	shalt  }
0x65: {  	_ =	shalt  }
0x66: {  	_ =	shalt  }
0x67: {  	_ =	shalt  }
0x68: {  	_ =	shalt  }
0x69: {  	_ =	shalt  }
0x6a: {  	_ =	shalt  }
0x6b: {  	_ =	shalt  }
0x6c: {  	_ =	shalt  }
0x6d: {  	_ =	shalt  }
0x6e: {  	_ =	shalt  }
0x6f: {  	_ =	shalt  }
0x70: {  	_ =	shalt  }
0x71: {  	_ =	shalt  }
0x72: {  	_ =	shalt  }
0x73: {  	_ =	shalt  }
0x74: {  	_ =	shalt  }
0x75: {  	_ =	shalt  }
0x76: {  	_ =	shalt  }
0x77: {  	_ =	shalt  }
0x78: {  	_ =	shalt  }
0x79: {  	_ =	shalt  }
0x7a: {  	_ =	shalt  }
0x7b: {  	_ =	shalt  }
0x7c: {  	_ =	shalt  }
0x7d: {  	_ =	shalt  }
0x7e: {  	_ =	shalt  }
0x7f: {  	_ =	shalt  }
0x80: {  	_ =	shalt  }
0x81: {  	_ =	shalt  }
0x82: {  	_ =	shalt  }
0x83: {  	_ =	shalt  }
0x84: {  	_ =	shalt  }
0x85: {  	_ =	shalt  }
0x86: {  	_ =	shalt  }
0x87: {  	_ =	shalt  }
.Lfunc_end0:
.L_simem_size_0:
called_computation_lowered:
.L_overlay_start_0:
0x88: {  	s2 =	sld [smem:$0x3FD9]  }
0x89: {  	s3 =	sld [smem:$0x3FFE];
	_ =	sdelay $0x1  }
0x8a: {  	s1 =	srdreg.scid  }
0x8b: {  	s0 =	sand.u32 $0x1, s1  }
0x8c: {  	s17 =	sshll.u32 s0, $0xA;
	s2 =	sadd.s32 s3, s2  }
0x8d: {  	s2 =	sadd.s32 s2, s17  }
0x8e: {  	[smem:$0x3FC4] =	sst s2  }
0x8f: {  	_ = 	snop  }
0x90: {  	s2 =	sld [smem:$0x3FC7]  }
0x91: {  	s18 =	sld [smem:$0x3FD0];
	(tm) =	ssettm $0x1  }
0x92: {  	s4 =	sld [smem:$0x3FFB];
	_ =	sdelay $0x3  }
0x93: {  	_ =	strace s4  }
0x94: {  	s4 =	sld [smem:$0x3FFC];
	_ =	sdelay $0x3  }
0x95: {  	_ =	strace s4  }
0x96: {  	s4 =	sld [smem:$0x3FFD];
	_ =	sdelay $0x3  }
0x97: {  	_ =	strace s4  }
0x98: {  	_ =	strace $0x8FFFFFFF  }
0x99: {  	s19 =	sld [smem:$0x3FDB];
	_ =	sdelay $0x1  }
0x9a: {  	s5 =	simm.s32 $_scs_section_size  }
0x9b: {  	s6 =	simm.s32 $_size__tile_overlayer_lowered;
	s7 =	simm.s32 $_tile_overlayer_lowered  }
0x9c: {  	s22 =	simm.s32 $0x1BFF;
	s21 =	sshll.u32 s7, $0x1;
	s4 =	sadd.s32 s5, s19  }
0x9d: {  	s8 =	simm.s32 $0x0;
	s20 =	sshll.u32 s6, $0x1;
	s6 =	sadd.s32 s21, s4  }
0x9e: {  	[timem:s8], [sflag:s22] =	dma.local [hbm:s6], s20  }
0x9f: {  	_ =	swait.ge [sflag:s22], s20  }
0xa0: {  	s5 =	ssub.s32 $0x0, s20;
	[sflag:s22] =	ssyncset.done $0x0  }
0xa1: {  	[sflag:s22] =	ssyncadd.s32 s5;
	_ =	sdelay $0x1  }
0xa2: {  	s23 =	simm.s32 $0x1B8B  }
0xa3: {  	_ =	swait.ge [sflag:s23], $0x1  }
0xa4: {  	[sflag:s23] =	ssyncset.done $0x0  }
0xa5: {  	s25 =	simm.s32 $0x1B8E;
	s24 =	sld [smem:$0x3FFE];
	[sflag:s23] =	ssyncadd.s32 $0xFFFFFFFF  }
0xa6: {  	s26 =	simm.s32 $execute0_lowered;
	[smem:$0x3FD2] =	sst s25  }
0xa7: {  	s6 =	sshll.u32 s26, $0x1;
	_ =	strace $0x80000046;
	[dreg:$0x1] =	wrdreg $0xFFFFFFFF  }
0xa8: {  	s28 =	simm.s32 $_size_execute0_lowered;
	s4 =	sadd.s32 s4, s6;
	[dreg:$0x0] =	wrdreg $0x0  }
0xa9: {  	s6 =	sshll.u32 s28, $0x1;
	[dreg:$0x2] =	wrdreg s4  }
0xaa: {  	[dreg:$0x3] =	wrdreg s6  }
0xab: {  	[dreg:$0x4] =	wrdreg $0xC0  }
0xac: {  	_ =	task [dreg:s8], $0x5FFFF  }
0xad: {  	[dreg:$0x1] =	wrdreg $0xFFFFFFFF  }
0xae: {  	[dreg:$0x0] =	wrdreg $0x60  }
0xaf: {  	[dreg:$0x2] =	wrdreg s24  }
0xb0: {  	[dreg:$0x3] =	wrdreg s2  }
0xb1: {  	[dreg:$0x4] =	wrdreg s18  }
0xb2: {  	[dreg:$0x5] =	wrdreg $0xC800  }
0xb3: {  	[dreg:$0x6] =	wrdreg $0x9  }
0xb4: {  	_ =	task.clear_ibuf [dreg:s8], $0x7FFFF;
	_ =	strace $0x90000046  }
0xb5: {  	s29 =	simm.s32 $0x9;
	_ =	strace $0x80000048  }
0xb6: {  	_ =	swait.ge [sflag:s29], $0x1  }
0xb7: {  	[sflag:s29] =	ssyncadd.s32 $0xFFFFFFFF  }
0xb8: {  	_ =	strace $0x90000048  }
0xb9: {  	_ =	sfence  }
0xba: {  	s30 =	sld [smem:$0x0];
	_ =	sdelay $0x2  }
0xbb: {  	s31 =	sshll.u32 s1, $0xD;
	s1 =	sshrl.u32 s1, $0x2  }
0xbc: {  	s3 =	sand.u32 $0x4000, s31;
	s1 =	sadd.s32 s1, s30  }
0xbd: {  	s0 =	sor.u32 s3, s0;
	s1 =	sshll.u32 s1, $0x11  }
0xbe: {  	s0 =	sor.u32 s1, s0  }
0xbf: {  	s0 =	sadd.s32 $0x8F2B, s0  }
0xc0: {  	[sflag:s0] =	ssyncadd.remote.s32 $0x1  }
0xc1: {  	_ =	sfence.sel $0xFFFF  }
0xc2: {  	[dreg:$0x0] =	wrdreg $0xFFFFFFFF;
	(pc) =	sbr.abs _section_cstart, $3  }
0xc3: {  	[dreg:$0x1] =	wrdreg $0xFFFFFFFF  }
0xc4: {  	_ =	task.clear_ibuf [dreg:s8], $0x2FFFF;
	_ =	strace $0x9FFFFFFF  }
0xc5: {  	(tm) =	ssettm $0x7FFFFFFF  }
tec
execute0_lowered:
.L_overlay_start_1:
0x0: {  	(tag) =	ssettag $0x1  }
0x1: {  	s5 =	rddreg [dreg:$0x0]  }
0x2: {  	s6 =	rddreg [dreg:$0x1]  }
0x3: {  	s2 =	rddreg [dreg:$0x2]  }
0x4: {  	s4 =	rddreg [dreg:$0x3];
	s1 =	srdreg.scid  }
0x5: {  	s0 =	rddreg [dreg:$0x4];
	s7 =	sand.u32 $0x1, s1  }
0x6: {  	s3 =	simm.s32 $0x0;
	s1 =	stileid.u32;
	p0 =	seq.s32 s7, $0x1  }
0x7: {  	[smem:$0x7FF] =	sst s3;
	s7 =	sshll.u32 @!p0 s1, $0x7  }
0x8: {  	_ =	strace $0x80000047;
	s8 =	simm.s32 @!p0 $0x0;
	s5 =	sadd.s32 @!p0 s5, s7  }
0x9: {  	[tilespmem:s8], [sflag:$0x1] =	stream.linear.gather @!p0 [hbm4b:s5+s8], $0x400, $0x38;
	[tilespmem:$0xD40] =	vst v63  }
0xa: {  	s5 =	simm.s32 @!p0 $0x1  }
0xb: {  	_ =	swait.ge @!p0 [sflag:s5], $0x400  }
0xc: {  	[sflag:s5] =	ssyncset.done @!p0 $0x0  }
0xd: {  	s6 =	sadd.s32 @!p0 s6, s7;
	s7 =	simm.s32 @!p0 $0x400;
	[sflag:s5] =	ssyncadd.s32 @!p0 $0xFFFFFC00  }
0xe: {  	[tilespmem:s7], [sflag:$0x1] =	stream.linear.gather @!p0 [hbm4b:s6+s8], $0x400, $0x38;
	[tilespmem:$0xD40] =	vst v63  }
0xf: {  	_ =	swait.ge @!p0 [sflag:s5], $0x400  }
0x10: {  	[sflag:s5] =	ssyncset.done @!p0 $0x0  }
0x11: {  	[sflag:s5] =	ssyncadd.s32 @!p0 $0xFFFFFC00  }
0x12: {  	v0 =	vld @!p0 [tilespmem:$0x0]  }
0x13: {  	v36 =	vld @!p0 [tilespmem:$0x400]  }
0x14: {  	v39 =	vld @!p0 [tilespmem:$0x10]  }
0x15: {  	v3 =	vld @!p0 [tilespmem:$0x410]  }
0x16: {  	v1 =	vld @!p0 [tilespmem:$0x20]  }
0x17: {  	v5 =	vld @!p0 [tilespmem:$0x420]  }
0x18: {  	v2 =	vld @!p0 [tilespmem:$0x30]  }
0x19: {  	v7 =	vld @!p0 [tilespmem:$0x430]  }
0x1a: {  	v4 =	vld @!p0 [tilespmem:$0x40]  }
0x1b: {  	v50 =	vld @!p0 [tilespmem:$0x440]  }
0x1c: {  	v9 =	vld @!p0 [tilespmem:$0x50]  }
0x1d: {  	v11 =	vld @!p0 [tilespmem:$0x450]  }
0x1e: {  	v14 =	vld @!p0 [tilespmem:$0x60]  }
0x1f: {  	v51 =	vld @!p0 [tilespmem:$0x460]  }
0x20: {  	v53 =	vld @!p0 [tilespmem:$0x70]  }
0x21: {  	v15 =	vld @!p0 [tilespmem:$0x470]  }
0x22: {  	v6 =	vld @!p0 [tilespmem:$0x80]  }
0x23: {  	v16 =	vld @!p0 [tilespmem:$0x480]  }
0x24: {  	v55 =	vld @!p0 [tilespmem:$0x90]  }
0x25: {  	v17 =	vld @!p0 [tilespmem:$0x490]  }
0x26: {  	v63 =	vld @!p0 [tilespmem:$0xA0]  }
0x27: {  	v18 =	vld @!p0 [tilespmem:$0x4A0]  }
0x28: {  	v57 =	vld @!p0 [tilespmem:$0xB0]  }
0x29: {  	v19 =	vld @!p0 [tilespmem:$0x4B0]  }
0x2a: {  	v24 =	vld @!p0 [tilespmem:$0xC0];
	[tilespmem:$0x1F950] =	vst v0  }
0x2b: {  	v20 =	vld @!p0 [tilespmem:$0x4C0];
	[tilespmem:$0x1F960] =	vst v39  }
0x2c: {  	v59 =	vld @!p0 [tilespmem:$0xD0];
	[tilespmem:$0x1F980] =	vst v1  }
0x2d: {  	v21 =	vld @!p0 [tilespmem:$0x4D0];
	[tilespmem:$0x1F9A0] =	vst v2  }
0x2e: {  	v25 =	vld @!p0 [tilespmem:$0xE0];
	[tilespmem:$0x1F9C0] =	vst v4  }
0x2f: {  	v22 =	vld @!p0 [tilespmem:$0x4E0];
	[tilespmem:$0x1F9E0] =	vst v9  }
0x30: {  	v61 =	vld @!p0 [tilespmem:$0xF0];
	[tilespmem:$0x1FA00] =	vst v14  }
0x31: {  	v23 =	vld @!p0 [tilespmem:$0x4F0];
	[tilespmem:$0x1FA20] =	vst v53  }
0x32: {  	v62 =	vld @!p0 [tilespmem:$0x100];
	[tilespmem:$0x1FA40] =	vst v6  }
0x33: {  	v8 =	vld @!p0 [tilespmem:$0x5D0];
	[tilespmem:$0x1FA60] =	vst v55  }
0x34: {  	v26 =	vld @!p0 [tilespmem:$0x500];
	[tilespmem:$0x1FA80] =	vst v63  }
0x35: {  	v42 =	vld @!p0 [tilespmem:$0x110];
	[tilespmem:$0x1FAA0] =	vst v57  }
0x36: {  	v27 =	vld @!p0 [tilespmem:$0x510];
	[tilespmem:$0x1FAC0] =	vst v24  }
0x37: {  	v60 =	vld @!p0 [tilespmem:$0x120];
	[tilespmem:$0x1FAE0] =	vst v59  }
0x38: {  	[tilespmem:$0x1F8F0] =	vst v8;
	v8 =	vld @!p0 [tilespmem:$0x5E0]  }
0x39: {  	v28 =	vld @!p0 [tilespmem:$0x520];
	[tilespmem:$0x1FB00] =	vst v25  }
0x3a: {  	v41 =	vld @!p0 [tilespmem:$0x130];
	[tilespmem:$0x1FB20] =	vst v61  }
0x3b: {  	v58 =	vld @!p0 [tilespmem:$0x140];
	[tilespmem:$0x1FB40] =	vst v62  }
0x3c: {  	v48 =	vld @!p0 [tilespmem:$0x150];
	[tilespmem:$0x1FB60] =	vst v42  }
0x3d: {  	[tilespmem:$0x1F900] =	vst v8;
	v8 =	vld @!p0 [tilespmem:$0x5F0]  }
0x3e: {  	v56 =	vld @!p0 [tilespmem:$0x160];
	[tilespmem:$0x1FB80] =	vst v60  }
0x3f: {  	v47 =	vld @!p0 [tilespmem:$0x170];
	[tilespmem:$0x1FBA0] =	vst v41  }
0x40: {  	v54 =	vld @!p0 [tilespmem:$0x180];
	[tilespmem:$0x1FBC0] =	vst v58  }
0x41: {  	v46 =	vld @!p0 [tilespmem:$0x190];
	[tilespmem:$0x1FBE0] =	vst v48  }
0x42: {  	[tilespmem:$0x1F910] =	vst v8;
	v8 =	vld @!p0 [tilespmem:$0x600]  }
0x43: {  	v52 =	vld @!p0 [tilespmem:$0x1A0];
	[tilespmem:$0x1FC00] =	vst v56  }
0x44: {  	v45 =	vld @!p0 [tilespmem:$0x1B0];
	[tilespmem:$0x1FC20] =	vst v47  }
0x45: {  	v49 =	vld @!p0 [tilespmem:$0x1C0];
	[tilespmem:$0x1FC40] =	vst v54  }
0x46: {  	v44 =	vld @!p0 [tilespmem:$0x1D0];
	[tilespmem:$0x1FC60] =	vst v46  }
0x47: {  	[tilespmem:$0x1F920] =	vst v8;
	v8 =	vld @!p0 [tilespmem:$0x610]  }
0x48: {  	v29 =	vld @!p0 [tilespmem:$0x530];
	[tilespmem:$0x1FC80] =	vst v52  }
0x49: {  	v43 =	vld @!p0 [tilespmem:$0x1E0];
	[tilespmem:$0x1FCA0] =	vst v45  }
0x4a: {  	v30 =	vld @!p0 [tilespmem:$0x540];
	[tilespmem:$0x1FCC0] =	vst v49  }
0x4b: {  	v40 =	vld @!p0 [tilespmem:$0x1F0];
	[tilespmem:$0x1FCE0] =	vst v44;
	vm1 =	veq.f32 @!p0 v36, $0.0e+00;
	v36 =	vimm.s32 $0x0  }
0x4c: {  	v38 =	vld @!p0 [tilespmem:$0x200];
	[tilespmem:$0x1F930] =	vst v8;
	v8 =	vsel vm1, $0xFFFFFFFF, v36  }
0x4d: {  	v37 =	vld @!p0 [tilespmem:$0x210];
	vm0 =	veq.f32 @!p0 v3, $0.0e+00;
	[tilespmem:$0x1F970] =	vst v8;
	v8 =	vimm.s32 $0x0  }
0x4e: {  	[tilespmem:$0x1FD00] =	vst v43;
	v36 =	vld @!p0 [tilespmem:$0x220];
	v3 =	vsel vm0, $0xFFFFFFFF, v8  }
0x4f: {  	[tilespmem:$0x1F990] =	vst v3;
	v3 =	vnsel @!p0 vm1, $0xC0400000, v0;
	v0 =	vld @!p0 [tilespmem:$0x620]  }
0x50: {  	v31 =	vld @!p0 [tilespmem:$0x550];
	[tilespmem:$0x1FD20] =	vst v40  }
0x51: {  	[tilespmem:$0x1FD40] =	vst v38;
	(xrf1) =	vsort.ascd.msk.f32 @!p0 $0xffff, v3, v3;
	v3 =	vnsel @!p0 vm0, $0xC0400000, v39;
	v39 =	vld @!p0 [tilespmem:$0x230]  }
0x52: {  	v32 =	vld @!p0 [tilespmem:$0x560];
	[tilespmem:$0x1FD60] =	vst v37  }
0x53: {  	v33 =	vld @!p0 [tilespmem:$0x570];
	v8 =	vimm.s32 $0x0;
	vm1 =	veq.f32 @!p0 v5, $0.0e+00;
	[tilespmem:$0x1FD80] =	vst v36  }
0x54: {  	v34 =	vld @!p0 [tilespmem:$0x580];
	[tilespmem:$0x1F940] =	vst v0;
	v0 =	vsel vm1, $0xFFFFFFFF, v8  }
0x55: {  	v35 =	vld @!p0 [tilespmem:$0x590];
	v5 =	vimm.s32 $0x0;
	vm0 =	veq.f32 @!p0 v7, $0.0e+00;
	v7 =	vimm.s32 $0x0;
	[tilespmem:$0x1F9B0] =	vst v0  }
0x56: {  	v13 =	vld @!p0 [tilespmem:$0x5A0];
	[tilespmem:$0x1FDA0] =	vst v39;
	v0 =	vsel vm0, $0xFFFFFFFF, v5;
	v5 =	vnsel @!p0 vm1, $0xC0400000, v1;
	vm1 =	veq.f32 @!p0 v50, $0.0e+00  }
0x57: {  	v12 =	vld @!p0 [tilespmem:$0x5B0];
	[tilespmem:$0x1F9D0] =	vst v0;
	v0 =	vsel vm1, $0xFFFFFFFF, v7  }
0x58: {  	v10 =	vld @!p0 [tilespmem:$0x5C0];
	(xrf1) =	vsort.ascd.msk.f32 @!p0 $0xffff, v3, v3;
	v8 =	vimm.s32 $0x0;
	[tilespmem:$0x1F9F0] =	vst v0  }
0x59: {  	v3 =	vld @!p0 [tilespmem:$0x630];
	v7 =	vnsel @!p0 vm1, $0xC0400000, v4;
	(xrf1) =	vsort.ascd.msk.f32 @!p0 $0xffff, v5, v5;
	v5 =	vnsel @!p0 vm0, $0xC0400000, v2;
	vm0 =	veq.f32 @!p0 v11, $0.0e+00  }
0x5a: {  	vm1 =	veq.f32 @!p0 v51, $0.0e+00;
	v11 =	vimm.s32 $0x0;
	v0 =	vsel vm0, $0xFFFFFFFF, v8;
	(xrf1) =	vsort.ascd.msk.f32 @!p0 $0xffff, v5, v5  }
0x5b: {  	[tilespmem:$0x1FA10] =	vst v0;
	v0 =	vsel vm1, $0xFFFFFFFF, v11;
	(xrf1) =	vsort.ascd.msk.f32 @!p0 $0xffff, v7, v7;
	v7 =	vnsel @!p0 vm0, $0xC0400000, v9  }
0x5c: {  	vm0 =	veq.f32 @!p0 v15, $0.0e+00;
	v15 =	vimm.s32 $0x0;
	v9 =	vnsel @!p0 vm1, $0xC0400000, v14  }
0x5d: {  	vm1 =	veq.f32 @!p0 v16, $0.0e+00;
	v16 =	vimm.s32 $0x0;
	[tilespmem:$0x1FA30] =	vst v0;
	v0 =	vsel vm0, $0xFFFFFFFF, v15  }
0x5e: {  	(xrf1) =	vsort.ascd.msk.f32 @!p0 $0xffff, v7, v7;
	v11 =	vnsel @!p0 vm1, $0xC0400000, v6;
	[tilespmem:$0x1FA50] =	vst v0;
	v0 =	vsel vm1, $0xFFFFFFFF, v16  }
0x5f: {  	(xrf1) =	vsort.ascd.msk.f32 @!p0 $0xffff, v9, v9;
	v9 =	vnsel @!p0 vm0, $0xC0400000, v53;
	vm0 =	veq.f32 @!p0 v17, $0.0e+00;
	v17 =	vimm.s32 $0x0  }
0x60: {  	vm1 =	veq.f32 @!p0 v18, $0.0e+00;
	v18 =	vimm.s32 $0x0;
	[tilespmem:$0x1FA70] =	vst v0;
	v0 =	vsel vm0, $0xFFFFFFFF, v17  }
0x61: {  	(xrf1) =	vsort.ascd.msk.f32 @!p0 $0xffff, v9, v9;
	v14 =	vnsel @!p0 vm1, $0xC0400000, v63;
	[tilespmem:$0x1FA90] =	vst v0;
	v0 =	vsel vm1, $0xFFFFFFFF, v18  }
0x62: {  	(xrf1) =	vsort.ascd.msk.f32 @!p0 $0xffff, v11, v11;
	v11 =	vnsel @!p0 vm0, $0xC0400000, v55;
	vm0 =	veq.f32 @!p0 v19, $0.0e+00;
	v19 =	vimm.s32 $0x0  }
0x63: {  	vm1 =	veq.f32 @!p0 v20, $0.0e+00;
	v20 =	vimm.s32 $0x0;
	[tilespmem:$0x1FAB0] =	vst v0;
	v0 =	vsel vm0, $0xFFFFFFFF, v19  }
0x64: {  	(xrf1) =	vsort.ascd.msk.f32 @!p0 $0xffff, v11, v11;
	[tilespmem:$0x1FAD0] =	vst v0;
	v0 =	vsel vm1, $0xFFFFFFFF, v20  }
0x65: {  	(xrf1) =	vsort.ascd.msk.f32 @!p0 $0xffff, v14, v14;
	v14 =	vnsel @!p0 vm0, $0xC0400000, v57;
	vm0 =	veq.f32 @!p0 v21, $0.0e+00;
	v21 =	vimm.s32 $0x0  }
0x66: {  	[tilespmem:$0x1FAF0] =	vst v0;
	v0 =	vsel vm0, $0xFFFFFFFF, v21  }
0x67: {  	(xrf1) =	vsort.ascd.msk.f32 @!p0 $0xffff, v14, v14;
	v14 =	vnsel @!p0 vm1, $0xC0400000, v24;
	vm1 =	veq.f32 @!p0 v22, $0.0e+00;
	v22 =	vimm.s32 $0x0  }
0x68: {  	[tilespmem:$0x1FB10] =	vst v0;
	v0 =	vsel vm1, $0xFFFFFFFF, v22  }
0x69: {  	(xrf1) =	vsort.ascd.msk.f32 @!p0 $0xffff, v14, v14;
	v14 =	vnsel @!p0 vm0, $0xC0400000, v59;
	vm0 =	veq.f32 @!p0 v23, $0.0e+00;
	v23 =	vimm.s32 $0x0  }
0x6a: {  	[tilespmem:$0x1FB30] =	vst v0;
	v0 =	vsel vm0, $0xFFFFFFFF, v23;
	(xrf1) =	vsort.ascd.msk.f32 @!p0 $0xffff, v14, v14;
	v14 =	vnsel @!p0 vm1, $0xC0400000, v25  }
0x6b: {  	(xrf1) =	vsort.ascd.msk.f32 @!p0 $0xffff, v14, v14;
	v14 =	vnsel @!p0 vm0, $0xC0400000, v61;
	vm0 =	veq.f32 @!p0 v26, $0.0e+00;
	v26 =	vimm.s32 $0x0  }
0x6c: {  	[tilespmem:$0x1FB50] =	vst v0;
	v0 =	vsel vm0, $0xFFFFFFFF, v26  }
0x6d: {  	(xrf1) =	vsort.ascd.msk.f32 @!p0 $0xffff, v14, v14;
	v14 =	vnsel @!p0 vm0, $0xC0400000, v62;
	vm0 =	veq.f32 @!p0 v27, $0.0e+00;
	v27 =	vimm.s32 $0x0  }
0x6e: {  	[tilespmem:$0x1FB70] =	vst v0;
	v0 =	vsel vm0, $0xFFFFFFFF, v27  }
0x6f: {  	v23, _, _ =	vpop @!p0 (xrf1);
	(xrf1) =	vsort.ascd.msk.f32 @!p0 $0xffff, v14, v14;
	v14 =	vnsel @!p0 vm0, $0xC0400000, v42;
	vm0 =	veq.f32 @!p0 v28, $0.0e+00;
	v28 =	vimm.s32 $0x0  }
0x70: {  	[tilespmem:$0x1FB90] =	vst v0;
	v0 =	vsel vm0, $0xFFFFFFFF, v28  }
0x71: {  	v42, _, _ =	vpop @!p0 (xrf1);
	(xrf1) =	vsort.ascd.msk.f32 @!p0 $0xffff, v14, v14;
	v14 =	vnsel @!p0 vm0, $0xC0400000, v60;
	vm0 =	veq.f32 @!p0 v29, $0.0e+00;
	v29 =	vimm.s32 $0x0  }
0x72: {  	[tilespmem:$0x1FBB0] =	vst v0;
	v0 =	vsel vm0, $0xFFFFFFFF, v29  }
0x73: {  	v22, _, _ =	vpop @!p0 (xrf1);
	(xrf1) =	vsort.ascd.msk.f32 @!p0 $0xffff, v14, v14;
	v14 =	vnsel @!p0 vm0, $0xC0400000, v41;
	vm0 =	veq.f32 @!p0 v30, $0.0e+00;
	v30 =	vimm.s32 $0x0  }
0x74: {  	v63 =	vimm.s32 $0x0;
	v41, _, _ =	vpop @!p0 (xrf1);
	[tilespmem:$0x1FBD0] =	vst v0;
	v0 =	vsel vm0, $0xFFFFFFFF, v30;
	(xrf1) =	vsort.ascd.msk.f32 @!p0 $0xffff, v14, v14  }
0x75: {  	v14 =	vnsel @!p0 vm0, $0xC0400000, v58;
	vm0 =	veq.f32 @!p0 v31, $0.0e+00;
	v58 =	vimm.s32 $0x0;
	[tilespmem:$0x1FBF0] =	vst v0  }
0x76: {  	v21, _, _ =	vpop @!p0 (xrf1);
	v0 =	vsel vm0, $0xFFFFFFFF, v58;
	(xrf1) =	vsort.ascd.msk.f32 @!p0 $0xffff, v14, v14;
	v14 =	vnsel @!p0 vm0, $0xC0400000, v48;
	vm0 =	veq.f32 @!p0 v32, $0.0e+00  }
0x77: {  	v4 =	vimm.s32 $0x0;
	v6 =	vimm.s32 $0x0;
	[tilespmem:$0x1FC10] =	vst v0;
	v0 =	vsel vm0, $0xFFFFFFFF, v63  }
0x78: {  	v48, _, _ =	vpop @!p0 (xrf1);
	(xrf1) =	vsort.ascd.msk.f32 @!p0 $0xffff, v14, v14;
	v14 =	vnsel @!p0 vm0, $0xC0400000, v56;
	vm0 =	veq.f32 @!p0 v33, $0.0e+00;
	[tilespmem:$0x1FC30] =	vst v0  }
0x79: {  	v20, _, _ =	vpop @!p0 (xrf1);
	v0 =	vsel vm0, $0xFFFFFFFF, v4;
	(xrf1) =	vsort.ascd.msk.f32 @!p0 $0xffff, v14, v14;
	v14 =	vnsel @!p0 vm0, $0xC0400000, v47;
	vm0 =	veq.f32 @!p0 v34, $0.0e+00  }
0x7a: {  	v8 =	vimm.s32 $0x0;
	v7 =	vimm.s32 $0x0;
	[tilespmem:$0x1FC50] =	vst v0;
	v0 =	vsel vm0, $0xFFFFFFFF, v6  }
0x7b: {  	v47, _, _ =	vpop @!p0 (xrf1);
	(xrf1) =	vsort.ascd.msk.f32 @!p0 $0xffff, v14, v14;
	v14 =	vnsel @!p0 vm0, $0xC0400000, v54;
	vm0 =	veq.f32 @!p0 v35, $0.0e+00;
	[tilespmem:$0x1FC70] =	vst v0  }
0x7c: {  	v19, _, _ =	vpop @!p0 (xrf1);
	v0 =	vsel vm0, $0xFFFFFFFF, v7;
	(xrf1) =	vsort.ascd.msk.f32 @!p0 $0xffff, v14, v14;
	v14 =	vnsel @!p0 vm0, $0xC0400000, v46;
	vm0 =	veq.f32 @!p0 v13, $0.0e+00  }
0x7d: {  	[tilespmem:$0x1FC90] =	vst v0;
	v0 =	vsel vm0, $0xFFFFFFFF, v8  }
0x7e: {  	v13 =	vnsel @!p0 vm0, $0xC0400000, v52;
	vm0 =	veq.f32 @!p0 v12, $0.0e+00;
	v12 =	vimm.s32 $0x0  }
0x7f: {  	v46, _, _ =	vpop @!p0 (xrf1);
	(xrf1) =	vsort.ascd.msk.f32 @!p0 $0xffff, v14, v14;
	[tilespmem:$0x1FCB0] =	vst v0;
	v0 =	vsel vm0, $0xFFFFFFFF, v12  }
0x80: {  	v18, _, _ =	vpop @!p0 (xrf1);
	(xrf1) =	vsort.ascd.msk.f32 @!p0 $0xffff, v13, v13;
	v12 =	vnsel @!p0 vm0, $0xC0400000, v45;
	vm0 =	veq.f32 @!p0 v10, $0.0e+00;
	v13 =	vimm.s32 $0x0  }
0x81: {  	[tilespmem:$0x1FCD0] =	vst v0;
	v0 =	vsel vm0, $0xFFFFFFFF, v13  }
0x82: {  	[tilespmem:$0x1FCF0] =	vst v0;
	v0 =	vld [tilespmem:$0x1F8F0];
	_ =	sdelay $0x4  }
0x83: {  	v14 =	vimm.s32 $0x0;
	v10 =	vnsel @!p0 vm0, $0xC0400000, v49;
	vm0 =	veq.f32 @!p0 v0, $0.0e+00  }
0x84: {  	v0 =	vsel vm0, $0xFFFFFFFF, v14  }
0x85: {  	[tilespmem:$0x1FD10] =	vst v0;
	v0 =	vld [tilespmem:$0x1F900];
	_ =	sdelay $0x4  }
0x86: {  	v15 =	vimm.s32 $0x0;
	v8 =	vnsel @!p0 vm0, $0xC0400000, v44;
	vm0 =	veq.f32 @!p0 v0, $0.0e+00  }
0x87: {  	v50 =	vld @!p0 [tilespmem:$0x240];
	v0 =	vsel vm0, $0xFFFFFFFF, v15  }
0x88: {  	[tilespmem:$0x1FD30] =	vst v0;
	v0 =	vld [tilespmem:$0x1F910]  }
0x89: {  	v5 =	vld @!p0 [tilespmem:$0x640]  }
0x8a: {  	v51 =	vld @!p0 [tilespmem:$0x250]  }
0x8b: {  	v1 =	vld @!p0 [tilespmem:$0x650]  }
0x8c: {  	v53 =	vld @!p0 [tilespmem:$0x260]  }
0x8d: {  	v16 =	vimm.s32 $0x0;
	v9 =	vld @!p0 [tilespmem:$0x660];
	v6 =	vnsel @!p0 vm0, $0xC0400000, v43;
	vm0 =	veq.f32 @!p0 v0, $0.0e+00  }
0x8e: {  	v55 =	vld @!p0 [tilespmem:$0x270];
	v0 =	vsel vm0, $0xFFFFFFFF, v16  }
0x8f: {  	[tilespmem:$0x1FD50] =	vst v0;
	v0 =	vld [tilespmem:$0x1F920]  }
0x90: {  	v11 =	vld @!p0 [tilespmem:$0x670]  }
0x91: {  	v57 =	vld @!p0 [tilespmem:$0x280]  }
0x92: {  	v24 =	vld @!p0 [tilespmem:$0x680]  }
0x93: {  	[tilespmem:$0x1FDC0] =	vst v50;
	v59 =	vld @!p0 [tilespmem:$0x290];
	v45, _, _ =	vpop @!p0 (xrf1);
	(xrf1) =	vsort.ascd.msk.f32 @!p0 $0xffff, v12, v12  }
0x94: {  	v25 =	vld @!p0 [tilespmem:$0x690];
	v33 =	vimm.s32 $0x0;
	v17, _, _ =	vpop @!p0 (xrf1);
	(xrf1) =	vsort.ascd.msk.f32 @!p0 $0xffff, v10, v10;
	v4 =	vnsel @!p0 vm0, $0xC0400000, v40;
	vm0 =	veq.f32 @!p0 v0, $0.0e+00  }
0x95: {  	[tilespmem:$0x1FDE0] =	vst v51;
	v61 =	vld @!p0 [tilespmem:$0x2A0];
	v44, _, _ =	vpop @!p0 (xrf1);
	(xrf1) =	vsort.ascd.msk.f32 @!p0 $0xffff, v8, v8;
	v0 =	vsel vm0, $0xFFFFFFFF, v33  }
0x96: {  	v34, _, _ =	vpop @!p0 (xrf1);
	(xrf1) =	vsort.ascd.msk.f32 @!p0 $0xffff, v6, v6;
	[tilespmem:$0x1FD70] =	vst v0;
	v0 =	vld [tilespmem:$0x1F930]  }
0x97: {  	[tilespmem:$0x1FE00] =	vst v53;
	v62 =	vld @!p0 [tilespmem:$0x2B0];
	v43, _, _ =	vpop @!p0 (xrf1);
	(xrf1) =	vsort.ascd.msk.f32 @!p0 $0xffff, v4, v4;
	v2 =	vnsel @!p0 vm0, $0xC0400000, v38  }
0x98: {  	[tilespmem:$0x1FE20] =	vst v55;
	v33, _, _ =	vpop @!p0 (xrf1);
	(xrf1) =	vsort.ascd.msk.f32 @!p0 $0xffff, v2, v2;
	v2 =	vld [tilespmem:$0x1F940]  }
0x99: {  	[tilespmem:$0x1FE40] =	vst v57;
	v26 =	vld @!p0 [tilespmem:$0x6A0]  }
0x9a: {  	v27 =	vld @!p0 [tilespmem:$0x6B0];
	[tilespmem:$0x1FE60] =	vst v59  }
0x9b: {  	v60 =	vld @!p0 [tilespmem:$0x2C0];
	[tilespmem:$0x1FE80] =	vst v61;
	v40 =	vimm.s32 $0x0;
	vm0 =	veq.f32 @!p0 v0, $0.0e+00  }
0x9c: {  	v28 =	vld @!p0 [tilespmem:$0x6C0];
	[tilespmem:$0x1FEA0] =	vst v62;
	v52 =	vimm.s32 $0x0;
	v0 =	vsel vm0, $0xFFFFFFFF, v40  }
0x9d: {  	v29 =	vld @!p0 [tilespmem:$0x6D0];
	v4 =	vimm.s32 $0x0;
	[tilespmem:$0x1FD90] =	vst v0;
	v0 =	vnsel @!p0 vm0, $0xC0400000, v37;
	vm0 =	veq.f32 @!p0 v2, $0.0e+00  }
0x9e: {  	v30 =	vld @!p0 [tilespmem:$0x6E0];
	v37, _, _ =	vpop @!p0 (xrf1);
	v2 =	vsel vm0, $0xFFFFFFFF, v52;
	(xrf1) =	vsort.ascd.msk.f32 @!p0 $0xffff, v0, v0;
	v0 =	vnsel @!p0 vm0, $0xC0400000, v36;
	vm0 =	veq.f32 @!p0 v3, $0.0e+00  }
0x9f: {  	v31 =	vld @!p0 [tilespmem:$0x6F0];
	v10 =	vimm.s32 $0x0;
	v16, _, _ =	vpop @!p0 (xrf1);
	[tilespmem:$0x1FDB0] =	vst v2;
	v2 =	vsel vm0, $0xFFFFFFFF, v4;
	(xrf1) =	vsort.ascd.msk.f32 @!p0 $0xffff, v0, v0  }
0xa0: {  	v58 =	vld @!p0 [tilespmem:$0x2D0];
	v0 =	vnsel @!p0 vm0, $0xC0400000, v39;
	vm0 =	veq.f32 @!p0 v5, $0.0e+00;
	v5 =	vimm.s32 $0x0;
	[tilespmem:$0x1FDD0] =	vst v2  }
0xa1: {  	v32 =	vld @!p0 [tilespmem:$0x700];
	v40, _, _ =	vpop @!p0 (xrf1);
	v2 =	vsel vm0, $0xFFFFFFFF, v5;
	(xrf1) =	vsort.ascd.msk.f32 @!p0 $0xffff, v0, v0;
	v0 =	vnsel @!p0 vm0, $0xC0400000, v50;
	vm0 =	veq.f32 @!p0 v1, $0.0e+00  }
0xa2: {  	[tilespmem:$0x1FEC0] =	vst v60;
	v49 =	vld @!p0 [tilespmem:$0x710];
	v12 =	vimm.s32 $0x0;
	v13 =	vimm.s32 $0x0;
	v1 =	vsel vm0, $0xFFFFFFFF, v10  }
0xa3: {  	v56 =	vld @!p0 [tilespmem:$0x2E0];
	v15, _, _ =	vpop @!p0 (xrf1);
	(xrf1) =	vsort.ascd.msk.f32 @!p0 $0xffff, v0, v0;
	v0 =	vnsel @!p0 vm0, $0xC0400000, v51;
	vm0 =	veq.f32 @!p0 v9, $0.0e+00;
	[tilespmem:$0x1FE10] =	vst v1  }
0xa4: {  	v63 =	vld @!p0 [tilespmem:$0x300];
	v39, _, _ =	vpop @!p0 (xrf1);
	v1 =	vsel vm0, $0xFFFFFFFF, v12;
	(xrf1) =	vsort.ascd.msk.f32 @!p0 $0xffff, v0, v0;
	v0 =	vnsel @!p0 vm0, $0xC0400000, v53;
	vm0 =	veq.f32 @!p0 v11, $0.0e+00  }
0xa5: {  	v54 =	vld @!p0 [tilespmem:$0x2F0];
	[tilespmem:$0x1FE30] =	vst v1;
	v1 =	vsel vm0, $0xFFFFFFFF, v13  }
0xa6: {  	v35 =	vld @!p0 [tilespmem:$0x310];
	v14, _, _ =	vpop @!p0 (xrf1);
	(xrf1) =	vsort.ascd.msk.f32 @!p0 $0xffff, v0, v0;
	v0 =	vnsel @!p0 vm0, $0xC0400000, v55;
	vm0 =	veq.f32 @!p0 v24, $0.0e+00;
	v24 =	vimm.s32 $0x0  }
0xa7: {  	v7 =	vld @!p0 [tilespmem:$0x730];
	vm14 =	veq.f32 @!p0 v49, $0.0e+00;
	[tilespmem:$0x1FE50] =	vst v1;
	v1 =	vsel vm0, $0xFFFFFFFF, v24  }
0xa8: {  	v49 =	vld @!p0 [tilespmem:$0x7B0];
	v55, _, _ =	vpop @!p0 (xrf1);
	(xrf1) =	vsort.ascd.msk.f32 @!p0 $0xffff, v0, v0;
	v0 =	vnsel @!p0 vm0, $0xC0400000, v57;
	vm0 =	veq.f32 @!p0 v25, $0.0e+00;
	v25 =	vimm.s32 $0x0  }
0xa9: {  	v8 =	vld @!p0 [tilespmem:$0x720];
	[tilespmem:$0x1FE70] =	vst v1;
	v1 =	vsel vm0, $0xFFFFFFFF, v25  }
0xaa: {  	v6 =	vld @!p0 [tilespmem:$0x320];
	v13, _, _ =	vpop @!p0 (xrf1);
	(xrf1) =	vsort.ascd.msk.f32 @!p0 $0xffff, v0, v0;
	v0 =	vnsel @!p0 vm0, $0xC0400000, v59;
	vm0 =	veq.f32 @!p0 v26, $0.0e+00;
	v26 =	vimm.s32 $0x0  }
0xab: {  	v38 =	vld @!p0 [tilespmem:$0x330];
	v52 =	vimm.s32 $0x0;
	v50 =	vimm.s32 $0x0;
	[tilespmem:$0x1FE90] =	vst v1;
	v1 =	vsel vm0, $0xFFFFFFFF, v26  }
0xac: {  	v36 =	vld @!p0 [tilespmem:$0x340];
	v57, _, _ =	vpop @!p0 (xrf1);
	(xrf1) =	vsort.ascd.msk.f32 @!p0 $0xffff, v0, v0;
	v0 =	vnsel @!p0 vm0, $0xC0400000, v61;
	vm0 =	veq.f32 @!p0 v27, $0.0e+00;
	[tilespmem:$0x1FEB0] =	vst v1  }
0xad: {  	v3 =	vld @!p0 [tilespmem:$0x750];
	v12, _, _ =	vpop @!p0 (xrf1);
	v1 =	vsel vm0, $0xFFFFFFFF, v50;
	(xrf1) =	vsort.ascd.msk.f32 @!p0 $0xffff, v0, v0;
	v0 =	vnsel @!p0 vm0, $0xC0400000, v62;
	vm0 =	veq.f32 @!p0 v28, $0.0e+00  }
0xae: {  	v4 =	vld @!p0 [tilespmem:$0x370];
	[tilespmem:$0x1FDF0] =	vst v2;
	v59 =	vimm.s32 $0x0;
	v53, _, _ =	vpop @!p0 (xrf1);
	v9 =	vsel vm0, $0xFFFFFFFF, v52;
	(xrf1) =	vsort.ascd.msk.f32 @!p0 $0xffff, v0, v0  }
0xaf: {  	v5 =	vld @!p0 [tilespmem:$0x350];
	v0 =	vnsel @!p0 vm0, $0xC0400000, v60;
	vm0 =	veq.f32 @!p0 v29, $0.0e+00;
	v60 =	vimm.s32 $0x0;
	[tilespmem:$0x1FEF0] =	vst v9  }
0xb0: {  	v2 =	vld @!p0 [tilespmem:$0x740];
	v11, _, _ =	vpop @!p0 (xrf1);
	v9 =	vsel vm0, $0xFFFFFFFF, v59;
	(xrf1) =	vsort.ascd.msk.f32 @!p0 $0xffff, v0, v0;
	v0 =	vnsel @!p0 vm0, $0xC0400000, v58;
	vm0 =	veq.f32 @!p0 v30, $0.0e+00  }
0xb1: {  	v51 =	vld @!p0 [tilespmem:$0x360];
	v61 =	vimm.s32 $0x0;
	v62 =	vimm.s32 $0x0;
	[tilespmem:$0x1FF10] =	vst v9;
	v9 =	vsel vm0, $0xFFFFFFFF, v60  }
0xb2: {  	v24 =	vld @!p0 [tilespmem:$0x760];
	v52, _, _ =	vpop @!p0 (xrf1);
	(xrf1) =	vsort.ascd.msk.f32 @!p0 $0xffff, v0, v0;
	v0 =	vnsel @!p0 vm0, $0xC0400000, v56;
	vm0 =	veq.f32 @!p0 v31, $0.0e+00;
	[tilespmem:$0x1FF30] =	vst v9  }
0xb3: {  	v25 =	vld @!p0 [tilespmem:$0x770];
	v10, _, _ =	vpop @!p0 (xrf1);
	v9 =	vsel vm0, $0xFFFFFFFF, v61;
	(xrf1) =	vsort.ascd.msk.f32 @!p0 $0xffff, v0, v0;
	v0 =	vnsel @!p0 vm0, $0xC0400000, v54;
	vm0 =	veq.f32 @!p0 v32, $0.0e+00  }
0xb4: {  	v26 =	vld @!p0 [tilespmem:$0x780];
	[tilespmem:$0x1FF50] =	vst v9;
	v9 =	vsel vm0, $0xFFFFFFFF, v62  }
0xb5: {  	v27 =	vld @!p0 [tilespmem:$0x790]  }
0xb6: {  	[tilespmem:$0x1FF20] =	vst v54;
	vm11 =	veq.f32 @!p0 v2, $0.0e+00;
	v2 =	vld @!p0 [tilespmem:$0x7C0];
	v54, _, _ =	vpop @!p0 (xrf1);
	(xrf1) =	vsort.ascd.msk.f32 @!p0 $0xffff, v0, v0;
	v0 =	vnsel @!p0 vm0, $0xC0400000, v63  }
0xb7: {  	vm13 =	veq.f32 @!p0 v8, $0.0e+00;
	v28 =	vld @!p0 [tilespmem:$0x390];
	[tilespmem:$0x1FF70] =	vst v9;
	v9, _, _ =	vpop @!p0 (xrf1);
	(xrf1) =	vsort.ascd.msk.f32 @!p0 $0xffff, v0, v0;
	v0 =	vnsel @!p0 vm14, $0xC0400000, v35  }
0xb8: {  	vm12 =	veq.f32 @!p0 v7, $0.0e+00;
	v50 =	vld @!p0 [tilespmem:$0x7A0];
	v32, _, _ =	vpop @!p0 (xrf1);
	(xrf1) =	vsort.ascd.msk.f32 @!p0 $0xffff, v0, v0;
	v0 =	vnsel @!p0 vm13, $0xC0400000, v6  }
0xb9: {  	[tilespmem:$0x1FED0] =	vst v1;
	v1 =	vld @!p0 [tilespmem:$0x380];
	v8, _, _ =	vpop @!p0 (xrf1);
	(xrf1) =	vsort.ascd.msk.f32 @!p0 $0xffff, v0, v0;
	v0 =	vnsel @!p0 vm12, $0xC0400000, v38  }
0xba: {  	[tilespmem:$0x1FF40] =	vst v63;
	vm10 =	veq.f32 @!p0 v3, $0.0e+00;
	v59 =	vld @!p0 [tilespmem:$0x3A0];
	v31, _, _ =	vpop @!p0 (xrf1);
	(xrf1) =	vsort.ascd.msk.f32 @!p0 $0xffff, v0, v0;
	v0 =	vnsel @!p0 vm11, $0xC0400000, v36  }
0xbb: {  	vm4 =	veq.f32 @!p0 v49, $0.0e+00;
	vm9 =	veq.f32 @!p0 v24, $0.0e+00;
	v24 =	vld @!p0 [tilespmem:$0x7D0];
	v7, _, _ =	vpop @!p0 (xrf1);
	(xrf1) =	vsort.ascd.msk.f32 @!p0 $0xffff, v0, v0;
	v0 =	vnsel @!p0 vm10, $0xC0400000, v5  }
0xbc: {  	[tilespmem:$0x1FF80] =	vst v6;
	v60 =	vld @!p0 [tilespmem:$0x3B0];
	vm8 =	veq.f32 @!p0 v25, $0.0e+00;
	v30, _, _ =	vpop @!p0 (xrf1);
	(xrf1) =	vsort.ascd.msk.f32 @!p0 $0xffff, v0, v0;
	v0 =	vnsel @!p0 vm9, $0xC0400000, v51  }
0xbd: {  	[tilespmem:$0x1FFD0] =	vst v4;
	v61 =	vld @!p0 [tilespmem:$0x3C0];
	vm7 =	veq.f32 @!p0 v26, $0.0e+00;
	v6, _, _ =	vpop @!p0 (xrf1);
	(xrf1) =	vsort.ascd.msk.f32 @!p0 $0xffff, v0, v0;
	v0 =	vnsel @!p0 vm8, $0xC0400000, v4  }
0xbe: {  	[tilespmem:$0x1FFB0] =	vst v5;
	v25 =	vld @!p0 [tilespmem:$0x7E0];
	vm6 =	veq.f32 @!p0 v27, $0.0e+00;
	v29, _, _ =	vpop @!p0 (xrf1);
	(xrf1) =	vsort.ascd.msk.f32 @!p0 $0xffff, v0, v0;
	v0 =	vnsel @!p0 vm7, $0xC0400000, v1  }
0xbf: {  	v26 =	vlaneseq.u32 @!p0;
	v62 =	vld @!p0 [tilespmem:$0x3D0];
	vm5 =	veq.f32 @!p0 v50, $0.0e+00;
	v5, _, _ =	vpop @!p0 (xrf1);
	(xrf1) =	vsort.ascd.msk.f32 @!p0 $0xffff, v0, v0;
	v0 =	vnsel @!p0 vm6, $0xC0400000, v28  }
0xc0: {  	vm2 =	veq.f32 @!p0 v2, $0.0e+00;
	[tilespmem:$0x1FFF0] =	vst v28;
	v63 =	vld @!p0 [tilespmem:$0x3E0];
	v28, _, _ =	vpop @!p0 (xrf1);
	(xrf1) =	vsort.ascd.msk.f32 @!p0 $0xffff, v0, v0;
	v0 =	vnsel @!p0 vm5, $0xC0400000, v59  }
0xc1: {  	[tilespmem:$0x1FFE0] =	vst v1;
	v1 =	vld @!p0 [tilespmem:$0x7F0];
	v4, _, _ =	vpop @!p0 (xrf1);
	(xrf1) =	vsort.ascd.msk.f32 @!p0 $0xffff, v0, v0;
	v0 =	vmul.u32 @!p0 $0xFFFFFFFF, v26;
	v26 =	vnsel @!p0 vm4, $0xC0400000, v60  }
0xc2: {  	[tilespmem:$0x1FEE0] =	vst v58;
	v58 =	vld @!p0 [tilespmem:$0x3F0];
	v27, _, _ =	vpop @!p0 (xrf1);
	(xrf1) =	vsort.ascd.msk.f32 @!p0 $0xffff, v26, v26;
	v26 =	vnsel @!p0 vm2, $0xC0400000, v61  }
0xc3: {  	vm3 =	veq.f32 @!p0 v24, $0.0e+00  }
0xc4: {  	vm1 =	veq.f32 @!p0 v25, $0.0e+00;
	v24 =	vnsel @!p0 vm3, $0xC0400000, v62;
	v3, _, _ =	vpop @!p0 (xrf1);
	(xrf1) =	vsort.ascd.msk.f32 @!p0 $0xffff, v26, v26  }
0xc5: {  	v26, _, _ =	vpop @!p0 (xrf1);
	(xrf1) =	vsort.ascd.msk.f32 @!p0 $0xffff, v24, v24;
	v24 =	vnsel @!p0 vm1, $0xC0400000, v63  }
0xc6: {  	v0 =	vadd.s32 @!p0 $0xF, v0;
	vm0 =	veq.f32 @!p0 v1, $0.0e+00  }
0xc7: {  	v25 =	vperm.xlane @!p0 v42, v0;
	v1 =	vnsel @!p0 vm0, $0xC0400000, v58;
	v42, _, _ =	vpop @!p0 (xrf1);
	(xrf1) =	vsort.ascd.msk.f32 @!p0 $0xffff, v24, v24  }
0xc8: {  	v24, _, _ =	vpop @!p0 (xrf1);
	(xrf1) =	vsort.ascd.msk.f32 @!p0 $0xffff, v1, v1;
	v1 =	vperm.xlane @!p0 v41, v0  }
0xc9: {  	v49 =	vmin.f32 @!p0 v23, v25;
	v23 =	vmax.f32 @!p0 v23, v25  }
0xca: {  	v41, _, _ =	vpop @!p0 (xrf1);
	(xrf1) =	vsort.ascd.msk.f32 @!p0 $0xffff, v49, v49;
	v49 =	vperm.xlane @!p0 v48, v0;
	v48 =	vmin.f32 @!p0 v22, v1  }
0xcb: {  	v25, _, _ =	vpop @!p0 (xrf1);
	(xrf1) =	vsort.ascd.msk.f32 @!p0 $0xffff, v23, v23  }
0xcc: {  	v1 =	vmax.f32 @!p0 v22, v1;
	v23, _, _ =	vpop @!p0 (xrf1);
	(xrf1) =	vsort.ascd.msk.f32 @!p0 $0xffff, v48, v48  }
0xcd: {  	v48, _, _ =	vpop @!p0 (xrf1);
	(xrf1) =	vsort.ascd.msk.f32 @!p0 $0xffff, v1, v1;
	v1 =	vperm.xlane @!p0 v47, v0;
	v47 =	vmin.f32 @!p0 v21, v49  }
0xce: {  	v21 =	vmax.f32 @!p0 v21, v49  }
0xcf: {  	v49 =	vperm.xlane @!p0 v46, v0;
	v22, _, _ =	vpop @!p0 (xrf1);
	(xrf1) =	vsort.ascd.msk.f32 @!p0 $0xffff, v47, v47;
	v46 =	vmin.f32 @!p0 v20, v1  }
0xd0: {  	v47, _, _ =	vpop @!p0 (xrf1);
	(xrf1) =	vsort.ascd.msk.f32 @!p0 $0xffff, v21, v21  }
0xd1: {  	v1 =	vmax.f32 @!p0 v20, v1;
	v21, _, _ =	vpop @!p0 (xrf1);
	(xrf1) =	vsort.ascd.msk.f32 @!p0 $0xffff, v46, v46  }
0xd2: {  	v46, _, _ =	vpop @!p0 (xrf1);
	(xrf1) =	vsort.ascd.msk.f32 @!p0 $0xffff, v1, v1;
	v1 =	vperm.xlane @!p0 v45, v0;
	v45 =	vmin.f32 @!p0 v19, v49  }
0xd3: {  	v19 =	vmax.f32 @!p0 v19, v49  }
0xd4: {  	v49 =	vperm.xlane @!p0 v44, v0;
	v20, _, _ =	vpop @!p0 (xrf1);
	(xrf1) =	vsort.ascd.msk.f32 @!p0 $0xffff, v45, v45;
	v44 =	vmin.f32 @!p0 v18, v1  }
0xd5: {  	v45, _, _ =	vpop @!p0 (xrf1);
	(xrf1) =	vsort.ascd.msk.f32 @!p0 $0xffff, v19, v19  }
0xd6: {  	v1 =	vmax.f32 @!p0 v18, v1;
	v19, _, _ =	vpop @!p0 (xrf1);
	(xrf1) =	vsort.ascd.msk.f32 @!p0 $0xffff, v44, v44  }
0xd7: {  	v44, _, _ =	vpop @!p0 (xrf1);
	(xrf1) =	vsort.ascd.msk.f32 @!p0 $0xffff, v1, v1;
	v1 =	vperm.xlane @!p0 v43, v0;
	v43 =	vmin.f32 @!p0 v17, v49  }
0xd8: {  	v17 =	vmax.f32 @!p0 v17, v49  }
0xd9: {  	v2 =	vperm.xlane @!p0 v37, v0;
	v18, _, _ =	vpop @!p0 (xrf1);
	(xrf1) =	vsort.ascd.msk.f32 @!p0 $0xffff, v43, v43;
	v37 =	vmin.f32 @!p0 v34, v1  }
0xda: {  	v43, _, _ =	vpop @!p0 (xrf1);
	(xrf1) =	vsort.ascd.msk.f32 @!p0 $0xffff, v17, v17  }
0xdb: {  	v1 =	vmax.f32 @!p0 v34, v1;
	v17, _, _ =	vpop @!p0 (xrf1);
	(xrf1) =	vsort.ascd.msk.f32 @!p0 $0xffff, v37, v37  }
0xdc: {  	v34 =	vmin.f32 @!p0 v33, v2;
	v37, _, _ =	vpop @!p0 (xrf1);
	(xrf1) =	vsort.ascd.msk.f32 @!p0 $0xffff, v1, v1;
	v1 =	vperm.xlane @!p0 v40, v0  }
0xdd: {  	v2 =	vmax.f32 @!p0 v33, v2;
	v50, _, _ =	vpop @!p0 (xrf1);
	(xrf1) =	vsort.ascd.msk.f32 @!p0 $0xffff, v34, v34  }
0xde: {  	v49, _, _ =	vpop @!p0 (xrf1);
	(xrf1) =	vsort.ascd.msk.f32 @!p0 $0xffff, v2, v2;
	v2 =	vperm.xlane @!p0 v39, v0;
	v33 =	vmin.f32 @!p0 v16, v1  }
0xdf: {  	v1 =	vmax.f32 @!p0 v16, v1;
	v39, _, _ =	vpop @!p0 (xrf1);
	(xrf1) =	vsort.ascd.msk.f32 @!p0 $0xffff, v33, v33  }
0xe0: {  	v40, _, _ =	vpop @!p0 (xrf1);
	(xrf1) =	vsort.ascd.msk.f32 @!p0 $0xffff, v1, v1;
	v1 =	vperm.xlane @!p0 v55, v0;
	v33 =	vmin.f32 @!p0 v15, v2  }
0xe1: {  	v2 =	vmax.f32 @!p0 v15, v2;
	v16, _, _ =	vpop @!p0 (xrf1);
	(xrf1) =	vsort.ascd.msk.f32 @!p0 $0xffff, v33, v33  }
0xe2: {  	v15, _, _ =	vpop @!p0 (xrf1);
	(xrf1) =	vsort.ascd.msk.f32 @!p0 $0xffff, v2, v2;
	v2 =	vperm.xlane @!p0 v57, v0;
	v33 =	vmin.f32 @!p0 v14, v1  }
0xe3: {  	[tilespmem:$0x1FFA0] =	vst v36;
	v1 =	vmax.f32 @!p0 v14, v1;
	v36, _, _ =	vpop @!p0 (xrf1);
	(xrf1) =	vsort.ascd.msk.f32 @!p0 $0xffff, v33, v33  }
0xe4: {  	[tilespmem:$0x1FF90] =	vst v38;
	v38, _, _ =	vpop @!p0 (xrf1);
	(xrf1) =	vsort.ascd.msk.f32 @!p0 $0xffff, v1, v1;
	v1 =	vperm.xlane @!p0 v53, v0;
	v33 =	vmin.f32 @!p0 v13, v2  }
0xe5: {  	v2 =	vmax.f32 @!p0 v13, v2;
	v14, _, _ =	vpop @!p0 (xrf1);
	(xrf1) =	vsort.ascd.msk.f32 @!p0 $0xffff, v33, v33  }
0xe6: {  	[tilespmem:$0x1FF60] =	vst v35;
	v35, _, _ =	vpop @!p0 (xrf1);
	(xrf1) =	vsort.ascd.msk.f32 @!p0 $0xffff, v2, v2;
	v2 =	vperm.xlane @!p0 v52, v0;
	v13 =	vmin.f32 @!p0 v12, v1  }
0xe7: {  	v1 =	vmax.f32 @!p0 v12, v1;
	v34, _, _ =	vpop @!p0 (xrf1);
	(xrf1) =	vsort.ascd.msk.f32 @!p0 $0xffff, v13, v13  }
0xe8: {  	v33, _, _ =	vpop @!p0 (xrf1);
	(xrf1) =	vsort.ascd.msk.f32 @!p0 $0xffff, v1, v1;
	v1 =	vperm.xlane @!p0 v54, v0;
	v13 =	vmin.f32 @!p0 v11, v2  }
0xe9: {  	[tilespmem:$0x1FF00] =	vst v56;
	v2 =	vmax.f32 @!p0 v11, v2;
	v56, _, _ =	vpop @!p0 (xrf1);
	(xrf1) =	vsort.ascd.msk.f32 @!p0 $0xffff, v13, v13  }
0xea: {  	v55, _, _ =	vpop @!p0 (xrf1);
	(xrf1) =	vsort.ascd.msk.f32 @!p0 $0xffff, v2, v2;
	v2 =	vperm.xlane @!p0 v32, v0;
	v32 =	vmin.f32 @!p0 v10, v1;
	_ =	sdelay $0x1  }
0xeb: {  	v1 =	vmax.f32 @!p0 v10, v1;
	v11, _, _ =	vpop @!p0 (xrf1);
	(xrf1) =	vsort.ascd.msk.f32 @!p0 $0xffff, v32, v32  }
0xec: {  	v32, _, _ =	vpop @!p0 (xrf1);
	(xrf1) =	vsort.ascd.msk.f32 @!p0 $0xffff, v1, v1;
	v1 =	vperm.xlane @!p0 v31, v0  }
0xed: {  	v31 =	vmin.f32 @!p0 v9, v2  }
0xee: {  	v2 =	vmax.f32 @!p0 v9, v2;
	v57, _, _ =	vpop @!p0 (xrf1);
	(xrf1) =	vsort.ascd.msk.f32 @!p0 $0xffff, v31, v31;
	v31 =	vmin.f32 @!p0 v8, v1  }
0xef: {  	v54, _, _ =	vpop @!p0 (xrf1);
	(xrf1) =	vsort.ascd.msk.f32 @!p0 $0xffff, v2, v2  }
0xf0: {  	v2 =	vperm.xlane @!p0 v30, v0;
	v1 =	vmax.f32 @!p0 v8, v1;
	v30, _, _ =	vpop @!p0 (xrf1);
	(xrf1) =	vsort.ascd.msk.f32 @!p0 $0xffff, v31, v31  }
0xf1: {  	v31, _, _ =	vpop @!p0 (xrf1);
	(xrf1) =	vsort.ascd.msk.f32 @!p0 $0xffff, v1, v1;
	v1 =	vperm.xlane @!p0 v29, v0  }
0xf2: {  	v29 =	vmin.f32 @!p0 v7, v2  }
0xf3: {  	v2 =	vmax.f32 @!p0 v7, v2;
	v53, _, _ =	vpop @!p0 (xrf1);
	(xrf1) =	vsort.ascd.msk.f32 @!p0 $0xffff, v29, v29;
	v29 =	vmin.f32 @!p0 v6, v1  }
0xf4: {  	v13, _, _ =	vpop @!p0 (xrf1);
	(xrf1) =	vsort.ascd.msk.f32 @!p0 $0xffff, v2, v2  }
0xf5: {  	v2 =	vperm.xlane @!p0 v28, v0;
	v1 =	vmax.f32 @!p0 v6, v1;
	v28, _, _ =	vpop @!p0 (xrf1);
	(xrf1) =	vsort.ascd.msk.f32 @!p0 $0xffff, v29, v29  }
0xf6: {  	v29, _, _ =	vpop @!p0 (xrf1);
	(xrf1) =	vsort.ascd.msk.f32 @!p0 $0xffff, v1, v1;
	v1 =	vperm.xlane @!p0 v27, v0  }
0xf7: {  	v27 =	vmin.f32 @!p0 v5, v2  }
0xf8: {  	v2 =	vmax.f32 @!p0 v5, v2;
	v12, _, _ =	vpop @!p0 (xrf1);
	(xrf1) =	vsort.ascd.msk.f32 @!p0 $0xffff, v27, v27;
	v27 =	vmin.f32 @!p0 v4, v1  }
0xf9: {  	v10, _, _ =	vpop @!p0 (xrf1);
	(xrf1) =	vsort.ascd.msk.f32 @!p0 $0xffff, v2, v2;
	v2 =	vperm.xlane @!p0 v26, v0  }
0xfa: {  	v1 =	vmax.f32 @!p0 v4, v1;
	v26, _, _ =	vpop @!p0 (xrf1);
	(xrf1) =	vsort.ascd.msk.f32 @!p0 $0xffff, v27, v27  }
0xfb: {  	v27, _, _ =	vpop @!p0 (xrf1);
	(xrf1) =	vsort.ascd.msk.f32 @!p0 $0xffff, v1, v1;
	v1 =	vmin.f32 @!p0 v3, v2  }
0xfc: {  	v24 =	vperm.xlane @!p0 v24, v0;
	v3 =	vmax.f32 @!p0 v3, v2;
	v9, _, _ =	vpop @!p0 (xrf1);
	(xrf1) =	vsort.ascd.msk.f32 @!p0 $0xffff, v1, v1  }
0xfd: {  	v8, _, _ =	vpop @!p0 (xrf1);
	(xrf1) =	vsort.ascd.msk.f32 @!p0 $0xffff, v3, v3;
	v3 =	vperm.xlane @!p0 v25, v0  }
0xfe: {  	v25 =	vmin.f32 @!p0 v42, v24;
	v24 =	vmax.f32 @!p0 v42, v24  }
0xff: {  	v7, _, _ =	vpop @!p0 (xrf1);
	(xrf1) =	vsort.ascd.msk.f32 @!p0 $0xffff, v25, v25;
	v25 =	vmin.f32 @!p0 v41, v3  }
0x100: {  	v48 =	vperm.xlane @!p0 v48, v0;
	v42, _, _ =	vpop @!p0 (xrf1);
	(xrf1) =	vsort.ascd.msk.f32 @!p0 $0xffff, v24, v24  }
0x101: {  	v3 =	vmax.f32 @!p0 v41, v3;
	v24, _, _ =	vpop @!p0 (xrf1);
	(xrf1) =	vsort.ascd.msk.f32 @!p0 $0xffff, v25, v25  }
0x102: {  	v25, _, _ =	vpop @!p0 (xrf1);
	(xrf1) =	vsort.ascd.msk.f32 @!p0 $0xffff, v3, v3;
	v3 =	vperm.xlane @!p0 v47, v0;
	v47 =	vmin.f32 @!p0 v23, v48  }
0x103: {  	v23 =	vmax.f32 @!p0 v23, v48  }
0x104: {  	v46 =	vperm.xlane @!p0 v46, v0;
	v41, _, _ =	vpop @!p0 (xrf1);
	(xrf1) =	vsort.ascd.msk.f32 @!p0 $0xffff, v47, v47  }
0x105: {  	v48 =	vmin.f32 @!p0 v22, v3;
	v47, _, _ =	vpop @!p0 (xrf1);
	(xrf1) =	vsort.ascd.msk.f32 @!p0 $0xffff, v23, v23  }
0x106: {  	v3 =	vmax.f32 @!p0 v22, v3;
	v23, _, _ =	vpop @!p0 (xrf1);
	(xrf1) =	vsort.ascd.msk.f32 @!p0 $0xffff, v48, v48;
	v48 =	vmin.f32 @!p0 v21, v46  }
0x107: {  	v21 =	vmax.f32 @!p0 v21, v46;
	v22, _, _ =	vpop @!p0 (xrf1);
	(xrf1) =	vsort.ascd.msk.f32 @!p0 $0xffff, v3, v3;
	v3 =	vperm.xlane @!p0 v45, v0  }
0x108: {  	v45, _, _ =	vpop @!p0 (xrf1);
	(xrf1) =	vsort.ascd.msk.f32 @!p0 $0xffff, v48, v48  }
0x109: {  	v44 =	vperm.xlane @!p0 v44, v0;
	v46, _, _ =	vpop @!p0 (xrf1);
	(xrf1) =	vsort.ascd.msk.f32 @!p0 $0xffff, v21, v21;
	v48 =	vmin.f32 @!p0 v20, v3  }
0x10a: {  	v3 =	vmax.f32 @!p0 v20, v3;
	v21, _, _ =	vpop @!p0 (xrf1);
	(xrf1) =	vsort.ascd.msk.f32 @!p0 $0xffff, v48, v48  }
0x10b: {  	v48 =	vmin.f32 @!p0 v19, v44;
	v20, _, _ =	vpop @!p0 (xrf1);
	(xrf1) =	vsort.ascd.msk.f32 @!p0 $0xffff, v3, v3  }
0x10c: {  	v19 =	vmax.f32 @!p0 v19, v44;
	v3 =	vperm.xlane @!p0 v43, v0;
	v43, _, _ =	vpop @!p0 (xrf1);
	(xrf1) =	vsort.ascd.msk.f32 @!p0 $0xffff, v48, v48  }
0x10d: {  	v39 =	vperm.xlane @!p0 v39, v0;
	v44, _, _ =	vpop @!p0 (xrf1);
	(xrf1) =	vsort.ascd.msk.f32 @!p0 $0xffff, v19, v19  }
0x10e: {  	v48 =	vmin.f32 @!p0 v18, v3;
	v3 =	vmax.f32 @!p0 v18, v3;
	v18 =	vperm.xlane @!p0 v37, v0  }
0x10f: {  	v19, _, _ =	vpop @!p0 (xrf1);
	(xrf1) =	vsort.ascd.msk.f32 @!p0 $0xffff, v48, v48  }
0x110: {  	v38 =	vperm.xlane @!p0 v38, v0;
	v37, _, _ =	vpop @!p0 (xrf1);
	(xrf1) =	vsort.ascd.msk.f32 @!p0 $0xffff, v3, v3;
	v48 =	vmin.f32 @!p0 v17, v18  }
0x111: {  	v3 =	vperm.xlane @!p0 v40, v0;
	v17 =	vmax.f32 @!p0 v17, v18;
	v40, _, _ =	vpop @!p0 (xrf1);
	(xrf1) =	vsort.ascd.msk.f32 @!p0 $0xffff, v48, v48  }
0x112: {  	v18 =	vmax.f32 @!p0 v49, v39;
	v39, _, _ =	vpop @!p0 (xrf1);
	(xrf1) =	vsort.ascd.msk.f32 @!p0 $0xffff, v17, v17;
	v17 =	vperm.xlane @!p0 v36, v0  }
0x113: {  	v16 =	vmax.f32 @!p0 v16, v38;
	v3 =	vmax.f32 @!p0 v50, v3  }
0x114: {  	v36, _, _ =	vpop @!p0 (xrf1);
	v48 =	vmin.f32 @!p0 v3, v18;
	v15 =	vmax.f32 @!p0 v15, v17;
	v17 =	vperm.xlane @!p0 v33, v0  }
0x115: {  	v3 =	vmax.f32 @!p0 v3, v18;
	(xrf1) =	vsort.ascd.msk.f32 @!p0 $0xffff, v48, v48;
	v18, _, _ =	vpop @!p0 (xrf1);
	v33 =	vperm.xlane @!p0 v34, v0  }
0x116: {  	v34, _, _ =	vpop @!p0 (xrf1);
	(xrf1) =	vsort.ascd.msk.f32 @!p0 $0xffff, v3, v3;
	v3 =	vmin.f32 @!p0 v16, v15;
	v15 =	vmax.f32 @!p0 v16, v15  }
0x117: {  	v16, _, _ =	vpop @!p0 (xrf1);
	(xrf1) =	vsort.ascd.msk.f32 @!p0 $0xffff, v3, v3;
	v3 =	vmax.f32 @!p0 v14, v17;
	v14 =	vmax.f32 @!p0 v35, v33  }
0x118: {  	v33 =	vmin.f32 @!p0 v3, v14;
	v3 =	vmax.f32 @!p0 v3, v14;
	v17, _, _ =	vpop @!p0 (xrf1)  }
0x119: {  	(xrf1) =	vsort.ascd.msk.f32 @!p0 $0xffff, v15, v15;
	v15, _, _ =	vpop @!p0 (xrf1)  }
0x11a: {  	(xrf1) =	vsort.ascd.msk.f32 @!p0 $0xffff, v33, v33;
	v14, _, _ =	vpop @!p0 (xrf1)  }
0x11b: {  	(xrf1) =	vsort.ascd.msk.f32 @!p0 $0xffff, v3, v3;
	v3, _, _ =	vpop @!p0 (xrf1)  }
0x11c: {  	v33, _, _ =	vpop @!p0 (xrf1)  }
0x11d: {  	v35, _, _ =	vpop @!p0 (xrf1)  }
0x11e: {  	v38, _, _ =	vpop @!p0 (xrf1)  }
0x11f: {  	v48, _, _ =	vpop @!p0 (xrf1)  }
0x120: {  	v49, _, _ =	vpop @!p0 (xrf1)  }
0x121: {  	v50, _, _ =	vpop @!p0 (xrf1)  }
0x122: {  	[tilespmem:$0x1FFC0] =	vst v51;
	v51, _, _ =	vpop @!p0 (xrf1)  }
0x123: {  	v52, _, _ =	vpop @!p0 (xrf1)  }
0x124: {  	v11 =	vperm.xlane @!p0 v11, v0;
	v32 =	vperm.xlane @!p0 v32, v0;
	v6, _, _ =	vpop @!p0 (xrf1)  }
0x125: {  	v5, _, _ =	vpop @!p0 (xrf1)  }
0x126: {  	v11 =	vmax.f32 @!p0 v55, v11;
	v32 =	vmax.f32 @!p0 v56, v32;
	v4, _, _ =	vpop @!p0 (xrf1)  }
0x127: {  	v30 =	vperm.xlane @!p0 v30, v0;
	v31 =	vperm.xlane @!p0 v31, v0;
	v1 =	vmin.f32 @!p0 v32, v11;
	v2, _, _ =	vpop @!p0 (xrf1)  }
0x128: {  	v11 =	vmax.f32 @!p0 v32, v11;
	v55, _, _ =	vpop @!p0 (xrf1);
	(xrf1) =	vsort.ascd.msk.f32 @!p0 $0xffff, v1, v1  }
0x129: {  	v1 =	vmax.f32 @!p0 v57, v31;
	(xrf1) =	vsort.ascd.msk.f32 @!p0 $0xffff, v11, v11;
	v11 =	vmax.f32 @!p0 v54, v30  }
0x12a: {  	v28 =	vperm.xlane @!p0 v28, v0;
	v29 =	vperm.xlane @!p0 v29, v0;
	v30 =	vmin.f32 @!p0 v1, v11  }
0x12b: {  	v1 =	vmax.f32 @!p0 v1, v11;
	(xrf1) =	vsort.ascd.msk.f32 @!p0 $0xffff, v30, v30  }
0x12c: {  	v11 =	vmax.f32 @!p0 v13, v28;
	(xrf1) =	vsort.ascd.msk.f32 @!p0 $0xffff, v1, v1;
	v1 =	vmax.f32 @!p0 v53, v29  }
0x12d: {  	v26 =	vperm.xlane @!p0 v26, v0;
	v13 =	vperm.xlane @!p0 v27, v0;
	v27 =	vmin.f32 @!p0 v1, v11  }
0x12e: {  	v1 =	vmax.f32 @!p0 v1, v11;
	(xrf1) =	vsort.ascd.msk.f32 @!p0 $0xffff, v27, v27  }
0x12f: {  	v10 =	vmax.f32 @!p0 v10, v26;
	(xrf1) =	vsort.ascd.msk.f32 @!p0 $0xffff, v1, v1;
	v1 =	vmax.f32 @!p0 v12, v13  }
0x130: {  	v7 =	vperm.xlane @!p0 v7, v0;
	v11 =	vperm.xlane @!p0 v42, v0;
	v12 =	vmin.f32 @!p0 v1, v10  }
0x131: {  	v1 =	vmax.f32 @!p0 v1, v10;
	(xrf1) =	vsort.ascd.msk.f32 @!p0 $0xffff, v12, v12  }
0x132: {  	v7 =	vmax.f32 @!p0 v8, v7;
	(xrf1) =	vsort.ascd.msk.f32 @!p0 $0xffff, v1, v1;
	v1 =	vmax.f32 @!p0 v9, v11  }
0x133: {  	v8 =	vperm.xlane @!p0 v47, v0;
	v9 =	vperm.xlane @!p0 v41, v0;
	v10 =	vmin.f32 @!p0 v1, v7  }
0x134: {  	v1 =	vmax.f32 @!p0 v1, v7;
	(xrf1) =	vsort.ascd.msk.f32 @!p0 $0xffff, v10, v10  }
0x135: {  	v56, _, _ =	vpop @!p0 (xrf1);
	v7 =	vmax.f32 @!p0 v25, v9;
	(xrf1) =	vsort.ascd.msk.f32 @!p0 $0xffff, v1, v1;
	v1 =	vmax.f32 @!p0 v24, v8  }
0x136: {  	v9 =	vperm.xlane @!p0 v45, v0;
	v8 =	vperm.xlane @!p0 v46, v0;
	v10 =	vmin.f32 @!p0 v1, v7  }
0x137: {  	v1 =	vmax.f32 @!p0 v1, v7;
	(xrf1) =	vsort.ascd.msk.f32 @!p0 $0xffff, v10, v10  }
0x138: {  	v7 =	vmax.f32 @!p0 v22, v9;
	(xrf1) =	vsort.ascd.msk.f32 @!p0 $0xffff, v1, v1;
	v1 =	vmax.f32 @!p0 v23, v8  }
0x139: {  	v9 =	vperm.xlane @!p0 v43, v0;
	v8 =	vperm.xlane @!p0 v44, v0;
	v10 =	vmin.f32 @!p0 v1, v7  }
0x13a: {  	v1 =	vmax.f32 @!p0 v1, v7;
	(xrf1) =	vsort.ascd.msk.f32 @!p0 $0xffff, v10, v10  }
0x13b: {  	v7 =	vmax.f32 @!p0 v20, v9;
	(xrf1) =	vsort.ascd.msk.f32 @!p0 $0xffff, v1, v1;
	v1 =	vmax.f32 @!p0 v21, v8  }
0x13c: {  	v9 =	vperm.xlane @!p0 v40, v0;
	v8 =	vperm.xlane @!p0 v39, v0;
	v10 =	vmin.f32 @!p0 v1, v7  }
0x13d: {  	v1 =	vmax.f32 @!p0 v1, v7;
	(xrf1) =	vsort.ascd.msk.f32 @!p0 $0xffff, v10, v10  }
0x13e: {  	v7 =	vmax.f32 @!p0 v37, v9;
	(xrf1) =	vsort.ascd.msk.f32 @!p0 $0xffff, v1, v1;
	v1 =	vmax.f32 @!p0 v19, v8  }
0x13f: {  	v9 =	vperm.xlane @!p0 v34, v0;
	v8 =	vperm.xlane @!p0 v16, v0;
	v11 =	vmin.f32 @!p0 v1, v7  }
0x140: {  	v10, _, _ =	vpop @!p0 (xrf1);
	v1 =	vmax.f32 @!p0 v1, v7;
	(xrf1) =	vsort.ascd.msk.f32 @!p0 $0xffff, v11, v11  }
0x141: {  	v7, _, _ =	vpop @!p0 (xrf1);
	(xrf1) =	vsort.ascd.msk.f32 @!p0 $0xffff, v1, v1;
	v1 =	vmax.f32 @!p0 v36, v8;
	v8 =	vmax.f32 @!p0 v18, v9  }
0x142: {  	v3 =	vperm.xlane @!p0 v3, v0;
	v9 =	vperm.xlane @!p0 v14, v0;
	v12 =	vmin.f32 @!p0 v1, v8  }
0x143: {  	v11, _, _ =	vpop @!p0 (xrf1);
	v1 =	vmax.f32 @!p0 v1, v8;
	(xrf1) =	vsort.ascd.msk.f32 @!p0 $0xffff, v12, v12  }
0x144: {  	v8, _, _ =	vpop @!p0 (xrf1);
	(xrf1) =	vsort.ascd.msk.f32 @!p0 $0xffff, v1, v1;
	v1 =	vmax.f32 @!p0 v17, v3;
	v3 =	vmax.f32 @!p0 v15, v9  }
0x145: {  	v12 =	vperm.xlane @!p0 v38, v0;
	v9 =	vperm.xlane @!p0 v48, v0;
	v14 =	vmin.f32 @!p0 v1, v3  }
0x146: {  	v13, _, _ =	vpop @!p0 (xrf1);
	v1 =	vmax.f32 @!p0 v1, v3;
	(xrf1) =	vsort.ascd.msk.f32 @!p0 $0xffff, v14, v14  }
0x147: {  	v3, _, _ =	vpop @!p0 (xrf1);
	(xrf1) =	vsort.ascd.msk.f32 @!p0 $0xffff, v1, v1;
	v1 =	vmax.f32 @!p0 v33, v9;
	v9 =	vmax.f32 @!p0 v35, v12  }
0x148: {  	v14 =	vperm.xlane @!p0 v51, v0;
	v12 =	vperm.xlane @!p0 v52, v0;
	v16 =	vmin.f32 @!p0 v1, v9  }
0x149: {  	v15, _, _ =	vpop @!p0 (xrf1);
	v1 =	vmax.f32 @!p0 v1, v9;
	(xrf1) =	vsort.ascd.msk.f32 @!p0 $0xffff, v16, v16  }
0x14a: {  	v9, _, _ =	vpop @!p0 (xrf1);
	(xrf1) =	vsort.ascd.msk.f32 @!p0 $0xffff, v1, v1;
	v1 =	vmax.f32 @!p0 v49, v12;
	v12 =	vmax.f32 @!p0 v50, v14  }
0x14b: {  	v4 =	vperm.xlane @!p0 v4, v0;
	v2 =	vperm.xlane @!p0 v2, v0;
	v16 =	vmin.f32 @!p0 v1, v12  }
0x14c: {  	v14, _, _ =	vpop @!p0 (xrf1);
	v1 =	vmax.f32 @!p0 v1, v12;
	(xrf1) =	vsort.ascd.msk.f32 @!p0 $0xffff, v16, v16  }
0x14d: {  	v12, _, _ =	vpop @!p0 (xrf1);
	(xrf1) =	vsort.ascd.msk.f32 @!p0 $0xffff, v1, v1;
	v1 =	vmax.f32 @!p0 v6, v2;
	v2 =	vmax.f32 @!p0 v5, v4  }
0x14e: {  	v4 =	vperm.xlane @!p0 v7, v0;
	v7 =	vmin.f32 @!p0 v1, v2  }
0x14f: {  	v5 =	vperm.xlane @!p0 v10, v0;
	v6, _, _ =	vpop @!p0 (xrf1);
	v1 =	vmax.f32 @!p0 v1, v2;
	(xrf1) =	vsort.ascd.msk.f32 @!p0 $0xffff, v7, v7  }
0x150: {  	v2, _, _ =	vpop @!p0 (xrf1);
	(xrf1) =	vsort.ascd.msk.f32 @!p0 $0xffff, v1, v1  }
0x151: {  	v1 =	vmax.f32 @!p0 v55, v4;
	v4 =	vmax.f32 @!p0 v56, v5;
	v5 =	vperm.xlane @!p0 v13, v0  }
0x152: {  	v3 =	vperm.xlane @!p0 v3, v0;
	v10 =	vmin.f32 @!p0 v1, v4  }
0x153: {  	v7, _, _ =	vpop @!p0 (xrf1);
	v1 =	vmax.f32 @!p0 v1, v4;
	(xrf1) =	vsort.ascd.msk.f32 @!p0 $0xffff, v10, v10  }
0x154: {  	v4, _, _ =	vpop @!p0 (xrf1);
	(xrf1) =	vsort.ascd.msk.f32 @!p0 $0xffff, v1, v1;
	v1 =	vmax.f32 @!p0 v11, v3;
	v3 =	vmax.f32 @!p0 v8, v5  }
0x155: {  	v10 =	vperm.xlane @!p0 v14, v0;
	v8 =	vperm.xlane @!p0 v12, v0;
	v5, _, _ =	vpop @!p0 (xrf1);
	v12 =	vmin.f32 @!p0 v1, v3  }
0x156: {  	v1 =	vmax.f32 @!p0 v1, v3;
	v4 =	vperm.xlane @!p0 v4, v0;
	v11, _, _ =	vpop @!p0 (xrf1);
	(xrf1) =	vsort.ascd.msk.f32 @!p0 $0xffff, v12, v12  }
0x157: {  	v3, _, _ =	vpop @!p0 (xrf1);
	(xrf1) =	vsort.ascd.msk.f32 @!p0 $0xffff, v1, v1;
	v1 =	vmax.f32 @!p0 v15, v8;
	v8 =	vmax.f32 @!p0 v9, v10  }
0x158: {  	v7 =	vperm.xlane @!p0 v7, v0;
	v9, _, _ =	vpop @!p0 (xrf1)  }
0x159: {  	v12 =	vmin.f32 @!p0 v1, v8;
	v10, _, _ =	vpop @!p0 (xrf1)  }
0x15a: {  	v2 =	vmax.f32 @!p0 v2, v7;
	v1 =	vmax.f32 @!p0 v1, v8;
	(xrf1) =	vsort.ascd.msk.f32 @!p0 $0xffff, v12, v12;
	v8, _, _ =	vpop @!p0 (xrf1)  }
0x15b: {  	(xrf1) =	vsort.ascd.msk.f32 @!p0 $0xffff, v1, v1;
	v1 =	vmax.f32 @!p0 v6, v4;
	v6 =	vperm.xlane @!p0 v9, v0;
	v4, _, _ =	vpop @!p0 (xrf1)  }
0x15c: {  	v7, _, _ =	vpop @!p0 (xrf1)  }
0x15d: {  	v3 =	vperm.xlane @!p0 v3, v0;
	v5 =	vmax.f32 @!p0 v5, v6;
	v6 =	vperm.xlane @!p0 v7, v0  }
0x15e: {  	v9 =	vmin.f32 @!p0 v1, v2;
	v1 =	vmax.f32 @!p0 v1, v2;
	v2, _, _ =	vpop @!p0 (xrf1)  }
0x15f: {  	v3 =	vmax.f32 @!p0 v11, v3;
	(xrf1) =	vsort.ascd.msk.f32 @!p0 $0xffff, v9, v9;
	v7, _, _ =	vpop @!p0 (xrf1)  }
0x160: {  	v9 =	vmin.f32 @!p0 v5, v3;
	(xrf1) =	vsort.ascd.msk.f32 @!p0 $0xffff, v1, v1;
	v1 =	vperm.xlane @!p0 v4, v0;
	v4, _, _ =	vpop @!p0 (xrf1)  }
0x161: {  	v3 =	vmax.f32 @!p0 v5, v3;
	(xrf1) =	vsort.ascd.msk.f32 @!p0 $0xffff, v9, v9;
	v5 =	vmax.f32 @!p0 v10, v6;
	v6, _, _ =	vpop @!p0 (xrf1)  }
0x162: {  	v1 =	vmax.f32 @!p0 v8, v1;
	v4 =	vperm.xlane @!p0 v4, v0;
	v6 =	vperm.xlane @!p0 v6, v0  }
0x163: {  	(xrf1) =	vsort.ascd.msk.f32 @!p0 $0xffff, v3, v3;
	v3 =	vmin.f32 @!p0 v5, v1;
	v1 =	vmax.f32 @!p0 v5, v1  }
0x164: {  	(xrf1) =	vsort.ascd.msk.f32 @!p0 $0xffff, v3, v3;
	v3 =	vmax.f32 @!p0 v7, v4;
	v2 =	vmax.f32 @!p0 v2, v6  }
0x165: {  	(xrf1) =	vsort.ascd.msk.f32 @!p0 $0xffff, v1, v1;
	v1 =	vmin.f32 @!p0 v2, v3  }
0x166: {  	v2 =	vmax.f32 @!p0 v2, v3;
	_ =	sdelay $0x1  }
0x167: {  	(xrf1) =	vsort.ascd.msk.f32 @!p0 $0xffff, v1, v1;
	v1, _, _ =	vpop @!p0 (xrf1)  }
0x168: {  	(xrf1) =	vsort.ascd.msk.f32 @!p0 $0xffff, v2, v2;
	v2, _, _ =	vpop @!p0 (xrf1)  }
0x169: {  	v3, _, _ =	vpop @!p0 (xrf1)  }
0x16a: {  	v4, _, _ =	vpop @!p0 (xrf1)  }
0x16b: {  	v5, _, _ =	vpop @!p0 (xrf1)  }
0x16c: {  	v6, _, _ =	vpop @!p0 (xrf1)  }
0x16d: {  	v3 =	vperm.xlane @!p0 v3, v0;
	v7, _, _ =	vpop @!p0 (xrf1)  }
0x16e: {  	v8, _, _ =	vpop @!p0 (xrf1)  }
0x16f: {  	v4 =	vperm.xlane @!p0 v4, v0;
	v9, _, _ =	vpop @!p0 (xrf1)  }
0x170: {  	v2 =	vmax.f32 @!p0 v2, v3;
	v10, _, _ =	vpop @!p0 (xrf1)  }
0x171: {  	v1 =	vmax.f32 @!p0 v1, v4;
	v7 =	vperm.xlane @!p0 v7, v0;
	v4 =	vperm.xlane @!p0 v8, v0;
	v3, _, _ =	vpop @!p0 (xrf1)  }
0x172: {  	v11 =	vmin.f32 @!p0 v1, v2;
	v8, _, _ =	vpop @!p0 (xrf1)  }
0x173: {  	v4 =	vmax.f32 @!p0 v5, v4;
	v5 =	vmax.f32 @!p0 v6, v7;
	v6 =	vperm.xlane @!p0 v8, v0  }
0x174: {  	v1 =	vmax.f32 @!p0 v1, v2;
	(xrf1) =	vsort.ascd.msk.f32 @!p0 $0xffff, v11, v11;
	v2, _, _ =	vpop @!p0 (xrf1)  }
0x175: {  	(xrf1) =	vsort.ascd.msk.f32 @!p0 $0xffff, v1, v1;
	v1 =	vperm.xlane @!p0 v3, v0;
	v7, _, _ =	vpop @!p0 (xrf1)  }
0x176: {  	v8 =	vmin.f32 @!p0 v4, v5;
	v4 =	vmax.f32 @!p0 v4, v5;
	v3, _, _ =	vpop @!p0 (xrf1)  }
0x177: {  	(xrf1) =	vsort.ascd.msk.f32 @!p0 $0xffff, v8, v8;
	v1 =	vmax.f32 @!p0 v10, v1;
	v5 =	vmax.f32 @!p0 v9, v6;
	v6, _, _ =	vpop @!p0 (xrf1)  }
0x178: {  	(xrf1) =	vsort.ascd.msk.f32 @!p0 $0xffff, v4, v4;
	v3 =	vperm.xlane @!p0 v3, v0;
	v6 =	vperm.xlane @!p0 v6, v0  }
0x179: {  	v4 =	vmin.f32 @!p0 v5, v1;
	v1 =	vmax.f32 @!p0 v5, v1  }
0x17a: {  	(xrf1) =	vsort.ascd.msk.f32 @!p0 $0xffff, v4, v4;
	v3 =	vmax.f32 @!p0 v7, v3;
	v2 =	vmax.f32 @!p0 v2, v6  }
0x17b: {  	(xrf1) =	vsort.ascd.msk.f32 @!p0 $0xffff, v1, v1;
	v1 =	vmin.f32 @!p0 v2, v3  }
0x17c: {  	v2 =	vmax.f32 @!p0 v2, v3;
	(xrf1) =	vsort.ascd.msk.f32 @!p0 $0xffff, v1, v1  }
0x17d: {  	(xrf1) =	vsort.ascd.msk.f32 @!p0 $0xffff, v2, v2;
	_ =	sdelay $0x5  }
0x17e: {  	v1, _, _ =	vpop @!p0 (xrf1)  }
0x17f: {  	v2, _, _ =	vpop @!p0 (xrf1)  }
0x180: {  	v3, _, _ =	vpop @!p0 (xrf1)  }
0x181: {  	v4, _, _ =	vpop @!p0 (xrf1)  }
0x182: {  	v4 =	vperm.xlane @!p0 v4, v0  }
0x183: {  	v5, _, _ =	vpop @!p0 (xrf1)  }
0x184: {  	v6, _, _ =	vpop @!p0 (xrf1)  }
0x185: {  	v3 =	vperm.xlane @!p0 v3, v0;
	v7, _, _ =	vpop @!p0 (xrf1)  }
0x186: {  	v1 =	vmax.f32 @!p0 v1, v4;
	v4, _, _ =	vpop @!p0 (xrf1)  }
0x187: {  	v2 =	vmax.f32 @!p0 v2, v3;
	v3 =	vperm.xlane @!p0 v4, v0;
	v4 =	vperm.xlane @!p0 v7, v0  }
0x188: {  	v7 =	vmin.f32 @!p0 v1, v2;
	v1 =	vmax.f32 @!p0 v1, v2  }
0x189: {  	(xrf1) =	vsort.ascd.msk.f32 @!p0 $0xffff, v7, v7;
	v2 =	vmax.f32 @!p0 v5, v3;
	v3 =	vmax.f32 @!p0 v6, v4  }
0x18a: {  	(xrf1) =	vsort.ascd.msk.f32 @!p0 $0xffff, v1, v1;
	v1 =	vmin.f32 @!p0 v2, v3  }
0x18b: {  	v2 =	vmax.f32 @!p0 v2, v3;
	(xrf1) =	vsort.ascd.msk.f32 @!p0 $0xffff, v1, v1  }
0x18c: {  	(xrf1) =	vsort.ascd.msk.f32 @!p0 $0xffff, v2, v2;
	_ =	sdelay $0xa  }
0x18d: {  	v1, _, _ =	vpop @!p0 (xrf1)  }
0x18e: {  	v2, _, _ =	vpop @!p0 (xrf1)  }
0x18f: {  	v3, _, _ =	vpop @!p0 (xrf1)  }
0x190: {  	v4, _, _ =	vpop @!p0 (xrf1)  }
0x191: {  	v3 =	vperm.xlane @!p0 v3, v0;
	v4 =	vperm.xlane @!p0 v4, v0  }
0x192: {  	v9 =	vld [tilespmem:$0x1F970]  }
0x193: {  	v2 =	vmax.f32 @!p0 v2, v3;
	v3 =	vld [tilespmem:$0x1F950];
	v1 =	vmax.f32 @!p0 v1, v4  }
0x194: {  	v4 =	vmin.f32 @!p0 v1, v2;
	v1 =	vmax.f32 @!p0 v1, v2;
	v2 =	vld [tilespmem:$0x1F960]  }
0x195: {  	v10 =	vld [tilespmem:$0x1F990];
	_ =	sdelay $0x2  }
0x196: {  	v11 =	vld [tilespmem:$0x1F9B0];
	(xrf1) =	vsort.ascd.msk.f32 @!p0 $0xffff, v4, v4;
	v3 =	vsub.f32 @!p0 $0.0e+00, v3  }
0x197: {  	vm15 =	vnez.u8 v9;
	(xrf1) =	vsort.ascd.msk.f32 @!p0 $0xffff, v1, v1;
	v1 =	vld [tilespmem:$0x1F980];
	v2 =	vsub.f32 @!p0 $0.0e+00, v2  }
0x198: {  	v12 =	vld [tilespmem:$0x1F9D0];
	v3 =	vsel @!p0 vm15, $0xC0400000, v3;
	vm15 =	vnez.u8 v10  }
0x199: {  	(xrf1) =	vsort.ascd.msk.f32 @!p0 $0xffff, v3, v3;
	v3 =	vld [tilespmem:$0x1F9A0];
	v2 =	vsel @!p0 vm15, $0xC0400000, v2  }
0x19a: {  	(xrf1) =	vsort.ascd.msk.f32 @!p0 $0xffff, v2, v2;
	v2 =	vld [tilespmem:$0x1F9C0]  }
0x19b: {  	v13 =	vld [tilespmem:$0x1F9F0]  }
0x19c: {  	v1 =	vsub.f32 @!p0 $0.0e+00, v1  }
0x19d: {  	vm15 =	vnez.u8 v11  }
0x19e: {  	v14 =	vld [tilespmem:$0x1FA10];
	v1 =	vsel @!p0 vm15, $0xC0400000, v1;
	v3 =	vsub.f32 @!p0 $0.0e+00, v3  }
0x19f: {  	vm15 =	vnez.u8 v12;
	(xrf1) =	vsort.ascd.msk.f32 @!p0 $0xffff, v1, v1;
	v1 =	vld [tilespmem:$0x1F9E0];
	v2 =	vsub.f32 @!p0 $0.0e+00, v2  }
0x1a0: {  	v15 =	vld [tilespmem:$0x1FA30];
	v3 =	vsel @!p0 vm15, $0xC0400000, v3;
	vm15 =	vnez.u8 v13  }
0x1a1: {  	(xrf1) =	vsort.ascd.msk.f32 @!p0 $0xffff, v3, v3;
	v3 =	vld [tilespmem:$0x1FA00];
	v2 =	vsel @!p0 vm15, $0xC0400000, v2  }
0x1a2: {  	(xrf1) =	vsort.ascd.msk.f32 @!p0 $0xffff, v2, v2;
	v2 =	vld [tilespmem:$0x1FA20]  }
0x1a3: {  	v16 =	vld [tilespmem:$0x1FA50]  }
0x1a4: {  	v1 =	vsub.f32 @!p0 $0.0e+00, v1  }
0x1a5: {  	vm15 =	vnez.u8 v14  }
0x1a6: {  	v17 =	vld [tilespmem:$0x1FA70];
	v1 =	vsel @!p0 vm15, $0xC0400000, v1;
	v3 =	vsub.f32 @!p0 $0.0e+00, v3  }
0x1a7: {  	vm15 =	vnez.u8 v15;
	(xrf1) =	vsort.ascd.msk.f32 @!p0 $0xffff, v1, v1;
	v1 =	vld [tilespmem:$0x1FA40];
	v2 =	vsub.f32 @!p0 $0.0e+00, v2  }
0x1a8: {  	v18 =	vld [tilespmem:$0x1FA90];
	v3 =	vsel @!p0 vm15, $0xC0400000, v3;
	vm15 =	vnez.u8 v16  }
0x1a9: {  	(xrf1) =	vsort.ascd.msk.f32 @!p0 $0xffff, v3, v3;
	v3 =	vld [tilespmem:$0x1FA60];
	v2 =	vsel @!p0 vm15, $0xC0400000, v2  }
0x1aa: {  	(xrf1) =	vsort.ascd.msk.f32 @!p0 $0xffff, v2, v2;
	v2 =	vld [tilespmem:$0x1FA80]  }
0x1ab: {  	v19 =	vld [tilespmem:$0x1FAB0]  }
0x1ac: {  	v1 =	vsub.f32 @!p0 $0.0e+00, v1  }
0x1ad: {  	vm15 =	vnez.u8 v17  }
0x1ae: {  	v20 =	vld [tilespmem:$0x1FAD0];
	v1 =	vsel @!p0 vm15, $0xC0400000, v1;
	v3 =	vsub.f32 @!p0 $0.0e+00, v3  }
0x1af: {  	vm15 =	vnez.u8 v18;
	(xrf1) =	vsort.ascd.msk.f32 @!p0 $0xffff, v1, v1;
	v1 =	vld [tilespmem:$0x1FAA0];
	v2 =	vsub.f32 @!p0 $0.0e+00, v2  }
0x1b0: {  	v21 =	vld [tilespmem:$0x1FAF0];
	v3 =	vsel @!p0 vm15, $0xC0400000, v3;
	vm15 =	vnez.u8 v19  }
0x1b1: {  	(xrf1) =	vsort.ascd.msk.f32 @!p0 $0xffff, v3, v3;
	v3 =	vld [tilespmem:$0x1FAC0];
	v2 =	vsel @!p0 vm15, $0xC0400000, v2  }
0x1b2: {  	(xrf1) =	vsort.ascd.msk.f32 @!p0 $0xffff, v2, v2;
	v2 =	vld [tilespmem:$0x1FAE0]  }
0x1b3: {  	v22 =	vld [tilespmem:$0x1FB10]  }
0x1b4: {  	v1 =	vsub.f32 @!p0 $0.0e+00, v1  }
0x1b5: {  	vm15 =	vnez.u8 v20  }
0x1b6: {  	v1 =	vsel @!p0 vm15, $0xC0400000, v1;
	v3 =	vsub.f32 @!p0 $0.0e+00, v3  }
0x1b7: {  	vm15 =	vnez.u8 v21;
	(xrf1) =	vsort.ascd.msk.f32 @!p0 $0xffff, v1, v1;
	v1 =	vld [tilespmem:$0x1FB00];
	v2 =	vsub.f32 @!p0 $0.0e+00, v2  }
0x1b8: {  	v23 =	vld [tilespmem:$0x1FB30];
	v3 =	vsel @!p0 vm15, $0xC0400000, v3;
	vm15 =	vnez.u8 v22  }
0x1b9: {  	(xrf1) =	vsort.ascd.msk.f32 @!p0 $0xffff, v3, v3;
	v2 =	vsel @!p0 vm15, $0xC0400000, v2  }
0x1ba: {  	(xrf1) =	vsort.ascd.msk.f32 @!p0 $0xffff, v2, v2;
	v2 =	vld [tilespmem:$0x1FB40];
	_ =	sdelay $0x1  }
0x1bb: {  	v3 =	vld [tilespmem:$0x1FB20];
	v1 =	vsub.f32 @!p0 $0.0e+00, v1  }
0x1bc: {  	v24 =	vld [tilespmem:$0x1FB50];
	vm15 =	vnez.u8 v23  }
0x1bd: {  	v1 =	vsel @!p0 vm15, $0xC0400000, v1  }
0x1be: {  	v4 =	vsub.f32 @!p0 $0.0e+00, v2;
	v2, _, _ =	vpop @!p0 (xrf1);
	(xrf1) =	vsort.ascd.msk.f32 @!p0 $0xffff, v1, v1;
	v1 =	vld [tilespmem:$0x1FB60];
	_ =	sdelay $0x1  }
0x1bf: {  	v3 =	vsub.f32 @!p0 $0.0e+00, v3  }
0x1c0: {  	v25 =	vld [tilespmem:$0x1FB70];
	vm15 =	vnez.u8 v24  }
0x1c1: {  	v3 =	vsel @!p0 vm15, $0xC0400000, v3  }
0x1c2: {  	v5 =	vsub.f32 @!p0 $0.0e+00, v1;
	v1, _, _ =	vpop @!p0 (xrf1);
	(xrf1) =	vsort.ascd.msk.f32 @!p0 $0xffff, v3, v3;
	v3 =	vld [tilespmem:$0x1FB80];
	_ =	sdelay $0x2  }
0x1c3: {  	vm15 =	vnez.u8 v25  }
0x1c4: {  	v4 =	vsel @!p0 vm15, $0xC0400000, v4  }
0x1c5: {  	v6 =	vsub.f32 @!p0 $0.0e+00, v3;
	v3, _, _ =	vpop @!p0 (xrf1);
	(xrf1) =	vsort.ascd.msk.f32 @!p0 $0xffff, v4, v4;
	v4 =	vld [tilespmem:$0x1FBA0];
	_ =	sdelay $0x1  }
0x1c6: {  	v26 =	vld [tilespmem:$0x1FB90]  }
0x1c7: {  	v27 =	vld [tilespmem:$0x1FBB0]  }
0x1c8: {  	v28 =	vld [tilespmem:$0x1FBD0]  }
0x1c9: {  	v7 =	vsub.f32 @!p0 $0.0e+00, v4;
	v4 =	vld [tilespmem:$0x1FBC0]  }
0x1ca: {  	v29 =	vld [tilespmem:$0x1FBF0];
	_ =	sdelay $0x1  }
0x1cb: {  	vm15 =	vnez.u8 v26  }
0x1cc: {  	v8 =	vld [tilespmem:$0x1FBE0];
	v5 =	vsel @!p0 vm15, $0xC0400000, v5;
	vm15 =	vnez.u8 v27  }
0x1cd: {  	v30 =	vld [tilespmem:$0x1FC10];
	v15, _, _ =	vpop @!p0 (xrf1);
	(xrf1) =	vsort.ascd.msk.f32 @!p0 $0xffff, v5, v5;
	v6 =	vsel @!p0 vm15, $0xC0400000, v6;
	vm15 =	vnez.u8 v28;
	v5 =	vsub.f32 @!p0 $0.0e+00, v4  }
0x1ce: {  	v7 =	vsel @!p0 vm15, $0xC0400000, v7;
	vm15 =	vnez.u8 v29  }
0x1cf: {  	v4, _, _ =	vpop @!p0 (xrf1);
	(xrf1) =	vsort.ascd.msk.f32 @!p0 $0xffff, v6, v6;
	v6 =	vsel @!p0 vm15, $0xC0400000, v5;
	v5 =	vld [tilespmem:$0x1FC00];
	_ =	sdelay $0x1  }
0x1d0: {  	v31 =	vld [tilespmem:$0x1FC30];
	v8 =	vsub.f32 @!p0 $0.0e+00, v8  }
0x1d1: {  	v32 =	vld [tilespmem:$0x1FC50];
	vm15 =	vnez.u8 v30  }
0x1d2: {  	v17, _, _ =	vpop @!p0 (xrf1);
	(xrf1) =	vsort.ascd.msk.f32 @!p0 $0xffff, v7, v7;
	v7 =	vsel @!p0 vm15, $0xC0400000, v8;
	v8 =	vld [tilespmem:$0x1FC20]  }
0x1d3: {  	v9 =	vsub.f32 @!p0 $0.0e+00, v5;
	v5, _, _ =	vpop @!p0 (xrf1);
	(xrf1) =	vsort.ascd.msk.f32 @!p0 $0xffff, v6, v6;
	v6 =	vld [tilespmem:$0x1FC40]  }
0x1d4: {  	v33 =	vld [tilespmem:$0x1FC70];
	_ =	sdelay $0x2  }
0x1d5: {  	vm15 =	vnez.u8 v31;
	v8 =	vsub.f32 @!p0 $0.0e+00, v8  }
0x1d6: {  	v34 =	vld [tilespmem:$0x1FC90];
	v9 =	vsel @!p0 vm15, $0xC0400000, v9;
	vm15 =	vnez.u8 v32;
	v10 =	vsub.f32 @!p0 $0.0e+00, v6  }
0x1d7: {  	v19, _, _ =	vpop @!p0 (xrf1);
	(xrf1) =	vsort.ascd.msk.f32 @!p0 $0xffff, v7, v7;
	v7 =	vsel @!p0 vm15, $0xC0400000, v8;
	v8 =	vld [tilespmem:$0x1FC60];
	vm15 =	vnez.u8 v33  }
0x1d8: {  	v6, _, _ =	vpop @!p0 (xrf1);
	(xrf1) =	vsort.ascd.msk.f32 @!p0 $0xffff, v9, v9;
	v9 =	vsel @!p0 vm15, $0xC0400000, v10;
	v10 =	vld [tilespmem:$0x1FC80]  }
0x1d9: {  	v35 =	vld [tilespmem:$0x1FCB0];
	_ =	sdelay $0x2  }
0x1da: {  	v36 =	vld [tilespmem:$0x1FCD0];
	v8 =	vsub.f32 @!p0 $0.0e+00, v8  }
0x1db: {  	v37 =	vld [tilespmem:$0x1FCF0];
	vm15 =	vnez.u8 v34;
	v10 =	vsub.f32 @!p0 $0.0e+00, v10  }
0x1dc: {  	v11 =	vld [tilespmem:$0x1FCA0];
	v21, _, _ =	vpop @!p0 (xrf1);
	(xrf1) =	vsort.ascd.msk.f32 @!p0 $0xffff, v7, v7;
	v8 =	vsel @!p0 vm15, $0xC0400000, v8;
	vm15 =	vnez.u8 v35  }
0x1dd: {  	v7, _, _ =	vpop @!p0 (xrf1);
	(xrf1) =	vsort.ascd.msk.f32 @!p0 $0xffff, v9, v9;
	v9 =	vsel @!p0 vm15, $0xC0400000, v10;
	v10 =	vld [tilespmem:$0x1FCC0]  }
0x1de: {  	v12 =	vld [tilespmem:$0x1FCE0]  }
0x1df: {  	v38 =	vld [tilespmem:$0x1FD10]  }
0x1e0: {  	v23, _, _ =	vpop @!p0 (xrf1);
	(xrf1) =	vsort.ascd.msk.f32 @!p0 $0xffff, v8, v8  }
0x1e1: {  	v11 =	vsub.f32 @!p0 $0.0e+00, v11;
	v8, _, _ =	vpop @!p0 (xrf1);
	(xrf1) =	vsort.ascd.msk.f32 @!p0 $0xffff, v9, v9;
	v9 =	vld [tilespmem:$0x1FD00]  }
0x1e2: {  	vm15 =	vnez.u8 v36;
	v10 =	vsub.f32 @!p0 $0.0e+00, v10  }
0x1e3: {  	v39 =	vld [tilespmem:$0x1FD30];
	v12 =	vsub.f32 @!p0 $0.0e+00, v12;
	v11 =	vsel @!p0 vm15, $0xC0400000, v11;
	vm15 =	vnez.u8 v37  }
0x1e4: {  	v40 =	vld [tilespmem:$0x1FD50];
	v10 =	vsel @!p0 vm15, $0xC0400000, v10;
	vm15 =	vnez.u8 v38  }
0x1e5: {  	v25, _, _ =	vpop @!p0 (xrf1);
	(xrf1) =	vsort.ascd.msk.f32 @!p0 $0xffff, v11, v11;
	v11 =	vsel @!p0 vm15, $0xC0400000, v12;
	v12 =	vld [tilespmem:$0x1FD20]  }
0x1e6: {  	v13 =	vsub.f32 @!p0 $0.0e+00, v9;
	v9, _, _ =	vpop @!p0 (xrf1);
	(xrf1) =	vsort.ascd.msk.f32 @!p0 $0xffff, v10, v10;
	v10 =	vld [tilespmem:$0x1FD40]  }
0x1e7: {  	v41 =	vld [tilespmem:$0x1FD70];
	_ =	sdelay $0x2  }
0x1e8: {  	vm15 =	vnez.u8 v39;
	v12 =	vsub.f32 @!p0 $0.0e+00, v12  }
0x1e9: {  	v42 =	vld [tilespmem:$0x1FD90];
	v13 =	vsel @!p0 vm15, $0xC0400000, v13;
	vm15 =	vnez.u8 v40;
	v14 =	vsub.f32 @!p0 $0.0e+00, v10  }
0x1ea: {  	v27, _, _ =	vpop @!p0 (xrf1);
	(xrf1) =	vsort.ascd.msk.f32 @!p0 $0xffff, v11, v11;
	v11 =	vsel @!p0 vm15, $0xC0400000, v12;
	v12 =	vld [tilespmem:$0x1FD60];
	vm15 =	vnez.u8 v41  }
0x1eb: {  	v10, _, _ =	vpop @!p0 (xrf1);
	(xrf1) =	vsort.ascd.msk.f32 @!p0 $0xffff, v13, v13;
	v13 =	vsel @!p0 vm15, $0xC0400000, v14;
	v14 =	vld [tilespmem:$0x1FD80]  }
0x1ec: {  	v43 =	vld [tilespmem:$0x1FDB0];
	_ =	sdelay $0x2  }
0x1ed: {  	v44 =	vld [tilespmem:$0x1FDD0];
	v12 =	vsub.f32 @!p0 $0.0e+00, v12  }
0x1ee: {  	v45 =	vld [tilespmem:$0x1FDF0];
	vm15 =	vnez.u8 v42;
	v14 =	vsub.f32 @!p0 $0.0e+00, v14  }
0x1ef: {  	v16 =	vld [tilespmem:$0x1FDA0];
	v29, _, _ =	vpop @!p0 (xrf1);
	(xrf1) =	vsort.ascd.msk.f32 @!p0 $0xffff, v11, v11;
	v12 =	vsel @!p0 vm15, $0xC0400000, v12;
	vm15 =	vnez.u8 v43  }
0x1f0: {  	v11, _, _ =	vpop @!p0 (xrf1);
	(xrf1) =	vsort.ascd.msk.f32 @!p0 $0xffff, v13, v13;
	v13 =	vsel @!p0 vm15, $0xC0400000, v14;
	v14 =	vld [tilespmem:$0x1FDC0]  }
0x1f1: {  	v18 =	vld [tilespmem:$0x1FDE0]  }
0x1f2: {  	v46 =	vld [tilespmem:$0x1FE10]  }
0x1f3: {  	v31, _, _ =	vpop @!p0 (xrf1);
	(xrf1) =	vsort.ascd.msk.f32 @!p0 $0xffff, v12, v12  }
0x1f4: {  	v16 =	vsub.f32 @!p0 $0.0e+00, v16;
	v12, _, _ =	vpop @!p0 (xrf1);
	(xrf1) =	vsort.ascd.msk.f32 @!p0 $0xffff, v13, v13;
	v13 =	vld [tilespmem:$0x1FE00]  }
0x1f5: {  	vm15 =	vnez.u8 v44;
	v14 =	vsub.f32 @!p0 $0.0e+00, v14  }
0x1f6: {  	v47 =	vld [tilespmem:$0x1FE30];
	v18 =	vsub.f32 @!p0 $0.0e+00, v18;
	v16 =	vsel @!p0 vm15, $0xC0400000, v16;
	vm15 =	vnez.u8 v45  }
0x1f7: {  	v48 =	vld [tilespmem:$0x1FE50];
	v14 =	vsel @!p0 vm15, $0xC0400000, v14;
	vm15 =	vnez.u8 v46  }
0x1f8: {  	v33, _, _ =	vpop @!p0 (xrf1);
	(xrf1) =	vsort.ascd.msk.f32 @!p0 $0xffff, v16, v16;
	v16 =	vsel @!p0 vm15, $0xC0400000, v18;
	v18 =	vld [tilespmem:$0x1FE20]  }
0x1f9: {  	v20 =	vsub.f32 @!p0 $0.0e+00, v13;
	v13, _, _ =	vpop @!p0 (xrf1);
	(xrf1) =	vsort.ascd.msk.f32 @!p0 $0xffff, v14, v14;
	v14 =	vld [tilespmem:$0x1FE40]  }
0x1fa: {  	v49 =	vld [tilespmem:$0x1FE70];
	_ =	sdelay $0x2  }
0x1fb: {  	vm15 =	vnez.u8 v47;
	v18 =	vsub.f32 @!p0 $0.0e+00, v18  }
0x1fc: {  	v50 =	vld [tilespmem:$0x1FE90];
	v20 =	vsel @!p0 vm15, $0xC0400000, v20;
	vm15 =	vnez.u8 v48;
	v22 =	vsub.f32 @!p0 $0.0e+00, v14  }
0x1fd: {  	v35, _, _ =	vpop @!p0 (xrf1);
	(xrf1) =	vsort.ascd.msk.f32 @!p0 $0xffff, v16, v16;
	v16 =	vsel @!p0 vm15, $0xC0400000, v18;
	v18 =	vld [tilespmem:$0x1FE60];
	vm15 =	vnez.u8 v49  }
0x1fe: {  	v14, _, _ =	vpop @!p0 (xrf1);
	(xrf1) =	vsort.ascd.msk.f32 @!p0 $0xffff, v20, v20;
	v20 =	vsel @!p0 vm15, $0xC0400000, v22;
	v22 =	vld [tilespmem:$0x1FE80]  }
0x1ff: {  	v51 =	vld [tilespmem:$0x1FEB0];
	_ =	sdelay $0x2  }
0x200: {  	v52 =	vld [tilespmem:$0x1FED0];
	v18 =	vsub.f32 @!p0 $0.0e+00, v18  }
0x201: {  	v53 =	vld [tilespmem:$0x1FEF0];
	vm15 =	vnez.u8 v50;
	v22 =	vsub.f32 @!p0 $0.0e+00, v22  }
0x202: {  	v24 =	vld [tilespmem:$0x1FEA0];
	v38, _, _ =	vpop @!p0 (xrf1);
	(xrf1) =	vsort.ascd.msk.f32 @!p0 $0xffff, v16, v16;
	v18 =	vsel @!p0 vm15, $0xC0400000, v18;
	vm15 =	vnez.u8 v51  }
0x203: {  	v16, _, _ =	vpop @!p0 (xrf1);
	(xrf1) =	vsort.ascd.msk.f32 @!p0 $0xffff, v20, v20;
	v20 =	vsel @!p0 vm15, $0xC0400000, v22;
	v22 =	vld [tilespmem:$0x1FEC0]  }
0x204: {  	v26 =	vld [tilespmem:$0x1FEE0]  }
0x205: {  	v54 =	vld [tilespmem:$0x1FF10];
	_ =	sdelay $0x1  }
0x206: {  	v24 =	vsub.f32 @!p0 $0.0e+00, v24;
	v39, _, _ =	vpop @!p0 (xrf1);
	(xrf1) =	vsort.ascd.msk.f32 @!p0 $0xffff, v18, v18  }
0x207: {  	vm15 =	vnez.u8 v52;
	v18, _, _ =	vpop @!p0 (xrf1);
	(xrf1) =	vsort.ascd.msk.f32 @!p0 $0xffff, v20, v20;
	v20 =	vld [tilespmem:$0x1FF00];
	v22 =	vsub.f32 @!p0 $0.0e+00, v22  }
0x208: {  	v26 =	vsub.f32 @!p0 $0.0e+00, v26;
	v24 =	vsel @!p0 vm15, $0xC0400000, v24;
	vm15 =	vnez.u8 v53  }
0x209: {  	v55 =	vld [tilespmem:$0x1FF30];
	v22 =	vsel @!p0 vm15, $0xC0400000, v22;
	vm15 =	vnez.u8 v54  }
0x20a: {  	v40, _, _ =	vpop @!p0 (xrf1);
	(xrf1) =	vsort.ascd.msk.f32 @!p0 $0xffff, v24, v24;
	v24 =	vsel @!p0 vm15, $0xC0400000, v26;
	v26 =	vld [tilespmem:$0x1FF20]  }
0x20b: {  	v56 =	vld [tilespmem:$0x1FF50]  }
0x20c: {  	v28 =	vsub.f32 @!p0 $0.0e+00, v20;
	v20, _, _ =	vpop @!p0 (xrf1);
	(xrf1) =	vsort.ascd.msk.f32 @!p0 $0xffff, v22, v22;
	v22 =	vld [tilespmem:$0x1FF40]  }
0x20d: {  	v57 =	vld [tilespmem:$0x1FF70];
	_ =	sdelay $0x1  }
0x20e: {  	vm15 =	vnez.u8 v55;
	v26 =	vsub.f32 @!p0 $0.0e+00, v26  }
0x20f: {  	v28 =	vsel @!p0 vm15, $0xC0400000, v28;
	vm15 =	vnez.u8 v56  }
0x210: {  	v41, _, _ =	vpop @!p0 (xrf1);
	(xrf1) =	vsort.ascd.msk.f32 @!p0 $0xffff, v24, v24;
	v30 =	vsub.f32 @!p0 $0.0e+00, v22;
	v24 =	vsel @!p0 vm15, $0xC0400000, v26;
	v26 =	vld [tilespmem:$0x1FF60]  }
0x211: {  	vm15 =	vnez.u8 v57  }
0x212: {  	v22, _, _ =	vpop @!p0 (xrf1);
	(xrf1) =	vsort.ascd.msk.f32 @!p0 $0xffff, v28, v28;
	v28 =	vsel @!p0 vm15, $0xC0400000, v30;
	v30 =	vld [tilespmem:$0x1FF80]  }
0x213: {  	v32 =	vld [tilespmem:$0x1FF90]  }
0x214: {  	v34 =	vld [tilespmem:$0x1FFB0]  }
0x215: {  	v26 =	vsub.f32 @!p0 $0.0e+00, v26;
	_ =	sdelay $0x1  }
0x216: {  	v42, _, _ =	vpop @!p0 (xrf1);
	(xrf1) =	vsort.ascd.msk.f32 @!p0 $0xffff, v24, v24;
	v30 =	vsub.f32 @!p0 $0.0e+00, v30;
	v26 =	vsel @!p0 vm14, $0xC0400000, v26  }
0x217: {  	v32 =	vsub.f32 @!p0 $0.0e+00, v32;
	v24, _, _ =	vpop @!p0 (xrf1);
	(xrf1) =	vsort.ascd.msk.f32 @!p0 $0xffff, v28, v28  }
0x218: {  	v34 =	vsub.f32 @!p0 $0.0e+00, v34;
	v43, _, _ =	vpop @!p0 (xrf1);
	v28 =	vsel @!p0 vm13, $0xC0400000, v30;
	v30 =	vld [tilespmem:$0x1FFA0];
	(xrf1) =	vsort.ascd.msk.f32 @!p0 $0xffff, v26, v26  }
0x219: {  	v32 =	vsel @!p0 vm12, $0xC0400000, v32;
	v26, _, _ =	vpop @!p0 (xrf1);
	(xrf1) =	vsort.ascd.msk.f32 @!p0 $0xffff, v28, v28  }
0x21a: {  	v44, _, _ =	vpop @!p0 (xrf1);
	(xrf1) =	vsort.ascd.msk.f32 @!p0 $0xffff, v32, v32;
	v32 =	vsel @!p0 vm10, $0xC0400000, v34;
	v34 =	vld [tilespmem:$0x1FFD0]  }
0x21b: {  	v28 =	vld [tilespmem:$0x1FFC0];
	_ =	sdelay $0x1  }
0x21c: {  	v30 =	vsub.f32 @!p0 $0.0e+00, v30;
	_ =	sdelay $0x1  }
0x21d: {  	v30 =	vsel @!p0 vm11, $0xC0400000, v30;
	v34 =	vsub.f32 @!p0 $0.0e+00, v34  }
0x21e: {  	v36 =	vsub.f32 @!p0 $0.0e+00, v28;
	v28, _, _ =	vpop @!p0 (xrf1);
	(xrf1) =	vsort.ascd.msk.f32 @!p0 $0xffff, v30, v30;
	v30 =	vld [tilespmem:$0x1FFE0]  }
0x21f: {  	v46, _, _ =	vpop @!p0 (xrf1);
	(xrf1) =	vsort.ascd.msk.f32 @!p0 $0xffff, v32, v32;
	v32 =	vsel @!p0 vm8, $0xC0400000, v34;
	v34 =	vld [tilespmem:$0x1FFF0];
	_ =	sdelay $0x4  }
0x220: {  	v36 =	vsel @!p0 vm9, $0xC0400000, v36;
	v37 =	vsub.f32 @!p0 $0.0e+00, v30;
	v34 =	vsub.f32 @!p0 $0.0e+00, v34  }
0x221: {  	v30, _, _ =	vpop @!p0 (xrf1);
	(xrf1) =	vsort.ascd.msk.f32 @!p0 $0xffff, v36, v36  }
0x222: {  	v47, _, _ =	vpop @!p0 (xrf1);
	(xrf1) =	vsort.ascd.msk.f32 @!p0 $0xffff, v32, v32;
	v36 =	vsel @!p0 vm7, $0xC0400000, v37;
	v37 =	vsub.f32 @!p0 $0.0e+00, v59;
	v34 =	vsel @!p0 vm6, $0xC0400000, v34  }
0x223: {  	v48 =	vsub.f32 @!p0 $0.0e+00, v60;
	v32, _, _ =	vpop @!p0 (xrf1);
	(xrf1) =	vsort.ascd.msk.f32 @!p0 $0xffff, v36, v36  }
0x224: {  	v45, _, _ =	vpop @!p0 (xrf1);
	v36 =	vsel @!p0 vm5, $0xC0400000, v37;
	v37 =	vsub.f32 @!p0 $0.0e+00, v61;
	(xrf1) =	vsort.ascd.msk.f32 @!p0 $0xffff, v34, v34  }
0x225: {  	v48 =	vsel @!p0 vm4, $0xC0400000, v48;
	v50 =	vsub.f32 @!p0 $0.0e+00, v62;
	v34, _, _ =	vpop @!p0 (xrf1);
	(xrf1) =	vsort.ascd.msk.f32 @!p0 $0xffff, v36, v36  }
0x226: {  	v51 =	vsub.f32 @!p0 $0.0e+00, v63;
	v37 =	vsel @!p0 vm2, $0xC0400000, v37;
	v49, _, _ =	vpop @!p0 (xrf1);
	(xrf1) =	vsort.ascd.msk.f32 @!p0 $0xffff, v48, v48  }
0x227: {  	v48 =	vsel @!p0 vm3, $0xC0400000, v50;
	v50 =	vsub.f32 @!p0 $0.0e+00, v58;
	v36, _, _ =	vpop @!p0 (xrf1);
	(xrf1) =	vsort.ascd.msk.f32 @!p0 $0xffff, v37, v37  }
0x228: {  	v51 =	vsel @!p0 vm1, $0xC0400000, v51;
	v53 =	vperm.xlane @!p0 v15, v0;
	v52, _, _ =	vpop @!p0 (xrf1);
	(xrf1) =	vsort.ascd.msk.f32 @!p0 $0xffff, v48, v48  }
0x229: {  	v50 =	vsel @!p0 vm0, $0xC0400000, v50;
	v37, _, _ =	vpop @!p0 (xrf1);
	(xrf1) =	vsort.ascd.msk.f32 @!p0 $0xffff, v51, v51  }
0x22a: {  	v54 =	vperm.xlane @!p0 v17, v0;
	v51 =	vmin.f32 @!p0 v3, v53;
	v48, _, _ =	vpop @!p0 (xrf1);
	(xrf1) =	vsort.ascd.msk.f32 @!p0 $0xffff, v50, v50  }
0x22b: {  	v3 =	vmax.f32 @!p0 v3, v53;
	v15, _, _ =	vpop @!p0 (xrf1);
	(xrf1) =	vsort.ascd.msk.f32 @!p0 $0xffff, v51, v51  }
0x22c: {  	v19 =	vperm.xlane @!p0 v19, v0;
	v50, _, _ =	vpop @!p0 (xrf1);
	(xrf1) =	vsort.ascd.msk.f32 @!p0 $0xffff, v3, v3;
	v3 =	vmin.f32 @!p0 v4, v54  }
0x22d: {  	v53 =	vmax.f32 @!p0 v4, v54;
	v17, _, _ =	vpop @!p0 (xrf1);
	(xrf1) =	vsort.ascd.msk.f32 @!p0 $0xffff, v3, v3  }
0x22e: {  	v3 =	vmin.f32 @!p0 v5, v19;
	v51, _, _ =	vpop @!p0 (xrf1);
	(xrf1) =	vsort.ascd.msk.f32 @!p0 $0xffff, v53, v53;
	v53 =	vperm.xlane @!p0 v21, v0  }
0x22f: {  	v19 =	vmax.f32 @!p0 v5, v19;
	v4, _, _ =	vpop @!p0 (xrf1);
	(xrf1) =	vsort.ascd.msk.f32 @!p0 $0xffff, v3, v3  }
0x230: {  	v21, _, _ =	vpop @!p0 (xrf1);
	(xrf1) =	vsort.ascd.msk.f32 @!p0 $0xffff, v19, v19;
	v3 =	vmin.f32 @!p0 v6, v53;
	v19 =	vperm.xlane @!p0 v23, v0  }
0x231: {  	v53 =	vmax.f32 @!p0 v6, v53;
	v5, _, _ =	vpop @!p0 (xrf1);
	(xrf1) =	vsort.ascd.msk.f32 @!p0 $0xffff, v3, v3  }
0x232: {  	v23, _, _ =	vpop @!p0 (xrf1);
	(xrf1) =	vsort.ascd.msk.f32 @!p0 $0xffff, v53, v53;
	v3 =	vmin.f32 @!p0 v7, v19  }
0x233: {  	v53 =	vperm.xlane @!p0 v25, v0;
	v19 =	vmax.f32 @!p0 v7, v19;
	v6, _, _ =	vpop @!p0 (xrf1);
	(xrf1) =	vsort.ascd.msk.f32 @!p0 $0xffff, v3, v3  }
0x234: {  	v25, _, _ =	vpop @!p0 (xrf1);
	(xrf1) =	vsort.ascd.msk.f32 @!p0 $0xffff, v19, v19;
	v19 =	vperm.xlane @!p0 v27, v0  }
0x235: {  	v3 =	vmin.f32 @!p0 v8, v53;
	v7, _, _ =	vpop @!p0 (xrf1)  }
0x236: {  	v53 =	vmax.f32 @!p0 v8, v53;
	(xrf1) =	vsort.ascd.msk.f32 @!p0 $0xffff, v3, v3;
	v27, _, _ =	vpop @!p0 (xrf1);
	v3 =	vmin.f32 @!p0 v9, v19  }
0x237: {  	(xrf1) =	vsort.ascd.msk.f32 @!p0 $0xffff, v53, v53;
	v53 =	vperm.xlane @!p0 v29, v0;
	v8, _, _ =	vpop @!p0 (xrf1)  }
0x238: {  	v9 =	vmax.f32 @!p0 v9, v19;
	(xrf1) =	vsort.ascd.msk.f32 @!p0 $0xffff, v3, v3;
	v29, _, _ =	vpop @!p0 (xrf1)  }
0x239: {  	v3, _, _ =	vpop @!p0 (xrf1);
	(xrf1) =	vsort.ascd.msk.f32 @!p0 $0xffff, v9, v9;
	v9 =	vmin.f32 @!p0 v10, v53  }
0x23a: {  	v31 =	vperm.xlane @!p0 v31, v0;
	v10 =	vmax.f32 @!p0 v10, v53  }
0x23b: {  	v19, _, _ =	vpop @!p0 (xrf1);
	(xrf1) =	vsort.ascd.msk.f32 @!p0 $0xffff, v9, v9  }
0x23c: {  	v33 =	vperm.xlane @!p0 v33, v0;
	v53 =	vmin.f32 @!p0 v11, v31;
	v9, _, _ =	vpop @!p0 (xrf1);
	(xrf1) =	vsort.ascd.msk.f32 @!p0 $0xffff, v10, v10  }
0x23d: {  	v11 =	vmax.f32 @!p0 v11, v31;
	v10, _, _ =	vpop @!p0 (xrf1);
	(xrf1) =	vsort.ascd.msk.f32 @!p0 $0xffff, v53, v53  }
0x23e: {  	v53 =	vperm.xlane @!p0 v35, v0;
	v31, _, _ =	vpop @!p0 (xrf1);
	(xrf1) =	vsort.ascd.msk.f32 @!p0 $0xffff, v11, v11;
	v11 =	vmin.f32 @!p0 v12, v33  }
0x23f: {  	v12 =	vmax.f32 @!p0 v12, v33  }
0x240: {  	v35, _, _ =	vpop @!p0 (xrf1);
	(xrf1) =	vsort.ascd.msk.f32 @!p0 $0xffff, v11, v11;
	v33 =	vmin.f32 @!p0 v13, v53  }
0x241: {  	v38 =	vperm.xlane @!p0 v38, v0;
	v11, _, _ =	vpop @!p0 (xrf1);
	(xrf1) =	vsort.ascd.msk.f32 @!p0 $0xffff, v12, v12  }
0x242: {  	v13 =	vmax.f32 @!p0 v13, v53;
	v12, _, _ =	vpop @!p0 (xrf1);
	(xrf1) =	vsort.ascd.msk.f32 @!p0 $0xffff, v33, v33  }
0x243: {  	v53 =	vperm.xlane @!p0 v39, v0;
	v33, _, _ =	vpop @!p0 (xrf1);
	(xrf1) =	vsort.ascd.msk.f32 @!p0 $0xffff, v13, v13;
	v13 =	vmin.f32 @!p0 v14, v38  }
0x244: {  	v14 =	vmax.f32 @!p0 v14, v38  }
0x245: {  	v38 =	vmin.f32 @!p0 v16, v53;
	v39, _, _ =	vpop @!p0 (xrf1);
	(xrf1) =	vsort.ascd.msk.f32 @!p0 $0xffff, v13, v13  }
0x246: {  	v40 =	vperm.xlane @!p0 v40, v0;
	v13, _, _ =	vpop @!p0 (xrf1);
	(xrf1) =	vsort.ascd.msk.f32 @!p0 $0xffff, v14, v14  }
0x247: {  	v16 =	vmax.f32 @!p0 v16, v53;
	v14, _, _ =	vpop @!p0 (xrf1);
	(xrf1) =	vsort.ascd.msk.f32 @!p0 $0xffff, v38, v38  }
0x248: {  	v53 =	vperm.xlane @!p0 v41, v0;
	v38, _, _ =	vpop @!p0 (xrf1);
	(xrf1) =	vsort.ascd.msk.f32 @!p0 $0xffff, v16, v16;
	v16 =	vmin.f32 @!p0 v18, v40  }
0x249: {  	v18 =	vmax.f32 @!p0 v18, v40  }
0x24a: {  	v40 =	vmin.f32 @!p0 v20, v53;
	v41, _, _ =	vpop @!p0 (xrf1);
	(xrf1) =	vsort.ascd.msk.f32 @!p0 $0xffff, v16, v16  }
0x24b: {  	v42 =	vperm.xlane @!p0 v42, v0;
	v16, _, _ =	vpop @!p0 (xrf1);
	(xrf1) =	vsort.ascd.msk.f32 @!p0 $0xffff, v18, v18  }
0x24c: {  	v20 =	vmax.f32 @!p0 v20, v53;
	v18, _, _ =	vpop @!p0 (xrf1);
	(xrf1) =	vsort.ascd.msk.f32 @!p0 $0xffff, v40, v40  }
0x24d: {  	v53 =	vperm.xlane @!p0 v43, v0;
	v40, _, _ =	vpop @!p0 (xrf1);
	(xrf1) =	vsort.ascd.msk.f32 @!p0 $0xffff, v20, v20;
	v20 =	vmin.f32 @!p0 v22, v42  }
0x24e: {  	v22 =	vmax.f32 @!p0 v22, v42  }
0x24f: {  	v42 =	vmin.f32 @!p0 v24, v53;
	v43, _, _ =	vpop @!p0 (xrf1);
	(xrf1) =	vsort.ascd.msk.f32 @!p0 $0xffff, v20, v20  }
0x250: {  	v44 =	vperm.xlane @!p0 v44, v0;
	v20, _, _ =	vpop @!p0 (xrf1);
	(xrf1) =	vsort.ascd.msk.f32 @!p0 $0xffff, v22, v22  }
0x251: {  	v24 =	vmax.f32 @!p0 v24, v53;
	v22, _, _ =	vpop @!p0 (xrf1);
	(xrf1) =	vsort.ascd.msk.f32 @!p0 $0xffff, v42, v42  }
0x252: {  	v53 =	vperm.xlane @!p0 v46, v0;
	v42, _, _ =	vpop @!p0 (xrf1);
	(xrf1) =	vsort.ascd.msk.f32 @!p0 $0xffff, v24, v24;
	v24 =	vmin.f32 @!p0 v26, v44  }
0x253: {  	v26 =	vmax.f32 @!p0 v26, v44  }
0x254: {  	v44 =	vmin.f32 @!p0 v28, v53;
	v46, _, _ =	vpop @!p0 (xrf1);
	(xrf1) =	vsort.ascd.msk.f32 @!p0 $0xffff, v24, v24  }
0x255: {  	v47 =	vperm.xlane @!p0 v47, v0;
	v24, _, _ =	vpop @!p0 (xrf1);
	(xrf1) =	vsort.ascd.msk.f32 @!p0 $0xffff, v26, v26  }
0x256: {  	v28 =	vmax.f32 @!p0 v28, v53;
	v26, _, _ =	vpop @!p0 (xrf1);
	(xrf1) =	vsort.ascd.msk.f32 @!p0 $0xffff, v44, v44  }
0x257: {  	v44, _, _ =	vpop @!p0 (xrf1);
	(xrf1) =	vsort.ascd.msk.f32 @!p0 $0xffff, v28, v28;
	v28 =	vmin.f32 @!p0 v30, v47  }
0x258: {  	v45 =	vperm.xlane @!p0 v45, v0;
	v30 =	vmax.f32 @!p0 v30, v47  }
0x259: {  	v47, _, _ =	vpop @!p0 (xrf1);
	(xrf1) =	vsort.ascd.msk.f32 @!p0 $0xffff, v28, v28  }
0x25a: {  	v49 =	vperm.xlane @!p0 v49, v0;
	v53 =	vmin.f32 @!p0 v32, v45;
	v28, _, _ =	vpop @!p0 (xrf1);
	(xrf1) =	vsort.ascd.msk.f32 @!p0 $0xffff, v30, v30  }
0x25b: {  	v32 =	vmax.f32 @!p0 v32, v45;
	v30, _, _ =	vpop @!p0 (xrf1);
	(xrf1) =	vsort.ascd.msk.f32 @!p0 $0xffff, v53, v53  }
0x25c: {  	v45, _, _ =	vpop @!p0 (xrf1);
	(xrf1) =	vsort.ascd.msk.f32 @!p0 $0xffff, v32, v32;
	v32 =	vmin.f32 @!p0 v34, v49  }
0x25d: {  	v52 =	vperm.xlane @!p0 v52, v0;
	v34 =	vmax.f32 @!p0 v34, v49  }
0x25e: {  	v49, _, _ =	vpop @!p0 (xrf1);
	(xrf1) =	vsort.ascd.msk.f32 @!p0 $0xffff, v32, v32  }
0x25f: {  	v54 =	vperm.xlane @!p0 v48, v0;
	v53 =	vmin.f32 @!p0 v36, v52;
	v32, _, _ =	vpop @!p0 (xrf1);
	(xrf1) =	vsort.ascd.msk.f32 @!p0 $0xffff, v34, v34  }
0x260: {  	v36 =	vmax.f32 @!p0 v36, v52;
	v34, _, _ =	vpop @!p0 (xrf1);
	(xrf1) =	vsort.ascd.msk.f32 @!p0 $0xffff, v53, v53  }
0x261: {  	v50 =	vperm.xlane @!p0 v50, v0;
	v48, _, _ =	vpop @!p0 (xrf1);
	(xrf1) =	vsort.ascd.msk.f32 @!p0 $0xffff, v36, v36;
	v36 =	vmin.f32 @!p0 v37, v54  }
0x262: {  	v37 =	vmax.f32 @!p0 v37, v54;
	v52, _, _ =	vpop @!p0 (xrf1);
	(xrf1) =	vsort.ascd.msk.f32 @!p0 $0xffff, v36, v36  }
0x263: {  	(xrf1) =	vsort.ascd.msk.f32 @!p0 $0xffff, v37, v37;
	v37 =	vmin.f32 @!p0 v15, v50  }
0x264: {  	v51 =	vperm.xlane @!p0 v51, v0;
	v36, _, _ =	vpop @!p0 (xrf1)  }
0x265: {  	v21 =	vperm.xlane @!p0 v21, v0;
	v50 =	vmax.f32 @!p0 v15, v50;
	(xrf1) =	vsort.ascd.msk.f32 @!p0 $0xffff, v37, v37;
	v15, _, _ =	vpop @!p0 (xrf1)  }
0x266: {  	(xrf1) =	vsort.ascd.msk.f32 @!p0 $0xffff, v50, v50;
	v50 =	vmin.f32 @!p0 v17, v51;
	v37, _, _ =	vpop @!p0 (xrf1)  }
0x267: {  	v51 =	vmax.f32 @!p0 v17, v51;
	(xrf1) =	vsort.ascd.msk.f32 @!p0 $0xffff, v50, v50;
	v50 =	vmin.f32 @!p0 v4, v21;
	v53, _, _ =	vpop @!p0 (xrf1)  }
0x268: {  	v23 =	vperm.xlane @!p0 v23, v0;
	(xrf1) =	vsort.ascd.msk.f32 @!p0 $0xffff, v51, v51;
	v17, _, _ =	vpop @!p0 (xrf1)  }
0x269: {  	v25 =	vperm.xlane @!p0 v25, v0;
	v21 =	vmax.f32 @!p0 v4, v21;
	(xrf1) =	vsort.ascd.msk.f32 @!p0 $0xffff, v50, v50;
	v4, _, _ =	vpop @!p0 (xrf1)  }
0x26a: {  	(xrf1) =	vsort.ascd.msk.f32 @!p0 $0xffff, v21, v21;
	v21 =	vmin.f32 @!p0 v5, v23;
	v50, _, _ =	vpop @!p0 (xrf1)  }
0x26b: {  	v23 =	vmax.f32 @!p0 v5, v23;
	(xrf1) =	vsort.ascd.msk.f32 @!p0 $0xffff, v21, v21;
	v51, _, _ =	vpop @!p0 (xrf1)  }
0x26c: {  	v21 =	vmin.f32 @!p0 v6, v25;
	(xrf1) =	vsort.ascd.msk.f32 @!p0 $0xffff, v23, v23;
	v23 =	vperm.xlane @!p0 v27, v0;
	v5, _, _ =	vpop @!p0 (xrf1)  }
0x26d: {  	v6 =	vmax.f32 @!p0 v6, v25;
	v25, _, _ =	vpop @!p0 (xrf1);
	(xrf1) =	vsort.ascd.msk.f32 @!p0 $0xffff, v21, v21  }
0x26e: {  	v27 =	vperm.xlane @!p0 v29, v0;
	(xrf1) =	vsort.ascd.msk.f32 @!p0 $0xffff, v6, v6;
	v6 =	vmin.f32 @!p0 v7, v23  }
0x26f: {  	v21, _, _ =	vpop @!p0 (xrf1);
	v7 =	vmax.f32 @!p0 v7, v23;
	(xrf1) =	vsort.ascd.msk.f32 @!p0 $0xffff, v6, v6  }
0x270: {  	v23, _, _ =	vpop @!p0 (xrf1);
	(xrf1) =	vsort.ascd.msk.f32 @!p0 $0xffff, v7, v7;
	v7 =	vmin.f32 @!p0 v8, v27  }
0x271: {  	v8 =	vmax.f32 @!p0 v8, v27;
	v6, _, _ =	vpop @!p0 (xrf1);
	(xrf1) =	vsort.ascd.msk.f32 @!p0 $0xffff, v7, v7;
	v7 =	vperm.xlane @!p0 v19, v0  }
0x272: {  	v31 =	vperm.xlane @!p0 v31, v0  }
0x273: {  	v29 =	vperm.xlane @!p0 v35, v0;
	v27, _, _ =	vpop @!p0 (xrf1);
	(xrf1) =	vsort.ascd.msk.f32 @!p0 $0xffff, v8, v8;
	v19 =	vmin.f32 @!p0 v3, v7  }
0x274: {  	v8, _, _ =	vpop @!p0 (xrf1);
	v3 =	vmax.f32 @!p0 v3, v7;
	(xrf1) =	vsort.ascd.msk.f32 @!p0 $0xffff, v19, v19  }
0x275: {  	v7, _, _ =	vpop @!p0 (xrf1);
	(xrf1) =	vsort.ascd.msk.f32 @!p0 $0xffff, v3, v3;
	v3 =	vmax.f32 @!p0 v9, v29;
	v9 =	vmax.f32 @!p0 v10, v31  }
0x276: {  	v29 =	vperm.xlane @!p0 v39, v0;
	v31 =	vperm.xlane @!p0 v33, v0;
	v19 =	vmin.f32 @!p0 v3, v9  }
0x277: {  	v10, _, _ =	vpop @!p0 (xrf1);
	v3 =	vmax.f32 @!p0 v3, v9;
	(xrf1) =	vsort.ascd.msk.f32 @!p0 $0xffff, v19, v19  }
0x278: {  	v9, _, _ =	vpop @!p0 (xrf1);
	(xrf1) =	vsort.ascd.msk.f32 @!p0 $0xffff, v3, v3;
	v3 =	vmax.f32 @!p0 v11, v29;
	v11 =	vmax.f32 @!p0 v12, v31  }
0x279: {  	v29 =	vperm.xlane @!p0 v41, v0;
	v31 =	vperm.xlane @!p0 v38, v0;
	v19 =	vmin.f32 @!p0 v3, v11  }
0x27a: {  	v12, _, _ =	vpop @!p0 (xrf1);
	v3 =	vmax.f32 @!p0 v3, v11;
	(xrf1) =	vsort.ascd.msk.f32 @!p0 $0xffff, v19, v19  }
0x27b: {  	v11, _, _ =	vpop @!p0 (xrf1);
	(xrf1) =	vsort.ascd.msk.f32 @!p0 $0xffff, v3, v3;
	v3 =	vmax.f32 @!p0 v13, v29;
	v13 =	vmax.f32 @!p0 v14, v31  }
0x27c: {  	v29 =	vperm.xlane @!p0 v43, v0;
	v31 =	vperm.xlane @!p0 v40, v0;
	v19 =	vmin.f32 @!p0 v3, v13  }
0x27d: {  	v14, _, _ =	vpop @!p0 (xrf1);
	v3 =	vmax.f32 @!p0 v3, v13;
	(xrf1) =	vsort.ascd.msk.f32 @!p0 $0xffff, v19, v19  }
0x27e: {  	v13, _, _ =	vpop @!p0 (xrf1);
	(xrf1) =	vsort.ascd.msk.f32 @!p0 $0xffff, v3, v3;
	v3 =	vmax.f32 @!p0 v16, v29;
	v16 =	vmax.f32 @!p0 v18, v31  }
0x27f: {  	v29 =	vperm.xlane @!p0 v46, v0;
	v31 =	vperm.xlane @!p0 v42, v0;
	v19 =	vmin.f32 @!p0 v3, v16  }
0x280: {  	v18, _, _ =	vpop @!p0 (xrf1);
	v3 =	vmax.f32 @!p0 v3, v16;
	(xrf1) =	vsort.ascd.msk.f32 @!p0 $0xffff, v19, v19  }
0x281: {  	v19 =	vmax.f32 @!p0 v22, v31;
	v16, _, _ =	vpop @!p0 (xrf1);
	(xrf1) =	vsort.ascd.msk.f32 @!p0 $0xffff, v3, v3;
	v3 =	vmax.f32 @!p0 v20, v29  }
0x282: {  	v31 =	vperm.xlane @!p0 v44, v0;
	v29 =	vperm.xlane @!p0 v47, v0;
	v22 =	vmin.f32 @!p0 v3, v19  }
0x283: {  	v20, _, _ =	vpop @!p0 (xrf1);
	v3 =	vmax.f32 @!p0 v3, v19;
	(xrf1) =	vsort.ascd.msk.f32 @!p0 $0xffff, v22, v22  }
0x284: {  	v19, _, _ =	vpop @!p0 (xrf1);
	v22 =	vmax.f32 @!p0 v26, v31;
	(xrf1) =	vsort.ascd.msk.f32 @!p0 $0xffff, v3, v3;
	v3 =	vmax.f32 @!p0 v24, v29  }
0x285: {  	v31 =	vperm.xlane @!p0 v45, v0;
	v29 =	vperm.xlane @!p0 v49, v0;
	v26 =	vmin.f32 @!p0 v3, v22  }
0x286: {  	v24, _, _ =	vpop @!p0 (xrf1);
	v3 =	vmax.f32 @!p0 v3, v22;
	(xrf1) =	vsort.ascd.msk.f32 @!p0 $0xffff, v26, v26  }
0x287: {  	v22, _, _ =	vpop @!p0 (xrf1);
	v26 =	vmax.f32 @!p0 v30, v31;
	(xrf1) =	vsort.ascd.msk.f32 @!p0 $0xffff, v3, v3;
	v3 =	vmax.f32 @!p0 v28, v29  }
0x288: {  	v30 =	vperm.xlane @!p0 v52, v0;
	v31 =	vperm.xlane @!p0 v48, v0;
	v29 =	vmin.f32 @!p0 v3, v26  }
0x289: {  	v28, _, _ =	vpop @!p0 (xrf1);
	v3 =	vmax.f32 @!p0 v3, v26;
	(xrf1) =	vsort.ascd.msk.f32 @!p0 $0xffff, v29, v29  }
0x28a: {  	v26, _, _ =	vpop @!p0 (xrf1);
	v29 =	vmax.f32 @!p0 v34, v31;
	(xrf1) =	vsort.ascd.msk.f32 @!p0 $0xffff, v3, v3;
	v3 =	vmax.f32 @!p0 v32, v30  }
0x28b: {  	v33 =	vperm.xlane @!p0 v37, v0;
	v32 =	vperm.xlane @!p0 v53, v0;
	v31 =	vmin.f32 @!p0 v3, v29  }
0x28c: {  	v30, _, _ =	vpop @!p0 (xrf1);
	v3 =	vmax.f32 @!p0 v3, v29;
	(xrf1) =	vsort.ascd.msk.f32 @!p0 $0xffff, v31, v31  }
0x28d: {  	v15 =	vmax.f32 @!p0 v15, v33;
	v29, _, _ =	vpop @!p0 (xrf1);
	(xrf1) =	vsort.ascd.msk.f32 @!p0 $0xffff, v3, v3;
	v3 =	vmax.f32 @!p0 v36, v32  }
0x28e: {  	v33 =	vperm.xlane @!p0 v51, v0;
	v34 =	vperm.xlane @!p0 v50, v0;
	v32 =	vmin.f32 @!p0 v3, v15  }
0x28f: {  	v31, _, _ =	vpop @!p0 (xrf1);
	v3 =	vmax.f32 @!p0 v3, v15;
	(xrf1) =	vsort.ascd.msk.f32 @!p0 $0xffff, v32, v32  }
0x290: {  	v4 =	vmax.f32 @!p0 v4, v34;
	v15, _, _ =	vpop @!p0 (xrf1);
	(xrf1) =	vsort.ascd.msk.f32 @!p0 $0xffff, v3, v3;
	v3 =	vmax.f32 @!p0 v17, v33  }
0x291: {  	v21 =	vperm.xlane @!p0 v21, v0;
	v23 =	vperm.xlane @!p0 v23, v0;
	v32 =	vmin.f32 @!p0 v3, v4  }
0x292: {  	v17, _, _ =	vpop @!p0 (xrf1);
	v3 =	vmax.f32 @!p0 v3, v4;
	(xrf1) =	vsort.ascd.msk.f32 @!p0 $0xffff, v32, v32  }
0x293: {  	v4, _, _ =	vpop @!p0 (xrf1);
	(xrf1) =	vsort.ascd.msk.f32 @!p0 $0xffff, v3, v3;
	v3 =	vmax.f32 @!p0 v5, v23;
	v5 =	vmax.f32 @!p0 v25, v21  }
0x294: {  	v8 =	vperm.xlane @!p0 v8, v0;
	v7 =	vperm.xlane @!p0 v7, v0;
	v23 =	vmin.f32 @!p0 v3, v5  }
0x295: {  	v21, _, _ =	vpop @!p0 (xrf1);
	v3 =	vmax.f32 @!p0 v3, v5;
	(xrf1) =	vsort.ascd.msk.f32 @!p0 $0xffff, v23, v23  }
0x296: {  	v5, _, _ =	vpop @!p0 (xrf1);
	(xrf1) =	vsort.ascd.msk.f32 @!p0 $0xffff, v3, v3;
	v3 =	vmax.f32 @!p0 v6, v7;
	v6 =	vmax.f32 @!p0 v27, v8  }
0x297: {  	v12 =	vperm.xlane @!p0 v12, v0;
	v11 =	vperm.xlane @!p0 v11, v0;
	v8 =	vmin.f32 @!p0 v3, v6  }
0x298: {  	v7, _, _ =	vpop @!p0 (xrf1);
	v3 =	vmax.f32 @!p0 v3, v6;
	(xrf1) =	vsort.ascd.msk.f32 @!p0 $0xffff, v8, v8  }
0x299: {  	v8 =	vmax.f32 @!p0 v9, v12;
	v6, _, _ =	vpop @!p0 (xrf1);
	(xrf1) =	vsort.ascd.msk.f32 @!p0 $0xffff, v3, v3;
	v3 =	vmax.f32 @!p0 v10, v11  }
0x29a: {  	v12 =	vperm.xlane @!p0 v18, v0;
	v11 =	vperm.xlane @!p0 v16, v0;
	v10 =	vmin.f32 @!p0 v3, v8  }
0x29b: {  	v9, _, _ =	vpop @!p0 (xrf1);
	v3 =	vmax.f32 @!p0 v3, v8;
	(xrf1) =	vsort.ascd.msk.f32 @!p0 $0xffff, v10, v10  }
0x29c: {  	v8, _, _ =	vpop @!p0 (xrf1);
	v10 =	vmax.f32 @!p0 v13, v12;
	(xrf1) =	vsort.ascd.msk.f32 @!p0 $0xffff, v3, v3;
	v3 =	vmax.f32 @!p0 v14, v11  }
0x29d: {  	v13 =	vperm.xlane @!p0 v22, v0;
	v14 =	vperm.xlane @!p0 v24, v0;
	v12 =	vmin.f32 @!p0 v3, v10  }
0x29e: {  	v11, _, _ =	vpop @!p0 (xrf1);
	v3 =	vmax.f32 @!p0 v3, v10;
	(xrf1) =	vsort.ascd.msk.f32 @!p0 $0xffff, v12, v12  }
0x29f: {  	v10, _, _ =	vpop @!p0 (xrf1);
	v12 =	vmax.f32 @!p0 v19, v14;
	(xrf1) =	vsort.ascd.msk.f32 @!p0 $0xffff, v3, v3;
	v3 =	vmax.f32 @!p0 v20, v13  }
0x2a0: {  	v18 =	vperm.xlane @!p0 v30, v0;
	v16 =	vperm.xlane @!p0 v29, v0;
	v14 =	vmin.f32 @!p0 v3, v12  }
0x2a1: {  	v13, _, _ =	vpop @!p0 (xrf1);
	v3 =	vmax.f32 @!p0 v3, v12;
	(xrf1) =	vsort.ascd.msk.f32 @!p0 $0xffff, v14, v14  }
0x2a2: {  	v12, _, _ =	vpop @!p0 (xrf1);
	v14 =	vmax.f32 @!p0 v26, v18;
	(xrf1) =	vsort.ascd.msk.f32 @!p0 $0xffff, v3, v3;
	v3 =	vmax.f32 @!p0 v28, v16  }
0x2a3: {  	v17 =	vperm.xlane @!p0 v17, v0;
	v4 =	vperm.xlane @!p0 v4, v0;
	v18 =	vmin.f32 @!p0 v3, v14  }
0x2a4: {  	v7 =	vperm.xlane @!p0 v7, v0;
	v16, _, _ =	vpop @!p0 (xrf1);
	v3 =	vmax.f32 @!p0 v3, v14;
	(xrf1) =	vsort.ascd.msk.f32 @!p0 $0xffff, v18, v18  }
0x2a5: {  	v14, _, _ =	vpop @!p0 (xrf1);
	(xrf1) =	vsort.ascd.msk.f32 @!p0 $0xffff, v3, v3;
	v3 =	vmax.f32 @!p0 v31, v4;
	v4 =	vmax.f32 @!p0 v15, v17  }
0x2a6: {  	v6 =	vperm.xlane @!p0 v6, v0;
	v17 =	vmin.f32 @!p0 v3, v4  }
0x2a7: {  	v5 =	vmax.f32 @!p0 v5, v7;
	v15, _, _ =	vpop @!p0 (xrf1);
	v3 =	vmax.f32 @!p0 v3, v4;
	(xrf1) =	vsort.ascd.msk.f32 @!p0 $0xffff, v17, v17  }
0x2a8: {  	v11 =	vperm.xlane @!p0 v11, v0;
	v4, _, _ =	vpop @!p0 (xrf1);
	(xrf1) =	vsort.ascd.msk.f32 @!p0 $0xffff, v3, v3;
	v3 =	vmax.f32 @!p0 v21, v6  }
0x2a9: {  	v10 =	vperm.xlane @!p0 v10, v0;
	v7 =	vmin.f32 @!p0 v3, v5;
	v3 =	vmax.f32 @!p0 v3, v5  }
0x2aa: {  	v8 =	vmax.f32 @!p0 v8, v11;
	v11 =	vperm.xlane @!p0 v14, v0;
	v6, _, _ =	vpop @!p0 (xrf1)  }
0x2ab: {  	v14 =	vperm.xlane @!p0 v16, v0;
	(xrf1) =	vsort.ascd.msk.f32 @!p0 $0xffff, v7, v7;
	v5, _, _ =	vpop @!p0 (xrf1);
	v7 =	vmax.f32 @!p0 v9, v10  }
0x2ac: {  	(xrf1) =	vsort.ascd.msk.f32 @!p0 $0xffff, v3, v3;
	v10 =	vmin.f32 @!p0 v7, v8;
	v7 =	vmax.f32 @!p0 v7, v8;
	v3, _, _ =	vpop @!p0 (xrf1)  }
0x2ad: {  	v6 =	vperm.xlane @!p0 v6, v0;
	v5 =	vperm.xlane @!p0 v5, v0;
	v9, _, _ =	vpop @!p0 (xrf1)  }
0x2ae: {  	(xrf1) =	vsort.ascd.msk.f32 @!p0 $0xffff, v10, v10;
	v10 =	vmax.f32 @!p0 v13, v11;
	v11 =	vmax.f32 @!p0 v12, v14;
	v8, _, _ =	vpop @!p0 (xrf1)  }
0x2af: {  	(xrf1) =	vsort.ascd.msk.f32 @!p0 $0xffff, v7, v7;
	v13 =	vmin.f32 @!p0 v10, v11;
	v10 =	vmax.f32 @!p0 v10, v11;
	v7, _, _ =	vpop @!p0 (xrf1)  }
0x2b0: {  	v12, _, _ =	vpop @!p0 (xrf1)  }
0x2b1: {  	v4 =	vmax.f32 @!p0 v4, v6;
	v5 =	vmax.f32 @!p0 v15, v5;
	(xrf1) =	vsort.ascd.msk.f32 @!p0 $0xffff, v13, v13;
	v11, _, _ =	vpop @!p0 (xrf1)  }
0x2b2: {  	v13 =	vmin.f32 @!p0 v5, v4;
	v8 =	vperm.xlane @!p0 v8, v0;
	(xrf1) =	vsort.ascd.msk.f32 @!p0 $0xffff, v10, v10;
	v10, _, _ =	vpop @!p0 (xrf1)  }
0x2b3: {  	v7 =	vperm.xlane @!p0 v7, v0;
	v6, _, _ =	vpop @!p0 (xrf1)  }
0x2b4: {  	v4 =	vmax.f32 @!p0 v5, v4;
	(xrf1) =	vsort.ascd.msk.f32 @!p0 $0xffff, v13, v13;
	v5, _, _ =	vpop @!p0 (xrf1)  }
0x2b5: {  	v3 =	vmax.f32 @!p0 v3, v7;
	v7 =	vmax.f32 @!p0 v9, v8;
	v6 =	vperm.xlane @!p0 v6, v0;
	v13, _, _ =	vpop @!p0 (xrf1)  }
0x2b6: {  	v9 =	vperm.xlane @!p0 v10, v0;
	(xrf1) =	vsort.ascd.msk.f32 @!p0 $0xffff, v4, v4;
	v4 =	vmin.f32 @!p0 v3, v7;
	v8, _, _ =	vpop @!p0 (xrf1)  }
0x2b7: {  	v3 =	vmax.f32 @!p0 v3, v7;
	(xrf1) =	vsort.ascd.msk.f32 @!p0 $0xffff, v4, v4;
	v4 =	vmax.f32 @!p0 v12, v6;
	v10, _, _ =	vpop @!p0 (xrf1)  }
0x2b8: {  	v6 =	vmax.f32 @!p0 v11, v9;
	v8 =	vperm.xlane @!p0 v8, v0;
	v7 =	vperm.xlane @!p0 v10, v0  }
0x2b9: {  	(xrf1) =	vsort.ascd.msk.f32 @!p0 $0xffff, v3, v3;
	v3 =	vmin.f32 @!p0 v4, v6;
	v4 =	vmax.f32 @!p0 v4, v6  }
0x2ba: {  	(xrf1) =	vsort.ascd.msk.f32 @!p0 $0xffff, v3, v3;
	v3 =	vmax.f32 @!p0 v5, v7;
	v5 =	vmax.f32 @!p0 v13, v8  }
0x2bb: {  	(xrf1) =	vsort.ascd.msk.f32 @!p0 $0xffff, v4, v4;
	v4 =	vmin.f32 @!p0 v3, v5  }
0x2bc: {  	v3 =	vmax.f32 @!p0 v3, v5  }
0x2bd: {  	v6, _, _ =	vpop @!p0 (xrf1)  }
0x2be: {  	(xrf1) =	vsort.ascd.msk.f32 @!p0 $0xffff, v4, v4;
	v4, _, _ =	vpop @!p0 (xrf1)  }
0x2bf: {  	(xrf1) =	vsort.ascd.msk.f32 @!p0 $0xffff, v3, v3;
	v3, _, _ =	vpop @!p0 (xrf1)  }
0x2c0: {  	v5, _, _ =	vpop @!p0 (xrf1)  }
0x2c1: {  	v7, _, _ =	vpop @!p0 (xrf1)  }
0x2c2: {  	v8, _, _ =	vpop @!p0 (xrf1)  }
0x2c3: {  	v9, _, _ =	vpop @!p0 (xrf1)  }
0x2c4: {  	v10, _, _ =	vpop @!p0 (xrf1)  }
0x2c5: {  	v5 =	vperm.xlane @!p0 v5, v0;
	v11, _, _ =	vpop @!p0 (xrf1)  }
0x2c6: {  	v3 =	vperm.xlane @!p0 v3, v0;
	v12, _, _ =	vpop @!p0 (xrf1)  }
0x2c7: {  	v5 =	vmax.f32 @!p0 v6, v5;
	v13, _, _ =	vpop @!p0 (xrf1)  }
0x2c8: {  	v3 =	vmax.f32 @!p0 v4, v3;
	v9 =	vperm.xlane @!p0 v9, v0;
	v4, _, _ =	vpop @!p0 (xrf1)  }
0x2c9: {  	v6 =	vmin.f32 @!p0 v5, v3;
	v10 =	vperm.xlane @!p0 v10, v0;
	v4 =	vperm.xlane @!p0 v4, v0  }
0x2ca: {  	v3 =	vmax.f32 @!p0 v5, v3;
	(xrf1) =	vsort.ascd.msk.f32 @!p0 $0xffff, v6, v6;
	v5, _, _ =	vpop @!p0 (xrf1)  }
0x2cb: {  	v8 =	vmax.f32 @!p0 v8, v9;
	v6 =	vmax.f32 @!p0 v7, v10;
	v10 =	vperm.xlane @!p0 v13, v0;
	v7, _, _ =	vpop @!p0 (xrf1)  }
0x2cc: {  	(xrf1) =	vsort.ascd.msk.f32 @!p0 $0xffff, v3, v3;
	v3 =	vmin.f32 @!p0 v6, v8;
	v6 =	vmax.f32 @!p0 v6, v8;
	v9, _, _ =	vpop @!p0 (xrf1)  }
0x2cd: {  	(xrf1) =	vsort.ascd.msk.f32 @!p0 $0xffff, v3, v3;
	v8 =	vmax.f32 @!p0 v12, v10;
	v3 =	vmax.f32 @!p0 v11, v4;
	v4, _, _ =	vpop @!p0 (xrf1)  }
0x2ce: {  	v9 =	vperm.xlane @!p0 v9, v0;
	(xrf1) =	vsort.ascd.msk.f32 @!p0 $0xffff, v6, v6;
	v4 =	vperm.xlane @!p0 v4, v0  }
0x2cf: {  	v6 =	vmin.f32 @!p0 v3, v8;
	v3 =	vmax.f32 @!p0 v3, v8  }
0x2d0: {  	(xrf1) =	vsort.ascd.msk.f32 @!p0 $0xffff, v6, v6;
	v4 =	vmax.f32 @!p0 v5, v4;
	v5 =	vmax.f32 @!p0 v7, v9  }
0x2d1: {  	(xrf1) =	vsort.ascd.msk.f32 @!p0 $0xffff, v3, v3;
	v3 =	vmin.f32 @!p0 v4, v5  }
0x2d2: {  	v4 =	vmax.f32 @!p0 v4, v5;
	(xrf1) =	vsort.ascd.msk.f32 @!p0 $0xffff, v3, v3  }
0x2d3: {  	(xrf1) =	vsort.ascd.msk.f32 @!p0 $0xffff, v4, v4;
	_ =	sdelay $0x5  }
0x2d4: {  	v3, _, _ =	vpop @!p0 (xrf1)  }
0x2d5: {  	v4, _, _ =	vpop @!p0 (xrf1)  }
0x2d6: {  	v5, _, _ =	vpop @!p0 (xrf1)  }
0x2d7: {  	v6, _, _ =	vpop @!p0 (xrf1)  }
0x2d8: {  	v6 =	vperm.xlane @!p0 v6, v0  }
0x2d9: {  	v7, _, _ =	vpop @!p0 (xrf1)  }
0x2da: {  	v8, _, _ =	vpop @!p0 (xrf1)  }
0x2db: {  	v5 =	vperm.xlane @!p0 v5, v0;
	v9, _, _ =	vpop @!p0 (xrf1)  }
0x2dc: {  	v3 =	vmax.f32 @!p0 v3, v6;
	v6, _, _ =	vpop @!p0 (xrf1)  }
0x2dd: {  	v4 =	vmax.f32 @!p0 v4, v5;
	v5 =	vperm.xlane @!p0 v6, v0;
	v6 =	vperm.xlane @!p0 v9, v0  }
0x2de: {  	v9 =	vmin.f32 @!p0 v3, v4;
	v3 =	vmax.f32 @!p0 v3, v4  }
0x2df: {  	(xrf1) =	vsort.ascd.msk.f32 @!p0 $0xffff, v9, v9;
	v4 =	vmax.f32 @!p0 v7, v5;
	v5 =	vmax.f32 @!p0 v8, v6  }
0x2e0: {  	(xrf1) =	vsort.ascd.msk.f32 @!p0 $0xffff, v3, v3;
	v3 =	vmin.f32 @!p0 v4, v5  }
0x2e1: {  	v4 =	vmax.f32 @!p0 v4, v5;
	(xrf1) =	vsort.ascd.msk.f32 @!p0 $0xffff, v3, v3  }
0x2e2: {  	(xrf1) =	vsort.ascd.msk.f32 @!p0 $0xffff, v4, v4;
	_ =	sdelay $0xa  }
0x2e3: {  	v3, _, _ =	vpop @!p0 (xrf1)  }
0x2e4: {  	v4, _, _ =	vpop @!p0 (xrf1)  }
0x2e5: {  	v5, _, _ =	vpop @!p0 (xrf1)  }
0x2e6: {  	v6, _, _ =	vpop @!p0 (xrf1)  }
0x2e7: {  	v6 =	vperm.xlane @!p0 v6, v0;
	v0 =	vperm.xlane @!p0 v5, v0;
	_ =	sdelay $0x1  }
0x2e8: {  	v3 =	vmax.f32 @!p0 v3, v6;
	v0 =	vmax.f32 @!p0 v4, v0  }
0x2e9: {  	v4 =	vmin.f32 @!p0 v3, v0  }
0x2ea: {  	v0 =	vmax.f32 @!p0 v3, v0;
	(xrf1) =	vsort.ascd.msk.f32 @!p0 $0xffff, v4, v4  }
0x2eb: {  	(xrf1) =	vsort.ascd.msk.f32 @!p0 $0xffff, v0, v0;
	_ =	sdelay $0xb  }
0x2ec: {  	[tilespmem:$0x800] =	vst @!p0 v2  }
0x2ed: {  	[tilespmem:$0x810] =	vst @!p0 v1;
	v0, _, _ =	vpop @!p0 (xrf1)  }
0x2ee: {  	p1 =	sne.s32 @!p0 s1, $0x0;
	s6 =	sshll.u32 @!p0 s1, $0x6;
	[tilespmem:$0x820] =	vst @!p0 v0;
	v0, _, _ =	vpop @!p0 (xrf1)  }
0x2ef: {  	p1 =	por p0, p1;
	s7 =	simm.s32 @!p0 $0x800;
	s6 =	sadd.s32 @!p0 s6, s4;
	[tilespmem:$0x830] =	vst @!p0 v0  }
0x2f0: {  	[spmem:s6] =	stream.linear.scatter @!p0 [tilespmem:s7], [sflag:$0x1], $0x40, $0x38;
	[tilespmem:$0xD40] =	vst v63  }
.Ltmp0:
0x2f1: {  	_ =	swait.ge @!p0 [sflag:s5], $0x40;
	(pc) =	sbr.rel @p1 .LBB2_2-.Ltmp0, $3  }
0x2f2: {  	[sflag:s5] =	ssyncset.done @!p0 $0x0  }
0x2f3: {  	[sflag:s5] =	ssyncadd.s32 @!p0 $0xFFFFFFC0  }
0x2f4: {  	[bflag:$0x0] =	sbarrier.arrive @!p0 $0xFFFF;
	_ =	sdelay $0x1  }
0x2f5: {  	s5 =	simm.s32 $0x880;
	s28 =	simm.s32 $0x1  }
0x2f6: {  	[tilespmem:s5], [sflag:$0x1] =	stream.linear.gather [spmem:s4], $0x400, $0x38;
	[tilespmem:$0xD40] =	vst v63  }
0x2f7: {  	_ =	swait.ge [sflag:s28], $0x400  }
0x2f8: {  	[sflag:s28] =	ssyncset.done $0x0  }
0x2f9: {  	[sflag:s28] =	ssyncadd.s32 $0xFFFFFC00  }
0x2fa: {  	v1 =	vld [tilespmem:$0x880]  }
0x2fb: {  	v2 =	vld [tilespmem:$0x890]  }
0x2fc: {  	v3 =	vld [tilespmem:$0x8A0]  }
0x2fd: {  	v4 =	vld [tilespmem:$0x8B0]  }
0x2fe: {  	v5 =	vld [tilespmem:$0x8C0]  }
0x2ff: {  	v6 =	vld [tilespmem:$0x8D0]  }
0x300: {  	v7 =	vld [tilespmem:$0x8E0]  }
0x301: {  	v8 =	vld [tilespmem:$0x8F0]  }
0x302: {  	v9 =	vld [tilespmem:$0x900]  }
0x303: {  	v10 =	vld [tilespmem:$0x910]  }
0x304: {  	v11 =	vld [tilespmem:$0x920]  }
0x305: {  	v12 =	vld [tilespmem:$0x930]  }
0x306: {  	v13 =	vld [tilespmem:$0x940]  }
0x307: {  	v14 =	vld [tilespmem:$0x950]  }
0x308: {  	v15 =	vld [tilespmem:$0x960]  }
0x309: {  	v16 =	vld [tilespmem:$0x970]  }
0x30a: {  	v17 =	vld [tilespmem:$0x980]  }
0x30b: {  	v18 =	vld [tilespmem:$0x990]  }
0x30c: {  	v19 =	vld [tilespmem:$0x9C0]  }
0x30d: {  	v20 =	vld [tilespmem:$0x9D0]  }
0x30e: {  	v21 =	vld [tilespmem:$0xA00]  }
0x30f: {  	v22 =	vld [tilespmem:$0xA10]  }
0x310: {  	v23 =	vld [tilespmem:$0xA40]  }
0x311: {  	v0 =	vlaneseq.u32;
	v24 =	vld [tilespmem:$0xA50]  }
0x312: {  	v0 =	vmul.u32 $0xFFFFFFFF, v0;
	v32 =	vld [tilespmem:$0xA80]  }
0x313: {  	v43 =	vld [tilespmem:$0xB40]  }
0x314: {  	v0 =	vadd.s32 $0xF, v0;
	v46 =	vld [tilespmem:$0xB50]  }
0x315: {  	v51 =	vld [tilespmem:$0xBD0];
	v6 =	vperm.xlane v6, v0  }
0x316: {  	v50 =	vld [tilespmem:$0xBC0];
	v5 =	vperm.xlane v5, v0;
	v14 =	vperm.xlane v14, v0  }
0x317: {  	v37 =	vld [tilespmem:$0xAD0];
	v13 =	vperm.xlane v13, v0;
	v38 =	vperm.xlane v20, v0  }
0x318: {  	v39 =	vld [tilespmem:$0xB00];
	v19 =	vperm.xlane v19, v0;
	v44 =	vperm.xlane v24, v0  }
0x319: {  	v47 =	vld [tilespmem:$0xB80];
	v45 =	vperm.xlane v23, v0;
	v54 =	vperm.xlane v46, v0  }
0x31a: {  	v52 =	vld [tilespmem:$0xB90];
	v55 =	vperm.xlane v43, v0;
	v61 =	vperm.xlane v51, v0  }
0x31b: {  	v56 =	vld [tilespmem:$0xC50];
	v62 =	vperm.xlane v50, v0;
	v8 =	vperm.xlane v8, v0  }
0x31c: {  	v33 =	vld [tilespmem:$0xA90];
	v7 =	vperm.xlane v7, v0;
	v15 =	vperm.xlane v15, v0;
	v1 =	vmax.f32 v1, v6  }
0x31d: {  	v34 =	vld [tilespmem:$0xAC0];
	v2 =	vmax.f32 v2, v5;
	v35 =	vmax.f32 v9, v14;
	v36 =	vmax.f32 v10, v13  }
0x31e: {  	v53 =	vld [tilespmem:$0xC40];
	v41 =	vmax.f32 v17, v38;
	v42 =	vmax.f32 v18, v19;
	v48 =	vmax.f32 v21, v44  }
0x31f: {  	v40 =	vld [tilespmem:$0xB10];
	v49 =	vmax.f32 v22, v45;
	v10 =	vperm.xlane v37, v0;
	v58 =	vmax.f32 v39, v54  }
0x320: {  	v57 =	vld [tilespmem:$0xC00];
	v22 =	vmax.f32 v47, v61;
	v23 =	vmax.f32 v52, v62;
	v17 =	vperm.xlane v56, v0  }
0x321: {  	v59 =	vld [tilespmem:$0xC10];
	v31 =	vmax.f32 v3, v8;
	v38 =	vmax.f32 v12, v15;
	v6 =	vmin.f32 v1, v2  }
0x322: {  	v63 =	vld [tilespmem:$0x9A0];
	v1 =	vmax.f32 v1, v2;
	v13 =	vmin.f32 v35, v36;
	v18 =	vmin.f32 v41, v42  }
0x323: {  	v25 =	vld [tilespmem:$0x9F0];
	v21 =	vmin.f32 v48, v49;
	v14 =	vmin.f32 v22, v23;
	v2 =	vperm.xlane v53, v0  }
0x324: {  	v26 =	vld [tilespmem:$0xA20];
	(xrf1) =	vsort.ascd.msk.f32 $0xffff, v6, v6;
	v6 =	vmax.f32 v35, v36;
	v5 =	vmax.f32 v32, v10  }
0x325: {  	v28 =	vld [tilespmem:$0xA30];
	v27 =	vmax.f32 v57, v17;
	v32 =	vmax.f32 v4, v7;
	(xrf1) =	vsort.ascd.msk.f32 $0xffff, v1, v1  }
0x326: {  	v24 =	vld [tilespmem:$0x9E0];
	v1 =	vperm.xlane v34, v0;
	v2 =	vmax.f32 v59, v2;
	v8 =	vmin.f32 v31, v32  }
0x327: {  	v53 =	vld [tilespmem:$0xBE0];
	v34 =	vperm.xlane v16, v0;
	(xrf1) =	vsort.ascd.msk.f32 $0xffff, v13, v13;
	v13 =	vmax.f32 v41, v42  }
0x328: {  	v36 =	vld [tilespmem:$0xAE0];
	v9 =	vmin.f32 v27, v2;
	v41 =	vperm.xlane v25, v0;
	(xrf1) =	vsort.ascd.msk.f32 $0xffff, v6, v6  }
0x329: {  	v59 =	vld [tilespmem:$0xC60];
	v1 =	vmax.f32 v33, v1;
	v6 =	vmax.f32 v40, v55;
	(xrf1) =	vsort.ascd.msk.f32 $0xffff, v18, v18  }
0x32a: {  	v35 =	vld [tilespmem:$0xAB0];
	v37 =	vmax.f32 v11, v34;
	v10 =	vmin.f32 v5, v1;
	(xrf1) =	vsort.ascd.msk.f32 $0xffff, v13, v13  }
0x32b: {  	v1 =	vmax.f32 v5, v1;
	v13 =	vmax.f32 v48, v49;
	v48 =	vld [tilespmem:$0xB70];
	(xrf1) =	vsort.ascd.msk.f32 $0xffff, v21, v21  }
0x32c: {  	v60 =	vmin.f32 v58, v6;
	v12 =	vmin.f32 v37, v38;
	v21 =	vld [tilespmem:$0x9B0];
	(xrf1) =	vsort.ascd.msk.f32 $0xffff, v13, v13  }
0x32d: {  	v29 =	vld [tilespmem:$0xA60];
	v45 =	vmax.f32 v63, v41;
	v5 =	vperm.xlane v53, v0;
	(xrf1) =	vsort.ascd.msk.f32 $0xffff, v10, v10  }
0x32e: {  	v42 =	vld [tilespmem:$0xB20];
	v3 =	vperm.xlane v36, v0;
	v4 =	vperm.xlane v59, v0;
	(xrf1) =	vsort.ascd.msk.f32 $0xffff, v1, v1  }
0x32f: {  	v30 =	vld [tilespmem:$0xA70];
	v13 =	vperm.xlane v24, v0;
	v1 =	vmax.f32 v58, v6;
	(xrf1) =	vsort.ascd.msk.f32 $0xffff, v60, v60  }
0x330: {  	v39 =	vld [tilespmem:$0xAF0];
	v3 =	vmax.f32 v35, v3;
	v62 =	vperm.xlane v48, v0;
	(xrf1) =	vsort.ascd.msk.f32 $0xffff, v1, v1  }
0x331: {  	v57 =	vld [tilespmem:$0xBB0];
	v1 =	vmax.f32 v22, v23;
	v6 =	vmax.f32 v21, v13;
	(xrf1) =	vsort.ascd.msk.f32 $0xffff, v14, v14  }
0x332: {  	v63 =	vld [tilespmem:$0xC70];
	v15 =	vmin.f32 v45, v6;
	v14 =	vperm.xlane v29, v0;
	(xrf1) =	vsort.ascd.msk.f32 $0xffff, v1, v1  }
0x333: {  	v33 =	vld [tilespmem:$0xAA0];
	v25 =	vmax.f32 v42, v62;
	v1 =	vmax.f32 v27, v2;
	(xrf1) =	vsort.ascd.msk.f32 $0xffff, v9, v9;
	v7, _, _ =	vpop (xrf1)  }
0x334: {  	v46 =	vld [tilespmem:$0xB60];
	v2 =	vperm.xlane v30, v0;
	v52 =	vmax.f32 v28, v14;
	(xrf1) =	vsort.ascd.msk.f32 $0xffff, v1, v1;
	v17, _, _ =	vpop (xrf1)  }
0x335: {  	v24 =	vld [tilespmem:$0xC20];
	v9 =	vperm.xlane v39, v0;
	v1 =	vmax.f32 v31, v32;
	(xrf1) =	vsort.ascd.msk.f32 $0xffff, v8, v8;
	v40, _, _ =	vpop (xrf1)  }
0x336: {  	v51 =	vmax.f32 v26, v2;
	v2 =	vmax.f32 v57, v5;
	(xrf1) =	vsort.ascd.msk.f32 $0xffff, v1, v1;
	v43, _, _ =	vpop (xrf1)  }
0x337: {  	v44 =	vld [tilespmem:$0xB30];
	v31 =	vperm.xlane v63, v0;
	v1 =	vmax.f32 v37, v38;
	(xrf1) =	vsort.ascd.msk.f32 $0xffff, v12, v12;
	v47, _, _ =	vpop (xrf1)  }
0x338: {  	v55 =	vld [tilespmem:$0xBF0];
	v14 =	vmin.f32 v51, v52;
	v58 =	vmax.f32 v33, v9;
	(xrf1) =	vsort.ascd.msk.f32 $0xffff, v1, v1;
	v49, _, _ =	vpop (xrf1)  }
0x339: {  	v61 =	vmin.f32 v58, v3;
	v1 =	vmax.f32 v45, v6;
	(xrf1) =	vsort.ascd.msk.f32 $0xffff, v15, v15;
	v54, _, _ =	vpop (xrf1)  }
0x33a: {  	v50 =	vld [tilespmem:$0xBA0];
	v33 =	vmax.f32 v24, v31;
	v12 =	vperm.xlane v46, v0;
	(xrf1) =	vsort.ascd.msk.f32 $0xffff, v1, v1;
	v56, _, _ =	vpop (xrf1)  }
0x33b: {  	v26 =	vld [tilespmem:$0xC30];
	v11 =	vperm.xlane v40, v0;
	v1 =	vmax.f32 v51, v52;
	(xrf1) =	vsort.ascd.msk.f32 $0xffff, v14, v14;
	v60, _, _ =	vpop (xrf1)  }
0x33c: {  	v35 =	vperm.xlane v43, v0;
	v8 =	vmax.f32 v44, v12;
	(xrf1) =	vsort.ascd.msk.f32 $0xffff, v1, v1;
	v23, _, _ =	vpop (xrf1)  }
0x33d: {  	v15 =	vperm.xlane v55, v0;
	v1 =	vmax.f32 v58, v3;
	(xrf1) =	vsort.ascd.msk.f32 $0xffff, v61, v61;
	v27, _, _ =	vpop (xrf1)  }
0x33e: {  	v38 =	vmax.f32 v17, v11;
	v18 =	vmin.f32 v25, v8;
	(xrf1) =	vsort.ascd.msk.f32 $0xffff, v1, v1;
	v28, _, _ =	vpop (xrf1)  }
0x33f: {  	v29 =	vmax.f32 v50, v15;
	v1 =	vmax.f32 v25, v8;
	(xrf1) =	vsort.ascd.msk.f32 $0xffff, v18, v18;
	v30, _, _ =	vpop (xrf1)  }
0x340: {  	v4 =	vmax.f32 v26, v4;
	v6 =	vmin.f32 v29, v2;
	(xrf1) =	vsort.ascd.msk.f32 $0xffff, v1, v1;
	v32, _, _ =	vpop (xrf1)  }
0x341: {  	v37 =	vmax.f32 v7, v35;
	v1 =	vmax.f32 v29, v2;
	(xrf1) =	vsort.ascd.msk.f32 $0xffff, v6, v6;
	v34, _, _ =	vpop (xrf1)  }
0x342: {  	v12 =	vmin.f32 v33, v4;
	v10 =	vperm.xlane v54, v0;
	(xrf1) =	vsort.ascd.msk.f32 $0xffff, v1, v1;
	v36, _, _ =	vpop (xrf1)  }
0x343: {  	v41 =	vperm.xlane v56, v0;
	v1 =	vmax.f32 v33, v4;
	(xrf1) =	vsort.ascd.msk.f32 $0xffff, v12, v12;
	v39, _, _ =	vpop (xrf1)  }
0x344: {  	v45 =	vperm.xlane v27, v0;
	v8 =	vperm.xlane v28, v0;
	(xrf1) =	vsort.ascd.msk.f32 $0xffff, v1, v1;
	v42, _, _ =	vpop (xrf1)  }
0x345: {  	v40 =	vmin.f32 v37, v38;
	v10 =	vmax.f32 v49, v10;
	v43 =	vmax.f32 v47, v41;
	v44, _, _ =	vpop (xrf1)  }
0x346: {  	v13 =	vmin.f32 v43, v10;
	v3 =	vmax.f32 v23, v45;
	v8 =	vmax.f32 v60, v8;
	v46, _, _ =	vpop (xrf1)  }
0x347: {  	v49 =	vmin.f32 v8, v3;
	v6 =	vperm.xlane v34, v0;
	v4 =	vperm.xlane v36, v0;
	v47, _, _ =	vpop (xrf1)  }
0x348: {  	v3 =	vmax.f32 v8, v3;
	v1 =	vmax.f32 v37, v38;
	(xrf1) =	vsort.ascd.msk.f32 $0xffff, v40, v40;
	v48, _, _ =	vpop (xrf1)  }
0x349: {  	v2 =	vmax.f32 v32, v6;
	v4 =	vmax.f32 v30, v4;
	(xrf1) =	vsort.ascd.msk.f32 $0xffff, v1, v1;
	v50, _, _ =	vpop (xrf1)  }
0x34a: {  	v1 =	vmax.f32 v43, v10;
	v12 =	vperm.xlane v44, v0;
	(xrf1) =	vsort.ascd.msk.f32 $0xffff, v13, v13;
	v51, _, _ =	vpop (xrf1)  }
0x34b: {  	v6 =	vmin.f32 v4, v2;
	v10 =	vperm.xlane v46, v0;
	(xrf1) =	vsort.ascd.msk.f32 $0xffff, v1, v1;
	v52, _, _ =	vpop (xrf1)  }
0x34c: {  	v2 =	vmax.f32 v4, v2;
	v7 =	vmax.f32 v42, v12;
	(xrf1) =	vsort.ascd.msk.f32 $0xffff, v49, v49;
	v53, _, _ =	vpop (xrf1)  }
0x34d: {  	v55 =	vmax.f32 v39, v10;
	(xrf1) =	vsort.ascd.msk.f32 $0xffff, v3, v3;
	v8 =	vperm.xlane v50, v0;
	v54, _, _ =	vpop (xrf1)  }
0x34e: {  	v11 =	vmin.f32 v55, v7;
	(xrf1) =	vsort.ascd.msk.f32 $0xffff, v6, v6;
	v3 =	vperm.xlane v51, v0;
	v56, _, _ =	vpop (xrf1)  }
0x34f: {  	v6 =	vmax.f32 v55, v7;
	(xrf1) =	vsort.ascd.msk.f32 $0xffff, v2, v2;
	v59 =	vmax.f32 v48, v8;
	v57, _, _ =	vpop (xrf1)  }
0x350: {  	v1 =	vmax.f32 v47, v3;
	v2 =	vperm.xlane v54, v0;
	v60 =	vperm.xlane v56, v0;
	v58, _, _ =	vpop (xrf1)  }
0x351: {  	(xrf1) =	vsort.ascd.msk.f32 $0xffff, v11, v11;
	v62 =	vmin.f32 v1, v59;
	v1 =	vmax.f32 v1, v59;
	v61, _, _ =	vpop (xrf1)  }
0x352: {  	(xrf1) =	vsort.ascd.msk.f32 $0xffff, v6, v6;
	v2 =	vmax.f32 v53, v2;
	v8 =	vmax.f32 v52, v60;
	v63, _, _ =	vpop (xrf1)  }
0x353: {  	(xrf1) =	vsort.ascd.msk.f32 $0xffff, v62, v62;
	v12 =	vperm.xlane v61, v0;
	v10 =	vperm.xlane v63, v0  }
0x354: {  	v13 =	vmin.f32 v8, v2;
	v2 =	vmax.f32 v8, v2;
	(xrf1) =	vsort.ascd.msk.f32 $0xffff, v1, v1  }
0x355: {  	(xrf1) =	vsort.ascd.msk.f32 $0xffff, v13, v13;
	v15 =	vmax.f32 v58, v12;
	v14 =	vmax.f32 v57, v10  }
0x356: {  	(xrf1) =	vsort.ascd.msk.f32 $0xffff, v2, v2;
	v16 =	vmin.f32 v14, v15  }
0x357: {  	v17, _, _ =	vpop (xrf1);
	v1 =	vmax.f32 v14, v15;
	(xrf1) =	vsort.ascd.msk.f32 $0xffff, v16, v16  }
0x358: {  	v18, _, _ =	vpop (xrf1);
	(xrf1) =	vsort.ascd.msk.f32 $0xffff, v1, v1  }
0x359: {  	v19, _, _ =	vpop (xrf1)  }
0x35a: {  	v20, _, _ =	vpop (xrf1)  }
0x35b: {  	v21, _, _ =	vpop (xrf1)  }
0x35c: {  	v22, _, _ =	vpop (xrf1)  }
0x35d: {  	v23, _, _ =	vpop (xrf1)  }
0x35e: {  	v24, _, _ =	vpop (xrf1)  }
0x35f: {  	v25, _, _ =	vpop (xrf1)  }
0x360: {  	v3 =	vperm.xlane v20, v0;
	v1 =	vperm.xlane v19, v0;
	v26, _, _ =	vpop (xrf1)  }
0x361: {  	v7 =	vperm.xlane v23, v0;
	v27, _, _ =	vpop (xrf1)  }
0x362: {  	v3 =	vmax.f32 v17, v3;
	v1 =	vmax.f32 v18, v1;
	v8 =	vperm.xlane v24, v0;
	v28, _, _ =	vpop (xrf1)  }
0x363: {  	v4 =	vmin.f32 v3, v1;
	v1 =	vmax.f32 v3, v1;
	v6 =	vmax.f32 v22, v7;
	v29, _, _ =	vpop (xrf1)  }
0x364: {  	v30 =	vmax.f32 v21, v8;
	v34 =	vperm.xlane v27, v0;
	v2 =	vperm.xlane v28, v0;
	v31, _, _ =	vpop (xrf1)  }
0x365: {  	(xrf1) =	vsort.ascd.msk.f32 $0xffff, v4, v4;
	v33 =	vmin.f32 v30, v6;
	v4 =	vmax.f32 v30, v6;
	v32, _, _ =	vpop (xrf1)  }
0x366: {  	v37 =	vmax.f32 v26, v34;
	v35 =	vmax.f32 v25, v2;
	(xrf1) =	vsort.ascd.msk.f32 $0xffff, v1, v1;
	v36, _, _ =	vpop (xrf1)  }
0x367: {  	(xrf1) =	vsort.ascd.msk.f32 $0xffff, v33, v33;
	v7 =	vperm.xlane v32, v0;
	v2 =	vperm.xlane v36, v0  }
0x368: {  	v38 =	vmin.f32 v35, v37;
	v1 =	vmax.f32 v35, v37;
	(xrf1) =	vsort.ascd.msk.f32 $0xffff, v4, v4  }
0x369: {  	(xrf1) =	vsort.ascd.msk.f32 $0xffff, v38, v38;
	v39 =	vmax.f32 v31, v7;
	v2 =	vmax.f32 v29, v2  }
0x36a: {  	(xrf1) =	vsort.ascd.msk.f32 $0xffff, v1, v1;
	v40 =	vmin.f32 v2, v39  }
0x36b: {  	v2 =	vmax.f32 v2, v39;
	(xrf1) =	vsort.ascd.msk.f32 $0xffff, v40, v40  }
0x36c: {  	(xrf1) =	vsort.ascd.msk.f32 $0xffff, v2, v2;
	_ =	sdelay $0x6  }
0x36d: {  	v41, _, _ =	vpop (xrf1)  }
0x36e: {  	v42, _, _ =	vpop (xrf1)  }
0x36f: {  	v43, _, _ =	vpop (xrf1)  }
0x370: {  	v44, _, _ =	vpop (xrf1)  }
0x371: {  	v45, _, _ =	vpop (xrf1)  }
0x372: {  	v3 =	vperm.xlane v43, v0;
	v46, _, _ =	vpop (xrf1)  }
0x373: {  	v4 =	vperm.xlane v44, v0;
	v47, _, _ =	vpop (xrf1)  }
0x374: {  	v2 =	vmax.f32 v42, v3;
	v48, _, _ =	vpop (xrf1)  }
0x375: {  	v1 =	vmax.f32 v41, v4;
	v49 =	vperm.xlane v48, v0;
	v0 =	vperm.xlane v47, v0  }
0x376: {  	v50 =	vmin.f32 v1, v2;
	v1 =	vmax.f32 v1, v2  }
0x377: {  	(xrf1) =	vsort.ascd.msk.f32 $0xffff, v50, v50;
	v51 =	vmax.f32 v45, v49;
	v0 =	vmax.f32 v46, v0  }
0x378: {  	(xrf1) =	vsort.ascd.msk.f32 $0xffff, v1, v1;
	v52 =	vmin.f32 v51, v0  }
0x379: {  	(xrf1) =	vsort.ascd.msk.f32 $0xffff, v52, v52  }
0x37a: {  	v0 =	vmax.f32 v51, v0  }
0x37b: {  	(xrf1) =	vsort.ascd.msk.f32 $0xffff, v0, v0;
	_ =	sdelay $0x9  }
0x37c: {  	v53, _, _ =	vpop (xrf1)  }
0x37d: {  	v54, _, _ =	vpop (xrf1)  }
0x37e: {  	v55, _, _ =	vpop (xrf1)  }
0x37f: {  	v0 =	vmul.f32 v53, v53;
	v2 =	vadd.f32 $1.000000000e+00, v55  }
0x380: {  	vm0 =	vmmov $0xfff;
	v1 =	vmul.f32 v54, v54;
	v56, _, _ =	vpop (xrf1)  }
0x381: {  	v0 =	vsel vm0, $0x0, v0;
	v3 =	vadd.f32 $1.000000000e+00, v56;
	v2 =	vmul.f32 v2, v2  }
0x382: {  	(xrf2) =	vadd.scan.msk.f32 $0xffff, v0  }
0x383: {  	(xrf2) =	vadd.scan.msk.f32 $0xffff, v1;
	v58 =	vmul.f32 v3, v3;
	v57 =	vsel vm0, $0x0, v2  }
0x384: {  	(xrf2) =	vadd.scan.msk.f32 $0xffff, v57  }
0x385: {  	(xrf2) =	vadd.scan.msk.f32 $0xffff, v58;
	_ =	sdelay $0x6  }
0x386: {  	v59, _, _ =	vpop (xrf2)  }
0x387: {  	(v2sf) =	vpush v59, $0xF;
	v60, _, _ =	vpop (xrf2)  }
0x388: {  	(v2sf) =	vpush v60, $0xF;
	v61, _, _ =	vpop (xrf2)  }
0x389: {  	(v2sf) =	vpush v61, $0xF;
	v62, _, _ =	vpop (xrf2)  }
0x38a: {  	(v2sf) =	vpush v62, $0xF;
	_ =	sdelay $0xb  }
0x38b: {  	s29 =	spop (v2sf)  }
0x38c: {  	s6 =	spop (v2sf)  }
0x38d: {  	s7 =	spop (v2sf)  }
0x38e: {  	s5 =	sadd.f32 s29, s6;
	s30 =	spop (v2sf)  }
0x38f: {  	s6 =	sadd.f32 s7, s30;
	_ =	sdelay $0x1  }
0x390: {  	s5 =	sadd.f32 s6, s5;
	_ =	sdelay $0x1  }
0x391: {  	s5 =	smul.f32 $2.500000040e-02, s5;
	_ =	sdelay $0x1  }
0x392: {  	v63 =	vmov s5  }
0x393: {  	v0 =	vadd.f32 $0.0e+00, v63;
	_ =	sdelay $0x1  }
0x394: {  	v0 =	vbroadcast v0, $0x0;
	_ =	sdelay $0x1  }
0x395: {  	s31 =	simm.s32 $0xCC0;
	[tilespmem:$0xCC0] =	vst v0  }
0x396: {  	[hbm4b:s2+s3] =	stream.linear.scatter [tilespmem:s31], [sflag:$0x1], $0x80, $0x38;
	[tilespmem:$0xD40] =	vst v63  }
0x397: {  	_ =	swait.ge [sflag:s28], $0x80  }
0x398: {  	[sflag:s28] =	ssyncset.done $0x0  }
0x399: {  	[sflag:s28] =	ssyncadd.s32 $0xFFFFFF80  }
.LBB2_2:
0x39a: {  	_ =	sfence.sel $0x180000  }
0x39b: {  	[bflag:$0x0] =	sbarrier.arrive $0xFFFF  }
0x39c: {  	p0 =	sne.s32 s1, $0x0;
	_ =	strace $0x90000047  }
0x39d: {  	s0 =	sadd.s32 @!p0 $0x100000, s0;
	[bflag:$0x2] =	sbarrier.arrive $0xFFFF  }
0x39e: {  	[sflag:s0] =	ssyncadd.tile.s32 @!p0 $0x1;
	_ =	shalt  }
.Lfunc_end2:
_tile_overlayer_lowered:
.L_overlay_start_2:
0x39f: {  	(tag) =	ssettag $0x2  }
0x3a0: {  	s0 =	rddreg [dreg:$0x0];
	s2 =	stileid.u32  }
0x3a1: {  	s1 =	rddreg [dreg:$0x1];
	p0 =	sne.s32 s2, $0x0  }
0x3a2: {  	s3 =	rddreg [dreg:$0x2];
	[bflag:$0x3] =	sbarrier.arrive $0xFFFF;
	s2 =	simm.s32 @!p0 $0x1C01  }
0x3a3: {  	[timem:s3], [sflag:s2] =	dma.local @!p0 [hbm:s0], s1  }
0x3a4: {  	s0 =	simm.s32 @!p0 $0x1  }
0x3a5: {  	_ =	swait.ge @!p0 [sflag:s0], s1  }
0x3a6: {  	s1 =	ssub.s32 @!p0 $0x0, s1;
	[sflag:s0] =	ssyncset.done @!p0 $0x0  }
0x3a7: {  	[sflag:s0] =	ssyncadd.s32 @!p0 s1  }
0x3a8: {  	[bflag:$0x3] =	sbarrier.arrive $0xFFFF  }
0x3a9: {  	_ =	shalt  }

</sc_bundles>
